<compile_context>
chip_gen: v7x
topology: tpu7x:2x2x1
jax: 0.10.2.dev20260603
libtpu: 0.0.44.dev20260713+nightly
codegen_flags: <defaults>
</compile_context>

<pallas_src>
import functools

import jax
import jax.numpy as jnp
from jax import lax
from jax.experimental import pallas as pl
from jax.experimental.pallas import tpu as pltpu
from jax.experimental.pallas import tpu_sc as plsc

B = 2
Q = 2048
N = 16384
K = 16
L = 16
NV = N // L
QPW = Q // 16
QB = 4
CHUNK = 4
SEED = 4
BUFW = 96

_INF = float("inf")


def _knn_body(qt_hbm, st_hbm, qtb_hbm, stb_hbm, out_hbm,
              xs, ys, zs, ssq, qx, qy, qz, qsq, buf, outv):
    c = lax.axis_index("c")
    s = lax.axis_index("s")
    qbase = s * QPW

    sb = c * (3 * N)
    pltpu.sync_copy(st_hbm.at[pl.ds(sb, N)], xs)
    pltpu.sync_copy(st_hbm.at[pl.ds(sb + N, N)], ys)
    pltpu.sync_copy(st_hbm.at[pl.ds(sb + 2 * N, N)], zs)
    qb = c * (3 * Q) + qbase
    pltpu.sync_copy(qt_hbm.at[pl.ds(qb, QPW)], qx)
    pltpu.sync_copy(qt_hbm.at[pl.ds(qb + Q, QPW)], qy)
    pltpu.sync_copy(qt_hbm.at[pl.ds(qb + 2 * Q, QPW)], qz)

    def ssq_body(i, carry):
        sl = pl.ds(i * L, L)
        a, b2, c2 = xs[sl], ys[sl], zs[sl]
        ssq[sl] = (a * a + b2 * b2) + c2 * c2
        return carry

    lax.fori_loop(0, NV, ssq_body, 0)

    def qsq_body(i, carry):
        sl = pl.ds(i * L, L)
        a, b2, c2 = qx[sl], qy[sl], qz[sl]
        qsq[sl] = (a * a + b2 * b2) + c2 * c2
        return carry

    lax.fori_loop(0, QPW // L, qsq_body, 0)

    pltpu.sync_copy(stb_hbm.at[pl.ds(sb, N)], xs)
    pltpu.sync_copy(stb_hbm.at[pl.ds(sb + N, N)], ys)
    pltpu.sync_copy(stb_hbm.at[pl.ds(sb + 2 * N, N)], zs)
    pltpu.sync_copy(qtb_hbm.at[pl.ds(qb, QPW)], qx)
    pltpu.sync_copy(qtb_hbm.at[pl.ds(qb + Q, QPW)], qy)
    pltpu.sync_copy(qtb_hbm.at[pl.ds(qb + 2 * Q, QPW)], qz)

    iota = lax.iota(jnp.int32, L)

    def run_group(qi0, qxs, qys, qzs, qss):
        def key_of(j, gx, gy, gz, gs):
            cross = (qxs[j] * gx + qys[j] * gy) + qzs[j] * gz
            return (qss[j] + gs) - 2.0 * cross

        def filt_of(j, gx, gy, gz, gs):
            cross = (qxs[j] * gx + qys[j] * gy) + qzs[j] * gz
            return gs - 2.0 * cross

        def shift_tau(j, tk):
            return jnp.max((tk - qss[j]) + jnp.float32(1e-4))

        def merge(j, idxv, tk, ti):
            gx = plsc.load_gather(xs, [idxv])
            gy = plsc.load_gather(ys, [idxv])
            gz = plsc.load_gather(zs, [idxv])
            gs = plsc.load_gather(ssq, [idxv])
            key = key_of(j, gx, gy, gz, gs)
            return _bitonic_merge(key, idxv, tk, ti)

        def drain(j, cnt, tau, tk, ti):
            def w_body(st):
                rp, _, tk_, ti_ = st
                idxv = buf[pl.ds(j * BUFW + rp, L)]
                tk_, ti_ = merge(j, idxv, tk_, ti_)
                return rp + L, shift_tau(j, tk_), tk_, ti_

            rp, tau, tk, ti = lax.while_loop(
                lambda st: cnt - st[0] >= K, w_body, (0, tau, tk, ti))

            @pl.when(rp > 0)
            def _():
                buf[pl.ds(j * BUFW, L)] = buf[pl.ds(j * BUFW + rp, L)]

            return cnt - rp, tau, tk, ti

        def chunk_body(ci, st):
            st = list(st)
            base = ci * (CHUNK * L)
            taus = [st[j][1] for j in range(QB)]

            @plsc.parallel_loop(0, CHUNK, carry=tuple(s[0] for s in st),
                                unroll=CHUNK)
            def cnts(v, cnts_in):
                off = base + v * L
                sl = pl.ds(off, L)
                sx, sy, sz, ss = xs[sl], ys[sl], zs[sl], ssq[sl]
                iv = iota + off
                out = []
                for j in range(QB):
                    f = filt_of(j, sx, sy, sz, ss)
                    m = f < taus[j]
                    inc = plsc.cumsum(jnp.where(m, 1, 0).astype(jnp.int32))
                    pos = (j * BUFW - 1 + cnts_in[j]) + inc
                    plsc.store_scatter(buf, [pos], iv, mask=m)
                    out.append(cnts_in[j] + inc[L - 1])
                return tuple(out)

            for j in range(QB):
                st[j] = drain(j, cnts[j], *st[j][1:])
            return tuple(st)

        init = tuple((jnp.int32(0), jnp.float32(_INF),
                      jnp.full((L,), _INF, jnp.float32),
                      jnp.zeros((L,), jnp.int32)) for _ in range(QB))
        st = lax.fori_loop(0, NV // CHUNK, chunk_body, init)

        for j in range(QB):
            cnt, tau, tk, ti = st[j]
            valid = iota < cnt
            idxv = jnp.where(valid, buf[pl.ds(j * BUFW, L)], 0)
            gx = plsc.load_gather(xs, [idxv])
            gy = plsc.load_gather(ys, [idxv])
            gz = plsc.load_gather(zs, [idxv])
            gs = plsc.load_gather(ssq, [idxv])
            key = jnp.where(valid, key_of(j, gx, gy, gz, gs), _INF)
            tk, ti = _bitonic_merge(key, idxv, tk, ti)
            outv[pl.ds((qi0 + j) * K, K)] = ti

    def sgroup_body(sg, carry):
        qb16 = sg * L
        qxv = qx[pl.ds(qb16, L)]
        qyv = qy[pl.ds(qb16, L)]
        qzv = qz[pl.ds(qb16, L)]
        qsv = qsq[pl.ds(qb16, L)]
        for sub in range(L // QB):
            lanes = [sub * QB + j for j in range(QB)]
            run_group(qb16 + sub * QB,
                      [qxv[l] for l in lanes], [qyv[l] for l in lanes],
                      [qzv[l] for l in lanes], [qsv[l] for l in lanes])
        return carry

    lax.fori_loop(0, QPW // L, sgroup_body, 0)
    pltpu.sync_copy(outv, out_hbm.at[pl.ds(c * (Q * K) + qbase * K, QPW * K)])


def _bitonic_merge(key, idxv, tk, ti):
    sk, sv = plsc.sort_key_val(key, idxv)
    rk = lax.rev(sk, (0,))
    rv = lax.rev(sv, (0,))
    sel = tk <= rk
    mk = jnp.where(sel, tk, rk)
    mv = jnp.where(sel, ti, rv)
    return plsc.sort_key_val(mk, mv)


@jax.jit
def _knn(qt, st, qtb, stb):
    mesh = plsc.VectorSubcoreMesh(core_axis_name="c", subcore_axis_name="s",
                                  num_cores=2, num_subcores=16)
    f = pl.kernel(
        _knn_body,
        out_type=jax.ShapeDtypeStruct((B * Q * K,), jnp.int32),
        mesh=mesh,
        compiler_params=pltpu.CompilerParams(needs_layout_passes=False),
        scratch_types=[
            pltpu.VMEM((N,), jnp.float32),
            pltpu.VMEM((N,), jnp.float32),
            pltpu.VMEM((N,), jnp.float32),
            pltpu.VMEM((N,), jnp.float32),
            pltpu.VMEM((QPW,), jnp.float32),
            pltpu.VMEM((QPW,), jnp.float32),
            pltpu.VMEM((QPW,), jnp.float32),
            pltpu.VMEM((QPW,), jnp.float32),
            pltpu.VMEM((QB * BUFW,), jnp.int32),
            pltpu.VMEM((QPW * K,), jnp.int32),
        ],
    )
    return f(qt, st, qtb, stb)


def _bf16_round(x):
    u = lax.bitcast_convert_type(x, jnp.uint32)
    r = (u + jnp.uint32(0x7FFF) + ((u >> 16) & jnp.uint32(1)))
    r = r & jnp.uint32(0xFFFF0000)
    return lax.bitcast_convert_type(r, jnp.float32)


def kernel(q_points, support):
    qt = q_points.transpose(0, 2, 1).reshape(-1)
    st = support.transpose(0, 2, 1).reshape(-1)
    qtb = _bf16_round(qt)
    stb = _bf16_round(st)
    return _knn(qt, st, qtb, stb).reshape(B, Q, K)

# --- scband reference (transcript-rebuilt; emitter-appended) ---
"""Pipeline reference for scband-neighboring-15504831939271 (READ-ONLY COPY).

The authoritative reference and input builder live on the scoring server;
editing this copy changes nothing except your own understanding.
"""

import jax, jax.numpy as jnp
import numpy as np

NUM_NEIGHBORS = 16


def setup_inputs(seed: int = 0) -> dict:
    key = jax.random.key(seed)
    k1, k2 = jax.random.split(key)
    q_points = jax.random.normal(k1, (2, 2048, 3), dtype=jnp.float32)
    support = jax.random.normal(k2, (2, 16384, 3), dtype=jnp.float32)
    return {"q_points": q_points, "support": support}


def reference(q_points, support):
    # Pairwise squared euclidean distances: (B, Q, N)
    q_sq = jnp.sum(q_points ** 2, axis=-1, keepdims=True)          # (B, Q, 1)
    s_sq = jnp.sum(support ** 2, axis=-1)[:, None, :]              # (B, 1, N)
    cross = jnp.einsum('bqd,bnd->bqn', q_points, support)          # (B, Q, N)
    d2 = q_sq + s_sq - 2.0 * cross                                 # (B, Q, N)
    # k nearest neighbors == top-k of negated distances
    _, neighbor_idxs = jax.lax.top_k(-d2, NUM_NEIGHBORS)           # (B, Q, k) int32
    return neighbor_idxs

if __name__ == "__main__":
    import jax
    _d = setup_inputs()
    print(jax.jit(kernel)(*tuple(_d.values())))

</pallas_src>

<mosaic_0001>
#map = affine_map<(d0, d1) -> (0)>
module attributes {stable_mosaic.version = 14 : i64} {
  func.func @_knn_body(%arg0: i32, %arg1: i32, %arg2: memref<12288xf32, #tpu.memory_space<hbm>>, %arg3: memref<98304xf32, #tpu.memory_space<hbm>>, %arg4: memref<12288xf32, #tpu.memory_space<hbm>>, %arg5: memref<98304xf32, #tpu.memory_space<hbm>>, %arg6: memref<65536xi32, #tpu.memory_space<hbm>>, %arg7: memref<16384xf32, #tpu.memory_space<vmem>>, %arg8: memref<16384xf32, #tpu.memory_space<vmem>>, %arg9: memref<16384xf32, #tpu.memory_space<vmem>>, %arg10: memref<16384xf32, #tpu.memory_space<vmem>>, %arg11: memref<128xf32, #tpu.memory_space<vmem>>, %arg12: memref<128xf32, #tpu.memory_space<vmem>>, %arg13: memref<128xf32, #tpu.memory_space<vmem>>, %arg14: memref<128xf32, #tpu.memory_space<vmem>>, %arg15: memref<384xi32, #tpu.memory_space<vmem>>, %arg16: memref<2048xi32, #tpu.memory_space<vmem>>) attributes {dimension_semantics = [#tpu.dimension_semantics<core_parallel>, #tpu.dimension_semantics<subcore_parallel>], iteration_bounds = array<i64: 2, 16>, scalar_prefetch = 0 : i64, scratch_operands = 10 : i64, tpu.core_type = #tpu.core_type<sc_vector_subcore>, window_params = [{transform_indices = #map}, {transform_indices = #map}, {transform_indices = #map}, {transform_indices = #map}, {transform_indices = #map}]} {
    %mul3A = arith.constant 128 : i32
    %mul3A_0 = arith.muli %arg1, %mul3A : i32
    %mul3A_1 = arith.constant 49152 : i32
    %mul3A_2 = arith.muli %arg0, %mul3A_1 : i32
    "tpu.region"() ({
      %run_scoped3A = tpu.sem_alloc : memref<!tpu.dma_semaphore, #tpu.memory_space<semaphore_mem>>
      %dma_start3A = tpu.memref_slice %arg3[%mul3A_2] : memref<98304xf32, #tpu.memory_space<hbm>> -> memref<16384xf32, #tpu.memory_space<hbm>>
      %dma_start3A_43 = tpu.memref_slice %arg3[%mul3A_2] : memref<98304xf32, #tpu.memory_space<hbm>> -> memref<16384xf32, #tpu.memory_space<hbm>>
      tpu.enqueue_dma source(%dma_start3A_43 : memref<16384xf32, #tpu.memory_space<hbm>>) target(%arg7 : memref<16384xf32, #tpu.memory_space<vmem>>) target_semaphore(%run_scoped3A : memref<!tpu.dma_semaphore, #tpu.memory_space<semaphore_mem>>)
      %dma_wait3A = tpu.memref_slice %arg3[%mul3A_2] : memref<98304xf32, #tpu.memory_space<hbm>> -> memref<16384xf32, #tpu.memory_space<hbm>>
      %dma_wait3A_44 = tpu.memref_slice %arg3[%mul3A_2] : memref<98304xf32, #tpu.memory_space<hbm>> -> memref<16384xf32, #tpu.memory_space<hbm>>
      tpu.wait_dma2 semaphore(%run_scoped3A : memref<!tpu.dma_semaphore, #tpu.memory_space<semaphore_mem>>) src(%dma_wait3A_44 : memref<16384xf32, #tpu.memory_space<hbm>>) dst(%arg7 : memref<16384xf32, #tpu.memory_space<vmem>>)
      tpu.yield
    }) : () -> ()
    %add3A = arith.constant 16384 : i32
    %add3A_3 = arith.addi %mul3A_2, %add3A : i32
    "tpu.region"() ({
      %run_scoped3A = tpu.sem_alloc : memref<!tpu.dma_semaphore, #tpu.memory_space<semaphore_mem>>
      %dma_start3A = tpu.memref_slice %arg3[%add3A_3] : memref<98304xf32, #tpu.memory_space<hbm>> -> memref<16384xf32, #tpu.memory_space<hbm>>
      %dma_start3A_43 = tpu.memref_slice %arg3[%add3A_3] : memref<98304xf32, #tpu.memory_space<hbm>> -> memref<16384xf32, #tpu.memory_space<hbm>>
      tpu.enqueue_dma source(%dma_start3A_43 : memref<16384xf32, #tpu.memory_space<hbm>>) target(%arg8 : memref<16384xf32, #tpu.memory_space<vmem>>) target_semaphore(%run_scoped3A : memref<!tpu.dma_semaphore, #tpu.memory_space<semaphore_mem>>)
      %dma_wait3A = tpu.memref_slice %arg3[%add3A_3] : memref<98304xf32, #tpu.memory_space<hbm>> -> memref<16384xf32, #tpu.memory_space<hbm>>
      %dma_wait3A_44 = tpu.memref_slice %arg3[%add3A_3] : memref<98304xf32, #tpu.memory_space<hbm>> -> memref<16384xf32, #tpu.memory_space<hbm>>
      tpu.wait_dma2 semaphore(%run_scoped3A : memref<!tpu.dma_semaphore, #tpu.memory_space<semaphore_mem>>) src(%dma_wait3A_44 : memref<16384xf32, #tpu.memory_space<hbm>>) dst(%arg8 : memref<16384xf32, #tpu.memory_space<vmem>>)
      tpu.yield
    }) : () -> ()
    %add3A_4 = arith.constant 32768 : i32
    %add3A_5 = arith.addi %mul3A_2, %add3A_4 : i32
    "tpu.region"() ({
      %run_scoped3A = tpu.sem_alloc : memref<!tpu.dma_semaphore, #tpu.memory_space<semaphore_mem>>
      %dma_start3A = tpu.memref_slice %arg3[%add3A_5] : memref<98304xf32, #tpu.memory_space<hbm>> -> memref<16384xf32, #tpu.memory_space<hbm>>
      %dma_start3A_43 = tpu.memref_slice %arg3[%add3A_5] : memref<98304xf32, #tpu.memory_space<hbm>> -> memref<16384xf32, #tpu.memory_space<hbm>>
      tpu.enqueue_dma source(%dma_start3A_43 : memref<16384xf32, #tpu.memory_space<hbm>>) target(%arg9 : memref<16384xf32, #tpu.memory_space<vmem>>) target_semaphore(%run_scoped3A : memref<!tpu.dma_semaphore, #tpu.memory_space<semaphore_mem>>)
      %dma_wait3A = tpu.memref_slice %arg3[%add3A_5] : memref<98304xf32, #tpu.memory_space<hbm>> -> memref<16384xf32, #tpu.memory_space<hbm>>
      %dma_wait3A_44 = tpu.memref_slice %arg3[%add3A_5] : memref<98304xf32, #tpu.memory_space<hbm>> -> memref<16384xf32, #tpu.memory_space<hbm>>
      tpu.wait_dma2 semaphore(%run_scoped3A : memref<!tpu.dma_semaphore, #tpu.memory_space<semaphore_mem>>) src(%dma_wait3A_44 : memref<16384xf32, #tpu.memory_space<hbm>>) dst(%arg9 : memref<16384xf32, #tpu.memory_space<vmem>>)
      tpu.yield
    }) : () -> ()
    %mul3A_6 = arith.constant 6144 : i32
    %mul3A_7 = arith.muli %arg0, %mul3A_6 : i32
    %add3A_8 = arith.addi %mul3A_7, %mul3A_0 : i32
    "tpu.region"() ({
      %run_scoped3A = tpu.sem_alloc : memref<!tpu.dma_semaphore, #tpu.memory_space<semaphore_mem>>
      %dma_start3A = tpu.memref_slice %arg2[%add3A_8] : memref<12288xf32, #tpu.memory_space<hbm>> -> memref<128xf32, #tpu.memory_space<hbm>>
      %dma_start3A_43 = tpu.memref_slice %arg2[%add3A_8] : memref<12288xf32, #tpu.memory_space<hbm>> -> memref<128xf32, #tpu.memory_space<hbm>>
      tpu.enqueue_dma source(%dma_start3A_43 : memref<128xf32, #tpu.memory_space<hbm>>) target(%arg11 : memref<128xf32, #tpu.memory_space<vmem>>) target_semaphore(%run_scoped3A : memref<!tpu.dma_semaphore, #tpu.memory_space<semaphore_mem>>)
      %dma_wait3A = tpu.memref_slice %arg2[%add3A_8] : memref<12288xf32, #tpu.memory_space<hbm>> -> memref<128xf32, #tpu.memory_space<hbm>>
      %dma_wait3A_44 = tpu.memref_slice %arg2[%add3A_8] : memref<12288xf32, #tpu.memory_space<hbm>> -> memref<128xf32, #tpu.memory_space<hbm>>
      tpu.wait_dma2 semaphore(%run_scoped3A : memref<!tpu.dma_semaphore, #tpu.memory_space<semaphore_mem>>) src(%dma_wait3A_44 : memref<128xf32, #tpu.memory_space<hbm>>) dst(%arg11 : memref<128xf32, #tpu.memory_space<vmem>>)
      tpu.yield
    }) : () -> ()
    %add3A_9 = arith.constant 2048 : i32
    %add3A_10 = arith.addi %add3A_8, %add3A_9 : i32
    "tpu.region"() ({
      %run_scoped3A = tpu.sem_alloc : memref<!tpu.dma_semaphore, #tpu.memory_space<semaphore_mem>>
      %dma_start3A = tpu.memref_slice %arg2[%add3A_10] : memref<12288xf32, #tpu.memory_space<hbm>> -> memref<128xf32, #tpu.memory_space<hbm>>
      %dma_start3A_43 = tpu.memref_slice %arg2[%add3A_10] : memref<12288xf32, #tpu.memory_space<hbm>> -> memref<128xf32, #tpu.memory_space<hbm>>
      tpu.enqueue_dma source(%dma_start3A_43 : memref<128xf32, #tpu.memory_space<hbm>>) target(%arg12 : memref<128xf32, #tpu.memory_space<vmem>>) target_semaphore(%run_scoped3A : memref<!tpu.dma_semaphore, #tpu.memory_space<semaphore_mem>>)
      %dma_wait3A = tpu.memref_slice %arg2[%add3A_10] : memref<12288xf32, #tpu.memory_space<hbm>> -> memref<128xf32, #tpu.memory_space<hbm>>
      %dma_wait3A_44 = tpu.memref_slice %arg2[%add3A_10] : memref<12288xf32, #tpu.memory_space<hbm>> -> memref<128xf32, #tpu.memory_space<hbm>>
      tpu.wait_dma2 semaphore(%run_scoped3A : memref<!tpu.dma_semaphore, #tpu.memory_space<semaphore_mem>>) src(%dma_wait3A_44 : memref<128xf32, #tpu.memory_space<hbm>>) dst(%arg12 : memref<128xf32, #tpu.memory_space<vmem>>)
      tpu.yield
    }) : () -> ()
    %add3A_11 = arith.constant 4096 : i32
    %add3A_12 = arith.addi %add3A_8, %add3A_11 : i32
    "tpu.region"() ({
      %run_scoped3A = tpu.sem_alloc : memref<!tpu.dma_semaphore, #tpu.memory_space<semaphore_mem>>
      %dma_start3A = tpu.memref_slice %arg2[%add3A_12] : memref<12288xf32, #tpu.memory_space<hbm>> -> memref<128xf32, #tpu.memory_space<hbm>>
      %dma_start3A_43 = tpu.memref_slice %arg2[%add3A_12] : memref<12288xf32, #tpu.memory_space<hbm>> -> memref<128xf32, #tpu.memory_space<hbm>>
      tpu.enqueue_dma source(%dma_start3A_43 : memref<128xf32, #tpu.memory_space<hbm>>) target(%arg13 : memref<128xf32, #tpu.memory_space<vmem>>) target_semaphore(%run_scoped3A : memref<!tpu.dma_semaphore, #tpu.memory_space<semaphore_mem>>)
      %dma_wait3A = tpu.memref_slice %arg2[%add3A_12] : memref<12288xf32, #tpu.memory_space<hbm>> -> memref<128xf32, #tpu.memory_space<hbm>>
      %dma_wait3A_44 = tpu.memref_slice %arg2[%add3A_12] : memref<12288xf32, #tpu.memory_space<hbm>> -> memref<128xf32, #tpu.memory_space<hbm>>
      tpu.wait_dma2 semaphore(%run_scoped3A : memref<!tpu.dma_semaphore, #tpu.memory_space<semaphore_mem>>) src(%dma_wait3A_44 : memref<128xf32, #tpu.memory_space<hbm>>) dst(%arg13 : memref<128xf32, #tpu.memory_space<vmem>>)
      tpu.yield
    }) : () -> ()
    %scan3A = arith.constant 0 : i32
    %scan3A_13 = arith.constant 0 : i32
    %scan3A_14 = arith.constant 1024 : i32
    %scan3A_15 = arith.addi %scan3A_13, %scan3A_14 : i32
    %scan3A_16 = arith.constant 1 : i32
    scf.for %scan3A_43 = %scan3A_13 to %scan3A_15 step %scan3A_16  : i32 {
      %mul3A_44 = arith.constant 16 : i32
      %mul3A_45 = arith.muli %scan3A_43, %mul3A_44 : i32
      %get3A = arith.index_cast %mul3A_45 : i32 to index
      %get3A_46 = tpu.vector_load %arg7[%get3A] {strides = array<i32>} : memref<16384xf32, #tpu.memory_space<vmem>>, vector<16xf32>,
      %get3A_47 = arith.index_cast %mul3A_45 : i32 to index
      %get3A_48 = tpu.vector_load %arg8[%get3A_47] {strides = array<i32>} : memref<16384xf32, #tpu.memory_space<vmem>>, vector<16xf32>,
      %get3A_49 = arith.index_cast %mul3A_45 : i32 to index
      %get3A_50 = tpu.vector_load %arg9[%get3A_49] {strides = array<i32>} : memref<16384xf32, #tpu.memory_space<vmem>>, vector<16xf32>,
      %mul3A_51 = arith.mulf %get3A_46, %get3A_46 : vector<16xf32>
      %mul3A_52 = arith.mulf %get3A_48, %get3A_48 : vector<16xf32>
      %add3A_53 = arith.addf %mul3A_51, %mul3A_52 : vector<16xf32>
      %mul3A_54 = arith.mulf %get3A_50, %get3A_50 : vector<16xf32>
      %add3A_55 = arith.addf %add3A_53, %mul3A_54 : vector<16xf32>
      %swap3A = arith.index_cast %mul3A_45 : i32 to index
      %swap3A_56 = tpu.vector_load %arg10[%swap3A] {strides = array<i32>} : memref<16384xf32, #tpu.memory_space<vmem>>, vector<16xf32>,
      tpu.vector_store %arg10[%swap3A], %add3A_55 {strides = array<i32>} : memref<16384xf32, #tpu.memory_space<vmem>>, vector<16xf32>,
    }
    %scan3A_17 = arith.constant 1024 : i32
    %scan3A_18 = arith.constant 0 : i32
    %scan3A_19 = arith.constant 0 : i32
    %scan3A_20 = arith.constant 8 : i32
    %scan3A_21 = arith.addi %scan3A_19, %scan3A_20 : i32
    %scan3A_22 = arith.constant 1 : i32
    scf.for %scan3A_43 = %scan3A_19 to %scan3A_21 step %scan3A_22  : i32 {
      %mul3A_44 = arith.constant 16 : i32
      %mul3A_45 = arith.muli %scan3A_43, %mul3A_44 : i32
      %get3A = arith.index_cast %mul3A_45 : i32 to index
      %get3A_46 = tpu.vector_load %arg11[%get3A] {strides = array<i32>} : memref<128xf32, #tpu.memory_space<vmem>>, vector<16xf32>,
      %get3A_47 = arith.index_cast %mul3A_45 : i32 to index
      %get3A_48 = tpu.vector_load %arg12[%get3A_47] {strides = array<i32>} : memref<128xf32, #tpu.memory_space<vmem>>, vector<16xf32>,
      %get3A_49 = arith.index_cast %mul3A_45 : i32 to index
      %get3A_50 = tpu.vector_load %arg13[%get3A_49] {strides = array<i32>} : memref<128xf32, #tpu.memory_space<vmem>>, vector<16xf32>,
      %mul3A_51 = arith.mulf %get3A_46, %get3A_46 : vector<16xf32>
      %mul3A_52 = arith.mulf %get3A_48, %get3A_48 : vector<16xf32>
      %add3A_53 = arith.addf %mul3A_51, %mul3A_52 : vector<16xf32>
      %mul3A_54 = arith.mulf %get3A_50, %get3A_50 : vector<16xf32>
      %add3A_55 = arith.addf %add3A_53, %mul3A_54 : vector<16xf32>
      %swap3A = arith.index_cast %mul3A_45 : i32 to index
      %swap3A_56 = tpu.vector_load %arg14[%swap3A] {strides = array<i32>} : memref<128xf32, #tpu.memory_space<vmem>>, vector<16xf32>,
      tpu.vector_store %arg14[%swap3A], %add3A_55 {strides = array<i32>} : memref<128xf32, #tpu.memory_space<vmem>>, vector<16xf32>,
    }
    %scan3A_23 = arith.constant 8 : i32
    "tpu.region"() ({
      %run_scoped3A = tpu.sem_alloc : memref<!tpu.dma_semaphore, #tpu.memory_space<semaphore_mem>>
      %dma_start3A = tpu.memref_slice %arg5[%mul3A_2] : memref<98304xf32, #tpu.memory_space<hbm>> -> memref<16384xf32, #tpu.memory_space<hbm>>
      %dma_start3A_43 = tpu.memref_slice %arg5[%mul3A_2] : memref<98304xf32, #tpu.memory_space<hbm>> -> memref<16384xf32, #tpu.memory_space<hbm>>
      tpu.enqueue_dma source(%dma_start3A_43 : memref<16384xf32, #tpu.memory_space<hbm>>) target(%arg7 : memref<16384xf32, #tpu.memory_space<vmem>>) target_semaphore(%run_scoped3A : memref<!tpu.dma_semaphore, #tpu.memory_space<semaphore_mem>>)
      %dma_wait3A = tpu.memref_slice %arg5[%mul3A_2] : memref<98304xf32, #tpu.memory_space<hbm>> -> memref<16384xf32, #tpu.memory_space<hbm>>
      %dma_wait3A_44 = tpu.memref_slice %arg5[%mul3A_2] : memref<98304xf32, #tpu.memory_space<hbm>> -> memref<16384xf32, #tpu.memory_space<hbm>>
      tpu.wait_dma2 semaphore(%run_scoped3A : memref<!tpu.dma_semaphore, #tpu.memory_space<semaphore_mem>>) src(%dma_wait3A_44 : memref<16384xf32, #tpu.memory_space<hbm>>) dst(%arg7 : memref<16384xf32, #tpu.memory_space<vmem>>)
      tpu.yield
    }) : () -> ()
    %add3A_24 = arith.constant 16384 : i32
    %add3A_25 = arith.addi %mul3A_2, %add3A_24 : i32
    "tpu.region"() ({
      %run_scoped3A = tpu.sem_alloc : memref<!tpu.dma_semaphore, #tpu.memory_space<semaphore_mem>>
      %dma_start3A = tpu.memref_slice %arg5[%add3A_25] : memref<98304xf32, #tpu.memory_space<hbm>> -> memref<16384xf32, #tpu.memory_space<hbm>>
      %dma_start3A_43 = tpu.memref_slice %arg5[%add3A_25] : memref<98304xf32, #tpu.memory_space<hbm>> -> memref<16384xf32, #tpu.memory_space<hbm>>
      tpu.enqueue_dma source(%dma_start3A_43 : memref<16384xf32, #tpu.memory_space<hbm>>) target(%arg8 : memref<16384xf32, #tpu.memory_space<vmem>>) target_semaphore(%run_scoped3A : memref<!tpu.dma_semaphore, #tpu.memory_space<semaphore_mem>>)
      %dma_wait3A = tpu.memref_slice %arg5[%add3A_25] : memref<98304xf32, #tpu.memory_space<hbm>> -> memref<16384xf32, #tpu.memory_space<hbm>>
      %dma_wait3A_44 = tpu.memref_slice %arg5[%add3A_25] : memref<98304xf32, #tpu.memory_space<hbm>> -> memref<16384xf32, #tpu.memory_space<hbm>>
      tpu.wait_dma2 semaphore(%run_scoped3A : memref<!tpu.dma_semaphore, #tpu.memory_space<semaphore_mem>>) src(%dma_wait3A_44 : memref<16384xf32, #tpu.memory_space<hbm>>) dst(%arg8 : memref<16384xf32, #tpu.memory_space<vmem>>)
      tpu.yield
    }) : () -> ()
    %add3A_26 = arith.constant 32768 : i32
    %add3A_27 = arith.addi %mul3A_2, %add3A_26 : i32
    "tpu.region"() ({
      %run_scoped3A = tpu.sem_alloc : memref<!tpu.dma_semaphore, #tpu.memory_space<semaphore_mem>>
      %dma_start3A = tpu.memref_slice %arg5[%add3A_27] : memref<98304xf32, #tpu.memory_space<hbm>> -> memref<16384xf32, #tpu.memory_space<hbm>>
      %dma_start3A_43 = tpu.memref_slice %arg5[%add3A_27] : memref<98304xf32, #tpu.memory_space<hbm>> -> memref<16384xf32, #tpu.memory_space<hbm>>
      tpu.enqueue_dma source(%dma_start3A_43 : memref<16384xf32, #tpu.memory_space<hbm>>) target(%arg9 : memref<16384xf32, #tpu.memory_space<vmem>>) target_semaphore(%run_scoped3A : memref<!tpu.dma_semaphore, #tpu.memory_space<semaphore_mem>>)
      %dma_wait3A = tpu.memref_slice %arg5[%add3A_27] : memref<98304xf32, #tpu.memory_space<hbm>> -> memref<16384xf32, #tpu.memory_space<hbm>>
      %dma_wait3A_44 = tpu.memref_slice %arg5[%add3A_27] : memref<98304xf32, #tpu.memory_space<hbm>> -> memref<16384xf32, #tpu.memory_space<hbm>>
      tpu.wait_dma2 semaphore(%run_scoped3A : memref<!tpu.dma_semaphore, #tpu.memory_space<semaphore_mem>>) src(%dma_wait3A_44 : memref<16384xf32, #tpu.memory_space<hbm>>) dst(%arg9 : memref<16384xf32, #tpu.memory_space<vmem>>)
      tpu.yield
    }) : () -> ()
    "tpu.region"() ({
      %run_scoped3A = tpu.sem_alloc : memref<!tpu.dma_semaphore, #tpu.memory_space<semaphore_mem>>
      %dma_start3A = tpu.memref_slice %arg4[%add3A_8] : memref<12288xf32, #tpu.memory_space<hbm>> -> memref<128xf32, #tpu.memory_space<hbm>>
      %dma_start3A_43 = tpu.memref_slice %arg4[%add3A_8] : memref<12288xf32, #tpu.memory_space<hbm>> -> memref<128xf32, #tpu.memory_space<hbm>>
      tpu.enqueue_dma source(%dma_start3A_43 : memref<128xf32, #tpu.memory_space<hbm>>) target(%arg11 : memref<128xf32, #tpu.memory_space<vmem>>) target_semaphore(%run_scoped3A : memref<!tpu.dma_semaphore, #tpu.memory_space<semaphore_mem>>)
      %dma_wait3A = tpu.memref_slice %arg4[%add3A_8] : memref<12288xf32, #tpu.memory_space<hbm>> -> memref<128xf32, #tpu.memory_space<hbm>>
      %dma_wait3A_44 = tpu.memref_slice %arg4[%add3A_8] : memref<12288xf32, #tpu.memory_space<hbm>> -> memref<128xf32, #tpu.memory_space<hbm>>
      tpu.wait_dma2 semaphore(%run_scoped3A : memref<!tpu.dma_semaphore, #tpu.memory_space<semaphore_mem>>) src(%dma_wait3A_44 : memref<128xf32, #tpu.memory_space<hbm>>) dst(%arg11 : memref<128xf32, #tpu.memory_space<vmem>>)
      tpu.yield
    }) : () -> ()
    %add3A_28 = arith.constant 2048 : i32
    %add3A_29 = arith.addi %add3A_8, %add3A_28 : i32
    "tpu.region"() ({
      %run_scoped3A = tpu.sem_alloc : memref<!tpu.dma_semaphore, #tpu.memory_space<semaphore_mem>>
      %dma_start3A = tpu.memref_slice %arg4[%add3A_29] : memref<12288xf32, #tpu.memory_space<hbm>> -> memref<128xf32, #tpu.memory_space<hbm>>
      %dma_start3A_43 = tpu.memref_slice %arg4[%add3A_29] : memref<12288xf32, #tpu.memory_space<hbm>> -> memref<128xf32, #tpu.memory_space<hbm>>
      tpu.enqueue_dma source(%dma_start3A_43 : memref<128xf32, #tpu.memory_space<hbm>>) target(%arg12 : memref<128xf32, #tpu.memory_space<vmem>>) target_semaphore(%run_scoped3A : memref<!tpu.dma_semaphore, #tpu.memory_space<semaphore_mem>>)
      %dma_wait3A = tpu.memref_slice %arg4[%add3A_29] : memref<12288xf32, #tpu.memory_space<hbm>> -> memref<128xf32, #tpu.memory_space<hbm>>
      %dma_wait3A_44 = tpu.memref_slice %arg4[%add3A_29] : memref<12288xf32, #tpu.memory_space<hbm>> -> memref<128xf32, #tpu.memory_space<hbm>>
      tpu.wait_dma2 semaphore(%run_scoped3A : memref<!tpu.dma_semaphore, #tpu.memory_space<semaphore_mem>>) src(%dma_wait3A_44 : memref<128xf32, #tpu.memory_space<hbm>>) dst(%arg12 : memref<128xf32, #tpu.memory_space<vmem>>)
      tpu.yield
    }) : () -> ()
    %add3A_30 = arith.constant 4096 : i32
    %add3A_31 = arith.addi %add3A_8, %add3A_30 : i32
    "tpu.region"() ({
      %run_scoped3A = tpu.sem_alloc : memref<!tpu.dma_semaphore, #tpu.memory_space<semaphore_mem>>
      %dma_start3A = tpu.memref_slice %arg4[%add3A_31] : memref<12288xf32, #tpu.memory_space<hbm>> -> memref<128xf32, #tpu.memory_space<hbm>>
      %dma_start3A_43 = tpu.memref_slice %arg4[%add3A_31] : memref<12288xf32, #tpu.memory_space<hbm>> -> memref<128xf32, #tpu.memory_space<hbm>>
      tpu.enqueue_dma source(%dma_start3A_43 : memref<128xf32, #tpu.memory_space<hbm>>) target(%arg13 : memref<128xf32, #tpu.memory_space<vmem>>) target_semaphore(%run_scoped3A : memref<!tpu.dma_semaphore, #tpu.memory_space<semaphore_mem>>)
      %dma_wait3A = tpu.memref_slice %arg4[%add3A_31] : memref<12288xf32, #tpu.memory_space<hbm>> -> memref<128xf32, #tpu.memory_space<hbm>>
      %dma_wait3A_44 = tpu.memref_slice %arg4[%add3A_31] : memref<12288xf32, #tpu.memory_space<hbm>> -> memref<128xf32, #tpu.memory_space<hbm>>
      tpu.wait_dma2 semaphore(%run_scoped3A : memref<!tpu.dma_semaphore, #tpu.memory_space<semaphore_mem>>) src(%dma_wait3A_44 : memref<128xf32, #tpu.memory_space<hbm>>) dst(%arg13 : memref<128xf32, #tpu.memory_space<vmem>>)
      tpu.yield
    }) : () -> ()
    %iota3A = tpu.iota {dimensions = array<i32: 0>} : vector<16xi32>
    %scan3A_32 = arith.constant 0 : i32
    %scan3A_33 = arith.constant 0 : i32
    %scan3A_34 = arith.constant 8 : i32
    %scan3A_35 = arith.addi %scan3A_33, %scan3A_34 : i32
    %scan3A_36 = arith.constant 1 : i32
    scf.for %scan3A_43 = %scan3A_33 to %scan3A_35 step %scan3A_36  : i32 {
      %mul3A_44 = arith.constant 16 : i32
      %mul3A_45 = arith.muli %scan3A_43, %mul3A_44 : i32
      %get3A = arith.index_cast %mul3A_45 : i32 to index
      %get3A_46 = tpu.vector_load %arg11[%get3A] {strides = array<i32>} : memref<128xf32, #tpu.memory_space<vmem>>, vector<16xf32>,
      %get3A_47 = arith.index_cast %mul3A_45 : i32 to index
      %get3A_48 = tpu.vector_load %arg12[%get3A_47] {strides = array<i32>} : memref<128xf32, #tpu.memory_space<vmem>>, vector<16xf32>,
      %get3A_49 = arith.index_cast %mul3A_45 : i32 to index
      %get3A_50 = tpu.vector_load %arg13[%get3A_49] {strides = array<i32>} : memref<128xf32, #tpu.memory_space<vmem>>, vector<16xf32>,
      %get3A_51 = arith.index_cast %mul3A_45 : i32 to index
      %get3A_52 = tpu.vector_load %arg14[%get3A_51] {strides = array<i32>} : memref<128xf32, #tpu.memory_space<vmem>>, vector<16xf32>,
      %add3A_53 = arith.constant 0 : i32
      %add3A_54 = arith.addi %mul3A_45, %add3A_53 : i32
      %slice3A = vector.extract_strided_slice %get3A_46 {offsets = [0], sizes = [1], strides = [1]} : vector<16xf32> to vector<1xf32>
      %squeeze3A = vector.extract %slice3A[0] : f32 from vector<1xf32>
      %slice3A_55 = vector.extract_strided_slice %get3A_46 {offsets = [1], sizes = [1], strides = [1]} : vector<16xf32> to vector<1xf32>
      %squeeze3A_56 = vector.extract %slice3A_55[0] : f32 from vector<1xf32>
      %slice3A_57 = vector.extract_strided_slice %get3A_46 {offsets = [2], sizes = [1], strides = [1]} : vector<16xf32> to vector<1xf32>
      %squeeze3A_58 = vector.extract %slice3A_57[0] : f32 from vector<1xf32>
      %slice3A_59 = vector.extract_strided_slice %get3A_46 {offsets = [3], sizes = [1], strides = [1]} : vector<16xf32> to vector<1xf32>
      %squeeze3A_60 = vector.extract %slice3A_59[0] : f32 from vector<1xf32>
      %slice3A_61 = vector.extract_strided_slice %get3A_48 {offsets = [0], sizes = [1], strides = [1]} : vector<16xf32> to vector<1xf32>
      %squeeze3A_62 = vector.extract %slice3A_61[0] : f32 from vector<1xf32>
      %slice3A_63 = vector.extract_strided_slice %get3A_48 {offsets = [1], sizes = [1], strides = [1]} : vector<16xf32> to vector<1xf32>
      %squeeze3A_64 = vector.extract %slice3A_63[0] : f32 from vector<1xf32>
      %slice3A_65 = vector.extract_strided_slice %get3A_48 {offsets = [2], sizes = [1], strides = [1]} : vector<16xf32> to vector<1xf32>
      %squeeze3A_66 = vector.extract %slice3A_65[0] : f32 from vector<1xf32>
      %slice3A_67 = vector.extract_strided_slice %get3A_48 {offsets = [3], sizes = [1], strides = [1]} : vector<16xf32> to vector<1xf32>
      %squeeze3A_68 = vector.extract %slice3A_67[0] : f32 from vector<1xf32>
      %slice3A_69 = vector.extract_strided_slice %get3A_50 {offsets = [0], sizes = [1], strides = [1]} : vector<16xf32> to vector<1xf32>
      %squeeze3A_70 = vector.extract %slice3A_69[0] : f32 from vector<1xf32>
      %slice3A_71 = vector.extract_strided_slice %get3A_50 {offsets = [1], sizes = [1], strides = [1]} : vector<16xf32> to vector<1xf32>
      %squeeze3A_72 = vector.extract %slice3A_71[0] : f32 from vector<1xf32>
      %slice3A_73 = vector.extract_strided_slice %get3A_50 {offsets = [2], sizes = [1], strides = [1]} : vector<16xf32> to vector<1xf32>
      %squeeze3A_74 = vector.extract %slice3A_73[0] : f32 from vector<1xf32>
      %slice3A_75 = vector.extract_strided_slice %get3A_50 {offsets = [3], sizes = [1], strides = [1]} : vector<16xf32> to vector<1xf32>
      %squeeze3A_76 = vector.extract %slice3A_75[0] : f32 from vector<1xf32>
      %slice3A_77 = vector.extract_strided_slice %get3A_52 {offsets = [0], sizes = [1], strides = [1]} : vector<16xf32> to vector<1xf32>
      %squeeze3A_78 = vector.extract %slice3A_77[0] : f32 from vector<1xf32>
      %slice3A_79 = vector.extract_strided_slice %get3A_52 {offsets = [1], sizes = [1], strides = [1]} : vector<16xf32> to vector<1xf32>
      %squeeze3A_80 = vector.extract %slice3A_79[0] : f32 from vector<1xf32>
      %slice3A_81 = vector.extract_strided_slice %get3A_52 {offsets = [2], sizes = [1], strides = [1]} : vector<16xf32> to vector<1xf32>
      %squeeze3A_82 = vector.extract %slice3A_81[0] : f32 from vector<1xf32>
      %slice3A_83 = vector.extract_strided_slice %get3A_52 {offsets = [3], sizes = [1], strides = [1]} : vector<16xf32> to vector<1xf32>
      %squeeze3A_84 = vector.extract %slice3A_83[0] : f32 from vector<1xf32>
      %broadcast_in_dim3A = arith.constant 0x7F800000 : f32
      %broadcast_in_dim3A_85 = vector.broadcast %broadcast_in_dim3A : f32 to vector<16xf32>
      %broadcast_in_dim3A_86 = arith.constant 0 : i32
      %broadcast_in_dim3A_87 = vector.broadcast %broadcast_in_dim3A_86 : i32 to vector<16xi32>
      %broadcast_in_dim3A_88 = arith.constant 0x7F800000 : f32
      %broadcast_in_dim3A_89 = vector.broadcast %broadcast_in_dim3A_88 : f32 to vector<16xf32>
      %broadcast_in_dim3A_90 = arith.constant 0 : i32
      %broadcast_in_dim3A_91 = vector.broadcast %broadcast_in_dim3A_90 : i32 to vector<16xi32>
      %broadcast_in_dim3A_92 = arith.constant 0x7F800000 : f32
      %broadcast_in_dim3A_93 = vector.broadcast %broadcast_in_dim3A_92 : f32 to vector<16xf32>
      %broadcast_in_dim3A_94 = arith.constant 0 : i32
      %broadcast_in_dim3A_95 = vector.broadcast %broadcast_in_dim3A_94 : i32 to vector<16xi32>
      %broadcast_in_dim3A_96 = arith.constant 0x7F800000 : f32
      %broadcast_in_dim3A_97 = vector.broadcast %broadcast_in_dim3A_96 : f32 to vector<16xf32>
      %broadcast_in_dim3A_98 = arith.constant 0 : i32
      %broadcast_in_dim3A_99 = vector.broadcast %broadcast_in_dim3A_98 : i32 to vector<16xi32>
      %scan3A_100 = arith.constant 0 : i32
      %scan3A_101 = arith.constant 0x7F800000 : f32
      %scan3A_102 = arith.constant 0 : i32
      %scan3A_103 = arith.constant 0x7F800000 : f32
      %scan3A_104 = arith.constant 0 : i32
      %scan3A_105 = arith.constant 0x7F800000 : f32
      %scan3A_106 = arith.constant 0 : i32
      %scan3A_107 = arith.constant 0x7F800000 : f32
      %scan3A_108 = arith.constant 0 : i32
      %scan3A_109 = arith.constant 256 : i32
      %scan3A_110 = arith.addi %scan3A_108, %scan3A_109 : i32
      %scan3A_111 = arith.constant 1 : i32
      %scan3A_112:16 = scf.for %scan3A_1177 = %scan3A_108 to %scan3A_110 step %scan3A_111 iter_args(%scan3A_1178 = %scan3A_100, %scan3A_1179 = %scan3A_101, %scan3A_1180 = %broadcast_in_dim3A_85, %scan3A_1181 = %broadcast_in_dim3A_87, %scan3A_1182 = %scan3A_102, %scan3A_1183 = %scan3A_103, %scan3A_1184 = %broadcast_in_dim3A_89, %scan3A_1185 = %broadcast_in_dim3A_91, %scan3A_1186 = %scan3A_104, %scan3A_1187 = %scan3A_105, %scan3A_1188 = %broadcast_in_dim3A_93, %scan3A_1189 = %broadcast_in_dim3A_95, %scan3A_1190 = %scan3A_106, %scan3A_1191 = %scan3A_107, %scan3A_1192 = %broadcast_in_dim3A_97, %scan3A_1193 = %broadcast_in_dim3A_99) -> (i32, f32, vector<16xf32>, vector<16xi32>, i32, f32, vector<16xf32>, vector<16xi32>, i32, f32, vector<16xf32>, vector<16xi32>, i32, f32, vector<16xf32>, vector<16xi32>)  : i32 {
        %mul3A_1194 = arith.constant 64 : i32
        %mul3A_1195 = arith.muli %scan3A_1177, %mul3A_1194 : i32
        %parallel_loop3A = arith.constant 0 : i32
        %parallel_loop3A_1196 = arith.constant 4 : i32
        %parallel_loop3A_1197 = arith.constant 1 : i32
        %parallel_loop3A_1198:4 = scf.for %parallel_loop3A_1227 = %parallel_loop3A to %parallel_loop3A_1196 step %parallel_loop3A_1197 iter_args(%parallel_loop3A_1228 = %scan3A_1178, %parallel_loop3A_1229 = %scan3A_1182, %parallel_loop3A_1230 = %scan3A_1186, %parallel_loop3A_1231 = %scan3A_1190) -> (i32, i32, i32, i32)  : i32 {
          %parallel_loop3A_1232 = arith.constant 16 : i32
          %parallel_loop3A_1233 = arith.muli %parallel_loop3A_1227, %parallel_loop3A_1232 : i32
          %parallel_loop3A_1234 = arith.addi %mul3A_1195, %parallel_loop3A_1233 : i32
          %parallel_loop3A_1235 = arith.index_cast %parallel_loop3A_1234 : i32 to index
          %parallel_loop3A_1236 = tpu.vector_load %arg7[%parallel_loop3A_1235] {strides = array<i32>} : memref<16384xf32, #tpu.memory_space<vmem>>, vector<16xf32>,
          %parallel_loop3A_1237 = arith.index_cast %parallel_loop3A_1234 : i32 to index
          %parallel_loop3A_1238 = tpu.vector_load %arg8[%parallel_loop3A_1237] {strides = array<i32>} : memref<16384xf32, #tpu.memory_space<vmem>>, vector<16xf32>,
          %parallel_loop3A_1239 = arith.index_cast %parallel_loop3A_1234 : i32 to index
          %parallel_loop3A_1240 = tpu.vector_load %arg9[%parallel_loop3A_1239] {strides = array<i32>} : memref<16384xf32, #tpu.memory_space<vmem>>, vector<16xf32>,
          %parallel_loop3A_1241 = arith.index_cast %parallel_loop3A_1234 : i32 to index
          %parallel_loop3A_1242 = tpu.vector_load %arg10[%parallel_loop3A_1241] {strides = array<i32>} : memref<16384xf32, #tpu.memory_space<vmem>>, vector<16xf32>,
          %parallel_loop3A_1243 = vector.broadcast %parallel_loop3A_1234 : i32 to vector<16xi32>
          %parallel_loop3A_1244 = arith.addi %iota3A, %parallel_loop3A_1243 : vector<16xi32>
          %parallel_loop3A_1245 = vector.broadcast %squeeze3A : f32 to vector<16xf32>
          %parallel_loop3A_1246 = arith.mulf %parallel_loop3A_1245, %parallel_loop3A_1236 : vector<16xf32>
          %parallel_loop3A_1247 = vector.broadcast %squeeze3A_62 : f32 to vector<16xf32>
          %parallel_loop3A_1248 = arith.mulf %parallel_loop3A_1247, %parallel_loop3A_1238 : vector<16xf32>
          %parallel_loop3A_1249 = arith.addf %parallel_loop3A_1246, %parallel_loop3A_1248 : vector<16xf32>
          %parallel_loop3A_1250 = vector.broadcast %squeeze3A_70 : f32 to vector<16xf32>
          %parallel_loop3A_1251 = arith.mulf %parallel_loop3A_1250, %parallel_loop3A_1240 : vector<16xf32>
          %parallel_loop3A_1252 = arith.addf %parallel_loop3A_1249, %parallel_loop3A_1251 : vector<16xf32>
          %parallel_loop3A_1253 = arith.constant 2.000000e+00 : f32
          %parallel_loop3A_1254 = vector.broadcast %parallel_loop3A_1253 : f32 to vector<16xf32>
          %parallel_loop3A_1255 = arith.mulf %parallel_loop3A_1254, %parallel_loop3A_1252 : vector<16xf32>
          %parallel_loop3A_1256 = arith.subf %parallel_loop3A_1242, %parallel_loop3A_1255 : vector<16xf32>
          %parallel_loop3A_1257 = vector.broadcast %scan3A_1179 : f32 to vector<16xf32>
          %parallel_loop3A_1258 = arith.cmpf olt, %parallel_loop3A_1256, %parallel_loop3A_1257 : vector<16xf32>
          %parallel_loop3A_1259 = arith.constant 1 : i32
          %parallel_loop3A_1260 = arith.constant 0 : i32
          %parallel_loop3A_1261 = vector.broadcast %parallel_loop3A_1259 : i32 to vector<16xi32>
          %parallel_loop3A_1262 = vector.broadcast %parallel_loop3A_1260 : i32 to vector<16xi32>
          %parallel_loop3A_1263 = arith.select %parallel_loop3A_1258, %parallel_loop3A_1261, %parallel_loop3A_1262 : vector<16xi1>, vector<16xi32>
          %parallel_loop3A_1264 = arith.constant true
          %parallel_loop3A_1265 = vector.broadcast %parallel_loop3A_1264 : i1 to vector<16xi1>
          %parallel_loop3A_1266 = tpu.scan <sum>, %parallel_loop3A_1263 masked %parallel_loop3A_1265 : vector<16xi32>, vector<16xi1> -> vector<16xi32>
          %parallel_loop3A_1267 = arith.constant -1 : i32
          %parallel_loop3A_1268 = arith.addi %parallel_loop3A_1267, %parallel_loop3A_1228 : i32
          %parallel_loop3A_1269 = vector.broadcast %parallel_loop3A_1268 : i32 to vector<16xi32>
          %parallel_loop3A_1270 = arith.addi %parallel_loop3A_1269, %parallel_loop3A_1266 : vector<16xi32>
          tpu.vector_store_idx %arg15[%parallel_loop3A_1270], %parallel_loop3A_1244 masked %parallel_loop3A_1258 : memref<384xi32, #tpu.memory_space<vmem>>[vector<16xi32>], vector<16xi32>, vector<16xi1>
          %parallel_loop3A_1271 = vector.extract_strided_slice %parallel_loop3A_1266 {offsets = [15], sizes = [1], strides = [1]} : vector<16xi32> to vector<1xi32>
          %parallel_loop3A_1272 = vector.extract %parallel_loop3A_1271[0] : i32 from vector<1xi32>
          %parallel_loop3A_1273 = arith.addi %parallel_loop3A_1228, %parallel_loop3A_1272 : i32
          %parallel_loop3A_1274 = vector.broadcast %squeeze3A_56 : f32 to vector<16xf32>
          %parallel_loop3A_1275 = arith.mulf %parallel_loop3A_1274, %parallel_loop3A_1236 : vector<16xf32>
          %parallel_loop3A_1276 = vector.broadcast %squeeze3A_64 : f32 to vector<16xf32>
          %parallel_loop3A_1277 = arith.mulf %parallel_loop3A_1276, %parallel_loop3A_1238 : vector<16xf32>
          %parallel_loop3A_1278 = arith.addf %parallel_loop3A_1275, %parallel_loop3A_1277 : vector<16xf32>
          %parallel_loop3A_1279 = vector.broadcast %squeeze3A_72 : f32 to vector<16xf32>
          %parallel_loop3A_1280 = arith.mulf %parallel_loop3A_1279, %parallel_loop3A_1240 : vector<16xf32>
          %parallel_loop3A_1281 = arith.addf %parallel_loop3A_1278, %parallel_loop3A_1280 : vector<16xf32>
          %parallel_loop3A_1282 = arith.constant 2.000000e+00 : f32
          %parallel_loop3A_1283 = vector.broadcast %parallel_loop3A_1282 : f32 to vector<16xf32>
          %parallel_loop3A_1284 = arith.mulf %parallel_loop3A_1283, %parallel_loop3A_1281 : vector<16xf32>
          %parallel_loop3A_1285 = arith.subf %parallel_loop3A_1242, %parallel_loop3A_1284 : vector<16xf32>
          %parallel_loop3A_1286 = vector.broadcast %scan3A_1183 : f32 to vector<16xf32>
          %parallel_loop3A_1287 = arith.cmpf olt, %parallel_loop3A_1285, %parallel_loop3A_1286 : vector<16xf32>
          %parallel_loop3A_1288 = arith.constant 1 : i32
          %parallel_loop3A_1289 = arith.constant 0 : i32
          %parallel_loop3A_1290 = vector.broadcast %parallel_loop3A_1288 : i32 to vector<16xi32>
          %parallel_loop3A_1291 = vector.broadcast %parallel_loop3A_1289 : i32 to vector<16xi32>
          %parallel_loop3A_1292 = arith.select %parallel_loop3A_1287, %parallel_loop3A_1290, %parallel_loop3A_1291 : vector<16xi1>, vector<16xi32>
          %parallel_loop3A_1293 = arith.constant true
          %parallel_loop3A_1294 = vector.broadcast %parallel_loop3A_1293 : i1 to vector<16xi1>
          %parallel_loop3A_1295 = tpu.scan <sum>, %parallel_loop3A_1292 masked %parallel_loop3A_1294 : vector<16xi32>, vector<16xi1> -> vector<16xi32>
          %parallel_loop3A_1296 = arith.constant 95 : i32
          %parallel_loop3A_1297 = arith.addi %parallel_loop3A_1296, %parallel_loop3A_1229 : i32
          %parallel_loop3A_1298 = vector.broadcast %parallel_loop3A_1297 : i32 to vector<16xi32>
          %parallel_loop3A_1299 = arith.addi %parallel_loop3A_1298, %parallel_loop3A_1295 : vector<16xi32>
          tpu.vector_store_idx %arg15[%parallel_loop3A_1299], %parallel_loop3A_1244 masked %parallel_loop3A_1287 : memref<384xi32, #tpu.memory_space<vmem>>[vector<16xi32>], vector<16xi32>, vector<16xi1>
          %parallel_loop3A_1300 = vector.extract_strided_slice %parallel_loop3A_1295 {offsets = [15], sizes = [1], strides = [1]} : vector<16xi32> to vector<1xi32>
          %parallel_loop3A_1301 = vector.extract %parallel_loop3A_1300[0] : i32 from vector<1xi32>
          %parallel_loop3A_1302 = arith.addi %parallel_loop3A_1229, %parallel_loop3A_1301 : i32
          %parallel_loop3A_1303 = vector.broadcast %squeeze3A_58 : f32 to vector<16xf32>
          %parallel_loop3A_1304 = arith.mulf %parallel_loop3A_1303, %parallel_loop3A_1236 : vector<16xf32>
          %parallel_loop3A_1305 = vector.broadcast %squeeze3A_66 : f32 to vector<16xf32>
          %parallel_loop3A_1306 = arith.mulf %parallel_loop3A_1305, %parallel_loop3A_1238 : vector<16xf32>
          %parallel_loop3A_1307 = arith.addf %parallel_loop3A_1304, %parallel_loop3A_1306 : vector<16xf32>
          %parallel_loop3A_1308 = vector.broadcast %squeeze3A_74 : f32 to vector<16xf32>
          %parallel_loop3A_1309 = arith.mulf %parallel_loop3A_1308, %parallel_loop3A_1240 : vector<16xf32>
          %parallel_loop3A_1310 = arith.addf %parallel_loop3A_1307, %parallel_loop3A_1309 : vector<16xf32>
          %parallel_loop3A_1311 = arith.constant 2.000000e+00 : f32
          %parallel_loop3A_1312 = vector.broadcast %parallel_loop3A_1311 : f32 to vector<16xf32>
          %parallel_loop3A_1313 = arith.mulf %parallel_loop3A_1312, %parallel_loop3A_1310 : vector<16xf32>
          %parallel_loop3A_1314 = arith.subf %parallel_loop3A_1242, %parallel_loop3A_1313 : vector<16xf32>
          %parallel_loop3A_1315 = vector.broadcast %scan3A_1187 : f32 to vector<16xf32>
          %parallel_loop3A_1316 = arith.cmpf olt, %parallel_loop3A_1314, %parallel_loop3A_1315 : vector<16xf32>
          %parallel_loop3A_1317 = arith.constant 1 : i32
          %parallel_loop3A_1318 = arith.constant 0 : i32
          %parallel_loop3A_1319 = vector.broadcast %parallel_loop3A_1317 : i32 to vector<16xi32>
          %parallel_loop3A_1320 = vector.broadcast %parallel_loop3A_1318 : i32 to vector<16xi32>
          %parallel_loop3A_1321 = arith.select %parallel_loop3A_1316, %parallel_loop3A_1319, %parallel_loop3A_1320 : vector<16xi1>, vector<16xi32>
          %parallel_loop3A_1322 = arith.constant true
          %parallel_loop3A_1323 = vector.broadcast %parallel_loop3A_1322 : i1 to vector<16xi1>
          %parallel_loop3A_1324 = tpu.scan <sum>, %parallel_loop3A_1321 masked %parallel_loop3A_1323 : vector<16xi32>, vector<16xi1> -> vector<16xi32>
          %parallel_loop3A_1325 = arith.constant 191 : i32
          %parallel_loop3A_1326 = arith.addi %parallel_loop3A_1325, %parallel_loop3A_1230 : i32
          %parallel_loop3A_1327 = vector.broadcast %parallel_loop3A_1326 : i32 to vector<16xi32>
          %parallel_loop3A_1328 = arith.addi %parallel_loop3A_1327, %parallel_loop3A_1324 : vector<16xi32>
          tpu.vector_store_idx %arg15[%parallel_loop3A_1328], %parallel_loop3A_1244 masked %parallel_loop3A_1316 : memref<384xi32, #tpu.memory_space<vmem>>[vector<16xi32>], vector<16xi32>, vector<16xi1>
          %parallel_loop3A_1329 = vector.extract_strided_slice %parallel_loop3A_1324 {offsets = [15], sizes = [1], strides = [1]} : vector<16xi32> to vector<1xi32>
          %parallel_loop3A_1330 = vector.extract %parallel_loop3A_1329[0] : i32 from vector<1xi32>
          %parallel_loop3A_1331 = arith.addi %parallel_loop3A_1230, %parallel_loop3A_1330 : i32
          %parallel_loop3A_1332 = vector.broadcast %squeeze3A_60 : f32 to vector<16xf32>
          %parallel_loop3A_1333 = arith.mulf %parallel_loop3A_1332, %parallel_loop3A_1236 : vector<16xf32>
          %parallel_loop3A_1334 = vector.broadcast %squeeze3A_68 : f32 to vector<16xf32>
          %parallel_loop3A_1335 = arith.mulf %parallel_loop3A_1334, %parallel_loop3A_1238 : vector<16xf32>
          %parallel_loop3A_1336 = arith.addf %parallel_loop3A_1333, %parallel_loop3A_1335 : vector<16xf32>
          %parallel_loop3A_1337 = vector.broadcast %squeeze3A_76 : f32 to vector<16xf32>
          %parallel_loop3A_1338 = arith.mulf %parallel_loop3A_1337, %parallel_loop3A_1240 : vector<16xf32>
          %parallel_loop3A_1339 = arith.addf %parallel_loop3A_1336, %parallel_loop3A_1338 : vector<16xf32>
          %parallel_loop3A_1340 = arith.constant 2.000000e+00 : f32
          %parallel_loop3A_1341 = vector.broadcast %parallel_loop3A_1340 : f32 to vector<16xf32>
          %parallel_loop3A_1342 = arith.mulf %parallel_loop3A_1341, %parallel_loop3A_1339 : vector<16xf32>
          %parallel_loop3A_1343 = arith.subf %parallel_loop3A_1242, %parallel_loop3A_1342 : vector<16xf32>
          %parallel_loop3A_1344 = vector.broadcast %scan3A_1191 : f32 to vector<16xf32>
          %parallel_loop3A_1345 = arith.cmpf olt, %parallel_loop3A_1343, %parallel_loop3A_1344 : vector<16xf32>
          %parallel_loop3A_1346 = arith.constant 1 : i32
          %parallel_loop3A_1347 = arith.constant 0 : i32
          %parallel_loop3A_1348 = vector.broadcast %parallel_loop3A_1346 : i32 to vector<16xi32>
          %parallel_loop3A_1349 = vector.broadcast %parallel_loop3A_1347 : i32 to vector<16xi32>
          %parallel_loop3A_1350 = arith.select %parallel_loop3A_1345, %parallel_loop3A_1348, %parallel_loop3A_1349 : vector<16xi1>, vector<16xi32>
          %parallel_loop3A_1351 = arith.constant true
          %parallel_loop3A_1352 = vector.broadcast %parallel_loop3A_1351 : i1 to vector<16xi1>
          %parallel_loop3A_1353 = tpu.scan <sum>, %parallel_loop3A_1350 masked %parallel_loop3A_1352 : vector<16xi32>, vector<16xi1> -> vector<16xi32>
          %parallel_loop3A_1354 = arith.constant 287 : i32
          %parallel_loop3A_1355 = arith.addi %parallel_loop3A_1354, %parallel_loop3A_1231 : i32
          %parallel_loop3A_1356 = vector.broadcast %parallel_loop3A_1355 : i32 to vector<16xi32>
          %parallel_loop3A_1357 = arith.addi %parallel_loop3A_1356, %parallel_loop3A_1353 : vector<16xi32>
          tpu.vector_store_idx %arg15[%parallel_loop3A_1357], %parallel_loop3A_1244 masked %parallel_loop3A_1345 : memref<384xi32, #tpu.memory_space<vmem>>[vector<16xi32>], vector<16xi32>, vector<16xi1>
          %parallel_loop3A_1358 = vector.extract_strided_slice %parallel_loop3A_1353 {offsets = [15], sizes = [1], strides = [1]} : vector<16xi32> to vector<1xi32>
          %parallel_loop3A_1359 = vector.extract %parallel_loop3A_1358[0] : i32 from vector<1xi32>
          %parallel_loop3A_1360 = arith.addi %parallel_loop3A_1231, %parallel_loop3A_1359 : i32
          scf.yield %parallel_loop3A_1273, %parallel_loop3A_1302, %parallel_loop3A_1331, %parallel_loop3A_1360 : i32, i32, i32, i32
        } {sc.loop_unroll_factor = 4 : i64, sc.parallel_access}
        %while3A = arith.constant 0 : i32
        %while3A_1199:4 = scf.while (%while3A_1227 = %while3A, %while3A_1228 = %scan3A_1179, %while3A_1229 = %scan3A_1180, %while3A_1230 = %scan3A_1181) : (i32, f32, vector<16xf32>, vector<16xi32>) -> (i32, f32, vector<16xf32>, vector<16xi32>) {
          %sub3A_1231 = arith.subi %parallel_loop3A_1198#0, %while3A_1227 : i32
          %ge3A = arith.constant 16 : i32
          %ge3A_1232 = arith.cmpi sge, %sub3A_1231, %ge3A : i32
          scf.condition(%ge3A_1232) %while3A_1227, %while3A_1228, %while3A_1229, %while3A_1230 : i32, f32, vector<16xf32>, vector<16xi32>
        } do {
        ^bb0(%while3A_1227: i32, %while3A_1228: f32, %while3A_1229: vector<16xf32>, %while3A_1230: vector<16xi32>):
          %add3A_1231 = arith.constant 0 : i32
          %add3A_1232 = arith.addi %add3A_1231, %while3A_1227 : i32
          %get3A_1233 = arith.index_cast %add3A_1232 : i32 to index
          %get3A_1234 = tpu.vector_load %arg15[%get3A_1233] {strides = array<i32>} : memref<384xi32, #tpu.memory_space<vmem>>, vector<16xi32>,
          %gather3A_1235 = tpu.vector_load_idx %arg7[%get3A_1234] : memref<16384xf32, #tpu.memory_space<vmem>>[vector<16xi32>], vector<16xf32>,
          %gather3A_1236 = tpu.vector_load_idx %arg8[%get3A_1234] : memref<16384xf32, #tpu.memory_space<vmem>>[vector<16xi32>], vector<16xf32>,
          %gather3A_1237 = tpu.vector_load_idx %arg9[%get3A_1234] : memref<16384xf32, #tpu.memory_space<vmem>>[vector<16xi32>], vector<16xf32>,
          %gather3A_1238 = tpu.vector_load_idx %arg10[%get3A_1234] : memref<16384xf32, #tpu.memory_space<vmem>>[vector<16xi32>], vector<16xf32>,
          %mul3A_1239 = vector.broadcast %squeeze3A : f32 to vector<16xf32>
          %mul3A_1240 = arith.mulf %mul3A_1239, %gather3A_1235 : vector<16xf32>
          %mul3A_1241 = vector.broadcast %squeeze3A_62 : f32 to vector<16xf32>
          %mul3A_1242 = arith.mulf %mul3A_1241, %gather3A_1236 : vector<16xf32>
          %add3A_1243 = arith.addf %mul3A_1240, %mul3A_1242 : vector<16xf32>
          %mul3A_1244 = vector.broadcast %squeeze3A_70 : f32 to vector<16xf32>
          %mul3A_1245 = arith.mulf %mul3A_1244, %gather3A_1237 : vector<16xf32>
          %add3A_1246 = arith.addf %add3A_1243, %mul3A_1245 : vector<16xf32>
          %add3A_1247 = vector.broadcast %squeeze3A_78 : f32 to vector<16xf32>
          %add3A_1248 = arith.addf %add3A_1247, %gather3A_1238 : vector<16xf32>
          %mul3A_1249 = arith.constant 2.000000e+00 : f32
          %mul3A_1250 = vector.broadcast %mul3A_1249 : f32 to vector<16xf32>
          %mul3A_1251 = arith.mulf %mul3A_1250, %add3A_1246 : vector<16xf32>
          %sub3A_1252 = arith.subf %add3A_1248, %mul3A_1251 : vector<16xf32>
          %masked_sort3A_1253 = arith.constant dense<true> : vector<16xi1>
          %masked_sort3A_1254, %masked_sort3A_1255, %masked_sort3A_1256 = tpu.sort %sub3A_1252, %get3A_1234 masked %masked_sort3A_1253 : (vector<16xf32>, vector<16xi32>, vector<16xi1>) -> (vector<16xi1>, vector<16xf32>, vector<16xi32>)
          %rev3A_1257 = arith.constant 15 : i32
          %rev3A_1258 = vector.broadcast %rev3A_1257 : i32 to vector<16xi32>
          %rev3A_1259 = tpu.iota {dimensions = array<i32: 0>} : vector<16xi32>
          %rev3A_1260 = arith.subi %rev3A_1258, %rev3A_1259 : vector<16xi32>
          %rev3A_1261 = tpu.dynamic_gather %masked_sort3A_1255[%rev3A_1260] in [0] : vector<16xf32>, vector<16xi32> -> vector<16xf32>
          %rev3A_1262 = arith.constant 15 : i32
          %rev3A_1263 = vector.broadcast %rev3A_1262 : i32 to vector<16xi32>
          %rev3A_1264 = tpu.iota {dimensions = array<i32: 0>} : vector<16xi32>
          %rev3A_1265 = arith.subi %rev3A_1263, %rev3A_1264 : vector<16xi32>
          %rev3A_1266 = tpu.dynamic_gather %masked_sort3A_1256[%rev3A_1265] in [0] : vector<16xi32>, vector<16xi32> -> vector<16xi32>
          %le3A_1267 = arith.cmpf ole, %while3A_1229, %rev3A_1261 : vector<16xf32>
          %select_n3A_1268 = arith.select %le3A_1267, %while3A_1229, %rev3A_1261 : vector<16xi1>, vector<16xf32>
          %select_n3A_1269 = arith.select %le3A_1267, %while3A_1230, %rev3A_1266 : vector<16xi1>, vector<16xi32>
          %masked_sort3A_1270 = arith.constant dense<true> : vector<16xi1>
          %masked_sort3A_1271, %masked_sort3A_1272, %masked_sort3A_1273 = tpu.sort %select_n3A_1268, %select_n3A_1269 masked %masked_sort3A_1270 : (vector<16xf32>, vector<16xi32>, vector<16xi1>) -> (vector<16xi1>, vector<16xf32>, vector<16xi32>)
          %add3A_1274 = arith.constant 16 : i32
          %add3A_1275 = arith.addi %while3A_1227, %add3A_1274 : i32
          %sub3A_1276 = vector.broadcast %squeeze3A_78 : f32 to vector<16xf32>
          %sub3A_1277 = arith.subf %masked_sort3A_1272, %sub3A_1276 : vector<16xf32>
          %add3A_1278 = arith.constant 9.99999974E-5 : f32
          %add3A_1279 = vector.broadcast %add3A_1278 : f32 to vector<16xf32>
          %add3A_1280 = arith.addf %sub3A_1277, %add3A_1279 : vector<16xf32>
          %reduce_max3A = arith.constant true
          %reduce_max3A_1281 = vector.broadcast %reduce_max3A : i1 to vector<16xi1>
          %reduce_max3A_1282 = tpu.scan <max>, %add3A_1280 masked %reduce_max3A_1281 : vector<16xf32>, vector<16xi1> -> vector<16xf32>
          %reduce_max3A_1283 = vector.extract %reduce_max3A_1282[15] : f32 from vector<16xf32>
          scf.yield %add3A_1275, %reduce_max3A_1283, %masked_sort3A_1272, %masked_sort3A_1273 : i32, f32, vector<16xf32>, vector<16xi32>
        }
        %gt3A = arith.constant 0 : i32
        %gt3A_1200 = arith.cmpi sgt, %while3A_1199#0, %gt3A : i32
        %convert_element_type3A = arith.extui %gt3A_1200 : i1 to i32
        %cond3A = arith.constant 0 : i32
        %cond3A_1201 = arith.cmpi ne, %convert_element_type3A, %cond3A : i32
        scf.if %cond3A_1201 {
          %add3A_1227 = arith.constant 0 : i32
          %add3A_1228 = arith.addi %add3A_1227, %while3A_1199#0 : i32
          %get3A_1229 = arith.index_cast %add3A_1228 : i32 to index
          %get3A_1230 = tpu.vector_load %arg15[%get3A_1229] {strides = array<i32>} : memref<384xi32, #tpu.memory_space<vmem>>, vector<16xi32>,
          %swap3A_1231 = arith.constant 0 : index
          %swap3A_1232 = tpu.vector_load %arg15[%swap3A_1231] {strides = array<i32>} : memref<384xi32, #tpu.memory_space<vmem>>, vector<16xi32>,
          tpu.vector_store %arg15[%swap3A_1231], %get3A_1230 {strides = array<i32>} : memref<384xi32, #tpu.memory_space<vmem>>, vector<16xi32>,
        } else {
        }
        %sub3A_1202 = arith.subi %parallel_loop3A_1198#0, %while3A_1199#0 : i32
        %while3A_1203 = arith.constant 0 : i32
        %while3A_1204:4 = scf.while (%while3A_1227 = %while3A_1203, %while3A_1228 = %scan3A_1183, %while3A_1229 = %scan3A_1184, %while3A_1230 = %scan3A_1185) : (i32, f32, vector<16xf32>, vector<16xi32>) -> (i32, f32, vector<16xf32>, vector<16xi32>) {
          %sub3A_1231 = arith.subi %parallel_loop3A_1198#1, %while3A_1227 : i32
          %ge3A = arith.constant 16 : i32
          %ge3A_1232 = arith.cmpi sge, %sub3A_1231, %ge3A : i32
          scf.condition(%ge3A_1232) %while3A_1227, %while3A_1228, %while3A_1229, %while3A_1230 : i32, f32, vector<16xf32>, vector<16xi32>
        } do {
        ^bb0(%while3A_1227: i32, %while3A_1228: f32, %while3A_1229: vector<16xf32>, %while3A_1230: vector<16xi32>):
          %add3A_1231 = arith.constant 96 : i32
          %add3A_1232 = arith.addi %add3A_1231, %while3A_1227 : i32
          %get3A_1233 = arith.index_cast %add3A_1232 : i32 to index
          %get3A_1234 = tpu.vector_load %arg15[%get3A_1233] {strides = array<i32>} : memref<384xi32, #tpu.memory_space<vmem>>, vector<16xi32>,
          %gather3A_1235 = tpu.vector_load_idx %arg7[%get3A_1234] : memref<16384xf32, #tpu.memory_space<vmem>>[vector<16xi32>], vector<16xf32>,
          %gather3A_1236 = tpu.vector_load_idx %arg8[%get3A_1234] : memref<16384xf32, #tpu.memory_space<vmem>>[vector<16xi32>], vector<16xf32>,
          %gather3A_1237 = tpu.vector_load_idx %arg9[%get3A_1234] : memref<16384xf32, #tpu.memory_space<vmem>>[vector<16xi32>], vector<16xf32>,
          %gather3A_1238 = tpu.vector_load_idx %arg10[%get3A_1234] : memref<16384xf32, #tpu.memory_space<vmem>>[vector<16xi32>], vector<16xf32>,
          %mul3A_1239 = vector.broadcast %squeeze3A_56 : f32 to vector<16xf32>
          %mul3A_1240 = arith.mulf %mul3A_1239, %gather3A_1235 : vector<16xf32>
          %mul3A_1241 = vector.broadcast %squeeze3A_64 : f32 to vector<16xf32>
          %mul3A_1242 = arith.mulf %mul3A_1241, %gather3A_1236 : vector<16xf32>
          %add3A_1243 = arith.addf %mul3A_1240, %mul3A_1242 : vector<16xf32>
          %mul3A_1244 = vector.broadcast %squeeze3A_72 : f32 to vector<16xf32>
          %mul3A_1245 = arith.mulf %mul3A_1244, %gather3A_1237 : vector<16xf32>
          %add3A_1246 = arith.addf %add3A_1243, %mul3A_1245 : vector<16xf32>
          %add3A_1247 = vector.broadcast %squeeze3A_80 : f32 to vector<16xf32>
          %add3A_1248 = arith.addf %add3A_1247, %gather3A_1238 : vector<16xf32>
          %mul3A_1249 = arith.constant 2.000000e+00 : f32
          %mul3A_1250 = vector.broadcast %mul3A_1249 : f32 to vector<16xf32>
          %mul3A_1251 = arith.mulf %mul3A_1250, %add3A_1246 : vector<16xf32>
          %sub3A_1252 = arith.subf %add3A_1248, %mul3A_1251 : vector<16xf32>
          %masked_sort3A_1253 = arith.constant dense<true> : vector<16xi1>
          %masked_sort3A_1254, %masked_sort3A_1255, %masked_sort3A_1256 = tpu.sort %sub3A_1252, %get3A_1234 masked %masked_sort3A_1253 : (vector<16xf32>, vector<16xi32>, vector<16xi1>) -> (vector<16xi1>, vector<16xf32>, vector<16xi32>)
          %rev3A_1257 = arith.constant 15 : i32
          %rev3A_1258 = vector.broadcast %rev3A_1257 : i32 to vector<16xi32>
          %rev3A_1259 = tpu.iota {dimensions = array<i32: 0>} : vector<16xi32>
          %rev3A_1260 = arith.subi %rev3A_1258, %rev3A_1259 : vector<16xi32>
          %rev3A_1261 = tpu.dynamic_gather %masked_sort3A_1255[%rev3A_1260] in [0] : vector<16xf32>, vector<16xi32> -> vector<16xf32>
          %rev3A_1262 = arith.constant 15 : i32
          %rev3A_1263 = vector.broadcast %rev3A_1262 : i32 to vector<16xi32>
          %rev3A_1264 = tpu.iota {dimensions = array<i32: 0>} : vector<16xi32>
          %rev3A_1265 = arith.subi %rev3A_1263, %rev3A_1264 : vector<16xi32>
          %rev3A_1266 = tpu.dynamic_gather %masked_sort3A_1256[%rev3A_1265] in [0] : vector<16xi32>, vector<16xi32> -> vector<16xi32>
          %le3A_1267 = arith.cmpf ole, %while3A_1229, %rev3A_1261 : vector<16xf32>
          %select_n3A_1268 = arith.select %le3A_1267, %while3A_1229, %rev3A_1261 : vector<16xi1>, vector<16xf32>
          %select_n3A_1269 = arith.select %le3A_1267, %while3A_1230, %rev3A_1266 : vector<16xi1>, vector<16xi32>
          %masked_sort3A_1270 = arith.constant dense<true> : vector<16xi1>
          %masked_sort3A_1271, %masked_sort3A_1272, %masked_sort3A_1273 = tpu.sort %select_n3A_1268, %select_n3A_1269 masked %masked_sort3A_1270 : (vector<16xf32>, vector<16xi32>, vector<16xi1>) -> (vector<16xi1>, vector<16xf32>, vector<16xi32>)
          %add3A_1274 = arith.constant 16 : i32
          %add3A_1275 = arith.addi %while3A_1227, %add3A_1274 : i32
          %sub3A_1276 = vector.broadcast %squeeze3A_80 : f32 to vector<16xf32>
          %sub3A_1277 = arith.subf %masked_sort3A_1272, %sub3A_1276 : vector<16xf32>
          %add3A_1278 = arith.constant 9.99999974E-5 : f32
          %add3A_1279 = vector.broadcast %add3A_1278 : f32 to vector<16xf32>
          %add3A_1280 = arith.addf %sub3A_1277, %add3A_1279 : vector<16xf32>
          %reduce_max3A = arith.constant true
          %reduce_max3A_1281 = vector.broadcast %reduce_max3A : i1 to vector<16xi1>
          %reduce_max3A_1282 = tpu.scan <max>, %add3A_1280 masked %reduce_max3A_1281 : vector<16xf32>, vector<16xi1> -> vector<16xf32>
          %reduce_max3A_1283 = vector.extract %reduce_max3A_1282[15] : f32 from vector<16xf32>
          scf.yield %add3A_1275, %reduce_max3A_1283, %masked_sort3A_1272, %masked_sort3A_1273 : i32, f32, vector<16xf32>, vector<16xi32>
        }
        %gt3A_1205 = arith.constant 0 : i32
        %gt3A_1206 = arith.cmpi sgt, %while3A_1204#0, %gt3A_1205 : i32
        %convert_element_type3A_1207 = arith.extui %gt3A_1206 : i1 to i32
        %cond3A_1208 = arith.constant 0 : i32
        %cond3A_1209 = arith.cmpi ne, %convert_element_type3A_1207, %cond3A_1208 : i32
        scf.if %cond3A_1209 {
          %add3A_1227 = arith.constant 96 : i32
          %add3A_1228 = arith.addi %add3A_1227, %while3A_1204#0 : i32
          %get3A_1229 = arith.index_cast %add3A_1228 : i32 to index
          %get3A_1230 = tpu.vector_load %arg15[%get3A_1229] {strides = array<i32>} : memref<384xi32, #tpu.memory_space<vmem>>, vector<16xi32>,
          %swap3A_1231 = arith.constant 96 : index
          %swap3A_1232 = tpu.vector_load %arg15[%swap3A_1231] {strides = array<i32>} : memref<384xi32, #tpu.memory_space<vmem>>, vector<16xi32>,
          tpu.vector_store %arg15[%swap3A_1231], %get3A_1230 {strides = array<i32>} : memref<384xi32, #tpu.memory_space<vmem>>, vector<16xi32>,
        } else {
        }
        %sub3A_1210 = arith.subi %parallel_loop3A_1198#1, %while3A_1204#0 : i32
        %while3A_1211 = arith.constant 0 : i32
        %while3A_1212:4 = scf.while (%while3A_1227 = %while3A_1211, %while3A_1228 = %scan3A_1187, %while3A_1229 = %scan3A_1188, %while3A_1230 = %scan3A_1189) : (i32, f32, vector<16xf32>, vector<16xi32>) -> (i32, f32, vector<16xf32>, vector<16xi32>) {
          %sub3A_1231 = arith.subi %parallel_loop3A_1198#2, %while3A_1227 : i32
          %ge3A = arith.constant 16 : i32
          %ge3A_1232 = arith.cmpi sge, %sub3A_1231, %ge3A : i32
          scf.condition(%ge3A_1232) %while3A_1227, %while3A_1228, %while3A_1229, %while3A_1230 : i32, f32, vector<16xf32>, vector<16xi32>
        } do {
        ^bb0(%while3A_1227: i32, %while3A_1228: f32, %while3A_1229: vector<16xf32>, %while3A_1230: vector<16xi32>):
          %add3A_1231 = arith.constant 192 : i32
          %add3A_1232 = arith.addi %add3A_1231, %while3A_1227 : i32
          %get3A_1233 = arith.index_cast %add3A_1232 : i32 to index
          %get3A_1234 = tpu.vector_load %arg15[%get3A_1233] {strides = array<i32>} : memref<384xi32, #tpu.memory_space<vmem>>, vector<16xi32>,
          %gather3A_1235 = tpu.vector_load_idx %arg7[%get3A_1234] : memref<16384xf32, #tpu.memory_space<vmem>>[vector<16xi32>], vector<16xf32>,
          %gather3A_1236 = tpu.vector_load_idx %arg8[%get3A_1234] : memref<16384xf32, #tpu.memory_space<vmem>>[vector<16xi32>], vector<16xf32>,
          %gather3A_1237 = tpu.vector_load_idx %arg9[%get3A_1234] : memref<16384xf32, #tpu.memory_space<vmem>>[vector<16xi32>], vector<16xf32>,
          %gather3A_1238 = tpu.vector_load_idx %arg10[%get3A_1234] : memref<16384xf32, #tpu.memory_space<vmem>>[vector<16xi32>], vector<16xf32>,
          %mul3A_1239 = vector.broadcast %squeeze3A_58 : f32 to vector<16xf32>
          %mul3A_1240 = arith.mulf %mul3A_1239, %gather3A_1235 : vector<16xf32>
          %mul3A_1241 = vector.broadcast %squeeze3A_66 : f32 to vector<16xf32>
          %mul3A_1242 = arith.mulf %mul3A_1241, %gather3A_1236 : vector<16xf32>
          %add3A_1243 = arith.addf %mul3A_1240, %mul3A_1242 : vector<16xf32>
          %mul3A_1244 = vector.broadcast %squeeze3A_74 : f32 to vector<16xf32>
          %mul3A_1245 = arith.mulf %mul3A_1244, %gather3A_1237 : vector<16xf32>
          %add3A_1246 = arith.addf %add3A_1243, %mul3A_1245 : vector<16xf32>
          %add3A_1247 = vector.broadcast %squeeze3A_82 : f32 to vector<16xf32>
          %add3A_1248 = arith.addf %add3A_1247, %gather3A_1238 : vector<16xf32>
          %mul3A_1249 = arith.constant 2.000000e+00 : f32
          %mul3A_1250 = vector.broadcast %mul3A_1249 : f32 to vector<16xf32>
          %mul3A_1251 = arith.mulf %mul3A_1250, %add3A_1246 : vector<16xf32>
          %sub3A_1252 = arith.subf %add3A_1248, %mul3A_1251 : vector<16xf32>
          %masked_sort3A_1253 = arith.constant dense<true> : vector<16xi1>
          %masked_sort3A_1254, %masked_sort3A_1255, %masked_sort3A_1256 = tpu.sort %sub3A_1252, %get3A_1234 masked %masked_sort3A_1253 : (vector<16xf32>, vector<16xi32>, vector<16xi1>) -> (vector<16xi1>, vector<16xf32>, vector<16xi32>)
          %rev3A_1257 = arith.constant 15 : i32
          %rev3A_1258 = vector.broadcast %rev3A_1257 : i32 to vector<16xi32>
          %rev3A_1259 = tpu.iota {dimensions = array<i32: 0>} : vector<16xi32>
          %rev3A_1260 = arith.subi %rev3A_1258, %rev3A_1259 : vector<16xi32>
          %rev3A_1261 = tpu.dynamic_gather %masked_sort3A_1255[%rev3A_1260] in [0] : vector<16xf32>, vector<16xi32> -> vector<16xf32>
          %rev3A_1262 = arith.constant 15 : i32
          %rev3A_1263 = vector.broadcast %rev3A_1262 : i32 to vector<16xi32>
          %rev3A_1264 = tpu.iota {dimensions = array<i32: 0>} : vector<16xi32>
          %rev3A_1265 = arith.subi %rev3A_1263, %rev3A_1264 : vector<16xi32>
          %rev3A_1266 = tpu.dynamic_gather %masked_sort3A_1256[%rev3A_1265] in [0] : vector<16xi32>, vector<16xi32> -> vector<16xi32>
          %le3A_1267 = arith.cmpf ole, %while3A_1229, %rev3A_1261 : vector<16xf32>
          %select_n3A_1268 = arith.select %le3A_1267, %while3A_1229, %rev3A_1261 : vector<16xi1>, vector<16xf32>
          %select_n3A_1269 = arith.select %le3A_1267, %while3A_1230, %rev3A_1266 : vector<16xi1>, vector<16xi32>
          %masked_sort3A_1270 = arith.constant dense<true> : vector<16xi1>
          %masked_sort3A_1271, %masked_sort3A_1272, %masked_sort3A_1273 = tpu.sort %select_n3A_1268, %select_n3A_1269 masked %masked_sort3A_1270 : (vector<16xf32>, vector<16xi32>, vector<16xi1>) -> (vector<16xi1>, vector<16xf32>, vector<16xi32>)
          %add3A_1274 = arith.constant 16 : i32
          %add3A_1275 = arith.addi %while3A_1227, %add3A_1274 : i32
          %sub3A_1276 = vector.broadcast %squeeze3A_82 : f32 to vector<16xf32>
          %sub3A_1277 = arith.subf %masked_sort3A_1272, %sub3A_1276 : vector<16xf32>
          %add3A_1278 = arith.constant 9.99999974E-5 : f32
          %add3A_1279 = vector.broadcast %add3A_1278 : f32 to vector<16xf32>
          %add3A_1280 = arith.addf %sub3A_1277, %add3A_1279 : vector<16xf32>
          %reduce_max3A = arith.constant true
          %reduce_max3A_1281 = vector.broadcast %reduce_max3A : i1 to vector<16xi1>
          %reduce_max3A_1282 = tpu.scan <max>, %add3A_1280 masked %reduce_max3A_1281 : vector<16xf32>, vector<16xi1> -> vector<16xf32>
          %reduce_max3A_1283 = vector.extract %reduce_max3A_1282[15] : f32 from vector<16xf32>
          scf.yield %add3A_1275, %reduce_max3A_1283, %masked_sort3A_1272, %masked_sort3A_1273 : i32, f32, vector<16xf32>, vector<16xi32>
        }
        %gt3A_1213 = arith.constant 0 : i32
        %gt3A_1214 = arith.cmpi sgt, %while3A_1212#0, %gt3A_1213 : i32
        %convert_element_type3A_1215 = arith.extui %gt3A_1214 : i1 to i32
        %cond3A_1216 = arith.constant 0 : i32
        %cond3A_1217 = arith.cmpi ne, %convert_element_type3A_1215, %cond3A_1216 : i32
        scf.if %cond3A_1217 {
          %add3A_1227 = arith.constant 192 : i32
          %add3A_1228 = arith.addi %add3A_1227, %while3A_1212#0 : i32
          %get3A_1229 = arith.index_cast %add3A_1228 : i32 to index
          %get3A_1230 = tpu.vector_load %arg15[%get3A_1229] {strides = array<i32>} : memref<384xi32, #tpu.memory_space<vmem>>, vector<16xi32>,
          %swap3A_1231 = arith.constant 192 : index
          %swap3A_1232 = tpu.vector_load %arg15[%swap3A_1231] {strides = array<i32>} : memref<384xi32, #tpu.memory_space<vmem>>, vector<16xi32>,
          tpu.vector_store %arg15[%swap3A_1231], %get3A_1230 {strides = array<i32>} : memref<384xi32, #tpu.memory_space<vmem>>, vector<16xi32>,
        } else {
        }
        %sub3A_1218 = arith.subi %parallel_loop3A_1198#2, %while3A_1212#0 : i32
        %while3A_1219 = arith.constant 0 : i32
        %while3A_1220:4 = scf.while (%while3A_1227 = %while3A_1219, %while3A_1228 = %scan3A_1191, %while3A_1229 = %scan3A_1192, %while3A_1230 = %scan3A_1193) : (i32, f32, vector<16xf32>, vector<16xi32>) -> (i32, f32, vector<16xf32>, vector<16xi32>) {
          %sub3A_1231 = arith.subi %parallel_loop3A_1198#3, %while3A_1227 : i32
          %ge3A = arith.constant 16 : i32
          %ge3A_1232 = arith.cmpi sge, %sub3A_1231, %ge3A : i32
          scf.condition(%ge3A_1232) %while3A_1227, %while3A_1228, %while3A_1229, %while3A_1230 : i32, f32, vector<16xf32>, vector<16xi32>
        } do {
        ^bb0(%while3A_1227: i32, %while3A_1228: f32, %while3A_1229: vector<16xf32>, %while3A_1230: vector<16xi32>):
          %add3A_1231 = arith.constant 288 : i32
          %add3A_1232 = arith.addi %add3A_1231, %while3A_1227 : i32
          %get3A_1233 = arith.index_cast %add3A_1232 : i32 to index
          %get3A_1234 = tpu.vector_load %arg15[%get3A_1233] {strides = array<i32>} : memref<384xi32, #tpu.memory_space<vmem>>, vector<16xi32>,
          %gather3A_1235 = tpu.vector_load_idx %arg7[%get3A_1234] : memref<16384xf32, #tpu.memory_space<vmem>>[vector<16xi32>], vector<16xf32>,
          %gather3A_1236 = tpu.vector_load_idx %arg8[%get3A_1234] : memref<16384xf32, #tpu.memory_space<vmem>>[vector<16xi32>], vector<16xf32>,
          %gather3A_1237 = tpu.vector_load_idx %arg9[%get3A_1234] : memref<16384xf32, #tpu.memory_space<vmem>>[vector<16xi32>], vector<16xf32>,
          %gather3A_1238 = tpu.vector_load_idx %arg10[%get3A_1234] : memref<16384xf32, #tpu.memory_space<vmem>>[vector<16xi32>], vector<16xf32>,
          %mul3A_1239 = vector.broadcast %squeeze3A_60 : f32 to vector<16xf32>
          %mul3A_1240 = arith.mulf %mul3A_1239, %gather3A_1235 : vector<16xf32>
          %mul3A_1241 = vector.broadcast %squeeze3A_68 : f32 to vector<16xf32>
          %mul3A_1242 = arith.mulf %mul3A_1241, %gather3A_1236 : vector<16xf32>
          %add3A_1243 = arith.addf %mul3A_1240, %mul3A_1242 : vector<16xf32>
          %mul3A_1244 = vector.broadcast %squeeze3A_76 : f32 to vector<16xf32>
          %mul3A_1245 = arith.mulf %mul3A_1244, %gather3A_1237 : vector<16xf32>
          %add3A_1246 = arith.addf %add3A_1243, %mul3A_1245 : vector<16xf32>
          %add3A_1247 = vector.broadcast %squeeze3A_84 : f32 to vector<16xf32>
          %add3A_1248 = arith.addf %add3A_1247, %gather3A_1238 : vector<16xf32>
          %mul3A_1249 = arith.constant 2.000000e+00 : f32
          %mul3A_1250 = vector.broadcast %mul3A_1249 : f32 to vector<16xf32>
          %mul3A_1251 = arith.mulf %mul3A_1250, %add3A_1246 : vector<16xf32>
          %sub3A_1252 = arith.subf %add3A_1248, %mul3A_1251 : vector<16xf32>
          %masked_sort3A_1253 = arith.constant dense<true> : vector<16xi1>
          %masked_sort3A_1254, %masked_sort3A_1255, %masked_sort3A_1256 = tpu.sort %sub3A_1252, %get3A_1234 masked %masked_sort3A_1253 : (vector<16xf32>, vector<16xi32>, vector<16xi1>) -> (vector<16xi1>, vector<16xf32>, vector<16xi32>)
          %rev3A_1257 = arith.constant 15 : i32
          %rev3A_1258 = vector.broadcast %rev3A_1257 : i32 to vector<16xi32>
          %rev3A_1259 = tpu.iota {dimensions = array<i32: 0>} : vector<16xi32>
          %rev3A_1260 = arith.subi %rev3A_1258, %rev3A_1259 : vector<16xi32>
          %rev3A_1261 = tpu.dynamic_gather %masked_sort3A_1255[%rev3A_1260] in [0] : vector<16xf32>, vector<16xi32> -> vector<16xf32>
          %rev3A_1262 = arith.constant 15 : i32
          %rev3A_1263 = vector.broadcast %rev3A_1262 : i32 to vector<16xi32>
          %rev3A_1264 = tpu.iota {dimensions = array<i32: 0>} : vector<16xi32>
          %rev3A_1265 = arith.subi %rev3A_1263, %rev3A_1264 : vector<16xi32>
          %rev3A_1266 = tpu.dynamic_gather %masked_sort3A_1256[%rev3A_1265] in [0] : vector<16xi32>, vector<16xi32> -> vector<16xi32>
          %le3A_1267 = arith.cmpf ole, %while3A_1229, %rev3A_1261 : vector<16xf32>
          %select_n3A_1268 = arith.select %le3A_1267, %while3A_1229, %rev3A_1261 : vector<16xi1>, vector<16xf32>
          %select_n3A_1269 = arith.select %le3A_1267, %while3A_1230, %rev3A_1266 : vector<16xi1>, vector<16xi32>
          %masked_sort3A_1270 = arith.constant dense<true> : vector<16xi1>
          %masked_sort3A_1271, %masked_sort3A_1272, %masked_sort3A_1273 = tpu.sort %select_n3A_1268, %select_n3A_1269 masked %masked_sort3A_1270 : (vector<16xf32>, vector<16xi32>, vector<16xi1>) -> (vector<16xi1>, vector<16xf32>, vector<16xi32>)
          %add3A_1274 = arith.constant 16 : i32
          %add3A_1275 = arith.addi %while3A_1227, %add3A_1274 : i32
          %sub3A_1276 = vector.broadcast %squeeze3A_84 : f32 to vector<16xf32>
          %sub3A_1277 = arith.subf %masked_sort3A_1272, %sub3A_1276 : vector<16xf32>
          %add3A_1278 = arith.constant 9.99999974E-5 : f32
          %add3A_1279 = vector.broadcast %add3A_1278 : f32 to vector<16xf32>
          %add3A_1280 = arith.addf %sub3A_1277, %add3A_1279 : vector<16xf32>
          %reduce_max3A = arith.constant true
          %reduce_max3A_1281 = vector.broadcast %reduce_max3A : i1 to vector<16xi1>
          %reduce_max3A_1282 = tpu.scan <max>, %add3A_1280 masked %reduce_max3A_1281 : vector<16xf32>, vector<16xi1> -> vector<16xf32>
          %reduce_max3A_1283 = vector.extract %reduce_max3A_1282[15] : f32 from vector<16xf32>
          scf.yield %add3A_1275, %reduce_max3A_1283, %masked_sort3A_1272, %masked_sort3A_1273 : i32, f32, vector<16xf32>, vector<16xi32>
        }
        %gt3A_1221 = arith.constant 0 : i32
        %gt3A_1222 = arith.cmpi sgt, %while3A_1220#0, %gt3A_1221 : i32
        %convert_element_type3A_1223 = arith.extui %gt3A_1222 : i1 to i32
        %cond3A_1224 = arith.constant 0 : i32
        %cond3A_1225 = arith.cmpi ne, %convert_element_type3A_1223, %cond3A_1224 : i32
        scf.if %cond3A_1225 {
          %add3A_1227 = arith.constant 288 : i32
          %add3A_1228 = arith.addi %add3A_1227, %while3A_1220#0 : i32
          %get3A_1229 = arith.index_cast %add3A_1228 : i32 to index
          %get3A_1230 = tpu.vector_load %arg15[%get3A_1229] {strides = array<i32>} : memref<384xi32, #tpu.memory_space<vmem>>, vector<16xi32>,
          %swap3A_1231 = arith.constant 288 : index
          %swap3A_1232 = tpu.vector_load %arg15[%swap3A_1231] {strides = array<i32>} : memref<384xi32, #tpu.memory_space<vmem>>, vector<16xi32>,
          tpu.vector_store %arg15[%swap3A_1231], %get3A_1230 {strides = array<i32>} : memref<384xi32, #tpu.memory_space<vmem>>, vector<16xi32>,
        } else {
        }
        %sub3A_1226 = arith.subi %parallel_loop3A_1198#3, %while3A_1220#0 : i32
        scf.yield %sub3A_1202, %while3A_1199#1, %while3A_1199#2, %while3A_1199#3, %sub3A_1210, %while3A_1204#1, %while3A_1204#2, %while3A_1204#3, %sub3A_1218, %while3A_1212#1, %while3A_1212#2, %while3A_1212#3, %sub3A_1226, %while3A_1220#1, %while3A_1220#2, %while3A_1220#3 : i32, f32, vector<16xf32>, vector<16xi32>, i32, f32, vector<16xf32>, vector<16xi32>, i32, f32, vector<16xf32>, vector<16xi32>, i32, f32, vector<16xf32>, vector<16xi32>
      }
      %scan3A_113 = arith.constant 256 : i32
      %lt3A = vector.broadcast %scan3A_112#0 : i32 to vector<16xi32>
      %lt3A_114 = arith.cmpi slt, %iota3A, %lt3A : vector<16xi32>
      %get3A_115 = arith.constant 0 : index
      %get3A_116 = tpu.vector_load %arg15[%get3A_115] {strides = array<i32>} : memref<384xi32, #tpu.memory_space<vmem>>, vector<16xi32>,
      %jit3A = arith.constant 0 : i32
      %broadcast_in_dim3A_117 = vector.broadcast %jit3A : i32 to vector<16xi32>
      %select_n3A = arith.select %lt3A_114, %get3A_116, %broadcast_in_dim3A_117 : vector<16xi1>, vector<16xi32>
      %gather3A = tpu.vector_load_idx %arg7[%select_n3A] : memref<16384xf32, #tpu.memory_space<vmem>>[vector<16xi32>], vector<16xf32>,
      %gather3A_118 = tpu.vector_load_idx %arg8[%select_n3A] : memref<16384xf32, #tpu.memory_space<vmem>>[vector<16xi32>], vector<16xf32>,
      %gather3A_119 = tpu.vector_load_idx %arg9[%select_n3A] : memref<16384xf32, #tpu.memory_space<vmem>>[vector<16xi32>], vector<16xf32>,
      %gather3A_120 = tpu.vector_load_idx %arg10[%select_n3A] : memref<16384xf32, #tpu.memory_space<vmem>>[vector<16xi32>], vector<16xf32>,
      %mul3A_121 = vector.broadcast %squeeze3A : f32 to vector<16xf32>
      %mul3A_122 = arith.mulf %mul3A_121, %gather3A : vector<16xf32>
      %mul3A_123 = vector.broadcast %squeeze3A_62 : f32 to vector<16xf32>
      %mul3A_124 = arith.mulf %mul3A_123, %gather3A_118 : vector<16xf32>
      %add3A_125 = arith.addf %mul3A_122, %mul3A_124 : vector<16xf32>
      %mul3A_126 = vector.broadcast %squeeze3A_70 : f32 to vector<16xf32>
      %mul3A_127 = arith.mulf %mul3A_126, %gather3A_119 : vector<16xf32>
      %add3A_128 = arith.addf %add3A_125, %mul3A_127 : vector<16xf32>
      %add3A_129 = vector.broadcast %squeeze3A_78 : f32 to vector<16xf32>
      %add3A_130 = arith.addf %add3A_129, %gather3A_120 : vector<16xf32>
      %mul3A_131 = arith.constant 2.000000e+00 : f32
      %mul3A_132 = vector.broadcast %mul3A_131 : f32 to vector<16xf32>
      %mul3A_133 = arith.mulf %mul3A_132, %add3A_128 : vector<16xf32>
      %sub3A = arith.subf %add3A_130, %mul3A_133 : vector<16xf32>
      %jit3A_134 = arith.constant 0x7F800000 : f32
      %broadcast_in_dim3A_135 = vector.broadcast %jit3A_134 : f32 to vector<16xf32>
      %select_n3A_136 = arith.select %lt3A_114, %sub3A, %broadcast_in_dim3A_135 : vector<16xi1>, vector<16xf32>
      %masked_sort3A = arith.constant dense<true> : vector<16xi1>
      %masked_sort3A_137, %masked_sort3A_138, %masked_sort3A_139 = tpu.sort %select_n3A_136, %select_n3A masked %masked_sort3A : (vector<16xf32>, vector<16xi32>, vector<16xi1>) -> (vector<16xi1>, vector<16xf32>, vector<16xi32>)
      %rev3A = arith.constant 15 : i32
      %rev3A_140 = vector.broadcast %rev3A : i32 to vector<16xi32>
      %rev3A_141 = tpu.iota {dimensions = array<i32: 0>} : vector<16xi32>
      %rev3A_142 = arith.subi %rev3A_140, %rev3A_141 : vector<16xi32>
      %rev3A_143 = tpu.dynamic_gather %masked_sort3A_138[%rev3A_142] in [0] : vector<16xf32>, vector<16xi32> -> vector<16xf32>
      %rev3A_144 = arith.constant 15 : i32
      %rev3A_145 = vector.broadcast %rev3A_144 : i32 to vector<16xi32>
      %rev3A_146 = tpu.iota {dimensions = array<i32: 0>} : vector<16xi32>
      %rev3A_147 = arith.subi %rev3A_145, %rev3A_146 : vector<16xi32>
      %rev3A_148 = tpu.dynamic_gather %masked_sort3A_139[%rev3A_147] in [0] : vector<16xi32>, vector<16xi32> -> vector<16xi32>
      %le3A = arith.cmpf ole, %scan3A_112#2, %rev3A_143 : vector<16xf32>
      %select_n3A_149 = arith.select %le3A, %scan3A_112#2, %rev3A_143 : vector<16xi1>, vector<16xf32>
      %select_n3A_150 = arith.select %le3A, %scan3A_112#3, %rev3A_148 : vector<16xi1>, vector<16xi32>
      %masked_sort3A_151 = arith.constant dense<true> : vector<16xi1>
      %masked_sort3A_152, %masked_sort3A_153, %masked_sort3A_154 = tpu.sort %select_n3A_149, %select_n3A_150 masked %masked_sort3A_151 : (vector<16xf32>, vector<16xi32>, vector<16xi1>) -> (vector<16xi1>, vector<16xf32>, vector<16xi32>)
      %add3A_155 = arith.constant 0 : i32
      %add3A_156 = arith.addi %add3A_54, %add3A_155 : i32
      %mul3A_157 = arith.constant 16 : i32
      %mul3A_158 = arith.muli %add3A_156, %mul3A_157 : i32
      %swap3A = arith.index_cast %mul3A_158 : i32 to index
      %swap3A_159 = tpu.vector_load %arg16[%swap3A] {strides = array<i32>} : memref<2048xi32, #tpu.memory_space<vmem>>, vector<16xi32>,
      tpu.vector_store %arg16[%swap3A], %masked_sort3A_154 {strides = array<i32>} : memref<2048xi32, #tpu.memory_space<vmem>>, vector<16xi32>,
      %lt3A_160 = vector.broadcast %scan3A_112#4 : i32 to vector<16xi32>
      %lt3A_161 = arith.cmpi slt, %iota3A, %lt3A_160 : vector<16xi32>
      %get3A_162 = arith.constant 96 : index
      %get3A_163 = tpu.vector_load %arg15[%get3A_162] {strides = array<i32>} : memref<384xi32, #tpu.memory_space<vmem>>, vector<16xi32>,
      %jit3A_164 = arith.constant 0 : i32
      %broadcast_in_dim3A_165 = vector.broadcast %jit3A_164 : i32 to vector<16xi32>
      %select_n3A_166 = arith.select %lt3A_161, %get3A_163, %broadcast_in_dim3A_165 : vector<16xi1>, vector<16xi32>
      %gather3A_167 = tpu.vector_load_idx %arg7[%select_n3A_166] : memref<16384xf32, #tpu.memory_space<vmem>>[vector<16xi32>], vector<16xf32>,
      %gather3A_168 = tpu.vector_load_idx %arg8[%select_n3A_166] : memref<16384xf32, #tpu.memory_space<vmem>>[vector<16xi32>], vector<16xf32>,
      %gather3A_169 = tpu.vector_load_idx %arg9[%select_n3A_166] : memref<16384xf32, #tpu.memory_space<vmem>>[vector<16xi32>], vector<16xf32>,
      %gather3A_170 = tpu.vector_load_idx %arg10[%select_n3A_166] : memref<16384xf32, #tpu.memory_space<vmem>>[vector<16xi32>], vector<16xf32>,
      %mul3A_171 = vector.broadcast %squeeze3A_56 : f32 to vector<16xf32>
      %mul3A_172 = arith.mulf %mul3A_171, %gather3A_167 : vector<16xf32>
      %mul3A_173 = vector.broadcast %squeeze3A_64 : f32 to vector<16xf32>
      %mul3A_174 = arith.mulf %mul3A_173, %gather3A_168 : vector<16xf32>
      %add3A_175 = arith.addf %mul3A_172, %mul3A_174 : vector<16xf32>
      %mul3A_176 = vector.broadcast %squeeze3A_72 : f32 to vector<16xf32>
      %mul3A_177 = arith.mulf %mul3A_176, %gather3A_169 : vector<16xf32>
      %add3A_178 = arith.addf %add3A_175, %mul3A_177 : vector<16xf32>
      %add3A_179 = vector.broadcast %squeeze3A_80 : f32 to vector<16xf32>
      %add3A_180 = arith.addf %add3A_179, %gather3A_170 : vector<16xf32>
      %mul3A_181 = arith.constant 2.000000e+00 : f32
      %mul3A_182 = vector.broadcast %mul3A_181 : f32 to vector<16xf32>
      %mul3A_183 = arith.mulf %mul3A_182, %add3A_178 : vector<16xf32>
      %sub3A_184 = arith.subf %add3A_180, %mul3A_183 : vector<16xf32>
      %jit3A_185 = arith.constant 0x7F800000 : f32
      %broadcast_in_dim3A_186 = vector.broadcast %jit3A_185 : f32 to vector<16xf32>
      %select_n3A_187 = arith.select %lt3A_161, %sub3A_184, %broadcast_in_dim3A_186 : vector<16xi1>, vector<16xf32>
      %masked_sort3A_188 = arith.constant dense<true> : vector<16xi1>
      %masked_sort3A_189, %masked_sort3A_190, %masked_sort3A_191 = tpu.sort %select_n3A_187, %select_n3A_166 masked %masked_sort3A_188 : (vector<16xf32>, vector<16xi32>, vector<16xi1>) -> (vector<16xi1>, vector<16xf32>, vector<16xi32>)
      %rev3A_192 = arith.constant 15 : i32
      %rev3A_193 = vector.broadcast %rev3A_192 : i32 to vector<16xi32>
      %rev3A_194 = tpu.iota {dimensions = array<i32: 0>} : vector<16xi32>
      %rev3A_195 = arith.subi %rev3A_193, %rev3A_194 : vector<16xi32>
      %rev3A_196 = tpu.dynamic_gather %masked_sort3A_190[%rev3A_195] in [0] : vector<16xf32>, vector<16xi32> -> vector<16xf32>
      %rev3A_197 = arith.constant 15 : i32
      %rev3A_198 = vector.broadcast %rev3A_197 : i32 to vector<16xi32>
      %rev3A_199 = tpu.iota {dimensions = array<i32: 0>} : vector<16xi32>
      %rev3A_200 = arith.subi %rev3A_198, %rev3A_199 : vector<16xi32>
      %rev3A_201 = tpu.dynamic_gather %masked_sort3A_191[%rev3A_200] in [0] : vector<16xi32>, vector<16xi32> -> vector<16xi32>
      %le3A_202 = arith.cmpf ole, %scan3A_112#6, %rev3A_196 : vector<16xf32>
      %select_n3A_203 = arith.select %le3A_202, %scan3A_112#6, %rev3A_196 : vector<16xi1>, vector<16xf32>
      %select_n3A_204 = arith.select %le3A_202, %scan3A_112#7, %rev3A_201 : vector<16xi1>, vector<16xi32>
      %masked_sort3A_205 = arith.constant dense<true> : vector<16xi1>
      %masked_sort3A_206, %masked_sort3A_207, %masked_sort3A_208 = tpu.sort %select_n3A_203, %select_n3A_204 masked %masked_sort3A_205 : (vector<16xf32>, vector<16xi32>, vector<16xi1>) -> (vector<16xi1>, vector<16xf32>, vector<16xi32>)
      %add3A_209 = arith.constant 1 : i32
      %add3A_210 = arith.addi %add3A_54, %add3A_209 : i32
      %mul3A_211 = arith.constant 16 : i32
      %mul3A_212 = arith.muli %add3A_210, %mul3A_211 : i32
      %swap3A_213 = arith.index_cast %mul3A_212 : i32 to index
      %swap3A_214 = tpu.vector_load %arg16[%swap3A_213] {strides = array<i32>} : memref<2048xi32, #tpu.memory_space<vmem>>, vector<16xi32>,
      tpu.vector_store %arg16[%swap3A_213], %masked_sort3A_208 {strides = array<i32>} : memref<2048xi32, #tpu.memory_space<vmem>>, vector<16xi32>,
      %lt3A_215 = vector.broadcast %scan3A_112#8 : i32 to vector<16xi32>
      %lt3A_216 = arith.cmpi slt, %iota3A, %lt3A_215 : vector<16xi32>
      %get3A_217 = arith.constant 192 : index
      %get3A_218 = tpu.vector_load %arg15[%get3A_217] {strides = array<i32>} : memref<384xi32, #tpu.memory_space<vmem>>, vector<16xi32>,
      %jit3A_219 = arith.constant 0 : i32
      %broadcast_in_dim3A_220 = vector.broadcast %jit3A_219 : i32 to vector<16xi32>
      %select_n3A_221 = arith.select %lt3A_216, %get3A_218, %broadcast_in_dim3A_220 : vector<16xi1>, vector<16xi32>
      %gather3A_222 = tpu.vector_load_idx %arg7[%select_n3A_221] : memref<16384xf32, #tpu.memory_space<vmem>>[vector<16xi32>], vector<16xf32>,
      %gather3A_223 = tpu.vector_load_idx %arg8[%select_n3A_221] : memref<16384xf32, #tpu.memory_space<vmem>>[vector<16xi32>], vector<16xf32>,
      %gather3A_224 = tpu.vector_load_idx %arg9[%select_n3A_221] : memref<16384xf32, #tpu.memory_space<vmem>>[vector<16xi32>], vector<16xf32>,
      %gather3A_225 = tpu.vector_load_idx %arg10[%select_n3A_221] : memref<16384xf32, #tpu.memory_space<vmem>>[vector<16xi32>], vector<16xf32>,
      %mul3A_226 = vector.broadcast %squeeze3A_58 : f32 to vector<16xf32>
      %mul3A_227 = arith.mulf %mul3A_226, %gather3A_222 : vector<16xf32>
      %mul3A_228 = vector.broadcast %squeeze3A_66 : f32 to vector<16xf32>
      %mul3A_229 = arith.mulf %mul3A_228, %gather3A_223 : vector<16xf32>
      %add3A_230 = arith.addf %mul3A_227, %mul3A_229 : vector<16xf32>
      %mul3A_231 = vector.broadcast %squeeze3A_74 : f32 to vector<16xf32>
      %mul3A_232 = arith.mulf %mul3A_231, %gather3A_224 : vector<16xf32>
      %add3A_233 = arith.addf %add3A_230, %mul3A_232 : vector<16xf32>
      %add3A_234 = vector.broadcast %squeeze3A_82 : f32 to vector<16xf32>
      %add3A_235 = arith.addf %add3A_234, %gather3A_225 : vector<16xf32>
      %mul3A_236 = arith.constant 2.000000e+00 : f32
      %mul3A_237 = vector.broadcast %mul3A_236 : f32 to vector<16xf32>
      %mul3A_238 = arith.mulf %mul3A_237, %add3A_233 : vector<16xf32>
      %sub3A_239 = arith.subf %add3A_235, %mul3A_238 : vector<16xf32>
      %jit3A_240 = arith.constant 0x7F800000 : f32
      %broadcast_in_dim3A_241 = vector.broadcast %jit3A_240 : f32 to vector<16xf32>
      %select_n3A_242 = arith.select %lt3A_216, %sub3A_239, %broadcast_in_dim3A_241 : vector<16xi1>, vector<16xf32>
      %masked_sort3A_243 = arith.constant dense<true> : vector<16xi1>
      %masked_sort3A_244, %masked_sort3A_245, %masked_sort3A_246 = tpu.sort %select_n3A_242, %select_n3A_221 masked %masked_sort3A_243 : (vector<16xf32>, vector<16xi32>, vector<16xi1>) -> (vector<16xi1>, vector<16xf32>, vector<16xi32>)
      %rev3A_247 = arith.constant 15 : i32
      %rev3A_248 = vector.broadcast %rev3A_247 : i32 to vector<16xi32>
      %rev3A_249 = tpu.iota {dimensions = array<i32: 0>} : vector<16xi32>
      %rev3A_250 = arith.subi %rev3A_248, %rev3A_249 : vector<16xi32>
      %rev3A_251 = tpu.dynamic_gather %masked_sort3A_245[%rev3A_250] in [0] : vector<16xf32>, vector<16xi32> -> vector<16xf32>
      %rev3A_252 = arith.constant 15 : i32
      %rev3A_253 = vector.broadcast %rev3A_252 : i32 to vector<16xi32>
      %rev3A_254 = tpu.iota {dimensions = array<i32: 0>} : vector<16xi32>
      %rev3A_255 = arith.subi %rev3A_253, %rev3A_254 : vector<16xi32>
      %rev3A_256 = tpu.dynamic_gather %masked_sort3A_246[%rev3A_255] in [0] : vector<16xi32>, vector<16xi32> -> vector<16xi32>
      %le3A_257 = arith.cmpf ole, %scan3A_112#10, %rev3A_251 : vector<16xf32>
      %select_n3A_258 = arith.select %le3A_257, %scan3A_112#10, %rev3A_251 : vector<16xi1>, vector<16xf32>
      %select_n3A_259 = arith.select %le3A_257, %scan3A_112#11, %rev3A_256 : vector<16xi1>, vector<16xi32>
      %masked_sort3A_260 = arith.constant dense<true> : vector<16xi1>
      %masked_sort3A_261, %masked_sort3A_262, %masked_sort3A_263 = tpu.sort %select_n3A_258, %select_n3A_259 masked %masked_sort3A_260 : (vector<16xf32>, vector<16xi32>, vector<16xi1>) -> (vector<16xi1>, vector<16xf32>, vector<16xi32>)
      %add3A_264 = arith.constant 2 : i32
      %add3A_265 = arith.addi %add3A_54, %add3A_264 : i32
      %mul3A_266 = arith.constant 16 : i32
      %mul3A_267 = arith.muli %add3A_265, %mul3A_266 : i32
      %swap3A_268 = arith.index_cast %mul3A_267 : i32 to index
      %swap3A_269 = tpu.vector_load %arg16[%swap3A_268] {strides = array<i32>} : memref<2048xi32, #tpu.memory_space<vmem>>, vector<16xi32>,
      tpu.vector_store %arg16[%swap3A_268], %masked_sort3A_263 {strides = array<i32>} : memref<2048xi32, #tpu.memory_space<vmem>>, vector<16xi32>,
      %lt3A_270 = vector.broadcast %scan3A_112#12 : i32 to vector<16xi32>
      %lt3A_271 = arith.cmpi slt, %iota3A, %lt3A_270 : vector<16xi32>
      %get3A_272 = arith.constant 288 : index
      %get3A_273 = tpu.vector_load %arg15[%get3A_272] {strides = array<i32>} : memref<384xi32, #tpu.memory_space<vmem>>, vector<16xi32>,
      %jit3A_274 = arith.constant 0 : i32
      %broadcast_in_dim3A_275 = vector.broadcast %jit3A_274 : i32 to vector<16xi32>
      %select_n3A_276 = arith.select %lt3A_271, %get3A_273, %broadcast_in_dim3A_275 : vector<16xi1>, vector<16xi32>
      %gather3A_277 = tpu.vector_load_idx %arg7[%select_n3A_276] : memref<16384xf32, #tpu.memory_space<vmem>>[vector<16xi32>], vector<16xf32>,
      %gather3A_278 = tpu.vector_load_idx %arg8[%select_n3A_276] : memref<16384xf32, #tpu.memory_space<vmem>>[vector<16xi32>], vector<16xf32>,
      %gather3A_279 = tpu.vector_load_idx %arg9[%select_n3A_276] : memref<16384xf32, #tpu.memory_space<vmem>>[vector<16xi32>], vector<16xf32>,
      %gather3A_280 = tpu.vector_load_idx %arg10[%select_n3A_276] : memref<16384xf32, #tpu.memory_space<vmem>>[vector<16xi32>], vector<16xf32>,
      %mul3A_281 = vector.broadcast %squeeze3A_60 : f32 to vector<16xf32>
      %mul3A_282 = arith.mulf %mul3A_281, %gather3A_277 : vector<16xf32>
      %mul3A_283 = vector.broadcast %squeeze3A_68 : f32 to vector<16xf32>
      %mul3A_284 = arith.mulf %mul3A_283, %gather3A_278 : vector<16xf32>
      %add3A_285 = arith.addf %mul3A_282, %mul3A_284 : vector<16xf32>
      %mul3A_286 = vector.broadcast %squeeze3A_76 : f32 to vector<16xf32>
      %mul3A_287 = arith.mulf %mul3A_286, %gather3A_279 : vector<16xf32>
      %add3A_288 = arith.addf %add3A_285, %mul3A_287 : vector<16xf32>
      %add3A_289 = vector.broadcast %squeeze3A_84 : f32 to vector<16xf32>
      %add3A_290 = arith.addf %add3A_289, %gather3A_280 : vector<16xf32>
      %mul3A_291 = arith.constant 2.000000e+00 : f32
      %mul3A_292 = vector.broadcast %mul3A_291 : f32 to vector<16xf32>
      %mul3A_293 = arith.mulf %mul3A_292, %add3A_288 : vector<16xf32>
      %sub3A_294 = arith.subf %add3A_290, %mul3A_293 : vector<16xf32>
      %jit3A_295 = arith.constant 0x7F800000 : f32
      %broadcast_in_dim3A_296 = vector.broadcast %jit3A_295 : f32 to vector<16xf32>
      %select_n3A_297 = arith.select %lt3A_271, %sub3A_294, %broadcast_in_dim3A_296 : vector<16xi1>, vector<16xf32>
      %masked_sort3A_298 = arith.constant dense<true> : vector<16xi1>
      %masked_sort3A_299, %masked_sort3A_300, %masked_sort3A_301 = tpu.sort %select_n3A_297, %select_n3A_276 masked %masked_sort3A_298 : (vector<16xf32>, vector<16xi32>, vector<16xi1>) -> (vector<16xi1>, vector<16xf32>, vector<16xi32>)
      %rev3A_302 = arith.constant 15 : i32
      %rev3A_303 = vector.broadcast %rev3A_302 : i32 to vector<16xi32>
      %rev3A_304 = tpu.iota {dimensions = array<i32: 0>} : vector<16xi32>
      %rev3A_305 = arith.subi %rev3A_303, %rev3A_304 : vector<16xi32>
      %rev3A_306 = tpu.dynamic_gather %masked_sort3A_300[%rev3A_305] in [0] : vector<16xf32>, vector<16xi32> -> vector<16xf32>
      %rev3A_307 = arith.constant 15 : i32
      %rev3A_308 = vector.broadcast %rev3A_307 : i32 to vector<16xi32>
      %rev3A_309 = tpu.iota {dimensions = array<i32: 0>} : vector<16xi32>
      %rev3A_310 = arith.subi %rev3A_308, %rev3A_309 : vector<16xi32>
      %rev3A_311 = tpu.dynamic_gather %masked_sort3A_301[%rev3A_310] in [0] : vector<16xi32>, vector<16xi32> -> vector<16xi32>
      %le3A_312 = arith.cmpf ole, %scan3A_112#14, %rev3A_306 : vector<16xf32>
      %select_n3A_313 = arith.select %le3A_312, %scan3A_112#14, %rev3A_306 : vector<16xi1>, vector<16xf32>
      %select_n3A_314 = arith.select %le3A_312, %scan3A_112#15, %rev3A_311 : vector<16xi1>, vector<16xi32>
      %masked_sort3A_315 = arith.constant dense<true> : vector<16xi1>
      %masked_sort3A_316, %masked_sort3A_317, %masked_sort3A_318 = tpu.sort %select_n3A_313, %select_n3A_314 masked %masked_sort3A_315 : (vector<16xf32>, vector<16xi32>, vector<16xi1>) -> (vector<16xi1>, vector<16xf32>, vector<16xi32>)
      %add3A_319 = arith.constant 3 : i32
      %add3A_320 = arith.addi %add3A_54, %add3A_319 : i32
      %mul3A_321 = arith.constant 16 : i32
      %mul3A_322 = arith.muli %add3A_320, %mul3A_321 : i32
      %swap3A_323 = arith.index_cast %mul3A_322 : i32 to index
      %swap3A_324 = tpu.vector_load %arg16[%swap3A_323] {strides = array<i32>} : memref<2048xi32, #tpu.memory_space<vmem>>, vector<16xi32>,
      tpu.vector_store %arg16[%swap3A_323], %masked_sort3A_318 {strides = array<i32>} : memref<2048xi32, #tpu.memory_space<vmem>>, vector<16xi32>,
      %add3A_325 = arith.constant 4 : i32
      %add3A_326 = arith.addi %mul3A_45, %add3A_325 : i32
      %slice3A_327 = vector.extract_strided_slice %get3A_46 {offsets = [4], sizes = [1], strides = [1]} : vector<16xf32> to vector<1xf32>
      %squeeze3A_328 = vector.extract %slice3A_327[0] : f32 from vector<1xf32>
      %slice3A_329 = vector.extract_strided_slice %get3A_46 {offsets = [5], sizes = [1], strides = [1]} : vector<16xf32> to vector<1xf32>
      %squeeze3A_330 = vector.extract %slice3A_329[0] : f32 from vector<1xf32>
      %slice3A_331 = vector.extract_strided_slice %get3A_46 {offsets = [6], sizes = [1], strides = [1]} : vector<16xf32> to vector<1xf32>
      %squeeze3A_332 = vector.extract %slice3A_331[0] : f32 from vector<1xf32>
      %slice3A_333 = vector.extract_strided_slice %get3A_46 {offsets = [7], sizes = [1], strides = [1]} : vector<16xf32> to vector<1xf32>
      %squeeze3A_334 = vector.extract %slice3A_333[0] : f32 from vector<1xf32>
      %slice3A_335 = vector.extract_strided_slice %get3A_48 {offsets = [4], sizes = [1], strides = [1]} : vector<16xf32> to vector<1xf32>
      %squeeze3A_336 = vector.extract %slice3A_335[0] : f32 from vector<1xf32>
      %slice3A_337 = vector.extract_strided_slice %get3A_48 {offsets = [5], sizes = [1], strides = [1]} : vector<16xf32> to vector<1xf32>
      %squeeze3A_338 = vector.extract %slice3A_337[0] : f32 from vector<1xf32>
      %slice3A_339 = vector.extract_strided_slice %get3A_48 {offsets = [6], sizes = [1], strides = [1]} : vector<16xf32> to vector<1xf32>
      %squeeze3A_340 = vector.extract %slice3A_339[0] : f32 from vector<1xf32>
      %slice3A_341 = vector.extract_strided_slice %get3A_48 {offsets = [7], sizes = [1], strides = [1]} : vector<16xf32> to vector<1xf32>
      %squeeze3A_342 = vector.extract %slice3A_341[0] : f32 from vector<1xf32>
      %slice3A_343 = vector.extract_strided_slice %get3A_50 {offsets = [4], sizes = [1], strides = [1]} : vector<16xf32> to vector<1xf32>
      %squeeze3A_344 = vector.extract %slice3A_343[0] : f32 from vector<1xf32>
      %slice3A_345 = vector.extract_strided_slice %get3A_50 {offsets = [5], sizes = [1], strides = [1]} : vector<16xf32> to vector<1xf32>
      %squeeze3A_346 = vector.extract %slice3A_345[0] : f32 from vector<1xf32>
      %slice3A_347 = vector.extract_strided_slice %get3A_50 {offsets = [6], sizes = [1], strides = [1]} : vector<16xf32> to vector<1xf32>
      %squeeze3A_348 = vector.extract %slice3A_347[0] : f32 from vector<1xf32>
      %slice3A_349 = vector.extract_strided_slice %get3A_50 {offsets = [7], sizes = [1], strides = [1]} : vector<16xf32> to vector<1xf32>
      %squeeze3A_350 = vector.extract %slice3A_349[0] : f32 from vector<1xf32>
      %slice3A_351 = vector.extract_strided_slice %get3A_52 {offsets = [4], sizes = [1], strides = [1]} : vector<16xf32> to vector<1xf32>
      %squeeze3A_352 = vector.extract %slice3A_351[0] : f32 from vector<1xf32>
      %slice3A_353 = vector.extract_strided_slice %get3A_52 {offsets = [5], sizes = [1], strides = [1]} : vector<16xf32> to vector<1xf32>
      %squeeze3A_354 = vector.extract %slice3A_353[0] : f32 from vector<1xf32>
      %slice3A_355 = vector.extract_strided_slice %get3A_52 {offsets = [6], sizes = [1], strides = [1]} : vector<16xf32> to vector<1xf32>
      %squeeze3A_356 = vector.extract %slice3A_355[0] : f32 from vector<1xf32>
      %slice3A_357 = vector.extract_strided_slice %get3A_52 {offsets = [7], sizes = [1], strides = [1]} : vector<16xf32> to vector<1xf32>
      %squeeze3A_358 = vector.extract %slice3A_357[0] : f32 from vector<1xf32>
      %broadcast_in_dim3A_359 = arith.constant 0x7F800000 : f32
      %broadcast_in_dim3A_360 = vector.broadcast %broadcast_in_dim3A_359 : f32 to vector<16xf32>
      %broadcast_in_dim3A_361 = arith.constant 0 : i32
      %broadcast_in_dim3A_362 = vector.broadcast %broadcast_in_dim3A_361 : i32 to vector<16xi32>
      %broadcast_in_dim3A_363 = arith.constant 0x7F800000 : f32
      %broadcast_in_dim3A_364 = vector.broadcast %broadcast_in_dim3A_363 : f32 to vector<16xf32>
      %broadcast_in_dim3A_365 = arith.constant 0 : i32
      %broadcast_in_dim3A_366 = vector.broadcast %broadcast_in_dim3A_365 : i32 to vector<16xi32>
      %broadcast_in_dim3A_367 = arith.constant 0x7F800000 : f32
      %broadcast_in_dim3A_368 = vector.broadcast %broadcast_in_dim3A_367 : f32 to vector<16xf32>
      %broadcast_in_dim3A_369 = arith.constant 0 : i32
      %broadcast_in_dim3A_370 = vector.broadcast %broadcast_in_dim3A_369 : i32 to vector<16xi32>
      %broadcast_in_dim3A_371 = arith.constant 0x7F800000 : f32
      %broadcast_in_dim3A_372 = vector.broadcast %broadcast_in_dim3A_371 : f32 to vector<16xf32>
      %broadcast_in_dim3A_373 = arith.constant 0 : i32
      %broadcast_in_dim3A_374 = vector.broadcast %broadcast_in_dim3A_373 : i32 to vector<16xi32>
      %scan3A_375 = arith.constant 0 : i32
      %scan3A_376 = arith.constant 0x7F800000 : f32
      %scan3A_377 = arith.constant 0 : i32
      %scan3A_378 = arith.constant 0x7F800000 : f32
      %scan3A_379 = arith.constant 0 : i32
      %scan3A_380 = arith.constant 0x7F800000 : f32
      %scan3A_381 = arith.constant 0 : i32
      %scan3A_382 = arith.constant 0x7F800000 : f32
      %scan3A_383 = arith.constant 0 : i32
      %scan3A_384 = arith.constant 256 : i32
      %scan3A_385 = arith.addi %scan3A_383, %scan3A_384 : i32
      %scan3A_386 = arith.constant 1 : i32
      %scan3A_387:16 = scf.for %scan3A_1177 = %scan3A_383 to %scan3A_385 step %scan3A_386 iter_args(%scan3A_1178 = %scan3A_375, %scan3A_1179 = %scan3A_376, %scan3A_1180 = %broadcast_in_dim3A_360, %scan3A_1181 = %broadcast_in_dim3A_362, %scan3A_1182 = %scan3A_377, %scan3A_1183 = %scan3A_378, %scan3A_1184 = %broadcast_in_dim3A_364, %scan3A_1185 = %broadcast_in_dim3A_366, %scan3A_1186 = %scan3A_379, %scan3A_1187 = %scan3A_380, %scan3A_1188 = %broadcast_in_dim3A_368, %scan3A_1189 = %broadcast_in_dim3A_370, %scan3A_1190 = %scan3A_381, %scan3A_1191 = %scan3A_382, %scan3A_1192 = %broadcast_in_dim3A_372, %scan3A_1193 = %broadcast_in_dim3A_374) -> (i32, f32, vector<16xf32>, vector<16xi32>, i32, f32, vector<16xf32>, vector<16xi32>, i32, f32, vector<16xf32>, vector<16xi32>, i32, f32, vector<16xf32>, vector<16xi32>)  : i32 {
        %mul3A_1194 = arith.constant 64 : i32
        %mul3A_1195 = arith.muli %scan3A_1177, %mul3A_1194 : i32
        %parallel_loop3A = arith.constant 0 : i32
        %parallel_loop3A_1196 = arith.constant 4 : i32
        %parallel_loop3A_1197 = arith.constant 1 : i32
        %parallel_loop3A_1198:4 = scf.for %parallel_loop3A_1227 = %parallel_loop3A to %parallel_loop3A_1196 step %parallel_loop3A_1197 iter_args(%parallel_loop3A_1228 = %scan3A_1178, %parallel_loop3A_1229 = %scan3A_1182, %parallel_loop3A_1230 = %scan3A_1186, %parallel_loop3A_1231 = %scan3A_1190) -> (i32, i32, i32, i32)  : i32 {
          %parallel_loop3A_1232 = arith.constant 16 : i32
          %parallel_loop3A_1233 = arith.muli %parallel_loop3A_1227, %parallel_loop3A_1232 : i32
          %parallel_loop3A_1234 = arith.addi %mul3A_1195, %parallel_loop3A_1233 : i32
          %parallel_loop3A_1235 = arith.index_cast %parallel_loop3A_1234 : i32 to index
          %parallel_loop3A_1236 = tpu.vector_load %arg7[%parallel_loop3A_1235] {strides = array<i32>} : memref<16384xf32, #tpu.memory_space<vmem>>, vector<16xf32>,
          %parallel_loop3A_1237 = arith.index_cast %parallel_loop3A_1234 : i32 to index
          %parallel_loop3A_1238 = tpu.vector_load %arg8[%parallel_loop3A_1237] {strides = array<i32>} : memref<16384xf32, #tpu.memory_space<vmem>>, vector<16xf32>,
          %parallel_loop3A_1239 = arith.index_cast %parallel_loop3A_1234 : i32 to index
          %parallel_loop3A_1240 = tpu.vector_load %arg9[%parallel_loop3A_1239] {strides = array<i32>} : memref<16384xf32, #tpu.memory_space<vmem>>, vector<16xf32>,
          %parallel_loop3A_1241 = arith.index_cast %parallel_loop3A_1234 : i32 to index
          %parallel_loop3A_1242 = tpu.vector_load %arg10[%parallel_loop3A_1241] {strides = array<i32>} : memref<16384xf32, #tpu.memory_space<vmem>>, vector<16xf32>,
          %parallel_loop3A_1243 = vector.broadcast %parallel_loop3A_1234 : i32 to vector<16xi32>
          %parallel_loop3A_1244 = arith.addi %iota3A, %parallel_loop3A_1243 : vector<16xi32>
          %parallel_loop3A_1245 = vector.broadcast %squeeze3A_328 : f32 to vector<16xf32>
          %parallel_loop3A_1246 = arith.mulf %parallel_loop3A_1245, %parallel_loop3A_1236 : vector<16xf32>
          %parallel_loop3A_1247 = vector.broadcast %squeeze3A_336 : f32 to vector<16xf32>
          %parallel_loop3A_1248 = arith.mulf %parallel_loop3A_1247, %parallel_loop3A_1238 : vector<16xf32>
          %parallel_loop3A_1249 = arith.addf %parallel_loop3A_1246, %parallel_loop3A_1248 : vector<16xf32>
          %parallel_loop3A_1250 = vector.broadcast %squeeze3A_344 : f32 to vector<16xf32>
          %parallel_loop3A_1251 = arith.mulf %parallel_loop3A_1250, %parallel_loop3A_1240 : vector<16xf32>
          %parallel_loop3A_1252 = arith.addf %parallel_loop3A_1249, %parallel_loop3A_1251 : vector<16xf32>
          %parallel_loop3A_1253 = arith.constant 2.000000e+00 : f32
          %parallel_loop3A_1254 = vector.broadcast %parallel_loop3A_1253 : f32 to vector<16xf32>
          %parallel_loop3A_1255 = arith.mulf %parallel_loop3A_1254, %parallel_loop3A_1252 : vector<16xf32>
          %parallel_loop3A_1256 = arith.subf %parallel_loop3A_1242, %parallel_loop3A_1255 : vector<16xf32>
          %parallel_loop3A_1257 = vector.broadcast %scan3A_1179 : f32 to vector<16xf32>
          %parallel_loop3A_1258 = arith.cmpf olt, %parallel_loop3A_1256, %parallel_loop3A_1257 : vector<16xf32>
          %parallel_loop3A_1259 = arith.constant 1 : i32
          %parallel_loop3A_1260 = arith.constant 0 : i32
          %parallel_loop3A_1261 = vector.broadcast %parallel_loop3A_1259 : i32 to vector<16xi32>
          %parallel_loop3A_1262 = vector.broadcast %parallel_loop3A_1260 : i32 to vector<16xi32>
          %parallel_loop3A_1263 = arith.select %parallel_loop3A_1258, %parallel_loop3A_1261, %parallel_loop3A_1262 : vector<16xi1>, vector<16xi32>
          %parallel_loop3A_1264 = arith.constant true
          %parallel_loop3A_1265 = vector.broadcast %parallel_loop3A_1264 : i1 to vector<16xi1>
          %parallel_loop3A_1266 = tpu.scan <sum>, %parallel_loop3A_1263 masked %parallel_loop3A_1265 : vector<16xi32>, vector<16xi1> -> vector<16xi32>
          %parallel_loop3A_1267 = arith.constant -1 : i32
          %parallel_loop3A_1268 = arith.addi %parallel_loop3A_1267, %parallel_loop3A_1228 : i32
          %parallel_loop3A_1269 = vector.broadcast %parallel_loop3A_1268 : i32 to vector<16xi32>
          %parallel_loop3A_1270 = arith.addi %parallel_loop3A_1269, %parallel_loop3A_1266 : vector<16xi32>
          tpu.vector_store_idx %arg15[%parallel_loop3A_1270], %parallel_loop3A_1244 masked %parallel_loop3A_1258 : memref<384xi32, #tpu.memory_space<vmem>>[vector<16xi32>], vector<16xi32>, vector<16xi1>
          %parallel_loop3A_1271 = vector.extract_strided_slice %parallel_loop3A_1266 {offsets = [15], sizes = [1], strides = [1]} : vector<16xi32> to vector<1xi32>
          %parallel_loop3A_1272 = vector.extract %parallel_loop3A_1271[0] : i32 from vector<1xi32>
          %parallel_loop3A_1273 = arith.addi %parallel_loop3A_1228, %parallel_loop3A_1272 : i32
          %parallel_loop3A_1274 = vector.broadcast %squeeze3A_330 : f32 to vector<16xf32>
          %parallel_loop3A_1275 = arith.mulf %parallel_loop3A_1274, %parallel_loop3A_1236 : vector<16xf32>
          %parallel_loop3A_1276 = vector.broadcast %squeeze3A_338 : f32 to vector<16xf32>
          %parallel_loop3A_1277 = arith.mulf %parallel_loop3A_1276, %parallel_loop3A_1238 : vector<16xf32>
          %parallel_loop3A_1278 = arith.addf %parallel_loop3A_1275, %parallel_loop3A_1277 : vector<16xf32>
          %parallel_loop3A_1279 = vector.broadcast %squeeze3A_346 : f32 to vector<16xf32>
          %parallel_loop3A_1280 = arith.mulf %parallel_loop3A_1279, %parallel_loop3A_1240 : vector<16xf32>
          %parallel_loop3A_1281 = arith.addf %parallel_loop3A_1278, %parallel_loop3A_1280 : vector<16xf32>
          %parallel_loop3A_1282 = arith.constant 2.000000e+00 : f32
          %parallel_loop3A_1283 = vector.broadcast %parallel_loop3A_1282 : f32 to vector<16xf32>
          %parallel_loop3A_1284 = arith.mulf %parallel_loop3A_1283, %parallel_loop3A_1281 : vector<16xf32>
          %parallel_loop3A_1285 = arith.subf %parallel_loop3A_1242, %parallel_loop3A_1284 : vector<16xf32>
          %parallel_loop3A_1286 = vector.broadcast %scan3A_1183 : f32 to vector<16xf32>
          %parallel_loop3A_1287 = arith.cmpf olt, %parallel_loop3A_1285, %parallel_loop3A_1286 : vector<16xf32>
          %parallel_loop3A_1288 = arith.constant 1 : i32
          %parallel_loop3A_1289 = arith.constant 0 : i32
          %parallel_loop3A_1290 = vector.broadcast %parallel_loop3A_1288 : i32 to vector<16xi32>
          %parallel_loop3A_1291 = vector.broadcast %parallel_loop3A_1289 : i32 to vector<16xi32>
          %parallel_loop3A_1292 = arith.select %parallel_loop3A_1287, %parallel_loop3A_1290, %parallel_loop3A_1291 : vector<16xi1>, vector<16xi32>
          %parallel_loop3A_1293 = arith.constant true
          %parallel_loop3A_1294 = vector.broadcast %parallel_loop3A_1293 : i1 to vector<16xi1>
          %parallel_loop3A_1295 = tpu.scan <sum>, %parallel_loop3A_1292 masked %parallel_loop3A_1294 : vector<16xi32>, vector<16xi1> -> vector<16xi32>
          %parallel_loop3A_1296 = arith.constant 95 : i32
          %parallel_loop3A_1297 = arith.addi %parallel_loop3A_1296, %parallel_loop3A_1229 : i32
          %parallel_loop3A_1298 = vector.broadcast %parallel_loop3A_1297 : i32 to vector<16xi32>
          %parallel_loop3A_1299 = arith.addi %parallel_loop3A_1298, %parallel_loop3A_1295 : vector<16xi32>
          tpu.vector_store_idx %arg15[%parallel_loop3A_1299], %parallel_loop3A_1244 masked %parallel_loop3A_1287 : memref<384xi32, #tpu.memory_space<vmem>>[vector<16xi32>], vector<16xi32>, vector<16xi1>
          %parallel_loop3A_1300 = vector.extract_strided_slice %parallel_loop3A_1295 {offsets = [15], sizes = [1], strides = [1]} : vector<16xi32> to vector<1xi32>
          %parallel_loop3A_1301 = vector.extract %parallel_loop3A_1300[0] : i32 from vector<1xi32>
          %parallel_loop3A_1302 = arith.addi %parallel_loop3A_1229, %parallel_loop3A_1301 : i32
          %parallel_loop3A_1303 = vector.broadcast %squeeze3A_332 : f32 to vector<16xf32>
          %parallel_loop3A_1304 = arith.mulf %parallel_loop3A_1303, %parallel_loop3A_1236 : vector<16xf32>
          %parallel_loop3A_1305 = vector.broadcast %squeeze3A_340 : f32 to vector<16xf32>
          %parallel_loop3A_1306 = arith.mulf %parallel_loop3A_1305, %parallel_loop3A_1238 : vector<16xf32>
          %parallel_loop3A_1307 = arith.addf %parallel_loop3A_1304, %parallel_loop3A_1306 : vector<16xf32>
          %parallel_loop3A_1308 = vector.broadcast %squeeze3A_348 : f32 to vector<16xf32>
          %parallel_loop3A_1309 = arith.mulf %parallel_loop3A_1308, %parallel_loop3A_1240 : vector<16xf32>
          %parallel_loop3A_1310 = arith.addf %parallel_loop3A_1307, %parallel_loop3A_1309 : vector<16xf32>
          %parallel_loop3A_1311 = arith.constant 2.000000e+00 : f32
          %parallel_loop3A_1312 = vector.broadcast %parallel_loop3A_1311 : f32 to vector<16xf32>
          %parallel_loop3A_1313 = arith.mulf %parallel_loop3A_1312, %parallel_loop3A_1310 : vector<16xf32>
          %parallel_loop3A_1314 = arith.subf %parallel_loop3A_1242, %parallel_loop3A_1313 : vector<16xf32>
          %parallel_loop3A_1315 = vector.broadcast %scan3A_1187 : f32 to vector<16xf32>
          %parallel_loop3A_1316 = arith.cmpf olt, %parallel_loop3A_1314, %parallel_loop3A_1315 : vector<16xf32>
          %parallel_loop3A_1317 = arith.constant 1 : i32
          %parallel_loop3A_1318 = arith.constant 0 : i32
          %parallel_loop3A_1319 = vector.broadcast %parallel_loop3A_1317 : i32 to vector<16xi32>
          %parallel_loop3A_1320 = vector.broadcast %parallel_loop3A_1318 : i32 to vector<16xi32>
          %parallel_loop3A_1321 = arith.select %parallel_loop3A_1316, %parallel_loop3A_1319, %parallel_loop3A_1320 : vector<16xi1>, vector<16xi32>
          %parallel_loop3A_1322 = arith.constant true
          %parallel_loop3A_1323 = vector.broadcast %parallel_loop3A_1322 : i1 to vector<16xi1>
          %parallel_loop3A_1324 = tpu.scan <sum>, %parallel_loop3A_1321 masked %parallel_loop3A_1323 : vector<16xi32>, vector<16xi1> -> vector<16xi32>
          %parallel_loop3A_1325 = arith.constant 191 : i32
          %parallel_loop3A_1326 = arith.addi %parallel_loop3A_1325, %parallel_loop3A_1230 : i32
          %parallel_loop3A_1327 = vector.broadcast %parallel_loop3A_1326 : i32 to vector<16xi32>
          %parallel_loop3A_1328 = arith.addi %parallel_loop3A_1327, %parallel_loop3A_1324 : vector<16xi32>
          tpu.vector_store_idx %arg15[%parallel_loop3A_1328], %parallel_loop3A_1244 masked %parallel_loop3A_1316 : memref<384xi32, #tpu.memory_space<vmem>>[vector<16xi32>], vector<16xi32>, vector<16xi1>
          %parallel_loop3A_1329 = vector.extract_strided_slice %parallel_loop3A_1324 {offsets = [15], sizes = [1], strides = [1]} : vector<16xi32> to vector<1xi32>
          %parallel_loop3A_1330 = vector.extract %parallel_loop3A_1329[0] : i32 from vector<1xi32>
          %parallel_loop3A_1331 = arith.addi %parallel_loop3A_1230, %parallel_loop3A_1330 : i32
          %parallel_loop3A_1332 = vector.broadcast %squeeze3A_334 : f32 to vector<16xf32>
          %parallel_loop3A_1333 = arith.mulf %parallel_loop3A_1332, %parallel_loop3A_1236 : vector<16xf32>
          %parallel_loop3A_1334 = vector.broadcast %squeeze3A_342 : f32 to vector<16xf32>
          %parallel_loop3A_1335 = arith.mulf %parallel_loop3A_1334, %parallel_loop3A_1238 : vector<16xf32>
          %parallel_loop3A_1336 = arith.addf %parallel_loop3A_1333, %parallel_loop3A_1335 : vector<16xf32>
          %parallel_loop3A_1337 = vector.broadcast %squeeze3A_350 : f32 to vector<16xf32>
          %parallel_loop3A_1338 = arith.mulf %parallel_loop3A_1337, %parallel_loop3A_1240 : vector<16xf32>
          %parallel_loop3A_1339 = arith.addf %parallel_loop3A_1336, %parallel_loop3A_1338 : vector<16xf32>
          %parallel_loop3A_1340 = arith.constant 2.000000e+00 : f32
          %parallel_loop3A_1341 = vector.broadcast %parallel_loop3A_1340 : f32 to vector<16xf32>
          %parallel_loop3A_1342 = arith.mulf %parallel_loop3A_1341, %parallel_loop3A_1339 : vector<16xf32>
          %parallel_loop3A_1343 = arith.subf %parallel_loop3A_1242, %parallel_loop3A_1342 : vector<16xf32>
          %parallel_loop3A_1344 = vector.broadcast %scan3A_1191 : f32 to vector<16xf32>
          %parallel_loop3A_1345 = arith.cmpf olt, %parallel_loop3A_1343, %parallel_loop3A_1344 : vector<16xf32>
          %parallel_loop3A_1346 = arith.constant 1 : i32
          %parallel_loop3A_1347 = arith.constant 0 : i32
          %parallel_loop3A_1348 = vector.broadcast %parallel_loop3A_1346 : i32 to vector<16xi32>
          %parallel_loop3A_1349 = vector.broadcast %parallel_loop3A_1347 : i32 to vector<16xi32>
          %parallel_loop3A_1350 = arith.select %parallel_loop3A_1345, %parallel_loop3A_1348, %parallel_loop3A_1349 : vector<16xi1>, vector<16xi32>
          %parallel_loop3A_1351 = arith.constant true
          %parallel_loop3A_1352 = vector.broadcast %parallel_loop3A_1351 : i1 to vector<16xi1>
          %parallel_loop3A_1353 = tpu.scan <sum>, %parallel_loop3A_1350 masked %parallel_loop3A_1352 : vector<16xi32>, vector<16xi1> -> vector<16xi32>
          %parallel_loop3A_1354 = arith.constant 287 : i32
          %parallel_loop3A_1355 = arith.addi %parallel_loop3A_1354, %parallel_loop3A_1231 : i32
          %parallel_loop3A_1356 = vector.broadcast %parallel_loop3A_1355 : i32 to vector<16xi32>
          %parallel_loop3A_1357 = arith.addi %parallel_loop3A_1356, %parallel_loop3A_1353 : vector<16xi32>
          tpu.vector_store_idx %arg15[%parallel_loop3A_1357], %parallel_loop3A_1244 masked %parallel_loop3A_1345 : memref<384xi32, #tpu.memory_space<vmem>>[vector<16xi32>], vector<16xi32>, vector<16xi1>
          %parallel_loop3A_1358 = vector.extract_strided_slice %parallel_loop3A_1353 {offsets = [15], sizes = [1], strides = [1]} : vector<16xi32> to vector<1xi32>
          %parallel_loop3A_1359 = vector.extract %parallel_loop3A_1358[0] : i32 from vector<1xi32>
          %parallel_loop3A_1360 = arith.addi %parallel_loop3A_1231, %parallel_loop3A_1359 : i32
          scf.yield %parallel_loop3A_1273, %parallel_loop3A_1302, %parallel_loop3A_1331, %parallel_loop3A_1360 : i32, i32, i32, i32
        } {sc.loop_unroll_factor = 4 : i64, sc.parallel_access}
        %while3A = arith.constant 0 : i32
        %while3A_1199:4 = scf.while (%while3A_1227 = %while3A, %while3A_1228 = %scan3A_1179, %while3A_1229 = %scan3A_1180, %while3A_1230 = %scan3A_1181) : (i32, f32, vector<16xf32>, vector<16xi32>) -> (i32, f32, vector<16xf32>, vector<16xi32>) {
          %sub3A_1231 = arith.subi %parallel_loop3A_1198#0, %while3A_1227 : i32
          %ge3A = arith.constant 16 : i32
          %ge3A_1232 = arith.cmpi sge, %sub3A_1231, %ge3A : i32
          scf.condition(%ge3A_1232) %while3A_1227, %while3A_1228, %while3A_1229, %while3A_1230 : i32, f32, vector<16xf32>, vector<16xi32>
        } do {
        ^bb0(%while3A_1227: i32, %while3A_1228: f32, %while3A_1229: vector<16xf32>, %while3A_1230: vector<16xi32>):
          %add3A_1231 = arith.constant 0 : i32
          %add3A_1232 = arith.addi %add3A_1231, %while3A_1227 : i32
          %get3A_1233 = arith.index_cast %add3A_1232 : i32 to index
          %get3A_1234 = tpu.vector_load %arg15[%get3A_1233] {strides = array<i32>} : memref<384xi32, #tpu.memory_space<vmem>>, vector<16xi32>,
          %gather3A_1235 = tpu.vector_load_idx %arg7[%get3A_1234] : memref<16384xf32, #tpu.memory_space<vmem>>[vector<16xi32>], vector<16xf32>,
          %gather3A_1236 = tpu.vector_load_idx %arg8[%get3A_1234] : memref<16384xf32, #tpu.memory_space<vmem>>[vector<16xi32>], vector<16xf32>,
          %gather3A_1237 = tpu.vector_load_idx %arg9[%get3A_1234] : memref<16384xf32, #tpu.memory_space<vmem>>[vector<16xi32>], vector<16xf32>,
          %gather3A_1238 = tpu.vector_load_idx %arg10[%get3A_1234] : memref<16384xf32, #tpu.memory_space<vmem>>[vector<16xi32>], vector<16xf32>,
          %mul3A_1239 = vector.broadcast %squeeze3A_328 : f32 to vector<16xf32>
          %mul3A_1240 = arith.mulf %mul3A_1239, %gather3A_1235 : vector<16xf32>
          %mul3A_1241 = vector.broadcast %squeeze3A_336 : f32 to vector<16xf32>
          %mul3A_1242 = arith.mulf %mul3A_1241, %gather3A_1236 : vector<16xf32>
          %add3A_1243 = arith.addf %mul3A_1240, %mul3A_1242 : vector<16xf32>
          %mul3A_1244 = vector.broadcast %squeeze3A_344 : f32 to vector<16xf32>
          %mul3A_1245 = arith.mulf %mul3A_1244, %gather3A_1237 : vector<16xf32>
          %add3A_1246 = arith.addf %add3A_1243, %mul3A_1245 : vector<16xf32>
          %add3A_1247 = vector.broadcast %squeeze3A_352 : f32 to vector<16xf32>
          %add3A_1248 = arith.addf %add3A_1247, %gather3A_1238 : vector<16xf32>
          %mul3A_1249 = arith.constant 2.000000e+00 : f32
          %mul3A_1250 = vector.broadcast %mul3A_1249 : f32 to vector<16xf32>
          %mul3A_1251 = arith.mulf %mul3A_1250, %add3A_1246 : vector<16xf32>
          %sub3A_1252 = arith.subf %add3A_1248, %mul3A_1251 : vector<16xf32>
          %masked_sort3A_1253 = arith.constant dense<true> : vector<16xi1>
          %masked_sort3A_1254, %masked_sort3A_1255, %masked_sort3A_1256 = tpu.sort %sub3A_1252, %get3A_1234 masked %masked_sort3A_1253 : (vector<16xf32>, vector<16xi32>, vector<16xi1>) -> (vector<16xi1>, vector<16xf32>, vector<16xi32>)
          %rev3A_1257 = arith.constant 15 : i32
          %rev3A_1258 = vector.broadcast %rev3A_1257 : i32 to vector<16xi32>
          %rev3A_1259 = tpu.iota {dimensions = array<i32: 0>} : vector<16xi32>
          %rev3A_1260 = arith.subi %rev3A_1258, %rev3A_1259 : vector<16xi32>
          %rev3A_1261 = tpu.dynamic_gather %masked_sort3A_1255[%rev3A_1260] in [0] : vector<16xf32>, vector<16xi32> -> vector<16xf32>
          %rev3A_1262 = arith.constant 15 : i32
          %rev3A_1263 = vector.broadcast %rev3A_1262 : i32 to vector<16xi32>
          %rev3A_1264 = tpu.iota {dimensions = array<i32: 0>} : vector<16xi32>
          %rev3A_1265 = arith.subi %rev3A_1263, %rev3A_1264 : vector<16xi32>
          %rev3A_1266 = tpu.dynamic_gather %masked_sort3A_1256[%rev3A_1265] in [0] : vector<16xi32>, vector<16xi32> -> vector<16xi32>
          %le3A_1267 = arith.cmpf ole, %while3A_1229, %rev3A_1261 : vector<16xf32>
          %select_n3A_1268 = arith.select %le3A_1267, %while3A_1229, %rev3A_1261 : vector<16xi1>, vector<16xf32>
          %select_n3A_1269 = arith.select %le3A_1267, %while3A_1230, %rev3A_1266 : vector<16xi1>, vector<16xi32>
          %masked_sort3A_1270 = arith.constant dense<true> : vector<16xi1>
          %masked_sort3A_1271, %masked_sort3A_1272, %masked_sort3A_1273 = tpu.sort %select_n3A_1268, %select_n3A_1269 masked %masked_sort3A_1270 : (vector<16xf32>, vector<16xi32>, vector<16xi1>) -> (vector<16xi1>, vector<16xf32>, vector<16xi32>)
          %add3A_1274 = arith.constant 16 : i32
          %add3A_1275 = arith.addi %while3A_1227, %add3A_1274 : i32
          %sub3A_1276 = vector.broadcast %squeeze3A_352 : f32 to vector<16xf32>
          %sub3A_1277 = arith.subf %masked_sort3A_1272, %sub3A_1276 : vector<16xf32>
          %add3A_1278 = arith.constant 9.99999974E-5 : f32
          %add3A_1279 = vector.broadcast %add3A_1278 : f32 to vector<16xf32>
          %add3A_1280 = arith.addf %sub3A_1277, %add3A_1279 : vector<16xf32>
          %reduce_max3A = arith.constant true
          %reduce_max3A_1281 = vector.broadcast %reduce_max3A : i1 to vector<16xi1>
          %reduce_max3A_1282 = tpu.scan <max>, %add3A_1280 masked %reduce_max3A_1281 : vector<16xf32>, vector<16xi1> -> vector<16xf32>
          %reduce_max3A_1283 = vector.extract %reduce_max3A_1282[15] : f32 from vector<16xf32>
          scf.yield %add3A_1275, %reduce_max3A_1283, %masked_sort3A_1272, %masked_sort3A_1273 : i32, f32, vector<16xf32>, vector<16xi32>
        }
        %gt3A = arith.constant 0 : i32
        %gt3A_1200 = arith.cmpi sgt, %while3A_1199#0, %gt3A : i32
        %convert_element_type3A = arith.extui %gt3A_1200 : i1 to i32
        %cond3A = arith.constant 0 : i32
        %cond3A_1201 = arith.cmpi ne, %convert_element_type3A, %cond3A : i32
        scf.if %cond3A_1201 {
          %add3A_1227 = arith.constant 0 : i32
          %add3A_1228 = arith.addi %add3A_1227, %while3A_1199#0 : i32
          %get3A_1229 = arith.index_cast %add3A_1228 : i32 to index
          %get3A_1230 = tpu.vector_load %arg15[%get3A_1229] {strides = array<i32>} : memref<384xi32, #tpu.memory_space<vmem>>, vector<16xi32>,
          %swap3A_1231 = arith.constant 0 : index
          %swap3A_1232 = tpu.vector_load %arg15[%swap3A_1231] {strides = array<i32>} : memref<384xi32, #tpu.memory_space<vmem>>, vector<16xi32>,
          tpu.vector_store %arg15[%swap3A_1231], %get3A_1230 {strides = array<i32>} : memref<384xi32, #tpu.memory_space<vmem>>, vector<16xi32>,
        } else {
        }
        %sub3A_1202 = arith.subi %parallel_loop3A_1198#0, %while3A_1199#0 : i32
        %while3A_1203 = arith.constant 0 : i32
        %while3A_1204:4 = scf.while (%while3A_1227 = %while3A_1203, %while3A_1228 = %scan3A_1183, %while3A_1229 = %scan3A_1184, %while3A_1230 = %scan3A_1185) : (i32, f32, vector<16xf32>, vector<16xi32>) -> (i32, f32, vector<16xf32>, vector<16xi32>) {
          %sub3A_1231 = arith.subi %parallel_loop3A_1198#1, %while3A_1227 : i32
          %ge3A = arith.constant 16 : i32
          %ge3A_1232 = arith.cmpi sge, %sub3A_1231, %ge3A : i32
          scf.condition(%ge3A_1232) %while3A_1227, %while3A_1228, %while3A_1229, %while3A_1230 : i32, f32, vector<16xf32>, vector<16xi32>
        } do {
        ^bb0(%while3A_1227: i32, %while3A_1228: f32, %while3A_1229: vector<16xf32>, %while3A_1230: vector<16xi32>):
          %add3A_1231 = arith.constant 96 : i32
          %add3A_1232 = arith.addi %add3A_1231, %while3A_1227 : i32
          %get3A_1233 = arith.index_cast %add3A_1232 : i32 to index
          %get3A_1234 = tpu.vector_load %arg15[%get3A_1233] {strides = array<i32>} : memref<384xi32, #tpu.memory_space<vmem>>, vector<16xi32>,
          %gather3A_1235 = tpu.vector_load_idx %arg7[%get3A_1234] : memref<16384xf32, #tpu.memory_space<vmem>>[vector<16xi32>], vector<16xf32>,
          %gather3A_1236 = tpu.vector_load_idx %arg8[%get3A_1234] : memref<16384xf32, #tpu.memory_space<vmem>>[vector<16xi32>], vector<16xf32>,
          %gather3A_1237 = tpu.vector_load_idx %arg9[%get3A_1234] : memref<16384xf32, #tpu.memory_space<vmem>>[vector<16xi32>], vector<16xf32>,
          %gather3A_1238 = tpu.vector_load_idx %arg10[%get3A_1234] : memref<16384xf32, #tpu.memory_space<vmem>>[vector<16xi32>], vector<16xf32>,
          %mul3A_1239 = vector.broadcast %squeeze3A_330 : f32 to vector<16xf32>
          %mul3A_1240 = arith.mulf %mul3A_1239, %gather3A_1235 : vector<16xf32>
          %mul3A_1241 = vector.broadcast %squeeze3A_338 : f32 to vector<16xf32>
          %mul3A_1242 = arith.mulf %mul3A_1241, %gather3A_1236 : vector<16xf32>
          %add3A_1243 = arith.addf %mul3A_1240, %mul3A_1242 : vector<16xf32>
          %mul3A_1244 = vector.broadcast %squeeze3A_346 : f32 to vector<16xf32>
          %mul3A_1245 = arith.mulf %mul3A_1244, %gather3A_1237 : vector<16xf32>
          %add3A_1246 = arith.addf %add3A_1243, %mul3A_1245 : vector<16xf32>
          %add3A_1247 = vector.broadcast %squeeze3A_354 : f32 to vector<16xf32>
          %add3A_1248 = arith.addf %add3A_1247, %gather3A_1238 : vector<16xf32>
          %mul3A_1249 = arith.constant 2.000000e+00 : f32
          %mul3A_1250 = vector.broadcast %mul3A_1249 : f32 to vector<16xf32>
          %mul3A_1251 = arith.mulf %mul3A_1250, %add3A_1246 : vector<16xf32>
          %sub3A_1252 = arith.subf %add3A_1248, %mul3A_1251 : vector<16xf32>
          %masked_sort3A_1253 = arith.constant dense<true> : vector<16xi1>
          %masked_sort3A_1254, %masked_sort3A_1255, %masked_sort3A_1256 = tpu.sort %sub3A_1252, %get3A_1234 masked %masked_sort3A_1253 : (vector<16xf32>, vector<16xi32>, vector<16xi1>) -> (vector<16xi1>, vector<16xf32>, vector<16xi32>)
          %rev3A_1257 = arith.constant 15 : i32
          %rev3A_1258 = vector.broadcast %rev3A_1257 : i32 to vector<16xi32>
          %rev3A_1259 = tpu.iota {dimensions = array<i32: 0>} : vector<16xi32>
          %rev3A_1260 = arith.subi %rev3A_1258, %rev3A_1259 : vector<16xi32>
          %rev3A_1261 = tpu.dynamic_gather %masked_sort3A_1255[%rev3A_1260] in [0] : vector<16xf32>, vector<16xi32> -> vector<16xf32>
          %rev3A_1262 = arith.constant 15 : i32
          %rev3A_1263 = vector.broadcast %rev3A_1262 : i32 to vector<16xi32>
          %rev3A_1264 = tpu.iota {dimensions = array<i32: 0>} : vector<16xi32>
          %rev3A_1265 = arith.subi %rev3A_1263, %rev3A_1264 : vector<16xi32>
          %rev3A_1266 = tpu.dynamic_gather %masked_sort3A_1256[%rev3A_1265] in [0] : vector<16xi32>, vector<16xi32> -> vector<16xi32>
          %le3A_1267 = arith.cmpf ole, %while3A_1229, %rev3A_1261 : vector<16xf32>
          %select_n3A_1268 = arith.select %le3A_1267, %while3A_1229, %rev3A_1261 : vector<16xi1>, vector<16xf32>
          %select_n3A_1269 = arith.select %le3A_1267, %while3A_1230, %rev3A_1266 : vector<16xi1>, vector<16xi32>
          %masked_sort3A_1270 = arith.constant dense<true> : vector<16xi1>
          %masked_sort3A_1271, %masked_sort3A_1272, %masked_sort3A_1273 = tpu.sort %select_n3A_1268, %select_n3A_1269 masked %masked_sort3A_1270 : (vector<16xf32>, vector<16xi32>, vector<16xi1>) -> (vector<16xi1>, vector<16xf32>, vector<16xi32>)
          %add3A_1274 = arith.constant 16 : i32
          %add3A_1275 = arith.addi %while3A_1227, %add3A_1274 : i32
          %sub3A_1276 = vector.broadcast %squeeze3A_354 : f32 to vector<16xf32>
          %sub3A_1277 = arith.subf %masked_sort3A_1272, %sub3A_1276 : vector<16xf32>
          %add3A_1278 = arith.constant 9.99999974E-5 : f32
          %add3A_1279 = vector.broadcast %add3A_1278 : f32 to vector<16xf32>
          %add3A_1280 = arith.addf %sub3A_1277, %add3A_1279 : vector<16xf32>
          %reduce_max3A = arith.constant true
          %reduce_max3A_1281 = vector.broadcast %reduce_max3A : i1 to vector<16xi1>
          %reduce_max3A_1282 = tpu.scan <max>, %add3A_1280 masked %reduce_max3A_1281 : vector<16xf32>, vector<16xi1> -> vector<16xf32>
          %reduce_max3A_1283 = vector.extract %reduce_max3A_1282[15] : f32 from vector<16xf32>
          scf.yield %add3A_1275, %reduce_max3A_1283, %masked_sort3A_1272, %masked_sort3A_1273 : i32, f32, vector<16xf32>, vector<16xi32>
        }
        %gt3A_1205 = arith.constant 0 : i32
        %gt3A_1206 = arith.cmpi sgt, %while3A_1204#0, %gt3A_1205 : i32
        %convert_element_type3A_1207 = arith.extui %gt3A_1206 : i1 to i32
        %cond3A_1208 = arith.constant 0 : i32
        %cond3A_1209 = arith.cmpi ne, %convert_element_type3A_1207, %cond3A_1208 : i32
        scf.if %cond3A_1209 {
          %add3A_1227 = arith.constant 96 : i32
          %add3A_1228 = arith.addi %add3A_1227, %while3A_1204#0 : i32
          %get3A_1229 = arith.index_cast %add3A_1228 : i32 to index
          %get3A_1230 = tpu.vector_load %arg15[%get3A_1229] {strides = array<i32>} : memref<384xi32, #tpu.memory_space<vmem>>, vector<16xi32>,
          %swap3A_1231 = arith.constant 96 : index
          %swap3A_1232 = tpu.vector_load %arg15[%swap3A_1231] {strides = array<i32>} : memref<384xi32, #tpu.memory_space<vmem>>, vector<16xi32>,
          tpu.vector_store %arg15[%swap3A_1231], %get3A_1230 {strides = array<i32>} : memref<384xi32, #tpu.memory_space<vmem>>, vector<16xi32>,
        } else {
        }
        %sub3A_1210 = arith.subi %parallel_loop3A_1198#1, %while3A_1204#0 : i32
        %while3A_1211 = arith.constant 0 : i32
        %while3A_1212:4 = scf.while (%while3A_1227 = %while3A_1211, %while3A_1228 = %scan3A_1187, %while3A_1229 = %scan3A_1188, %while3A_1230 = %scan3A_1189) : (i32, f32, vector<16xf32>, vector<16xi32>) -> (i32, f32, vector<16xf32>, vector<16xi32>) {
          %sub3A_1231 = arith.subi %parallel_loop3A_1198#2, %while3A_1227 : i32
          %ge3A = arith.constant 16 : i32
          %ge3A_1232 = arith.cmpi sge, %sub3A_1231, %ge3A : i32
          scf.condition(%ge3A_1232) %while3A_1227, %while3A_1228, %while3A_1229, %while3A_1230 : i32, f32, vector<16xf32>, vector<16xi32>
        } do {
        ^bb0(%while3A_1227: i32, %while3A_1228: f32, %while3A_1229: vector<16xf32>, %while3A_1230: vector<16xi32>):
          %add3A_1231 = arith.constant 192 : i32
          %add3A_1232 = arith.addi %add3A_1231, %while3A_1227 : i32
          %get3A_1233 = arith.index_cast %add3A_1232 : i32 to index
          %get3A_1234 = tpu.vector_load %arg15[%get3A_1233] {strides = array<i32>} : memref<384xi32, #tpu.memory_space<vmem>>, vector<16xi32>,
          %gather3A_1235 = tpu.vector_load_idx %arg7[%get3A_1234] : memref<16384xf32, #tpu.memory_space<vmem>>[vector<16xi32>], vector<16xf32>,
          %gather3A_1236 = tpu.vector_load_idx %arg8[%get3A_1234] : memref<16384xf32, #tpu.memory_space<vmem>>[vector<16xi32>], vector<16xf32>,
          %gather3A_1237 = tpu.vector_load_idx %arg9[%get3A_1234] : memref<16384xf32, #tpu.memory_space<vmem>>[vector<16xi32>], vector<16xf32>,
          %gather3A_1238 = tpu.vector_load_idx %arg10[%get3A_1234] : memref<16384xf32, #tpu.memory_space<vmem>>[vector<16xi32>], vector<16xf32>,
          %mul3A_1239 = vector.broadcast %squeeze3A_332 : f32 to vector<16xf32>
          %mul3A_1240 = arith.mulf %mul3A_1239, %gather3A_1235 : vector<16xf32>
          %mul3A_1241 = vector.broadcast %squeeze3A_340 : f32 to vector<16xf32>
          %mul3A_1242 = arith.mulf %mul3A_1241, %gather3A_1236 : vector<16xf32>
          %add3A_1243 = arith.addf %mul3A_1240, %mul3A_1242 : vector<16xf32>
          %mul3A_1244 = vector.broadcast %squeeze3A_348 : f32 to vector<16xf32>
          %mul3A_1245 = arith.mulf %mul3A_1244, %gather3A_1237 : vector<16xf32>
          %add3A_1246 = arith.addf %add3A_1243, %mul3A_1245 : vector<16xf32>
          %add3A_1247 = vector.broadcast %squeeze3A_356 : f32 to vector<16xf32>
          %add3A_1248 = arith.addf %add3A_1247, %gather3A_1238 : vector<16xf32>
          %mul3A_1249 = arith.constant 2.000000e+00 : f32
          %mul3A_1250 = vector.broadcast %mul3A_1249 : f32 to vector<16xf32>
          %mul3A_1251 = arith.mulf %mul3A_1250, %add3A_1246 : vector<16xf32>
          %sub3A_1252 = arith.subf %add3A_1248, %mul3A_1251 : vector<16xf32>
          %masked_sort3A_1253 = arith.constant dense<true> : vector<16xi1>
          %masked_sort3A_1254, %masked_sort3A_1255, %masked_sort3A_1256 = tpu.sort %sub3A_1252, %get3A_1234 masked %masked_sort3A_1253 : (vector<16xf32>, vector<16xi32>, vector<16xi1>) -> (vector<16xi1>, vector<16xf32>, vector<16xi32>)
          %rev3A_1257 = arith.constant 15 : i32
          %rev3A_1258 = vector.broadcast %rev3A_1257 : i32 to vector<16xi32>
          %rev3A_1259 = tpu.iota {dimensions = array<i32: 0>} : vector<16xi32>
          %rev3A_1260 = arith.subi %rev3A_1258, %rev3A_1259 : vector<16xi32>
          %rev3A_1261 = tpu.dynamic_gather %masked_sort3A_1255[%rev3A_1260] in [0] : vector<16xf32>, vector<16xi32> -> vector<16xf32>
          %rev3A_1262 = arith.constant 15 : i32
          %rev3A_1263 = vector.broadcast %rev3A_1262 : i32 to vector<16xi32>
          %rev3A_1264 = tpu.iota {dimensions = array<i32: 0>} : vector<16xi32>
          %rev3A_1265 = arith.subi %rev3A_1263, %rev3A_1264 : vector<16xi32>
          %rev3A_1266 = tpu.dynamic_gather %masked_sort3A_1256[%rev3A_1265] in [0] : vector<16xi32>, vector<16xi32> -> vector<16xi32>
          %le3A_1267 = arith.cmpf ole, %while3A_1229, %rev3A_1261 : vector<16xf32>
          %select_n3A_1268 = arith.select %le3A_1267, %while3A_1229, %rev3A_1261 : vector<16xi1>, vector<16xf32>
          %select_n3A_1269 = arith.select %le3A_1267, %while3A_1230, %rev3A_1266 : vector<16xi1>, vector<16xi32>
          %masked_sort3A_1270 = arith.constant dense<true> : vector<16xi1>
          %masked_sort3A_1271, %masked_sort3A_1272, %masked_sort3A_1273 = tpu.sort %select_n3A_1268, %select_n3A_1269 masked %masked_sort3A_1270 : (vector<16xf32>, vector<16xi32>, vector<16xi1>) -> (vector<16xi1>, vector<16xf32>, vector<16xi32>)
          %add3A_1274 = arith.constant 16 : i32
          %add3A_1275 = arith.addi %while3A_1227, %add3A_1274 : i32
          %sub3A_1276 = vector.broadcast %squeeze3A_356 : f32 to vector<16xf32>
          %sub3A_1277 = arith.subf %masked_sort3A_1272, %sub3A_1276 : vector<16xf32>
          %add3A_1278 = arith.constant 9.99999974E-5 : f32
          %add3A_1279 = vector.broadcast %add3A_1278 : f32 to vector<16xf32>
          %add3A_1280 = arith.addf %sub3A_1277, %add3A_1279 : vector<16xf32>
          %reduce_max3A = arith.constant true
          %reduce_max3A_1281 = vector.broadcast %reduce_max3A : i1 to vector<16xi1>
          %reduce_max3A_1282 = tpu.scan <max>, %add3A_1280 masked %reduce_max3A_1281 : vector<16xf32>, vector<16xi1> -> vector<16xf32>
          %reduce_max3A_1283 = vector.extract %reduce_max3A_1282[15] : f32 from vector<16xf32>
          scf.yield %add3A_1275, %reduce_max3A_1283, %masked_sort3A_1272, %masked_sort3A_1273 : i32, f32, vector<16xf32>, vector<16xi32>
        }
        %gt3A_1213 = arith.constant 0 : i32
        %gt3A_1214 = arith.cmpi sgt, %while3A_1212#0, %gt3A_1213 : i32
        %convert_element_type3A_1215 = arith.extui %gt3A_1214 : i1 to i32
        %cond3A_1216 = arith.constant 0 : i32
        %cond3A_1217 = arith.cmpi ne, %convert_element_type3A_1215, %cond3A_1216 : i32
        scf.if %cond3A_1217 {
          %add3A_1227 = arith.constant 192 : i32
          %add3A_1228 = arith.addi %add3A_1227, %while3A_1212#0 : i32
          %get3A_1229 = arith.index_cast %add3A_1228 : i32 to index
          %get3A_1230 = tpu.vector_load %arg15[%get3A_1229] {strides = array<i32>} : memref<384xi32, #tpu.memory_space<vmem>>, vector<16xi32>,
          %swap3A_1231 = arith.constant 192 : index
          %swap3A_1232 = tpu.vector_load %arg15[%swap3A_1231] {strides = array<i32>} : memref<384xi32, #tpu.memory_space<vmem>>, vector<16xi32>,
          tpu.vector_store %arg15[%swap3A_1231], %get3A_1230 {strides = array<i32>} : memref<384xi32, #tpu.memory_space<vmem>>, vector<16xi32>,
        } else {
        }
        %sub3A_1218 = arith.subi %parallel_loop3A_1198#2, %while3A_1212#0 : i32
        %while3A_1219 = arith.constant 0 : i32
        %while3A_1220:4 = scf.while (%while3A_1227 = %while3A_1219, %while3A_1228 = %scan3A_1191, %while3A_1229 = %scan3A_1192, %while3A_1230 = %scan3A_1193) : (i32, f32, vector<16xf32>, vector<16xi32>) -> (i32, f32, vector<16xf32>, vector<16xi32>) {
          %sub3A_1231 = arith.subi %parallel_loop3A_1198#3, %while3A_1227 : i32
          %ge3A = arith.constant 16 : i32
          %ge3A_1232 = arith.cmpi sge, %sub3A_1231, %ge3A : i32
          scf.condition(%ge3A_1232) %while3A_1227, %while3A_1228, %while3A_1229, %while3A_1230 : i32, f32, vector<16xf32>, vector<16xi32>
        } do {
        ^bb0(%while3A_1227: i32, %while3A_1228: f32, %while3A_1229: vector<16xf32>, %while3A_1230: vector<16xi32>):
          %add3A_1231 = arith.constant 288 : i32
          %add3A_1232 = arith.addi %add3A_1231, %while3A_1227 : i32
          %get3A_1233 = arith.index_cast %add3A_1232 : i32 to index
          %get3A_1234 = tpu.vector_load %arg15[%get3A_1233] {strides = array<i32>} : memref<384xi32, #tpu.memory_space<vmem>>, vector<16xi32>,
          %gather3A_1235 = tpu.vector_load_idx %arg7[%get3A_1234] : memref<16384xf32, #tpu.memory_space<vmem>>[vector<16xi32>], vector<16xf32>,
          %gather3A_1236 = tpu.vector_load_idx %arg8[%get3A_1234] : memref<16384xf32, #tpu.memory_space<vmem>>[vector<16xi32>], vector<16xf32>,
          %gather3A_1237 = tpu.vector_load_idx %arg9[%get3A_1234] : memref<16384xf32, #tpu.memory_space<vmem>>[vector<16xi32>], vector<16xf32>,
          %gather3A_1238 = tpu.vector_load_idx %arg10[%get3A_1234] : memref<16384xf32, #tpu.memory_space<vmem>>[vector<16xi32>], vector<16xf32>,
          %mul3A_1239 = vector.broadcast %squeeze3A_334 : f32 to vector<16xf32>
          %mul3A_1240 = arith.mulf %mul3A_1239, %gather3A_1235 : vector<16xf32>
          %mul3A_1241 = vector.broadcast %squeeze3A_342 : f32 to vector<16xf32>
          %mul3A_1242 = arith.mulf %mul3A_1241, %gather3A_1236 : vector<16xf32>
          %add3A_1243 = arith.addf %mul3A_1240, %mul3A_1242 : vector<16xf32>
          %mul3A_1244 = vector.broadcast %squeeze3A_350 : f32 to vector<16xf32>
          %mul3A_1245 = arith.mulf %mul3A_1244, %gather3A_1237 : vector<16xf32>
          %add3A_1246 = arith.addf %add3A_1243, %mul3A_1245 : vector<16xf32>
          %add3A_1247 = vector.broadcast %squeeze3A_358 : f32 to vector<16xf32>
          %add3A_1248 = arith.addf %add3A_1247, %gather3A_1238 : vector<16xf32>
          %mul3A_1249 = arith.constant 2.000000e+00 : f32
          %mul3A_1250 = vector.broadcast %mul3A_1249 : f32 to vector<16xf32>
          %mul3A_1251 = arith.mulf %mul3A_1250, %add3A_1246 : vector<16xf32>
          %sub3A_1252 = arith.subf %add3A_1248, %mul3A_1251 : vector<16xf32>
          %masked_sort3A_1253 = arith.constant dense<true> : vector<16xi1>
          %masked_sort3A_1254, %masked_sort3A_1255, %masked_sort3A_1256 = tpu.sort %sub3A_1252, %get3A_1234 masked %masked_sort3A_1253 : (vector<16xf32>, vector<16xi32>, vector<16xi1>) -> (vector<16xi1>, vector<16xf32>, vector<16xi32>)
          %rev3A_1257 = arith.constant 15 : i32
          %rev3A_1258 = vector.broadcast %rev3A_1257 : i32 to vector<16xi32>
          %rev3A_1259 = tpu.iota {dimensions = array<i32: 0>} : vector<16xi32>
          %rev3A_1260 = arith.subi %rev3A_1258, %rev3A_1259 : vector<16xi32>
          %rev3A_1261 = tpu.dynamic_gather %masked_sort3A_1255[%rev3A_1260] in [0] : vector<16xf32>, vector<16xi32> -> vector<16xf32>
          %rev3A_1262 = arith.constant 15 : i32
          %rev3A_1263 = vector.broadcast %rev3A_1262 : i32 to vector<16xi32>
          %rev3A_1264 = tpu.iota {dimensions = array<i32: 0>} : vector<16xi32>
          %rev3A_1265 = arith.subi %rev3A_1263, %rev3A_1264 : vector<16xi32>
          %rev3A_1266 = tpu.dynamic_gather %masked_sort3A_1256[%rev3A_1265] in [0] : vector<16xi32>, vector<16xi32> -> vector<16xi32>
          %le3A_1267 = arith.cmpf ole, %while3A_1229, %rev3A_1261 : vector<16xf32>
          %select_n3A_1268 = arith.select %le3A_1267, %while3A_1229, %rev3A_1261 : vector<16xi1>, vector<16xf32>
          %select_n3A_1269 = arith.select %le3A_1267, %while3A_1230, %rev3A_1266 : vector<16xi1>, vector<16xi32>
          %masked_sort3A_1270 = arith.constant dense<true> : vector<16xi1>
          %masked_sort3A_1271, %masked_sort3A_1272, %masked_sort3A_1273 = tpu.sort %select_n3A_1268, %select_n3A_1269 masked %masked_sort3A_1270 : (vector<16xf32>, vector<16xi32>, vector<16xi1>) -> (vector<16xi1>, vector<16xf32>, vector<16xi32>)
          %add3A_1274 = arith.constant 16 : i32
          %add3A_1275 = arith.addi %while3A_1227, %add3A_1274 : i32
          %sub3A_1276 = vector.broadcast %squeeze3A_358 : f32 to vector<16xf32>
          %sub3A_1277 = arith.subf %masked_sort3A_1272, %sub3A_1276 : vector<16xf32>
          %add3A_1278 = arith.constant 9.99999974E-5 : f32
          %add3A_1279 = vector.broadcast %add3A_1278 : f32 to vector<16xf32>
          %add3A_1280 = arith.addf %sub3A_1277, %add3A_1279 : vector<16xf32>
          %reduce_max3A = arith.constant true
          %reduce_max3A_1281 = vector.broadcast %reduce_max3A : i1 to vector<16xi1>
          %reduce_max3A_1282 = tpu.scan <max>, %add3A_1280 masked %reduce_max3A_1281 : vector<16xf32>, vector<16xi1> -> vector<16xf32>
          %reduce_max3A_1283 = vector.extract %reduce_max3A_1282[15] : f32 from vector<16xf32>
          scf.yield %add3A_1275, %reduce_max3A_1283, %masked_sort3A_1272, %masked_sort3A_1273 : i32, f32, vector<16xf32>, vector<16xi32>
        }
        %gt3A_1221 = arith.constant 0 : i32
        %gt3A_1222 = arith.cmpi sgt, %while3A_1220#0, %gt3A_1221 : i32
        %convert_element_type3A_1223 = arith.extui %gt3A_1222 : i1 to i32
        %cond3A_1224 = arith.constant 0 : i32
        %cond3A_1225 = arith.cmpi ne, %convert_element_type3A_1223, %cond3A_1224 : i32
        scf.if %cond3A_1225 {
          %add3A_1227 = arith.constant 288 : i32
          %add3A_1228 = arith.addi %add3A_1227, %while3A_1220#0 : i32
          %get3A_1229 = arith.index_cast %add3A_1228 : i32 to index
          %get3A_1230 = tpu.vector_load %arg15[%get3A_1229] {strides = array<i32>} : memref<384xi32, #tpu.memory_space<vmem>>, vector<16xi32>,
          %swap3A_1231 = arith.constant 288 : index
          %swap3A_1232 = tpu.vector_load %arg15[%swap3A_1231] {strides = array<i32>} : memref<384xi32, #tpu.memory_space<vmem>>, vector<16xi32>,
          tpu.vector_store %arg15[%swap3A_1231], %get3A_1230 {strides = array<i32>} : memref<384xi32, #tpu.memory_space<vmem>>, vector<16xi32>,
        } else {
        }
        %sub3A_1226 = arith.subi %parallel_loop3A_1198#3, %while3A_1220#0 : i32
        scf.yield %sub3A_1202, %while3A_1199#1, %while3A_1199#2, %while3A_1199#3, %sub3A_1210, %while3A_1204#1, %while3A_1204#2, %while3A_1204#3, %sub3A_1218, %while3A_1212#1, %while3A_1212#2, %while3A_1212#3, %sub3A_1226, %while3A_1220#1, %while3A_1220#2, %while3A_1220#3 : i32, f32, vector<16xf32>, vector<16xi32>, i32, f32, vector<16xf32>, vector<16xi32>, i32, f32, vector<16xf32>, vector<16xi32>, i32, f32, vector<16xf32>, vector<16xi32>
      }
      %scan3A_388 = arith.constant 256 : i32
      %lt3A_389 = vector.broadcast %scan3A_387#0 : i32 to vector<16xi32>
      %lt3A_390 = arith.cmpi slt, %iota3A, %lt3A_389 : vector<16xi32>
      %get3A_391 = arith.constant 0 : index
      %get3A_392 = tpu.vector_load %arg15[%get3A_391] {strides = array<i32>} : memref<384xi32, #tpu.memory_space<vmem>>, vector<16xi32>,
      %jit3A_393 = arith.constant 0 : i32
      %broadcast_in_dim3A_394 = vector.broadcast %jit3A_393 : i32 to vector<16xi32>
      %select_n3A_395 = arith.select %lt3A_390, %get3A_392, %broadcast_in_dim3A_394 : vector<16xi1>, vector<16xi32>
      %gather3A_396 = tpu.vector_load_idx %arg7[%select_n3A_395] : memref<16384xf32, #tpu.memory_space<vmem>>[vector<16xi32>], vector<16xf32>,
      %gather3A_397 = tpu.vector_load_idx %arg8[%select_n3A_395] : memref<16384xf32, #tpu.memory_space<vmem>>[vector<16xi32>], vector<16xf32>,
      %gather3A_398 = tpu.vector_load_idx %arg9[%select_n3A_395] : memref<16384xf32, #tpu.memory_space<vmem>>[vector<16xi32>], vector<16xf32>,
      %gather3A_399 = tpu.vector_load_idx %arg10[%select_n3A_395] : memref<16384xf32, #tpu.memory_space<vmem>>[vector<16xi32>], vector<16xf32>,
      %mul3A_400 = vector.broadcast %squeeze3A_328 : f32 to vector<16xf32>
      %mul3A_401 = arith.mulf %mul3A_400, %gather3A_396 : vector<16xf32>
      %mul3A_402 = vector.broadcast %squeeze3A_336 : f32 to vector<16xf32>
      %mul3A_403 = arith.mulf %mul3A_402, %gather3A_397 : vector<16xf32>
      %add3A_404 = arith.addf %mul3A_401, %mul3A_403 : vector<16xf32>
      %mul3A_405 = vector.broadcast %squeeze3A_344 : f32 to vector<16xf32>
      %mul3A_406 = arith.mulf %mul3A_405, %gather3A_398 : vector<16xf32>
      %add3A_407 = arith.addf %add3A_404, %mul3A_406 : vector<16xf32>
      %add3A_408 = vector.broadcast %squeeze3A_352 : f32 to vector<16xf32>
      %add3A_409 = arith.addf %add3A_408, %gather3A_399 : vector<16xf32>
      %mul3A_410 = arith.constant 2.000000e+00 : f32
      %mul3A_411 = vector.broadcast %mul3A_410 : f32 to vector<16xf32>
      %mul3A_412 = arith.mulf %mul3A_411, %add3A_407 : vector<16xf32>
      %sub3A_413 = arith.subf %add3A_409, %mul3A_412 : vector<16xf32>
      %jit3A_414 = arith.constant 0x7F800000 : f32
      %broadcast_in_dim3A_415 = vector.broadcast %jit3A_414 : f32 to vector<16xf32>
      %select_n3A_416 = arith.select %lt3A_390, %sub3A_413, %broadcast_in_dim3A_415 : vector<16xi1>, vector<16xf32>
      %masked_sort3A_417 = arith.constant dense<true> : vector<16xi1>
      %masked_sort3A_418, %masked_sort3A_419, %masked_sort3A_420 = tpu.sort %select_n3A_416, %select_n3A_395 masked %masked_sort3A_417 : (vector<16xf32>, vector<16xi32>, vector<16xi1>) -> (vector<16xi1>, vector<16xf32>, vector<16xi32>)
      %rev3A_421 = arith.constant 15 : i32
      %rev3A_422 = vector.broadcast %rev3A_421 : i32 to vector<16xi32>
      %rev3A_423 = tpu.iota {dimensions = array<i32: 0>} : vector<16xi32>
      %rev3A_424 = arith.subi %rev3A_422, %rev3A_423 : vector<16xi32>
      %rev3A_425 = tpu.dynamic_gather %masked_sort3A_419[%rev3A_424] in [0] : vector<16xf32>, vector<16xi32> -> vector<16xf32>
      %rev3A_426 = arith.constant 15 : i32
      %rev3A_427 = vector.broadcast %rev3A_426 : i32 to vector<16xi32>
      %rev3A_428 = tpu.iota {dimensions = array<i32: 0>} : vector<16xi32>
      %rev3A_429 = arith.subi %rev3A_427, %rev3A_428 : vector<16xi32>
      %rev3A_430 = tpu.dynamic_gather %masked_sort3A_420[%rev3A_429] in [0] : vector<16xi32>, vector<16xi32> -> vector<16xi32>
      %le3A_431 = arith.cmpf ole, %scan3A_387#2, %rev3A_425 : vector<16xf32>
      %select_n3A_432 = arith.select %le3A_431, %scan3A_387#2, %rev3A_425 : vector<16xi1>, vector<16xf32>
      %select_n3A_433 = arith.select %le3A_431, %scan3A_387#3, %rev3A_430 : vector<16xi1>, vector<16xi32>
      %masked_sort3A_434 = arith.constant dense<true> : vector<16xi1>
      %masked_sort3A_435, %masked_sort3A_436, %masked_sort3A_437 = tpu.sort %select_n3A_432, %select_n3A_433 masked %masked_sort3A_434 : (vector<16xf32>, vector<16xi32>, vector<16xi1>) -> (vector<16xi1>, vector<16xf32>, vector<16xi32>)
      %add3A_438 = arith.constant 0 : i32
      %add3A_439 = arith.addi %add3A_326, %add3A_438 : i32
      %mul3A_440 = arith.constant 16 : i32
      %mul3A_441 = arith.muli %add3A_439, %mul3A_440 : i32
      %swap3A_442 = arith.index_cast %mul3A_441 : i32 to index
      %swap3A_443 = tpu.vector_load %arg16[%swap3A_442] {strides = array<i32>} : memref<2048xi32, #tpu.memory_space<vmem>>, vector<16xi32>,
      tpu.vector_store %arg16[%swap3A_442], %masked_sort3A_437 {strides = array<i32>} : memref<2048xi32, #tpu.memory_space<vmem>>, vector<16xi32>,
      %lt3A_444 = vector.broadcast %scan3A_387#4 : i32 to vector<16xi32>
      %lt3A_445 = arith.cmpi slt, %iota3A, %lt3A_444 : vector<16xi32>
      %get3A_446 = arith.constant 96 : index
      %get3A_447 = tpu.vector_load %arg15[%get3A_446] {strides = array<i32>} : memref<384xi32, #tpu.memory_space<vmem>>, vector<16xi32>,
      %jit3A_448 = arith.constant 0 : i32
      %broadcast_in_dim3A_449 = vector.broadcast %jit3A_448 : i32 to vector<16xi32>
      %select_n3A_450 = arith.select %lt3A_445, %get3A_447, %broadcast_in_dim3A_449 : vector<16xi1>, vector<16xi32>
      %gather3A_451 = tpu.vector_load_idx %arg7[%select_n3A_450] : memref<16384xf32, #tpu.memory_space<vmem>>[vector<16xi32>], vector<16xf32>,
      %gather3A_452 = tpu.vector_load_idx %arg8[%select_n3A_450] : memref<16384xf32, #tpu.memory_space<vmem>>[vector<16xi32>], vector<16xf32>,
      %gather3A_453 = tpu.vector_load_idx %arg9[%select_n3A_450] : memref<16384xf32, #tpu.memory_space<vmem>>[vector<16xi32>], vector<16xf32>,
      %gather3A_454 = tpu.vector_load_idx %arg10[%select_n3A_450] : memref<16384xf32, #tpu.memory_space<vmem>>[vector<16xi32>], vector<16xf32>,
      %mul3A_455 = vector.broadcast %squeeze3A_330 : f32 to vector<16xf32>
      %mul3A_456 = arith.mulf %mul3A_455, %gather3A_451 : vector<16xf32>
      %mul3A_457 = vector.broadcast %squeeze3A_338 : f32 to vector<16xf32>
      %mul3A_458 = arith.mulf %mul3A_457, %gather3A_452 : vector<16xf32>
      %add3A_459 = arith.addf %mul3A_456, %mul3A_458 : vector<16xf32>
      %mul3A_460 = vector.broadcast %squeeze3A_346 : f32 to vector<16xf32>
      %mul3A_461 = arith.mulf %mul3A_460, %gather3A_453 : vector<16xf32>
      %add3A_462 = arith.addf %add3A_459, %mul3A_461 : vector<16xf32>
      %add3A_463 = vector.broadcast %squeeze3A_354 : f32 to vector<16xf32>
      %add3A_464 = arith.addf %add3A_463, %gather3A_454 : vector<16xf32>
      %mul3A_465 = arith.constant 2.000000e+00 : f32
      %mul3A_466 = vector.broadcast %mul3A_465 : f32 to vector<16xf32>
      %mul3A_467 = arith.mulf %mul3A_466, %add3A_462 : vector<16xf32>
      %sub3A_468 = arith.subf %add3A_464, %mul3A_467 : vector<16xf32>
      %jit3A_469 = arith.constant 0x7F800000 : f32
      %broadcast_in_dim3A_470 = vector.broadcast %jit3A_469 : f32 to vector<16xf32>
      %select_n3A_471 = arith.select %lt3A_445, %sub3A_468, %broadcast_in_dim3A_470 : vector<16xi1>, vector<16xf32>
      %masked_sort3A_472 = arith.constant dense<true> : vector<16xi1>
      %masked_sort3A_473, %masked_sort3A_474, %masked_sort3A_475 = tpu.sort %select_n3A_471, %select_n3A_450 masked %masked_sort3A_472 : (vector<16xf32>, vector<16xi32>, vector<16xi1>) -> (vector<16xi1>, vector<16xf32>, vector<16xi32>)
      %rev3A_476 = arith.constant 15 : i32
      %rev3A_477 = vector.broadcast %rev3A_476 : i32 to vector<16xi32>
      %rev3A_478 = tpu.iota {dimensions = array<i32: 0>} : vector<16xi32>
      %rev3A_479 = arith.subi %rev3A_477, %rev3A_478 : vector<16xi32>
      %rev3A_480 = tpu.dynamic_gather %masked_sort3A_474[%rev3A_479] in [0] : vector<16xf32>, vector<16xi32> -> vector<16xf32>
      %rev3A_481 = arith.constant 15 : i32
      %rev3A_482 = vector.broadcast %rev3A_481 : i32 to vector<16xi32>
      %rev3A_483 = tpu.iota {dimensions = array<i32: 0>} : vector<16xi32>
      %rev3A_484 = arith.subi %rev3A_482, %rev3A_483 : vector<16xi32>
      %rev3A_485 = tpu.dynamic_gather %masked_sort3A_475[%rev3A_484] in [0] : vector<16xi32>, vector<16xi32> -> vector<16xi32>
      %le3A_486 = arith.cmpf ole, %scan3A_387#6, %rev3A_480 : vector<16xf32>
      %select_n3A_487 = arith.select %le3A_486, %scan3A_387#6, %rev3A_480 : vector<16xi1>, vector<16xf32>
      %select_n3A_488 = arith.select %le3A_486, %scan3A_387#7, %rev3A_485 : vector<16xi1>, vector<16xi32>
      %masked_sort3A_489 = arith.constant dense<true> : vector<16xi1>
      %masked_sort3A_490, %masked_sort3A_491, %masked_sort3A_492 = tpu.sort %select_n3A_487, %select_n3A_488 masked %masked_sort3A_489 : (vector<16xf32>, vector<16xi32>, vector<16xi1>) -> (vector<16xi1>, vector<16xf32>, vector<16xi32>)
      %add3A_493 = arith.constant 1 : i32
      %add3A_494 = arith.addi %add3A_326, %add3A_493 : i32
      %mul3A_495 = arith.constant 16 : i32
      %mul3A_496 = arith.muli %add3A_494, %mul3A_495 : i32
      %swap3A_497 = arith.index_cast %mul3A_496 : i32 to index
      %swap3A_498 = tpu.vector_load %arg16[%swap3A_497] {strides = array<i32>} : memref<2048xi32, #tpu.memory_space<vmem>>, vector<16xi32>,
      tpu.vector_store %arg16[%swap3A_497], %masked_sort3A_492 {strides = array<i32>} : memref<2048xi32, #tpu.memory_space<vmem>>, vector<16xi32>,
      %lt3A_499 = vector.broadcast %scan3A_387#8 : i32 to vector<16xi32>
      %lt3A_500 = arith.cmpi slt, %iota3A, %lt3A_499 : vector<16xi32>
      %get3A_501 = arith.constant 192 : index
      %get3A_502 = tpu.vector_load %arg15[%get3A_501] {strides = array<i32>} : memref<384xi32, #tpu.memory_space<vmem>>, vector<16xi32>,
      %jit3A_503 = arith.constant 0 : i32
      %broadcast_in_dim3A_504 = vector.broadcast %jit3A_503 : i32 to vector<16xi32>
      %select_n3A_505 = arith.select %lt3A_500, %get3A_502, %broadcast_in_dim3A_504 : vector<16xi1>, vector<16xi32>
      %gather3A_506 = tpu.vector_load_idx %arg7[%select_n3A_505] : memref<16384xf32, #tpu.memory_space<vmem>>[vector<16xi32>], vector<16xf32>,
      %gather3A_507 = tpu.vector_load_idx %arg8[%select_n3A_505] : memref<16384xf32, #tpu.memory_space<vmem>>[vector<16xi32>], vector<16xf32>,
      %gather3A_508 = tpu.vector_load_idx %arg9[%select_n3A_505] : memref<16384xf32, #tpu.memory_space<vmem>>[vector<16xi32>], vector<16xf32>,
      %gather3A_509 = tpu.vector_load_idx %arg10[%select_n3A_505] : memref<16384xf32, #tpu.memory_space<vmem>>[vector<16xi32>], vector<16xf32>,
      %mul3A_510 = vector.broadcast %squeeze3A_332 : f32 to vector<16xf32>
      %mul3A_511 = arith.mulf %mul3A_510, %gather3A_506 : vector<16xf32>
      %mul3A_512 = vector.broadcast %squeeze3A_340 : f32 to vector<16xf32>
      %mul3A_513 = arith.mulf %mul3A_512, %gather3A_507 : vector<16xf32>
      %add3A_514 = arith.addf %mul3A_511, %mul3A_513 : vector<16xf32>
      %mul3A_515 = vector.broadcast %squeeze3A_348 : f32 to vector<16xf32>
      %mul3A_516 = arith.mulf %mul3A_515, %gather3A_508 : vector<16xf32>
      %add3A_517 = arith.addf %add3A_514, %mul3A_516 : vector<16xf32>
      %add3A_518 = vector.broadcast %squeeze3A_356 : f32 to vector<16xf32>
      %add3A_519 = arith.addf %add3A_518, %gather3A_509 : vector<16xf32>
      %mul3A_520 = arith.constant 2.000000e+00 : f32
      %mul3A_521 = vector.broadcast %mul3A_520 : f32 to vector<16xf32>
      %mul3A_522 = arith.mulf %mul3A_521, %add3A_517 : vector<16xf32>
      %sub3A_523 = arith.subf %add3A_519, %mul3A_522 : vector<16xf32>
      %jit3A_524 = arith.constant 0x7F800000 : f32
      %broadcast_in_dim3A_525 = vector.broadcast %jit3A_524 : f32 to vector<16xf32>
      %select_n3A_526 = arith.select %lt3A_500, %sub3A_523, %broadcast_in_dim3A_525 : vector<16xi1>, vector<16xf32>
      %masked_sort3A_527 = arith.constant dense<true> : vector<16xi1>
      %masked_sort3A_528, %masked_sort3A_529, %masked_sort3A_530 = tpu.sort %select_n3A_526, %select_n3A_505 masked %masked_sort3A_527 : (vector<16xf32>, vector<16xi32>, vector<16xi1>) -> (vector<16xi1>, vector<16xf32>, vector<16xi32>)
      %rev3A_531 = arith.constant 15 : i32
      %rev3A_532 = vector.broadcast %rev3A_531 : i32 to vector<16xi32>
      %rev3A_533 = tpu.iota {dimensions = array<i32: 0>} : vector<16xi32>
      %rev3A_534 = arith.subi %rev3A_532, %rev3A_533 : vector<16xi32>
      %rev3A_535 = tpu.dynamic_gather %masked_sort3A_529[%rev3A_534] in [0] : vector<16xf32>, vector<16xi32> -> vector<16xf32>
      %rev3A_536 = arith.constant 15 : i32
      %rev3A_537 = vector.broadcast %rev3A_536 : i32 to vector<16xi32>
      %rev3A_538 = tpu.iota {dimensions = array<i32: 0>} : vector<16xi32>
      %rev3A_539 = arith.subi %rev3A_537, %rev3A_538 : vector<16xi32>
      %rev3A_540 = tpu.dynamic_gather %masked_sort3A_530[%rev3A_539] in [0] : vector<16xi32>, vector<16xi32> -> vector<16xi32>
      %le3A_541 = arith.cmpf ole, %scan3A_387#10, %rev3A_535 : vector<16xf32>
      %select_n3A_542 = arith.select %le3A_541, %scan3A_387#10, %rev3A_535 : vector<16xi1>, vector<16xf32>
      %select_n3A_543 = arith.select %le3A_541, %scan3A_387#11, %rev3A_540 : vector<16xi1>, vector<16xi32>
      %masked_sort3A_544 = arith.constant dense<true> : vector<16xi1>
      %masked_sort3A_545, %masked_sort3A_546, %masked_sort3A_547 = tpu.sort %select_n3A_542, %select_n3A_543 masked %masked_sort3A_544 : (vector<16xf32>, vector<16xi32>, vector<16xi1>) -> (vector<16xi1>, vector<16xf32>, vector<16xi32>)
      %add3A_548 = arith.constant 2 : i32
      %add3A_549 = arith.addi %add3A_326, %add3A_548 : i32
      %mul3A_550 = arith.constant 16 : i32
      %mul3A_551 = arith.muli %add3A_549, %mul3A_550 : i32
      %swap3A_552 = arith.index_cast %mul3A_551 : i32 to index
      %swap3A_553 = tpu.vector_load %arg16[%swap3A_552] {strides = array<i32>} : memref<2048xi32, #tpu.memory_space<vmem>>, vector<16xi32>,
      tpu.vector_store %arg16[%swap3A_552], %masked_sort3A_547 {strides = array<i32>} : memref<2048xi32, #tpu.memory_space<vmem>>, vector<16xi32>,
      %lt3A_554 = vector.broadcast %scan3A_387#12 : i32 to vector<16xi32>
      %lt3A_555 = arith.cmpi slt, %iota3A, %lt3A_554 : vector<16xi32>
      %get3A_556 = arith.constant 288 : index
      %get3A_557 = tpu.vector_load %arg15[%get3A_556] {strides = array<i32>} : memref<384xi32, #tpu.memory_space<vmem>>, vector<16xi32>,
      %jit3A_558 = arith.constant 0 : i32
      %broadcast_in_dim3A_559 = vector.broadcast %jit3A_558 : i32 to vector<16xi32>
      %select_n3A_560 = arith.select %lt3A_555, %get3A_557, %broadcast_in_dim3A_559 : vector<16xi1>, vector<16xi32>
      %gather3A_561 = tpu.vector_load_idx %arg7[%select_n3A_560] : memref<16384xf32, #tpu.memory_space<vmem>>[vector<16xi32>], vector<16xf32>,
      %gather3A_562 = tpu.vector_load_idx %arg8[%select_n3A_560] : memref<16384xf32, #tpu.memory_space<vmem>>[vector<16xi32>], vector<16xf32>,
      %gather3A_563 = tpu.vector_load_idx %arg9[%select_n3A_560] : memref<16384xf32, #tpu.memory_space<vmem>>[vector<16xi32>], vector<16xf32>,
      %gather3A_564 = tpu.vector_load_idx %arg10[%select_n3A_560] : memref<16384xf32, #tpu.memory_space<vmem>>[vector<16xi32>], vector<16xf32>,
      %mul3A_565 = vector.broadcast %squeeze3A_334 : f32 to vector<16xf32>
      %mul3A_566 = arith.mulf %mul3A_565, %gather3A_561 : vector<16xf32>
      %mul3A_567 = vector.broadcast %squeeze3A_342 : f32 to vector<16xf32>
      %mul3A_568 = arith.mulf %mul3A_567, %gather3A_562 : vector<16xf32>
      %add3A_569 = arith.addf %mul3A_566, %mul3A_568 : vector<16xf32>
      %mul3A_570 = vector.broadcast %squeeze3A_350 : f32 to vector<16xf32>
      %mul3A_571 = arith.mulf %mul3A_570, %gather3A_563 : vector<16xf32>
      %add3A_572 = arith.addf %add3A_569, %mul3A_571 : vector<16xf32>
      %add3A_573 = vector.broadcast %squeeze3A_358 : f32 to vector<16xf32>
      %add3A_574 = arith.addf %add3A_573, %gather3A_564 : vector<16xf32>
      %mul3A_575 = arith.constant 2.000000e+00 : f32
      %mul3A_576 = vector.broadcast %mul3A_575 : f32 to vector<16xf32>
      %mul3A_577 = arith.mulf %mul3A_576, %add3A_572 : vector<16xf32>
      %sub3A_578 = arith.subf %add3A_574, %mul3A_577 : vector<16xf32>
      %jit3A_579 = arith.constant 0x7F800000 : f32
      %broadcast_in_dim3A_580 = vector.broadcast %jit3A_579 : f32 to vector<16xf32>
      %select_n3A_581 = arith.select %lt3A_555, %sub3A_578, %broadcast_in_dim3A_580 : vector<16xi1>, vector<16xf32>
      %masked_sort3A_582 = arith.constant dense<true> : vector<16xi1>
      %masked_sort3A_583, %masked_sort3A_584, %masked_sort3A_585 = tpu.sort %select_n3A_581, %select_n3A_560 masked %masked_sort3A_582 : (vector<16xf32>, vector<16xi32>, vector<16xi1>) -> (vector<16xi1>, vector<16xf32>, vector<16xi32>)
      %rev3A_586 = arith.constant 15 : i32
      %rev3A_587 = vector.broadcast %rev3A_586 : i32 to vector<16xi32>
      %rev3A_588 = tpu.iota {dimensions = array<i32: 0>} : vector<16xi32>
      %rev3A_589 = arith.subi %rev3A_587, %rev3A_588 : vector<16xi32>
      %rev3A_590 = tpu.dynamic_gather %masked_sort3A_584[%rev3A_589] in [0] : vector<16xf32>, vector<16xi32> -> vector<16xf32>
      %rev3A_591 = arith.constant 15 : i32
      %rev3A_592 = vector.broadcast %rev3A_591 : i32 to vector<16xi32>
      %rev3A_593 = tpu.iota {dimensions = array<i32: 0>} : vector<16xi32>
      %rev3A_594 = arith.subi %rev3A_592, %rev3A_593 : vector<16xi32>
      %rev3A_595 = tpu.dynamic_gather %masked_sort3A_585[%rev3A_594] in [0] : vector<16xi32>, vector<16xi32> -> vector<16xi32>
      %le3A_596 = arith.cmpf ole, %scan3A_387#14, %rev3A_590 : vector<16xf32>
      %select_n3A_597 = arith.select %le3A_596, %scan3A_387#14, %rev3A_590 : vector<16xi1>, vector<16xf32>
      %select_n3A_598 = arith.select %le3A_596, %scan3A_387#15, %rev3A_595 : vector<16xi1>, vector<16xi32>
      %masked_sort3A_599 = arith.constant dense<true> : vector<16xi1>
      %masked_sort3A_600, %masked_sort3A_601, %masked_sort3A_602 = tpu.sort %select_n3A_597, %select_n3A_598 masked %masked_sort3A_599 : (vector<16xf32>, vector<16xi32>, vector<16xi1>) -> (vector<16xi1>, vector<16xf32>, vector<16xi32>)
      %add3A_603 = arith.constant 3 : i32
      %add3A_604 = arith.addi %add3A_326, %add3A_603 : i32
      %mul3A_605 = arith.constant 16 : i32
      %mul3A_606 = arith.muli %add3A_604, %mul3A_605 : i32
      %swap3A_607 = arith.index_cast %mul3A_606 : i32 to index
      %swap3A_608 = tpu.vector_load %arg16[%swap3A_607] {strides = array<i32>} : memref<2048xi32, #tpu.memory_space<vmem>>, vector<16xi32>,
      tpu.vector_store %arg16[%swap3A_607], %masked_sort3A_602 {strides = array<i32>} : memref<2048xi32, #tpu.memory_space<vmem>>, vector<16xi32>,
      %add3A_609 = arith.constant 8 : i32
      %add3A_610 = arith.addi %mul3A_45, %add3A_609 : i32
      %slice3A_611 = vector.extract_strided_slice %get3A_46 {offsets = [8], sizes = [1], strides = [1]} : vector<16xf32> to vector<1xf32>
      %squeeze3A_612 = vector.extract %slice3A_611[0] : f32 from vector<1xf32>
      %slice3A_613 = vector.extract_strided_slice %get3A_46 {offsets = [9], sizes = [1], strides = [1]} : vector<16xf32> to vector<1xf32>
      %squeeze3A_614 = vector.extract %slice3A_613[0] : f32 from vector<1xf32>
      %slice3A_615 = vector.extract_strided_slice %get3A_46 {offsets = [10], sizes = [1], strides = [1]} : vector<16xf32> to vector<1xf32>
      %squeeze3A_616 = vector.extract %slice3A_615[0] : f32 from vector<1xf32>
      %slice3A_617 = vector.extract_strided_slice %get3A_46 {offsets = [11], sizes = [1], strides = [1]} : vector<16xf32> to vector<1xf32>
      %squeeze3A_618 = vector.extract %slice3A_617[0] : f32 from vector<1xf32>
      %slice3A_619 = vector.extract_strided_slice %get3A_48 {offsets = [8], sizes = [1], strides = [1]} : vector<16xf32> to vector<1xf32>
      %squeeze3A_620 = vector.extract %slice3A_619[0] : f32 from vector<1xf32>
      %slice3A_621 = vector.extract_strided_slice %get3A_48 {offsets = [9], sizes = [1], strides = [1]} : vector<16xf32> to vector<1xf32>
      %squeeze3A_622 = vector.extract %slice3A_621[0] : f32 from vector<1xf32>
      %slice3A_623 = vector.extract_strided_slice %get3A_48 {offsets = [10], sizes = [1], strides = [1]} : vector<16xf32> to vector<1xf32>
      %squeeze3A_624 = vector.extract %slice3A_623[0] : f32 from vector<1xf32>
      %slice3A_625 = vector.extract_strided_slice %get3A_48 {offsets = [11], sizes = [1], strides = [1]} : vector<16xf32> to vector<1xf32>
      %squeeze3A_626 = vector.extract %slice3A_625[0] : f32 from vector<1xf32>
      %slice3A_627 = vector.extract_strided_slice %get3A_50 {offsets = [8], sizes = [1], strides = [1]} : vector<16xf32> to vector<1xf32>
      %squeeze3A_628 = vector.extract %slice3A_627[0] : f32 from vector<1xf32>
      %slice3A_629 = vector.extract_strided_slice %get3A_50 {offsets = [9], sizes = [1], strides = [1]} : vector<16xf32> to vector<1xf32>
      %squeeze3A_630 = vector.extract %slice3A_629[0] : f32 from vector<1xf32>
      %slice3A_631 = vector.extract_strided_slice %get3A_50 {offsets = [10], sizes = [1], strides = [1]} : vector<16xf32> to vector<1xf32>
      %squeeze3A_632 = vector.extract %slice3A_631[0] : f32 from vector<1xf32>
      %slice3A_633 = vector.extract_strided_slice %get3A_50 {offsets = [11], sizes = [1], strides = [1]} : vector<16xf32> to vector<1xf32>
      %squeeze3A_634 = vector.extract %slice3A_633[0] : f32 from vector<1xf32>
      %slice3A_635 = vector.extract_strided_slice %get3A_52 {offsets = [8], sizes = [1], strides = [1]} : vector<16xf32> to vector<1xf32>
      %squeeze3A_636 = vector.extract %slice3A_635[0] : f32 from vector<1xf32>
      %slice3A_637 = vector.extract_strided_slice %get3A_52 {offsets = [9], sizes = [1], strides = [1]} : vector<16xf32> to vector<1xf32>
      %squeeze3A_638 = vector.extract %slice3A_637[0] : f32 from vector<1xf32>
      %slice3A_639 = vector.extract_strided_slice %get3A_52 {offsets = [10], sizes = [1], strides = [1]} : vector<16xf32> to vector<1xf32>
      %squeeze3A_640 = vector.extract %slice3A_639[0] : f32 from vector<1xf32>
      %slice3A_641 = vector.extract_strided_slice %get3A_52 {offsets = [11], sizes = [1], strides = [1]} : vector<16xf32> to vector<1xf32>
      %squeeze3A_642 = vector.extract %slice3A_641[0] : f32 from vector<1xf32>
      %broadcast_in_dim3A_643 = arith.constant 0x7F800000 : f32
      %broadcast_in_dim3A_644 = vector.broadcast %broadcast_in_dim3A_643 : f32 to vector<16xf32>
      %broadcast_in_dim3A_645 = arith.constant 0 : i32
      %broadcast_in_dim3A_646 = vector.broadcast %broadcast_in_dim3A_645 : i32 to vector<16xi32>
      %broadcast_in_dim3A_647 = arith.constant 0x7F800000 : f32
      %broadcast_in_dim3A_648 = vector.broadcast %broadcast_in_dim3A_647 : f32 to vector<16xf32>
      %broadcast_in_dim3A_649 = arith.constant 0 : i32
      %broadcast_in_dim3A_650 = vector.broadcast %broadcast_in_dim3A_649 : i32 to vector<16xi32>
      %broadcast_in_dim3A_651 = arith.constant 0x7F800000 : f32
      %broadcast_in_dim3A_652 = vector.broadcast %broadcast_in_dim3A_651 : f32 to vector<16xf32>
      %broadcast_in_dim3A_653 = arith.constant 0 : i32
      %broadcast_in_dim3A_654 = vector.broadcast %broadcast_in_dim3A_653 : i32 to vector<16xi32>
      %broadcast_in_dim3A_655 = arith.constant 0x7F800000 : f32
      %broadcast_in_dim3A_656 = vector.broadcast %broadcast_in_dim3A_655 : f32 to vector<16xf32>
      %broadcast_in_dim3A_657 = arith.constant 0 : i32
      %broadcast_in_dim3A_658 = vector.broadcast %broadcast_in_dim3A_657 : i32 to vector<16xi32>
      %scan3A_659 = arith.constant 0 : i32
      %scan3A_660 = arith.constant 0x7F800000 : f32
      %scan3A_661 = arith.constant 0 : i32
      %scan3A_662 = arith.constant 0x7F800000 : f32
      %scan3A_663 = arith.constant 0 : i32
      %scan3A_664 = arith.constant 0x7F800000 : f32
      %scan3A_665 = arith.constant 0 : i32
      %scan3A_666 = arith.constant 0x7F800000 : f32
      %scan3A_667 = arith.constant 0 : i32
      %scan3A_668 = arith.constant 256 : i32
      %scan3A_669 = arith.addi %scan3A_667, %scan3A_668 : i32
      %scan3A_670 = arith.constant 1 : i32
      %scan3A_671:16 = scf.for %scan3A_1177 = %scan3A_667 to %scan3A_669 step %scan3A_670 iter_args(%scan3A_1178 = %scan3A_659, %scan3A_1179 = %scan3A_660, %scan3A_1180 = %broadcast_in_dim3A_644, %scan3A_1181 = %broadcast_in_dim3A_646, %scan3A_1182 = %scan3A_661, %scan3A_1183 = %scan3A_662, %scan3A_1184 = %broadcast_in_dim3A_648, %scan3A_1185 = %broadcast_in_dim3A_650, %scan3A_1186 = %scan3A_663, %scan3A_1187 = %scan3A_664, %scan3A_1188 = %broadcast_in_dim3A_652, %scan3A_1189 = %broadcast_in_dim3A_654, %scan3A_1190 = %scan3A_665, %scan3A_1191 = %scan3A_666, %scan3A_1192 = %broadcast_in_dim3A_656, %scan3A_1193 = %broadcast_in_dim3A_658) -> (i32, f32, vector<16xf32>, vector<16xi32>, i32, f32, vector<16xf32>, vector<16xi32>, i32, f32, vector<16xf32>, vector<16xi32>, i32, f32, vector<16xf32>, vector<16xi32>)  : i32 {
        %mul3A_1194 = arith.constant 64 : i32
        %mul3A_1195 = arith.muli %scan3A_1177, %mul3A_1194 : i32
        %parallel_loop3A = arith.constant 0 : i32
        %parallel_loop3A_1196 = arith.constant 4 : i32
        %parallel_loop3A_1197 = arith.constant 1 : i32
        %parallel_loop3A_1198:4 = scf.for %parallel_loop3A_1227 = %parallel_loop3A to %parallel_loop3A_1196 step %parallel_loop3A_1197 iter_args(%parallel_loop3A_1228 = %scan3A_1178, %parallel_loop3A_1229 = %scan3A_1182, %parallel_loop3A_1230 = %scan3A_1186, %parallel_loop3A_1231 = %scan3A_1190) -> (i32, i32, i32, i32)  : i32 {
          %parallel_loop3A_1232 = arith.constant 16 : i32
          %parallel_loop3A_1233 = arith.muli %parallel_loop3A_1227, %parallel_loop3A_1232 : i32
          %parallel_loop3A_1234 = arith.addi %mul3A_1195, %parallel_loop3A_1233 : i32
          %parallel_loop3A_1235 = arith.index_cast %parallel_loop3A_1234 : i32 to index
          %parallel_loop3A_1236 = tpu.vector_load %arg7[%parallel_loop3A_1235] {strides = array<i32>} : memref<16384xf32, #tpu.memory_space<vmem>>, vector<16xf32>,
          %parallel_loop3A_1237 = arith.index_cast %parallel_loop3A_1234 : i32 to index
          %parallel_loop3A_1238 = tpu.vector_load %arg8[%parallel_loop3A_1237] {strides = array<i32>} : memref<16384xf32, #tpu.memory_space<vmem>>, vector<16xf32>,
          %parallel_loop3A_1239 = arith.index_cast %parallel_loop3A_1234 : i32 to index
          %parallel_loop3A_1240 = tpu.vector_load %arg9[%parallel_loop3A_1239] {strides = array<i32>} : memref<16384xf32, #tpu.memory_space<vmem>>, vector<16xf32>,
          %parallel_loop3A_1241 = arith.index_cast %parallel_loop3A_1234 : i32 to index
          %parallel_loop3A_1242 = tpu.vector_load %arg10[%parallel_loop3A_1241] {strides = array<i32>} : memref<16384xf32, #tpu.memory_space<vmem>>, vector<16xf32>,
          %parallel_loop3A_1243 = vector.broadcast %parallel_loop3A_1234 : i32 to vector<16xi32>
          %parallel_loop3A_1244 = arith.addi %iota3A, %parallel_loop3A_1243 : vector<16xi32>
          %parallel_loop3A_1245 = vector.broadcast %squeeze3A_612 : f32 to vector<16xf32>
          %parallel_loop3A_1246 = arith.mulf %parallel_loop3A_1245, %parallel_loop3A_1236 : vector<16xf32>
          %parallel_loop3A_1247 = vector.broadcast %squeeze3A_620 : f32 to vector<16xf32>
          %parallel_loop3A_1248 = arith.mulf %parallel_loop3A_1247, %parallel_loop3A_1238 : vector<16xf32>
          %parallel_loop3A_1249 = arith.addf %parallel_loop3A_1246, %parallel_loop3A_1248 : vector<16xf32>
          %parallel_loop3A_1250 = vector.broadcast %squeeze3A_628 : f32 to vector<16xf32>
          %parallel_loop3A_1251 = arith.mulf %parallel_loop3A_1250, %parallel_loop3A_1240 : vector<16xf32>
          %parallel_loop3A_1252 = arith.addf %parallel_loop3A_1249, %parallel_loop3A_1251 : vector<16xf32>
          %parallel_loop3A_1253 = arith.constant 2.000000e+00 : f32
          %parallel_loop3A_1254 = vector.broadcast %parallel_loop3A_1253 : f32 to vector<16xf32>
          %parallel_loop3A_1255 = arith.mulf %parallel_loop3A_1254, %parallel_loop3A_1252 : vector<16xf32>
          %parallel_loop3A_1256 = arith.subf %parallel_loop3A_1242, %parallel_loop3A_1255 : vector<16xf32>
          %parallel_loop3A_1257 = vector.broadcast %scan3A_1179 : f32 to vector<16xf32>
          %parallel_loop3A_1258 = arith.cmpf olt, %parallel_loop3A_1256, %parallel_loop3A_1257 : vector<16xf32>
          %parallel_loop3A_1259 = arith.constant 1 : i32
          %parallel_loop3A_1260 = arith.constant 0 : i32
          %parallel_loop3A_1261 = vector.broadcast %parallel_loop3A_1259 : i32 to vector<16xi32>
          %parallel_loop3A_1262 = vector.broadcast %parallel_loop3A_1260 : i32 to vector<16xi32>
          %parallel_loop3A_1263 = arith.select %parallel_loop3A_1258, %parallel_loop3A_1261, %parallel_loop3A_1262 : vector<16xi1>, vector<16xi32>
          %parallel_loop3A_1264 = arith.constant true
          %parallel_loop3A_1265 = vector.broadcast %parallel_loop3A_1264 : i1 to vector<16xi1>
          %parallel_loop3A_1266 = tpu.scan <sum>, %parallel_loop3A_1263 masked %parallel_loop3A_1265 : vector<16xi32>, vector<16xi1> -> vector<16xi32>
          %parallel_loop3A_1267 = arith.constant -1 : i32
          %parallel_loop3A_1268 = arith.addi %parallel_loop3A_1267, %parallel_loop3A_1228 : i32
          %parallel_loop3A_1269 = vector.broadcast %parallel_loop3A_1268 : i32 to vector<16xi32>
          %parallel_loop3A_1270 = arith.addi %parallel_loop3A_1269, %parallel_loop3A_1266 : vector<16xi32>
          tpu.vector_store_idx %arg15[%parallel_loop3A_1270], %parallel_loop3A_1244 masked %parallel_loop3A_1258 : memref<384xi32, #tpu.memory_space<vmem>>[vector<16xi32>], vector<16xi32>, vector<16xi1>
          %parallel_loop3A_1271 = vector.extract_strided_slice %parallel_loop3A_1266 {offsets = [15], sizes = [1], strides = [1]} : vector<16xi32> to vector<1xi32>
          %parallel_loop3A_1272 = vector.extract %parallel_loop3A_1271[0] : i32 from vector<1xi32>
          %parallel_loop3A_1273 = arith.addi %parallel_loop3A_1228, %parallel_loop3A_1272 : i32
          %parallel_loop3A_1274 = vector.broadcast %squeeze3A_614 : f32 to vector<16xf32>
          %parallel_loop3A_1275 = arith.mulf %parallel_loop3A_1274, %parallel_loop3A_1236 : vector<16xf32>
          %parallel_loop3A_1276 = vector.broadcast %squeeze3A_622 : f32 to vector<16xf32>
          %parallel_loop3A_1277 = arith.mulf %parallel_loop3A_1276, %parallel_loop3A_1238 : vector<16xf32>
          %parallel_loop3A_1278 = arith.addf %parallel_loop3A_1275, %parallel_loop3A_1277 : vector<16xf32>
          %parallel_loop3A_1279 = vector.broadcast %squeeze3A_630 : f32 to vector<16xf32>
          %parallel_loop3A_1280 = arith.mulf %parallel_loop3A_1279, %parallel_loop3A_1240 : vector<16xf32>
          %parallel_loop3A_1281 = arith.addf %parallel_loop3A_1278, %parallel_loop3A_1280 : vector<16xf32>
          %parallel_loop3A_1282 = arith.constant 2.000000e+00 : f32
          %parallel_loop3A_1283 = vector.broadcast %parallel_loop3A_1282 : f32 to vector<16xf32>
          %parallel_loop3A_1284 = arith.mulf %parallel_loop3A_1283, %parallel_loop3A_1281 : vector<16xf32>
          %parallel_loop3A_1285 = arith.subf %parallel_loop3A_1242, %parallel_loop3A_1284 : vector<16xf32>
          %parallel_loop3A_1286 = vector.broadcast %scan3A_1183 : f32 to vector<16xf32>
          %parallel_loop3A_1287 = arith.cmpf olt, %parallel_loop3A_1285, %parallel_loop3A_1286 : vector<16xf32>
          %parallel_loop3A_1288 = arith.constant 1 : i32
          %parallel_loop3A_1289 = arith.constant 0 : i32
          %parallel_loop3A_1290 = vector.broadcast %parallel_loop3A_1288 : i32 to vector<16xi32>
          %parallel_loop3A_1291 = vector.broadcast %parallel_loop3A_1289 : i32 to vector<16xi32>
          %parallel_loop3A_1292 = arith.select %parallel_loop3A_1287, %parallel_loop3A_1290, %parallel_loop3A_1291 : vector<16xi1>, vector<16xi32>
          %parallel_loop3A_1293 = arith.constant true
          %parallel_loop3A_1294 = vector.broadcast %parallel_loop3A_1293 : i1 to vector<16xi1>
          %parallel_loop3A_1295 = tpu.scan <sum>, %parallel_loop3A_1292 masked %parallel_loop3A_1294 : vector<16xi32>, vector<16xi1> -> vector<16xi32>
          %parallel_loop3A_1296 = arith.constant 95 : i32
          %parallel_loop3A_1297 = arith.addi %parallel_loop3A_1296, %parallel_loop3A_1229 : i32
          %parallel_loop3A_1298 = vector.broadcast %parallel_loop3A_1297 : i32 to vector<16xi32>
          %parallel_loop3A_1299 = arith.addi %parallel_loop3A_1298, %parallel_loop3A_1295 : vector<16xi32>
          tpu.vector_store_idx %arg15[%parallel_loop3A_1299], %parallel_loop3A_1244 masked %parallel_loop3A_1287 : memref<384xi32, #tpu.memory_space<vmem>>[vector<16xi32>], vector<16xi32>, vector<16xi1>
          %parallel_loop3A_1300 = vector.extract_strided_slice %parallel_loop3A_1295 {offsets = [15], sizes = [1], strides = [1]} : vector<16xi32> to vector<1xi32>
          %parallel_loop3A_1301 = vector.extract %parallel_loop3A_1300[0] : i32 from vector<1xi32>
          %parallel_loop3A_1302 = arith.addi %parallel_loop3A_1229, %parallel_loop3A_1301 : i32
          %parallel_loop3A_1303 = vector.broadcast %squeeze3A_616 : f32 to vector<16xf32>
          %parallel_loop3A_1304 = arith.mulf %parallel_loop3A_1303, %parallel_loop3A_1236 : vector<16xf32>
          %parallel_loop3A_1305 = vector.broadcast %squeeze3A_624 : f32 to vector<16xf32>
          %parallel_loop3A_1306 = arith.mulf %parallel_loop3A_1305, %parallel_loop3A_1238 : vector<16xf32>
          %parallel_loop3A_1307 = arith.addf %parallel_loop3A_1304, %parallel_loop3A_1306 : vector<16xf32>
          %parallel_loop3A_1308 = vector.broadcast %squeeze3A_632 : f32 to vector<16xf32>
          %parallel_loop3A_1309 = arith.mulf %parallel_loop3A_1308, %parallel_loop3A_1240 : vector<16xf32>
          %parallel_loop3A_1310 = arith.addf %parallel_loop3A_1307, %parallel_loop3A_1309 : vector<16xf32>
          %parallel_loop3A_1311 = arith.constant 2.000000e+00 : f32
          %parallel_loop3A_1312 = vector.broadcast %parallel_loop3A_1311 : f32 to vector<16xf32>
          %parallel_loop3A_1313 = arith.mulf %parallel_loop3A_1312, %parallel_loop3A_1310 : vector<16xf32>
          %parallel_loop3A_1314 = arith.subf %parallel_loop3A_1242, %parallel_loop3A_1313 : vector<16xf32>
          %parallel_loop3A_1315 = vector.broadcast %scan3A_1187 : f32 to vector<16xf32>
          %parallel_loop3A_1316 = arith.cmpf olt, %parallel_loop3A_1314, %parallel_loop3A_1315 : vector<16xf32>
          %parallel_loop3A_1317 = arith.constant 1 : i32
          %parallel_loop3A_1318 = arith.constant 0 : i32
          %parallel_loop3A_1319 = vector.broadcast %parallel_loop3A_1317 : i32 to vector<16xi32>
          %parallel_loop3A_1320 = vector.broadcast %parallel_loop3A_1318 : i32 to vector<16xi32>
          %parallel_loop3A_1321 = arith.select %parallel_loop3A_1316, %parallel_loop3A_1319, %parallel_loop3A_1320 : vector<16xi1>, vector<16xi32>
          %parallel_loop3A_1322 = arith.constant true
          %parallel_loop3A_1323 = vector.broadcast %parallel_loop3A_1322 : i1 to vector<16xi1>
          %parallel_loop3A_1324 = tpu.scan <sum>, %parallel_loop3A_1321 masked %parallel_loop3A_1323 : vector<16xi32>, vector<16xi1> -> vector<16xi32>
          %parallel_loop3A_1325 = arith.constant 191 : i32
          %parallel_loop3A_1326 = arith.addi %parallel_loop3A_1325, %parallel_loop3A_1230 : i32
          %parallel_loop3A_1327 = vector.broadcast %parallel_loop3A_1326 : i32 to vector<16xi32>
          %parallel_loop3A_1328 = arith.addi %parallel_loop3A_1327, %parallel_loop3A_1324 : vector<16xi32>
          tpu.vector_store_idx %arg15[%parallel_loop3A_1328], %parallel_loop3A_1244 masked %parallel_loop3A_1316 : memref<384xi32, #tpu.memory_space<vmem>>[vector<16xi32>], vector<16xi32>, vector<16xi1>
          %parallel_loop3A_1329 = vector.extract_strided_slice %parallel_loop3A_1324 {offsets = [15], sizes = [1], strides = [1]} : vector<16xi32> to vector<1xi32>
          %parallel_loop3A_1330 = vector.extract %parallel_loop3A_1329[0] : i32 from vector<1xi32>
          %parallel_loop3A_1331 = arith.addi %parallel_loop3A_1230, %parallel_loop3A_1330 : i32
          %parallel_loop3A_1332 = vector.broadcast %squeeze3A_618 : f32 to vector<16xf32>
          %parallel_loop3A_1333 = arith.mulf %parallel_loop3A_1332, %parallel_loop3A_1236 : vector<16xf32>
          %parallel_loop3A_1334 = vector.broadcast %squeeze3A_626 : f32 to vector<16xf32>
          %parallel_loop3A_1335 = arith.mulf %parallel_loop3A_1334, %parallel_loop3A_1238 : vector<16xf32>
          %parallel_loop3A_1336 = arith.addf %parallel_loop3A_1333, %parallel_loop3A_1335 : vector<16xf32>
          %parallel_loop3A_1337 = vector.broadcast %squeeze3A_634 : f32 to vector<16xf32>
          %parallel_loop3A_1338 = arith.mulf %parallel_loop3A_1337, %parallel_loop3A_1240 : vector<16xf32>
          %parallel_loop3A_1339 = arith.addf %parallel_loop3A_1336, %parallel_loop3A_1338 : vector<16xf32>
          %parallel_loop3A_1340 = arith.constant 2.000000e+00 : f32
          %parallel_loop3A_1341 = vector.broadcast %parallel_loop3A_1340 : f32 to vector<16xf32>
          %parallel_loop3A_1342 = arith.mulf %parallel_loop3A_1341, %parallel_loop3A_1339 : vector<16xf32>
          %parallel_loop3A_1343 = arith.subf %parallel_loop3A_1242, %parallel_loop3A_1342 : vector<16xf32>
          %parallel_loop3A_1344 = vector.broadcast %scan3A_1191 : f32 to vector<16xf32>
          %parallel_loop3A_1345 = arith.cmpf olt, %parallel_loop3A_1343, %parallel_loop3A_1344 : vector<16xf32>
          %parallel_loop3A_1346 = arith.constant 1 : i32
          %parallel_loop3A_1347 = arith.constant 0 : i32
          %parallel_loop3A_1348 = vector.broadcast %parallel_loop3A_1346 : i32 to vector<16xi32>
          %parallel_loop3A_1349 = vector.broadcast %parallel_loop3A_1347 : i32 to vector<16xi32>
          %parallel_loop3A_1350 = arith.select %parallel_loop3A_1345, %parallel_loop3A_1348, %parallel_loop3A_1349 : vector<16xi1>, vector<16xi32>
          %parallel_loop3A_1351 = arith.constant true
          %parallel_loop3A_1352 = vector.broadcast %parallel_loop3A_1351 : i1 to vector<16xi1>
          %parallel_loop3A_1353 = tpu.scan <sum>, %parallel_loop3A_1350 masked %parallel_loop3A_1352 : vector<16xi32>, vector<16xi1> -> vector<16xi32>
          %parallel_loop3A_1354 = arith.constant 287 : i32
          %parallel_loop3A_1355 = arith.addi %parallel_loop3A_1354, %parallel_loop3A_1231 : i32
          %parallel_loop3A_1356 = vector.broadcast %parallel_loop3A_1355 : i32 to vector<16xi32>
          %parallel_loop3A_1357 = arith.addi %parallel_loop3A_1356, %parallel_loop3A_1353 : vector<16xi32>
          tpu.vector_store_idx %arg15[%parallel_loop3A_1357], %parallel_loop3A_1244 masked %parallel_loop3A_1345 : memref<384xi32, #tpu.memory_space<vmem>>[vector<16xi32>], vector<16xi32>, vector<16xi1>
          %parallel_loop3A_1358 = vector.extract_strided_slice %parallel_loop3A_1353 {offsets = [15], sizes = [1], strides = [1]} : vector<16xi32> to vector<1xi32>
          %parallel_loop3A_1359 = vector.extract %parallel_loop3A_1358[0] : i32 from vector<1xi32>
          %parallel_loop3A_1360 = arith.addi %parallel_loop3A_1231, %parallel_loop3A_1359 : i32
          scf.yield %parallel_loop3A_1273, %parallel_loop3A_1302, %parallel_loop3A_1331, %parallel_loop3A_1360 : i32, i32, i32, i32
        } {sc.loop_unroll_factor = 4 : i64, sc.parallel_access}
        %while3A = arith.constant 0 : i32
        %while3A_1199:4 = scf.while (%while3A_1227 = %while3A, %while3A_1228 = %scan3A_1179, %while3A_1229 = %scan3A_1180, %while3A_1230 = %scan3A_1181) : (i32, f32, vector<16xf32>, vector<16xi32>) -> (i32, f32, vector<16xf32>, vector<16xi32>) {
          %sub3A_1231 = arith.subi %parallel_loop3A_1198#0, %while3A_1227 : i32
          %ge3A = arith.constant 16 : i32
          %ge3A_1232 = arith.cmpi sge, %sub3A_1231, %ge3A : i32
          scf.condition(%ge3A_1232) %while3A_1227, %while3A_1228, %while3A_1229, %while3A_1230 : i32, f32, vector<16xf32>, vector<16xi32>
        } do {
        ^bb0(%while3A_1227: i32, %while3A_1228: f32, %while3A_1229: vector<16xf32>, %while3A_1230: vector<16xi32>):
          %add3A_1231 = arith.constant 0 : i32
          %add3A_1232 = arith.addi %add3A_1231, %while3A_1227 : i32
          %get3A_1233 = arith.index_cast %add3A_1232 : i32 to index
          %get3A_1234 = tpu.vector_load %arg15[%get3A_1233] {strides = array<i32>} : memref<384xi32, #tpu.memory_space<vmem>>, vector<16xi32>,
          %gather3A_1235 = tpu.vector_load_idx %arg7[%get3A_1234] : memref<16384xf32, #tpu.memory_space<vmem>>[vector<16xi32>], vector<16xf32>,
          %gather3A_1236 = tpu.vector_load_idx %arg8[%get3A_1234] : memref<16384xf32, #tpu.memory_space<vmem>>[vector<16xi32>], vector<16xf32>,
          %gather3A_1237 = tpu.vector_load_idx %arg9[%get3A_1234] : memref<16384xf32, #tpu.memory_space<vmem>>[vector<16xi32>], vector<16xf32>,
          %gather3A_1238 = tpu.vector_load_idx %arg10[%get3A_1234] : memref<16384xf32, #tpu.memory_space<vmem>>[vector<16xi32>], vector<16xf32>,
          %mul3A_1239 = vector.broadcast %squeeze3A_612 : f32 to vector<16xf32>
          %mul3A_1240 = arith.mulf %mul3A_1239, %gather3A_1235 : vector<16xf32>
          %mul3A_1241 = vector.broadcast %squeeze3A_620 : f32 to vector<16xf32>
          %mul3A_1242 = arith.mulf %mul3A_1241, %gather3A_1236 : vector<16xf32>
          %add3A_1243 = arith.addf %mul3A_1240, %mul3A_1242 : vector<16xf32>
          %mul3A_1244 = vector.broadcast %squeeze3A_628 : f32 to vector<16xf32>
          %mul3A_1245 = arith.mulf %mul3A_1244, %gather3A_1237 : vector<16xf32>
          %add3A_1246 = arith.addf %add3A_1243, %mul3A_1245 : vector<16xf32>
          %add3A_1247 = vector.broadcast %squeeze3A_636 : f32 to vector<16xf32>
          %add3A_1248 = arith.addf %add3A_1247, %gather3A_1238 : vector<16xf32>
          %mul3A_1249 = arith.constant 2.000000e+00 : f32
          %mul3A_1250 = vector.broadcast %mul3A_1249 : f32 to vector<16xf32>
          %mul3A_1251 = arith.mulf %mul3A_1250, %add3A_1246 : vector<16xf32>
          %sub3A_1252 = arith.subf %add3A_1248, %mul3A_1251 : vector<16xf32>
          %masked_sort3A_1253 = arith.constant dense<true> : vector<16xi1>
          %masked_sort3A_1254, %masked_sort3A_1255, %masked_sort3A_1256 = tpu.sort %sub3A_1252, %get3A_1234 masked %masked_sort3A_1253 : (vector<16xf32>, vector<16xi32>, vector<16xi1>) -> (vector<16xi1>, vector<16xf32>, vector<16xi32>)
          %rev3A_1257 = arith.constant 15 : i32
          %rev3A_1258 = vector.broadcast %rev3A_1257 : i32 to vector<16xi32>
          %rev3A_1259 = tpu.iota {dimensions = array<i32: 0>} : vector<16xi32>
          %rev3A_1260 = arith.subi %rev3A_1258, %rev3A_1259 : vector<16xi32>
          %rev3A_1261 = tpu.dynamic_gather %masked_sort3A_1255[%rev3A_1260] in [0] : vector<16xf32>, vector<16xi32> -> vector<16xf32>
          %rev3A_1262 = arith.constant 15 : i32
          %rev3A_1263 = vector.broadcast %rev3A_1262 : i32 to vector<16xi32>
          %rev3A_1264 = tpu.iota {dimensions = array<i32: 0>} : vector<16xi32>
          %rev3A_1265 = arith.subi %rev3A_1263, %rev3A_1264 : vector<16xi32>
          %rev3A_1266 = tpu.dynamic_gather %masked_sort3A_1256[%rev3A_1265] in [0] : vector<16xi32>, vector<16xi32> -> vector<16xi32>
          %le3A_1267 = arith.cmpf ole, %while3A_1229, %rev3A_1261 : vector<16xf32>
          %select_n3A_1268 = arith.select %le3A_1267, %while3A_1229, %rev3A_1261 : vector<16xi1>, vector<16xf32>
          %select_n3A_1269 = arith.select %le3A_1267, %while3A_1230, %rev3A_1266 : vector<16xi1>, vector<16xi32>
          %masked_sort3A_1270 = arith.constant dense<true> : vector<16xi1>
          %masked_sort3A_1271, %masked_sort3A_1272, %masked_sort3A_1273 = tpu.sort %select_n3A_1268, %select_n3A_1269 masked %masked_sort3A_1270 : (vector<16xf32>, vector<16xi32>, vector<16xi1>) -> (vector<16xi1>, vector<16xf32>, vector<16xi32>)
          %add3A_1274 = arith.constant 16 : i32
          %add3A_1275 = arith.addi %while3A_1227, %add3A_1274 : i32
          %sub3A_1276 = vector.broadcast %squeeze3A_636 : f32 to vector<16xf32>
          %sub3A_1277 = arith.subf %masked_sort3A_1272, %sub3A_1276 : vector<16xf32>
          %add3A_1278 = arith.constant 9.99999974E-5 : f32
          %add3A_1279 = vector.broadcast %add3A_1278 : f32 to vector<16xf32>
          %add3A_1280 = arith.addf %sub3A_1277, %add3A_1279 : vector<16xf32>
          %reduce_max3A = arith.constant true
          %reduce_max3A_1281 = vector.broadcast %reduce_max3A : i1 to vector<16xi1>
          %reduce_max3A_1282 = tpu.scan <max>, %add3A_1280 masked %reduce_max3A_1281 : vector<16xf32>, vector<16xi1> -> vector<16xf32>
          %reduce_max3A_1283 = vector.extract %reduce_max3A_1282[15] : f32 from vector<16xf32>
          scf.yield %add3A_1275, %reduce_max3A_1283, %masked_sort3A_1272, %masked_sort3A_1273 : i32, f32, vector<16xf32>, vector<16xi32>
        }
        %gt3A = arith.constant 0 : i32
        %gt3A_1200 = arith.cmpi sgt, %while3A_1199#0, %gt3A : i32
        %convert_element_type3A = arith.extui %gt3A_1200 : i1 to i32
        %cond3A = arith.constant 0 : i32
        %cond3A_1201 = arith.cmpi ne, %convert_element_type3A, %cond3A : i32
        scf.if %cond3A_1201 {
          %add3A_1227 = arith.constant 0 : i32
          %add3A_1228 = arith.addi %add3A_1227, %while3A_1199#0 : i32
          %get3A_1229 = arith.index_cast %add3A_1228 : i32 to index
          %get3A_1230 = tpu.vector_load %arg15[%get3A_1229] {strides = array<i32>} : memref<384xi32, #tpu.memory_space<vmem>>, vector<16xi32>,
          %swap3A_1231 = arith.constant 0 : index
          %swap3A_1232 = tpu.vector_load %arg15[%swap3A_1231] {strides = array<i32>} : memref<384xi32, #tpu.memory_space<vmem>>, vector<16xi32>,
          tpu.vector_store %arg15[%swap3A_1231], %get3A_1230 {strides = array<i32>} : memref<384xi32, #tpu.memory_space<vmem>>, vector<16xi32>,
        } else {
        }
        %sub3A_1202 = arith.subi %parallel_loop3A_1198#0, %while3A_1199#0 : i32
        %while3A_1203 = arith.constant 0 : i32
        %while3A_1204:4 = scf.while (%while3A_1227 = %while3A_1203, %while3A_1228 = %scan3A_1183, %while3A_1229 = %scan3A_1184, %while3A_1230 = %scan3A_1185) : (i32, f32, vector<16xf32>, vector<16xi32>) -> (i32, f32, vector<16xf32>, vector<16xi32>) {
          %sub3A_1231 = arith.subi %parallel_loop3A_1198#1, %while3A_1227 : i32
          %ge3A = arith.constant 16 : i32
          %ge3A_1232 = arith.cmpi sge, %sub3A_1231, %ge3A : i32
          scf.condition(%ge3A_1232) %while3A_1227, %while3A_1228, %while3A_1229, %while3A_1230 : i32, f32, vector<16xf32>, vector<16xi32>
        } do {
        ^bb0(%while3A_1227: i32, %while3A_1228: f32, %while3A_1229: vector<16xf32>, %while3A_1230: vector<16xi32>):
          %add3A_1231 = arith.constant 96 : i32
          %add3A_1232 = arith.addi %add3A_1231, %while3A_1227 : i32
          %get3A_1233 = arith.index_cast %add3A_1232 : i32 to index
          %get3A_1234 = tpu.vector_load %arg15[%get3A_1233] {strides = array<i32>} : memref<384xi32, #tpu.memory_space<vmem>>, vector<16xi32>,
          %gather3A_1235 = tpu.vector_load_idx %arg7[%get3A_1234] : memref<16384xf32, #tpu.memory_space<vmem>>[vector<16xi32>], vector<16xf32>,
          %gather3A_1236 = tpu.vector_load_idx %arg8[%get3A_1234] : memref<16384xf32, #tpu.memory_space<vmem>>[vector<16xi32>], vector<16xf32>,
          %gather3A_1237 = tpu.vector_load_idx %arg9[%get3A_1234] : memref<16384xf32, #tpu.memory_space<vmem>>[vector<16xi32>], vector<16xf32>,
          %gather3A_1238 = tpu.vector_load_idx %arg10[%get3A_1234] : memref<16384xf32, #tpu.memory_space<vmem>>[vector<16xi32>], vector<16xf32>,
          %mul3A_1239 = vector.broadcast %squeeze3A_614 : f32 to vector<16xf32>
          %mul3A_1240 = arith.mulf %mul3A_1239, %gather3A_1235 : vector<16xf32>
          %mul3A_1241 = vector.broadcast %squeeze3A_622 : f32 to vector<16xf32>
          %mul3A_1242 = arith.mulf %mul3A_1241, %gather3A_1236 : vector<16xf32>
          %add3A_1243 = arith.addf %mul3A_1240, %mul3A_1242 : vector<16xf32>
          %mul3A_1244 = vector.broadcast %squeeze3A_630 : f32 to vector<16xf32>
          %mul3A_1245 = arith.mulf %mul3A_1244, %gather3A_1237 : vector<16xf32>
          %add3A_1246 = arith.addf %add3A_1243, %mul3A_1245 : vector<16xf32>
          %add3A_1247 = vector.broadcast %squeeze3A_638 : f32 to vector<16xf32>
          %add3A_1248 = arith.addf %add3A_1247, %gather3A_1238 : vector<16xf32>
          %mul3A_1249 = arith.constant 2.000000e+00 : f32
          %mul3A_1250 = vector.broadcast %mul3A_1249 : f32 to vector<16xf32>
          %mul3A_1251 = arith.mulf %mul3A_1250, %add3A_1246 : vector<16xf32>
          %sub3A_1252 = arith.subf %add3A_1248, %mul3A_1251 : vector<16xf32>
          %masked_sort3A_1253 = arith.constant dense<true> : vector<16xi1>
          %masked_sort3A_1254, %masked_sort3A_1255, %masked_sort3A_1256 = tpu.sort %sub3A_1252, %get3A_1234 masked %masked_sort3A_1253 : (vector<16xf32>, vector<16xi32>, vector<16xi1>) -> (vector<16xi1>, vector<16xf32>, vector<16xi32>)
          %rev3A_1257 = arith.constant 15 : i32
          %rev3A_1258 = vector.broadcast %rev3A_1257 : i32 to vector<16xi32>
          %rev3A_1259 = tpu.iota {dimensions = array<i32: 0>} : vector<16xi32>
          %rev3A_1260 = arith.subi %rev3A_1258, %rev3A_1259 : vector<16xi32>
          %rev3A_1261 = tpu.dynamic_gather %masked_sort3A_1255[%rev3A_1260] in [0] : vector<16xf32>, vector<16xi32> -> vector<16xf32>
          %rev3A_1262 = arith.constant 15 : i32
          %rev3A_1263 = vector.broadcast %rev3A_1262 : i32 to vector<16xi32>
          %rev3A_1264 = tpu.iota {dimensions = array<i32: 0>} : vector<16xi32>
          %rev3A_1265 = arith.subi %rev3A_1263, %rev3A_1264 : vector<16xi32>
          %rev3A_1266 = tpu.dynamic_gather %masked_sort3A_1256[%rev3A_1265] in [0] : vector<16xi32>, vector<16xi32> -> vector<16xi32>
          %le3A_1267 = arith.cmpf ole, %while3A_1229, %rev3A_1261 : vector<16xf32>
          %select_n3A_1268 = arith.select %le3A_1267, %while3A_1229, %rev3A_1261 : vector<16xi1>, vector<16xf32>
          %select_n3A_1269 = arith.select %le3A_1267, %while3A_1230, %rev3A_1266 : vector<16xi1>, vector<16xi32>
          %masked_sort3A_1270 = arith.constant dense<true> : vector<16xi1>
          %masked_sort3A_1271, %masked_sort3A_1272, %masked_sort3A_1273 = tpu.sort %select_n3A_1268, %select_n3A_1269 masked %masked_sort3A_1270 : (vector<16xf32>, vector<16xi32>, vector<16xi1>) -> (vector<16xi1>, vector<16xf32>, vector<16xi32>)
          %add3A_1274 = arith.constant 16 : i32
          %add3A_1275 = arith.addi %while3A_1227, %add3A_1274 : i32
          %sub3A_1276 = vector.broadcast %squeeze3A_638 : f32 to vector<16xf32>
          %sub3A_1277 = arith.subf %masked_sort3A_1272, %sub3A_1276 : vector<16xf32>
          %add3A_1278 = arith.constant 9.99999974E-5 : f32
          %add3A_1279 = vector.broadcast %add3A_1278 : f32 to vector<16xf32>
          %add3A_1280 = arith.addf %sub3A_1277, %add3A_1279 : vector<16xf32>
          %reduce_max3A = arith.constant true
          %reduce_max3A_1281 = vector.broadcast %reduce_max3A : i1 to vector<16xi1>
          %reduce_max3A_1282 = tpu.scan <max>, %add3A_1280 masked %reduce_max3A_1281 : vector<16xf32>, vector<16xi1> -> vector<16xf32>
          %reduce_max3A_1283 = vector.extract %reduce_max3A_1282[15] : f32 from vector<16xf32>
          scf.yield %add3A_1275, %reduce_max3A_1283, %masked_sort3A_1272, %masked_sort3A_1273 : i32, f32, vector<16xf32>, vector<16xi32>
        }
        %gt3A_1205 = arith.constant 0 : i32
        %gt3A_1206 = arith.cmpi sgt, %while3A_1204#0, %gt3A_1205 : i32
        %convert_element_type3A_1207 = arith.extui %gt3A_1206 : i1 to i32
        %cond3A_1208 = arith.constant 0 : i32
        %cond3A_1209 = arith.cmpi ne, %convert_element_type3A_1207, %cond3A_1208 : i32
        scf.if %cond3A_1209 {
          %add3A_1227 = arith.constant 96 : i32
          %add3A_1228 = arith.addi %add3A_1227, %while3A_1204#0 : i32
          %get3A_1229 = arith.index_cast %add3A_1228 : i32 to index
          %get3A_1230 = tpu.vector_load %arg15[%get3A_1229] {strides = array<i32>} : memref<384xi32, #tpu.memory_space<vmem>>, vector<16xi32>,
          %swap3A_1231 = arith.constant 96 : index
          %swap3A_1232 = tpu.vector_load %arg15[%swap3A_1231] {strides = array<i32>} : memref<384xi32, #tpu.memory_space<vmem>>, vector<16xi32>,
          tpu.vector_store %arg15[%swap3A_1231], %get3A_1230 {strides = array<i32>} : memref<384xi32, #tpu.memory_space<vmem>>, vector<16xi32>,
        } else {
        }
        %sub3A_1210 = arith.subi %parallel_loop3A_1198#1, %while3A_1204#0 : i32
        %while3A_1211 = arith.constant 0 : i32
        %while3A_1212:4 = scf.while (%while3A_1227 = %while3A_1211, %while3A_1228 = %scan3A_1187, %while3A_1229 = %scan3A_1188, %while3A_1230 = %scan3A_1189) : (i32, f32, vector<16xf32>, vector<16xi32>) -> (i32, f32, vector<16xf32>, vector<16xi32>) {
          %sub3A_1231 = arith.subi %parallel_loop3A_1198#2, %while3A_1227 : i32
          %ge3A = arith.constant 16 : i32
          %ge3A_1232 = arith.cmpi sge, %sub3A_1231, %ge3A : i32
          scf.condition(%ge3A_1232) %while3A_1227, %while3A_1228, %while3A_1229, %while3A_1230 : i32, f32, vector<16xf32>, vector<16xi32>
        } do {
        ^bb0(%while3A_1227: i32, %while3A_1228: f32, %while3A_1229: vector<16xf32>, %while3A_1230: vector<16xi32>):
          %add3A_1231 = arith.constant 192 : i32
          %add3A_1232 = arith.addi %add3A_1231, %while3A_1227 : i32
          %get3A_1233 = arith.index_cast %add3A_1232 : i32 to index
          %get3A_1234 = tpu.vector_load %arg15[%get3A_1233] {strides = array<i32>} : memref<384xi32, #tpu.memory_space<vmem>>, vector<16xi32>,
          %gather3A_1235 = tpu.vector_load_idx %arg7[%get3A_1234] : memref<16384xf32, #tpu.memory_space<vmem>>[vector<16xi32>], vector<16xf32>,
          %gather3A_1236 = tpu.vector_load_idx %arg8[%get3A_1234] : memref<16384xf32, #tpu.memory_space<vmem>>[vector<16xi32>], vector<16xf32>,
          %gather3A_1237 = tpu.vector_load_idx %arg9[%get3A_1234] : memref<16384xf32, #tpu.memory_space<vmem>>[vector<16xi32>], vector<16xf32>,
          %gather3A_1238 = tpu.vector_load_idx %arg10[%get3A_1234] : memref<16384xf32, #tpu.memory_space<vmem>>[vector<16xi32>], vector<16xf32>,
          %mul3A_1239 = vector.broadcast %squeeze3A_616 : f32 to vector<16xf32>
          %mul3A_1240 = arith.mulf %mul3A_1239, %gather3A_1235 : vector<16xf32>
          %mul3A_1241 = vector.broadcast %squeeze3A_624 : f32 to vector<16xf32>
          %mul3A_1242 = arith.mulf %mul3A_1241, %gather3A_1236 : vector<16xf32>
          %add3A_1243 = arith.addf %mul3A_1240, %mul3A_1242 : vector<16xf32>
          %mul3A_1244 = vector.broadcast %squeeze3A_632 : f32 to vector<16xf32>
          %mul3A_1245 = arith.mulf %mul3A_1244, %gather3A_1237 : vector<16xf32>
          %add3A_1246 = arith.addf %add3A_1243, %mul3A_1245 : vector<16xf32>
          %add3A_1247 = vector.broadcast %squeeze3A_640 : f32 to vector<16xf32>
          %add3A_1248 = arith.addf %add3A_1247, %gather3A_1238 : vector<16xf32>
          %mul3A_1249 = arith.constant 2.000000e+00 : f32
          %mul3A_1250 = vector.broadcast %mul3A_1249 : f32 to vector<16xf32>
          %mul3A_1251 = arith.mulf %mul3A_1250, %add3A_1246 : vector<16xf32>
          %sub3A_1252 = arith.subf %add3A_1248, %mul3A_1251 : vector<16xf32>
          %masked_sort3A_1253 = arith.constant dense<true> : vector<16xi1>
          %masked_sort3A_1254, %masked_sort3A_1255, %masked_sort3A_1256 = tpu.sort %sub3A_1252, %get3A_1234 masked %masked_sort3A_1253 : (vector<16xf32>, vector<16xi32>, vector<16xi1>) -> (vector<16xi1>, vector<16xf32>, vector<16xi32>)
          %rev3A_1257 = arith.constant 15 : i32
          %rev3A_1258 = vector.broadcast %rev3A_1257 : i32 to vector<16xi32>
          %rev3A_1259 = tpu.iota {dimensions = array<i32: 0>} : vector<16xi32>
          %rev3A_1260 = arith.subi %rev3A_1258, %rev3A_1259 : vector<16xi32>
          %rev3A_1261 = tpu.dynamic_gather %masked_sort3A_1255[%rev3A_1260] in [0] : vector<16xf32>, vector<16xi32> -> vector<16xf32>
          %rev3A_1262 = arith.constant 15 : i32
          %rev3A_1263 = vector.broadcast %rev3A_1262 : i32 to vector<16xi32>
          %rev3A_1264 = tpu.iota {dimensions = array<i32: 0>} : vector<16xi32>
          %rev3A_1265 = arith.subi %rev3A_1263, %rev3A_1264 : vector<16xi32>
          %rev3A_1266 = tpu.dynamic_gather %masked_sort3A_1256[%rev3A_1265] in [0] : vector<16xi32>, vector<16xi32> -> vector<16xi32>
          %le3A_1267 = arith.cmpf ole, %while3A_1229, %rev3A_1261 : vector<16xf32>
          %select_n3A_1268 = arith.select %le3A_1267, %while3A_1229, %rev3A_1261 : vector<16xi1>, vector<16xf32>
          %select_n3A_1269 = arith.select %le3A_1267, %while3A_1230, %rev3A_1266 : vector<16xi1>, vector<16xi32>
          %masked_sort3A_1270 = arith.constant dense<true> : vector<16xi1>
          %masked_sort3A_1271, %masked_sort3A_1272, %masked_sort3A_1273 = tpu.sort %select_n3A_1268, %select_n3A_1269 masked %masked_sort3A_1270 : (vector<16xf32>, vector<16xi32>, vector<16xi1>) -> (vector<16xi1>, vector<16xf32>, vector<16xi32>)
          %add3A_1274 = arith.constant 16 : i32
          %add3A_1275 = arith.addi %while3A_1227, %add3A_1274 : i32
          %sub3A_1276 = vector.broadcast %squeeze3A_640 : f32 to vector<16xf32>
          %sub3A_1277 = arith.subf %masked_sort3A_1272, %sub3A_1276 : vector<16xf32>
          %add3A_1278 = arith.constant 9.99999974E-5 : f32
          %add3A_1279 = vector.broadcast %add3A_1278 : f32 to vector<16xf32>
          %add3A_1280 = arith.addf %sub3A_1277, %add3A_1279 : vector<16xf32>
          %reduce_max3A = arith.constant true
          %reduce_max3A_1281 = vector.broadcast %reduce_max3A : i1 to vector<16xi1>
          %reduce_max3A_1282 = tpu.scan <max>, %add3A_1280 masked %reduce_max3A_1281 : vector<16xf32>, vector<16xi1> -> vector<16xf32>
          %reduce_max3A_1283 = vector.extract %reduce_max3A_1282[15] : f32 from vector<16xf32>
          scf.yield %add3A_1275, %reduce_max3A_1283, %masked_sort3A_1272, %masked_sort3A_1273 : i32, f32, vector<16xf32>, vector<16xi32>
        }
        %gt3A_1213 = arith.constant 0 : i32
        %gt3A_1214 = arith.cmpi sgt, %while3A_1212#0, %gt3A_1213 : i32
        %convert_element_type3A_1215 = arith.extui %gt3A_1214 : i1 to i32
        %cond3A_1216 = arith.constant 0 : i32
        %cond3A_1217 = arith.cmpi ne, %convert_element_type3A_1215, %cond3A_1216 : i32
        scf.if %cond3A_1217 {
          %add3A_1227 = arith.constant 192 : i32
          %add3A_1228 = arith.addi %add3A_1227, %while3A_1212#0 : i32
          %get3A_1229 = arith.index_cast %add3A_1228 : i32 to index
          %get3A_1230 = tpu.vector_load %arg15[%get3A_1229] {strides = array<i32>} : memref<384xi32, #tpu.memory_space<vmem>>, vector<16xi32>,
          %swap3A_1231 = arith.constant 192 : index
          %swap3A_1232 = tpu.vector_load %arg15[%swap3A_1231] {strides = array<i32>} : memref<384xi32, #tpu.memory_space<vmem>>, vector<16xi32>,
          tpu.vector_store %arg15[%swap3A_1231], %get3A_1230 {strides = array<i32>} : memref<384xi32, #tpu.memory_space<vmem>>, vector<16xi32>,
        } else {
        }
        %sub3A_1218 = arith.subi %parallel_loop3A_1198#2, %while3A_1212#0 : i32
        %while3A_1219 = arith.constant 0 : i32
        %while3A_1220:4 = scf.while (%while3A_1227 = %while3A_1219, %while3A_1228 = %scan3A_1191, %while3A_1229 = %scan3A_1192, %while3A_1230 = %scan3A_1193) : (i32, f32, vector<16xf32>, vector<16xi32>) -> (i32, f32, vector<16xf32>, vector<16xi32>) {
          %sub3A_1231 = arith.subi %parallel_loop3A_1198#3, %while3A_1227 : i32
          %ge3A = arith.constant 16 : i32
          %ge3A_1232 = arith.cmpi sge, %sub3A_1231, %ge3A : i32
          scf.condition(%ge3A_1232) %while3A_1227, %while3A_1228, %while3A_1229, %while3A_1230 : i32, f32, vector<16xf32>, vector<16xi32>
        } do {
        ^bb0(%while3A_1227: i32, %while3A_1228: f32, %while3A_1229: vector<16xf32>, %while3A_1230: vector<16xi32>):
          %add3A_1231 = arith.constant 288 : i32
          %add3A_1232 = arith.addi %add3A_1231, %while3A_1227 : i32
          %get3A_1233 = arith.index_cast %add3A_1232 : i32 to index
          %get3A_1234 = tpu.vector_load %arg15[%get3A_1233] {strides = array<i32>} : memref<384xi32, #tpu.memory_space<vmem>>, vector<16xi32>,
          %gather3A_1235 = tpu.vector_load_idx %arg7[%get3A_1234] : memref<16384xf32, #tpu.memory_space<vmem>>[vector<16xi32>], vector<16xf32>,
          %gather3A_1236 = tpu.vector_load_idx %arg8[%get3A_1234] : memref<16384xf32, #tpu.memory_space<vmem>>[vector<16xi32>], vector<16xf32>,
          %gather3A_1237 = tpu.vector_load_idx %arg9[%get3A_1234] : memref<16384xf32, #tpu.memory_space<vmem>>[vector<16xi32>], vector<16xf32>,
          %gather3A_1238 = tpu.vector_load_idx %arg10[%get3A_1234] : memref<16384xf32, #tpu.memory_space<vmem>>[vector<16xi32>], vector<16xf32>,
          %mul3A_1239 = vector.broadcast %squeeze3A_618 : f32 to vector<16xf32>
          %mul3A_1240 = arith.mulf %mul3A_1239, %gather3A_1235 : vector<16xf32>
          %mul3A_1241 = vector.broadcast %squeeze3A_626 : f32 to vector<16xf32>
          %mul3A_1242 = arith.mulf %mul3A_1241, %gather3A_1236 : vector<16xf32>
          %add3A_1243 = arith.addf %mul3A_1240, %mul3A_1242 : vector<16xf32>
          %mul3A_1244 = vector.broadcast %squeeze3A_634 : f32 to vector<16xf32>
          %mul3A_1245 = arith.mulf %mul3A_1244, %gather3A_1237 : vector<16xf32>
          %add3A_1246 = arith.addf %add3A_1243, %mul3A_1245 : vector<16xf32>
          %add3A_1247 = vector.broadcast %squeeze3A_642 : f32 to vector<16xf32>
          %add3A_1248 = arith.addf %add3A_1247, %gather3A_1238 : vector<16xf32>
          %mul3A_1249 = arith.constant 2.000000e+00 : f32
          %mul3A_1250 = vector.broadcast %mul3A_1249 : f32 to vector<16xf32>
          %mul3A_1251 = arith.mulf %mul3A_1250, %add3A_1246 : vector<16xf32>
          %sub3A_1252 = arith.subf %add3A_1248, %mul3A_1251 : vector<16xf32>
          %masked_sort3A_1253 = arith.constant dense<true> : vector<16xi1>
          %masked_sort3A_1254, %masked_sort3A_1255, %masked_sort3A_1256 = tpu.sort %sub3A_1252, %get3A_1234 masked %masked_sort3A_1253 : (vector<16xf32>, vector<16xi32>, vector<16xi1>) -> (vector<16xi1>, vector<16xf32>, vector<16xi32>)
          %rev3A_1257 = arith.constant 15 : i32
          %rev3A_1258 = vector.broadcast %rev3A_1257 : i32 to vector<16xi32>
          %rev3A_1259 = tpu.iota {dimensions = array<i32: 0>} : vector<16xi32>
          %rev3A_1260 = arith.subi %rev3A_1258, %rev3A_1259 : vector<16xi32>
          %rev3A_1261 = tpu.dynamic_gather %masked_sort3A_1255[%rev3A_1260] in [0] : vector<16xf32>, vector<16xi32> -> vector<16xf32>
          %rev3A_1262 = arith.constant 15 : i32
          %rev3A_1263 = vector.broadcast %rev3A_1262 : i32 to vector<16xi32>
          %rev3A_1264 = tpu.iota {dimensions = array<i32: 0>} : vector<16xi32>
          %rev3A_1265 = arith.subi %rev3A_1263, %rev3A_1264 : vector<16xi32>
          %rev3A_1266 = tpu.dynamic_gather %masked_sort3A_1256[%rev3A_1265] in [0] : vector<16xi32>, vector<16xi32> -> vector<16xi32>
          %le3A_1267 = arith.cmpf ole, %while3A_1229, %rev3A_1261 : vector<16xf32>
          %select_n3A_1268 = arith.select %le3A_1267, %while3A_1229, %rev3A_1261 : vector<16xi1>, vector<16xf32>
          %select_n3A_1269 = arith.select %le3A_1267, %while3A_1230, %rev3A_1266 : vector<16xi1>, vector<16xi32>
          %masked_sort3A_1270 = arith.constant dense<true> : vector<16xi1>
          %masked_sort3A_1271, %masked_sort3A_1272, %masked_sort3A_1273 = tpu.sort %select_n3A_1268, %select_n3A_1269 masked %masked_sort3A_1270 : (vector<16xf32>, vector<16xi32>, vector<16xi1>) -> (vector<16xi1>, vector<16xf32>, vector<16xi32>)
          %add3A_1274 = arith.constant 16 : i32
          %add3A_1275 = arith.addi %while3A_1227, %add3A_1274 : i32
          %sub3A_1276 = vector.broadcast %squeeze3A_642 : f32 to vector<16xf32>
          %sub3A_1277 = arith.subf %masked_sort3A_1272, %sub3A_1276 : vector<16xf32>
          %add3A_1278 = arith.constant 9.99999974E-5 : f32
          %add3A_1279 = vector.broadcast %add3A_1278 : f32 to vector<16xf32>
          %add3A_1280 = arith.addf %sub3A_1277, %add3A_1279 : vector<16xf32>
          %reduce_max3A = arith.constant true
          %reduce_max3A_1281 = vector.broadcast %reduce_max3A : i1 to vector<16xi1>
          %reduce_max3A_1282 = tpu.scan <max>, %add3A_1280 masked %reduce_max3A_1281 : vector<16xf32>, vector<16xi1> -> vector<16xf32>
          %reduce_max3A_1283 = vector.extract %reduce_max3A_1282[15] : f32 from vector<16xf32>
          scf.yield %add3A_1275, %reduce_max3A_1283, %masked_sort3A_1272, %masked_sort3A_1273 : i32, f32, vector<16xf32>, vector<16xi32>
        }
        %gt3A_1221 = arith.constant 0 : i32
        %gt3A_1222 = arith.cmpi sgt, %while3A_1220#0, %gt3A_1221 : i32
        %convert_element_type3A_1223 = arith.extui %gt3A_1222 : i1 to i32
        %cond3A_1224 = arith.constant 0 : i32
        %cond3A_1225 = arith.cmpi ne, %convert_element_type3A_1223, %cond3A_1224 : i32
        scf.if %cond3A_1225 {
          %add3A_1227 = arith.constant 288 : i32
          %add3A_1228 = arith.addi %add3A_1227, %while3A_1220#0 : i32
          %get3A_1229 = arith.index_cast %add3A_1228 : i32 to index
          %get3A_1230 = tpu.vector_load %arg15[%get3A_1229] {strides = array<i32>} : memref<384xi32, #tpu.memory_space<vmem>>, vector<16xi32>,
          %swap3A_1231 = arith.constant 288 : index
          %swap3A_1232 = tpu.vector_load %arg15[%swap3A_1231] {strides = array<i32>} : memref<384xi32, #tpu.memory_space<vmem>>, vector<16xi32>,
          tpu.vector_store %arg15[%swap3A_1231], %get3A_1230 {strides = array<i32>} : memref<384xi32, #tpu.memory_space<vmem>>, vector<16xi32>,
        } else {
        }
        %sub3A_1226 = arith.subi %parallel_loop3A_1198#3, %while3A_1220#0 : i32
        scf.yield %sub3A_1202, %while3A_1199#1, %while3A_1199#2, %while3A_1199#3, %sub3A_1210, %while3A_1204#1, %while3A_1204#2, %while3A_1204#3, %sub3A_1218, %while3A_1212#1, %while3A_1212#2, %while3A_1212#3, %sub3A_1226, %while3A_1220#1, %while3A_1220#2, %while3A_1220#3 : i32, f32, vector<16xf32>, vector<16xi32>, i32, f32, vector<16xf32>, vector<16xi32>, i32, f32, vector<16xf32>, vector<16xi32>, i32, f32, vector<16xf32>, vector<16xi32>
      }
      %scan3A_672 = arith.constant 256 : i32
      %lt3A_673 = vector.broadcast %scan3A_671#0 : i32 to vector<16xi32>
      %lt3A_674 = arith.cmpi slt, %iota3A, %lt3A_673 : vector<16xi32>
      %get3A_675 = arith.constant 0 : index
      %get3A_676 = tpu.vector_load %arg15[%get3A_675] {strides = array<i32>} : memref<384xi32, #tpu.memory_space<vmem>>, vector<16xi32>,
      %jit3A_677 = arith.constant 0 : i32
      %broadcast_in_dim3A_678 = vector.broadcast %jit3A_677 : i32 to vector<16xi32>
      %select_n3A_679 = arith.select %lt3A_674, %get3A_676, %broadcast_in_dim3A_678 : vector<16xi1>, vector<16xi32>
      %gather3A_680 = tpu.vector_load_idx %arg7[%select_n3A_679] : memref<16384xf32, #tpu.memory_space<vmem>>[vector<16xi32>], vector<16xf32>,
      %gather3A_681 = tpu.vector_load_idx %arg8[%select_n3A_679] : memref<16384xf32, #tpu.memory_space<vmem>>[vector<16xi32>], vector<16xf32>,
      %gather3A_682 = tpu.vector_load_idx %arg9[%select_n3A_679] : memref<16384xf32, #tpu.memory_space<vmem>>[vector<16xi32>], vector<16xf32>,
      %gather3A_683 = tpu.vector_load_idx %arg10[%select_n3A_679] : memref<16384xf32, #tpu.memory_space<vmem>>[vector<16xi32>], vector<16xf32>,
      %mul3A_684 = vector.broadcast %squeeze3A_612 : f32 to vector<16xf32>
      %mul3A_685 = arith.mulf %mul3A_684, %gather3A_680 : vector<16xf32>
      %mul3A_686 = vector.broadcast %squeeze3A_620 : f32 to vector<16xf32>
      %mul3A_687 = arith.mulf %mul3A_686, %gather3A_681 : vector<16xf32>
      %add3A_688 = arith.addf %mul3A_685, %mul3A_687 : vector<16xf32>
      %mul3A_689 = vector.broadcast %squeeze3A_628 : f32 to vector<16xf32>
      %mul3A_690 = arith.mulf %mul3A_689, %gather3A_682 : vector<16xf32>
      %add3A_691 = arith.addf %add3A_688, %mul3A_690 : vector<16xf32>
      %add3A_692 = vector.broadcast %squeeze3A_636 : f32 to vector<16xf32>
      %add3A_693 = arith.addf %add3A_692, %gather3A_683 : vector<16xf32>
      %mul3A_694 = arith.constant 2.000000e+00 : f32
      %mul3A_695 = vector.broadcast %mul3A_694 : f32 to vector<16xf32>
      %mul3A_696 = arith.mulf %mul3A_695, %add3A_691 : vector<16xf32>
      %sub3A_697 = arith.subf %add3A_693, %mul3A_696 : vector<16xf32>
      %jit3A_698 = arith.constant 0x7F800000 : f32
      %broadcast_in_dim3A_699 = vector.broadcast %jit3A_698 : f32 to vector<16xf32>
      %select_n3A_700 = arith.select %lt3A_674, %sub3A_697, %broadcast_in_dim3A_699 : vector<16xi1>, vector<16xf32>
      %masked_sort3A_701 = arith.constant dense<true> : vector<16xi1>
      %masked_sort3A_702, %masked_sort3A_703, %masked_sort3A_704 = tpu.sort %select_n3A_700, %select_n3A_679 masked %masked_sort3A_701 : (vector<16xf32>, vector<16xi32>, vector<16xi1>) -> (vector<16xi1>, vector<16xf32>, vector<16xi32>)
      %rev3A_705 = arith.constant 15 : i32
      %rev3A_706 = vector.broadcast %rev3A_705 : i32 to vector<16xi32>
      %rev3A_707 = tpu.iota {dimensions = array<i32: 0>} : vector<16xi32>
      %rev3A_708 = arith.subi %rev3A_706, %rev3A_707 : vector<16xi32>
      %rev3A_709 = tpu.dynamic_gather %masked_sort3A_703[%rev3A_708] in [0] : vector<16xf32>, vector<16xi32> -> vector<16xf32>
      %rev3A_710 = arith.constant 15 : i32
      %rev3A_711 = vector.broadcast %rev3A_710 : i32 to vector<16xi32>
      %rev3A_712 = tpu.iota {dimensions = array<i32: 0>} : vector<16xi32>
      %rev3A_713 = arith.subi %rev3A_711, %rev3A_712 : vector<16xi32>
      %rev3A_714 = tpu.dynamic_gather %masked_sort3A_704[%rev3A_713] in [0] : vector<16xi32>, vector<16xi32> -> vector<16xi32>
      %le3A_715 = arith.cmpf ole, %scan3A_671#2, %rev3A_709 : vector<16xf32>
      %select_n3A_716 = arith.select %le3A_715, %scan3A_671#2, %rev3A_709 : vector<16xi1>, vector<16xf32>
      %select_n3A_717 = arith.select %le3A_715, %scan3A_671#3, %rev3A_714 : vector<16xi1>, vector<16xi32>
      %masked_sort3A_718 = arith.constant dense<true> : vector<16xi1>
      %masked_sort3A_719, %masked_sort3A_720, %masked_sort3A_721 = tpu.sort %select_n3A_716, %select_n3A_717 masked %masked_sort3A_718 : (vector<16xf32>, vector<16xi32>, vector<16xi1>) -> (vector<16xi1>, vector<16xf32>, vector<16xi32>)
      %add3A_722 = arith.constant 0 : i32
      %add3A_723 = arith.addi %add3A_610, %add3A_722 : i32
      %mul3A_724 = arith.constant 16 : i32
      %mul3A_725 = arith.muli %add3A_723, %mul3A_724 : i32
      %swap3A_726 = arith.index_cast %mul3A_725 : i32 to index
      %swap3A_727 = tpu.vector_load %arg16[%swap3A_726] {strides = array<i32>} : memref<2048xi32, #tpu.memory_space<vmem>>, vector<16xi32>,
      tpu.vector_store %arg16[%swap3A_726], %masked_sort3A_721 {strides = array<i32>} : memref<2048xi32, #tpu.memory_space<vmem>>, vector<16xi32>,
      %lt3A_728 = vector.broadcast %scan3A_671#4 : i32 to vector<16xi32>
      %lt3A_729 = arith.cmpi slt, %iota3A, %lt3A_728 : vector<16xi32>
      %get3A_730 = arith.constant 96 : index
      %get3A_731 = tpu.vector_load %arg15[%get3A_730] {strides = array<i32>} : memref<384xi32, #tpu.memory_space<vmem>>, vector<16xi32>,
      %jit3A_732 = arith.constant 0 : i32
      %broadcast_in_dim3A_733 = vector.broadcast %jit3A_732 : i32 to vector<16xi32>
      %select_n3A_734 = arith.select %lt3A_729, %get3A_731, %broadcast_in_dim3A_733 : vector<16xi1>, vector<16xi32>
      %gather3A_735 = tpu.vector_load_idx %arg7[%select_n3A_734] : memref<16384xf32, #tpu.memory_space<vmem>>[vector<16xi32>], vector<16xf32>,
      %gather3A_736 = tpu.vector_load_idx %arg8[%select_n3A_734] : memref<16384xf32, #tpu.memory_space<vmem>>[vector<16xi32>], vector<16xf32>,
      %gather3A_737 = tpu.vector_load_idx %arg9[%select_n3A_734] : memref<16384xf32, #tpu.memory_space<vmem>>[vector<16xi32>], vector<16xf32>,
      %gather3A_738 = tpu.vector_load_idx %arg10[%select_n3A_734] : memref<16384xf32, #tpu.memory_space<vmem>>[vector<16xi32>], vector<16xf32>,
      %mul3A_739 = vector.broadcast %squeeze3A_614 : f32 to vector<16xf32>
      %mul3A_740 = arith.mulf %mul3A_739, %gather3A_735 : vector<16xf32>
      %mul3A_741 = vector.broadcast %squeeze3A_622 : f32 to vector<16xf32>
      %mul3A_742 = arith.mulf %mul3A_741, %gather3A_736 : vector<16xf32>
      %add3A_743 = arith.addf %mul3A_740, %mul3A_742 : vector<16xf32>
      %mul3A_744 = vector.broadcast %squeeze3A_630 : f32 to vector<16xf32>
      %mul3A_745 = arith.mulf %mul3A_744, %gather3A_737 : vector<16xf32>
      %add3A_746 = arith.addf %add3A_743, %mul3A_745 : vector<16xf32>
      %add3A_747 = vector.broadcast %squeeze3A_638 : f32 to vector<16xf32>
      %add3A_748 = arith.addf %add3A_747, %gather3A_738 : vector<16xf32>
      %mul3A_749 = arith.constant 2.000000e+00 : f32
      %mul3A_750 = vector.broadcast %mul3A_749 : f32 to vector<16xf32>
      %mul3A_751 = arith.mulf %mul3A_750, %add3A_746 : vector<16xf32>
      %sub3A_752 = arith.subf %add3A_748, %mul3A_751 : vector<16xf32>
      %jit3A_753 = arith.constant 0x7F800000 : f32
      %broadcast_in_dim3A_754 = vector.broadcast %jit3A_753 : f32 to vector<16xf32>
      %select_n3A_755 = arith.select %lt3A_729, %sub3A_752, %broadcast_in_dim3A_754 : vector<16xi1>, vector<16xf32>
      %masked_sort3A_756 = arith.constant dense<true> : vector<16xi1>
      %masked_sort3A_757, %masked_sort3A_758, %masked_sort3A_759 = tpu.sort %select_n3A_755, %select_n3A_734 masked %masked_sort3A_756 : (vector<16xf32>, vector<16xi32>, vector<16xi1>) -> (vector<16xi1>, vector<16xf32>, vector<16xi32>)
      %rev3A_760 = arith.constant 15 : i32
      %rev3A_761 = vector.broadcast %rev3A_760 : i32 to vector<16xi32>
      %rev3A_762 = tpu.iota {dimensions = array<i32: 0>} : vector<16xi32>
      %rev3A_763 = arith.subi %rev3A_761, %rev3A_762 : vector<16xi32>
      %rev3A_764 = tpu.dynamic_gather %masked_sort3A_758[%rev3A_763] in [0] : vector<16xf32>, vector<16xi32> -> vector<16xf32>
      %rev3A_765 = arith.constant 15 : i32
      %rev3A_766 = vector.broadcast %rev3A_765 : i32 to vector<16xi32>
      %rev3A_767 = tpu.iota {dimensions = array<i32: 0>} : vector<16xi32>
      %rev3A_768 = arith.subi %rev3A_766, %rev3A_767 : vector<16xi32>
      %rev3A_769 = tpu.dynamic_gather %masked_sort3A_759[%rev3A_768] in [0] : vector<16xi32>, vector<16xi32> -> vector<16xi32>
      %le3A_770 = arith.cmpf ole, %scan3A_671#6, %rev3A_764 : vector<16xf32>
      %select_n3A_771 = arith.select %le3A_770, %scan3A_671#6, %rev3A_764 : vector<16xi1>, vector<16xf32>
      %select_n3A_772 = arith.select %le3A_770, %scan3A_671#7, %rev3A_769 : vector<16xi1>, vector<16xi32>
      %masked_sort3A_773 = arith.constant dense<true> : vector<16xi1>
      %masked_sort3A_774, %masked_sort3A_775, %masked_sort3A_776 = tpu.sort %select_n3A_771, %select_n3A_772 masked %masked_sort3A_773 : (vector<16xf32>, vector<16xi32>, vector<16xi1>) -> (vector<16xi1>, vector<16xf32>, vector<16xi32>)
      %add3A_777 = arith.constant 1 : i32
      %add3A_778 = arith.addi %add3A_610, %add3A_777 : i32
      %mul3A_779 = arith.constant 16 : i32
      %mul3A_780 = arith.muli %add3A_778, %mul3A_779 : i32
      %swap3A_781 = arith.index_cast %mul3A_780 : i32 to index
      %swap3A_782 = tpu.vector_load %arg16[%swap3A_781] {strides = array<i32>} : memref<2048xi32, #tpu.memory_space<vmem>>, vector<16xi32>,
      tpu.vector_store %arg16[%swap3A_781], %masked_sort3A_776 {strides = array<i32>} : memref<2048xi32, #tpu.memory_space<vmem>>, vector<16xi32>,
      %lt3A_783 = vector.broadcast %scan3A_671#8 : i32 to vector<16xi32>
      %lt3A_784 = arith.cmpi slt, %iota3A, %lt3A_783 : vector<16xi32>
      %get3A_785 = arith.constant 192 : index
      %get3A_786 = tpu.vector_load %arg15[%get3A_785] {strides = array<i32>} : memref<384xi32, #tpu.memory_space<vmem>>, vector<16xi32>,
      %jit3A_787 = arith.constant 0 : i32
      %broadcast_in_dim3A_788 = vector.broadcast %jit3A_787 : i32 to vector<16xi32>
      %select_n3A_789 = arith.select %lt3A_784, %get3A_786, %broadcast_in_dim3A_788 : vector<16xi1>, vector<16xi32>
      %gather3A_790 = tpu.vector_load_idx %arg7[%select_n3A_789] : memref<16384xf32, #tpu.memory_space<vmem>>[vector<16xi32>], vector<16xf32>,
      %gather3A_791 = tpu.vector_load_idx %arg8[%select_n3A_789] : memref<16384xf32, #tpu.memory_space<vmem>>[vector<16xi32>], vector<16xf32>,
      %gather3A_792 = tpu.vector_load_idx %arg9[%select_n3A_789] : memref<16384xf32, #tpu.memory_space<vmem>>[vector<16xi32>], vector<16xf32>,
      %gather3A_793 = tpu.vector_load_idx %arg10[%select_n3A_789] : memref<16384xf32, #tpu.memory_space<vmem>>[vector<16xi32>], vector<16xf32>,
      %mul3A_794 = vector.broadcast %squeeze3A_616 : f32 to vector<16xf32>
      %mul3A_795 = arith.mulf %mul3A_794, %gather3A_790 : vector<16xf32>
      %mul3A_796 = vector.broadcast %squeeze3A_624 : f32 to vector<16xf32>
      %mul3A_797 = arith.mulf %mul3A_796, %gather3A_791 : vector<16xf32>
      %add3A_798 = arith.addf %mul3A_795, %mul3A_797 : vector<16xf32>
      %mul3A_799 = vector.broadcast %squeeze3A_632 : f32 to vector<16xf32>
      %mul3A_800 = arith.mulf %mul3A_799, %gather3A_792 : vector<16xf32>
      %add3A_801 = arith.addf %add3A_798, %mul3A_800 : vector<16xf32>
      %add3A_802 = vector.broadcast %squeeze3A_640 : f32 to vector<16xf32>
      %add3A_803 = arith.addf %add3A_802, %gather3A_793 : vector<16xf32>
      %mul3A_804 = arith.constant 2.000000e+00 : f32
      %mul3A_805 = vector.broadcast %mul3A_804 : f32 to vector<16xf32>
      %mul3A_806 = arith.mulf %mul3A_805, %add3A_801 : vector<16xf32>
      %sub3A_807 = arith.subf %add3A_803, %mul3A_806 : vector<16xf32>
      %jit3A_808 = arith.constant 0x7F800000 : f32
      %broadcast_in_dim3A_809 = vector.broadcast %jit3A_808 : f32 to vector<16xf32>
      %select_n3A_810 = arith.select %lt3A_784, %sub3A_807, %broadcast_in_dim3A_809 : vector<16xi1>, vector<16xf32>
      %masked_sort3A_811 = arith.constant dense<true> : vector<16xi1>
      %masked_sort3A_812, %masked_sort3A_813, %masked_sort3A_814 = tpu.sort %select_n3A_810, %select_n3A_789 masked %masked_sort3A_811 : (vector<16xf32>, vector<16xi32>, vector<16xi1>) -> (vector<16xi1>, vector<16xf32>, vector<16xi32>)
      %rev3A_815 = arith.constant 15 : i32
      %rev3A_816 = vector.broadcast %rev3A_815 : i32 to vector<16xi32>
      %rev3A_817 = tpu.iota {dimensions = array<i32: 0>} : vector<16xi32>
      %rev3A_818 = arith.subi %rev3A_816, %rev3A_817 : vector<16xi32>
      %rev3A_819 = tpu.dynamic_gather %masked_sort3A_813[%rev3A_818] in [0] : vector<16xf32>, vector<16xi32> -> vector<16xf32>
      %rev3A_820 = arith.constant 15 : i32
      %rev3A_821 = vector.broadcast %rev3A_820 : i32 to vector<16xi32>
      %rev3A_822 = tpu.iota {dimensions = array<i32: 0>} : vector<16xi32>
      %rev3A_823 = arith.subi %rev3A_821, %rev3A_822 : vector<16xi32>
      %rev3A_824 = tpu.dynamic_gather %masked_sort3A_814[%rev3A_823] in [0] : vector<16xi32>, vector<16xi32> -> vector<16xi32>
      %le3A_825 = arith.cmpf ole, %scan3A_671#10, %rev3A_819 : vector<16xf32>
      %select_n3A_826 = arith.select %le3A_825, %scan3A_671#10, %rev3A_819 : vector<16xi1>, vector<16xf32>
      %select_n3A_827 = arith.select %le3A_825, %scan3A_671#11, %rev3A_824 : vector<16xi1>, vector<16xi32>
      %masked_sort3A_828 = arith.constant dense<true> : vector<16xi1>
      %masked_sort3A_829, %masked_sort3A_830, %masked_sort3A_831 = tpu.sort %select_n3A_826, %select_n3A_827 masked %masked_sort3A_828 : (vector<16xf32>, vector<16xi32>, vector<16xi1>) -> (vector<16xi1>, vector<16xf32>, vector<16xi32>)
      %add3A_832 = arith.constant 2 : i32
      %add3A_833 = arith.addi %add3A_610, %add3A_832 : i32
      %mul3A_834 = arith.constant 16 : i32
      %mul3A_835 = arith.muli %add3A_833, %mul3A_834 : i32
      %swap3A_836 = arith.index_cast %mul3A_835 : i32 to index
      %swap3A_837 = tpu.vector_load %arg16[%swap3A_836] {strides = array<i32>} : memref<2048xi32, #tpu.memory_space<vmem>>, vector<16xi32>,
      tpu.vector_store %arg16[%swap3A_836], %masked_sort3A_831 {strides = array<i32>} : memref<2048xi32, #tpu.memory_space<vmem>>, vector<16xi32>,
      %lt3A_838 = vector.broadcast %scan3A_671#12 : i32 to vector<16xi32>
      %lt3A_839 = arith.cmpi slt, %iota3A, %lt3A_838 : vector<16xi32>
      %get3A_840 = arith.constant 288 : index
      %get3A_841 = tpu.vector_load %arg15[%get3A_840] {strides = array<i32>} : memref<384xi32, #tpu.memory_space<vmem>>, vector<16xi32>,
      %jit3A_842 = arith.constant 0 : i32
      %broadcast_in_dim3A_843 = vector.broadcast %jit3A_842 : i32 to vector<16xi32>
      %select_n3A_844 = arith.select %lt3A_839, %get3A_841, %broadcast_in_dim3A_843 : vector<16xi1>, vector<16xi32>
      %gather3A_845 = tpu.vector_load_idx %arg7[%select_n3A_844] : memref<16384xf32, #tpu.memory_space<vmem>>[vector<16xi32>], vector<16xf32>,
      %gather3A_846 = tpu.vector_load_idx %arg8[%select_n3A_844] : memref<16384xf32, #tpu.memory_space<vmem>>[vector<16xi32>], vector<16xf32>,
      %gather3A_847 = tpu.vector_load_idx %arg9[%select_n3A_844] : memref<16384xf32, #tpu.memory_space<vmem>>[vector<16xi32>], vector<16xf32>,
      %gather3A_848 = tpu.vector_load_idx %arg10[%select_n3A_844] : memref<16384xf32, #tpu.memory_space<vmem>>[vector<16xi32>], vector<16xf32>,
      %mul3A_849 = vector.broadcast %squeeze3A_618 : f32 to vector<16xf32>
      %mul3A_850 = arith.mulf %mul3A_849, %gather3A_845 : vector<16xf32>
      %mul3A_851 = vector.broadcast %squeeze3A_626 : f32 to vector<16xf32>
      %mul3A_852 = arith.mulf %mul3A_851, %gather3A_846 : vector<16xf32>
      %add3A_853 = arith.addf %mul3A_850, %mul3A_852 : vector<16xf32>
      %mul3A_854 = vector.broadcast %squeeze3A_634 : f32 to vector<16xf32>
      %mul3A_855 = arith.mulf %mul3A_854, %gather3A_847 : vector<16xf32>
      %add3A_856 = arith.addf %add3A_853, %mul3A_855 : vector<16xf32>
      %add3A_857 = vector.broadcast %squeeze3A_642 : f32 to vector<16xf32>
      %add3A_858 = arith.addf %add3A_857, %gather3A_848 : vector<16xf32>
      %mul3A_859 = arith.constant 2.000000e+00 : f32
      %mul3A_860 = vector.broadcast %mul3A_859 : f32 to vector<16xf32>
      %mul3A_861 = arith.mulf %mul3A_860, %add3A_856 : vector<16xf32>
      %sub3A_862 = arith.subf %add3A_858, %mul3A_861 : vector<16xf32>
      %jit3A_863 = arith.constant 0x7F800000 : f32
      %broadcast_in_dim3A_864 = vector.broadcast %jit3A_863 : f32 to vector<16xf32>
      %select_n3A_865 = arith.select %lt3A_839, %sub3A_862, %broadcast_in_dim3A_864 : vector<16xi1>, vector<16xf32>
      %masked_sort3A_866 = arith.constant dense<true> : vector<16xi1>
      %masked_sort3A_867, %masked_sort3A_868, %masked_sort3A_869 = tpu.sort %select_n3A_865, %select_n3A_844 masked %masked_sort3A_866 : (vector<16xf32>, vector<16xi32>, vector<16xi1>) -> (vector<16xi1>, vector<16xf32>, vector<16xi32>)
      %rev3A_870 = arith.constant 15 : i32
      %rev3A_871 = vector.broadcast %rev3A_870 : i32 to vector<16xi32>
      %rev3A_872 = tpu.iota {dimensions = array<i32: 0>} : vector<16xi32>
      %rev3A_873 = arith.subi %rev3A_871, %rev3A_872 : vector<16xi32>
      %rev3A_874 = tpu.dynamic_gather %masked_sort3A_868[%rev3A_873] in [0] : vector<16xf32>, vector<16xi32> -> vector<16xf32>
      %rev3A_875 = arith.constant 15 : i32
      %rev3A_876 = vector.broadcast %rev3A_875 : i32 to vector<16xi32>
      %rev3A_877 = tpu.iota {dimensions = array<i32: 0>} : vector<16xi32>
      %rev3A_878 = arith.subi %rev3A_876, %rev3A_877 : vector<16xi32>
      %rev3A_879 = tpu.dynamic_gather %masked_sort3A_869[%rev3A_878] in [0] : vector<16xi32>, vector<16xi32> -> vector<16xi32>
      %le3A_880 = arith.cmpf ole, %scan3A_671#14, %rev3A_874 : vector<16xf32>
      %select_n3A_881 = arith.select %le3A_880, %scan3A_671#14, %rev3A_874 : vector<16xi1>, vector<16xf32>
      %select_n3A_882 = arith.select %le3A_880, %scan3A_671#15, %rev3A_879 : vector<16xi1>, vector<16xi32>
      %masked_sort3A_883 = arith.constant dense<true> : vector<16xi1>
      %masked_sort3A_884, %masked_sort3A_885, %masked_sort3A_886 = tpu.sort %select_n3A_881, %select_n3A_882 masked %masked_sort3A_883 : (vector<16xf32>, vector<16xi32>, vector<16xi1>) -> (vector<16xi1>, vector<16xf32>, vector<16xi32>)
      %add3A_887 = arith.constant 3 : i32
      %add3A_888 = arith.addi %add3A_610, %add3A_887 : i32
      %mul3A_889 = arith.constant 16 : i32
      %mul3A_890 = arith.muli %add3A_888, %mul3A_889 : i32
      %swap3A_891 = arith.index_cast %mul3A_890 : i32 to index
      %swap3A_892 = tpu.vector_load %arg16[%swap3A_891] {strides = array<i32>} : memref<2048xi32, #tpu.memory_space<vmem>>, vector<16xi32>,
      tpu.vector_store %arg16[%swap3A_891], %masked_sort3A_886 {strides = array<i32>} : memref<2048xi32, #tpu.memory_space<vmem>>, vector<16xi32>,
      %add3A_893 = arith.constant 12 : i32
      %add3A_894 = arith.addi %mul3A_45, %add3A_893 : i32
      %slice3A_895 = vector.extract_strided_slice %get3A_46 {offsets = [12], sizes = [1], strides = [1]} : vector<16xf32> to vector<1xf32>
      %squeeze3A_896 = vector.extract %slice3A_895[0] : f32 from vector<1xf32>
      %slice3A_897 = vector.extract_strided_slice %get3A_46 {offsets = [13], sizes = [1], strides = [1]} : vector<16xf32> to vector<1xf32>
      %squeeze3A_898 = vector.extract %slice3A_897[0] : f32 from vector<1xf32>
      %slice3A_899 = vector.extract_strided_slice %get3A_46 {offsets = [14], sizes = [1], strides = [1]} : vector<16xf32> to vector<1xf32>
      %squeeze3A_900 = vector.extract %slice3A_899[0] : f32 from vector<1xf32>
      %slice3A_901 = vector.extract_strided_slice %get3A_46 {offsets = [15], sizes = [1], strides = [1]} : vector<16xf32> to vector<1xf32>
      %squeeze3A_902 = vector.extract %slice3A_901[0] : f32 from vector<1xf32>
      %slice3A_903 = vector.extract_strided_slice %get3A_48 {offsets = [12], sizes = [1], strides = [1]} : vector<16xf32> to vector<1xf32>
      %squeeze3A_904 = vector.extract %slice3A_903[0] : f32 from vector<1xf32>
      %slice3A_905 = vector.extract_strided_slice %get3A_48 {offsets = [13], sizes = [1], strides = [1]} : vector<16xf32> to vector<1xf32>
      %squeeze3A_906 = vector.extract %slice3A_905[0] : f32 from vector<1xf32>
      %slice3A_907 = vector.extract_strided_slice %get3A_48 {offsets = [14], sizes = [1], strides = [1]} : vector<16xf32> to vector<1xf32>
      %squeeze3A_908 = vector.extract %slice3A_907[0] : f32 from vector<1xf32>
      %slice3A_909 = vector.extract_strided_slice %get3A_48 {offsets = [15], sizes = [1], strides = [1]} : vector<16xf32> to vector<1xf32>
      %squeeze3A_910 = vector.extract %slice3A_909[0] : f32 from vector<1xf32>
      %slice3A_911 = vector.extract_strided_slice %get3A_50 {offsets = [12], sizes = [1], strides = [1]} : vector<16xf32> to vector<1xf32>
      %squeeze3A_912 = vector.extract %slice3A_911[0] : f32 from vector<1xf32>
      %slice3A_913 = vector.extract_strided_slice %get3A_50 {offsets = [13], sizes = [1], strides = [1]} : vector<16xf32> to vector<1xf32>
      %squeeze3A_914 = vector.extract %slice3A_913[0] : f32 from vector<1xf32>
      %slice3A_915 = vector.extract_strided_slice %get3A_50 {offsets = [14], sizes = [1], strides = [1]} : vector<16xf32> to vector<1xf32>
      %squeeze3A_916 = vector.extract %slice3A_915[0] : f32 from vector<1xf32>
      %slice3A_917 = vector.extract_strided_slice %get3A_50 {offsets = [15], sizes = [1], strides = [1]} : vector<16xf32> to vector<1xf32>
      %squeeze3A_918 = vector.extract %slice3A_917[0] : f32 from vector<1xf32>
      %slice3A_919 = vector.extract_strided_slice %get3A_52 {offsets = [12], sizes = [1], strides = [1]} : vector<16xf32> to vector<1xf32>
      %squeeze3A_920 = vector.extract %slice3A_919[0] : f32 from vector<1xf32>
      %slice3A_921 = vector.extract_strided_slice %get3A_52 {offsets = [13], sizes = [1], strides = [1]} : vector<16xf32> to vector<1xf32>
      %squeeze3A_922 = vector.extract %slice3A_921[0] : f32 from vector<1xf32>
      %slice3A_923 = vector.extract_strided_slice %get3A_52 {offsets = [14], sizes = [1], strides = [1]} : vector<16xf32> to vector<1xf32>
      %squeeze3A_924 = vector.extract %slice3A_923[0] : f32 from vector<1xf32>
      %slice3A_925 = vector.extract_strided_slice %get3A_52 {offsets = [15], sizes = [1], strides = [1]} : vector<16xf32> to vector<1xf32>
      %squeeze3A_926 = vector.extract %slice3A_925[0] : f32 from vector<1xf32>
      %broadcast_in_dim3A_927 = arith.constant 0x7F800000 : f32
      %broadcast_in_dim3A_928 = vector.broadcast %broadcast_in_dim3A_927 : f32 to vector<16xf32>
      %broadcast_in_dim3A_929 = arith.constant 0 : i32
      %broadcast_in_dim3A_930 = vector.broadcast %broadcast_in_dim3A_929 : i32 to vector<16xi32>
      %broadcast_in_dim3A_931 = arith.constant 0x7F800000 : f32
      %broadcast_in_dim3A_932 = vector.broadcast %broadcast_in_dim3A_931 : f32 to vector<16xf32>
      %broadcast_in_dim3A_933 = arith.constant 0 : i32
      %broadcast_in_dim3A_934 = vector.broadcast %broadcast_in_dim3A_933 : i32 to vector<16xi32>
      %broadcast_in_dim3A_935 = arith.constant 0x7F800000 : f32
      %broadcast_in_dim3A_936 = vector.broadcast %broadcast_in_dim3A_935 : f32 to vector<16xf32>
      %broadcast_in_dim3A_937 = arith.constant 0 : i32
      %broadcast_in_dim3A_938 = vector.broadcast %broadcast_in_dim3A_937 : i32 to vector<16xi32>
      %broadcast_in_dim3A_939 = arith.constant 0x7F800000 : f32
      %broadcast_in_dim3A_940 = vector.broadcast %broadcast_in_dim3A_939 : f32 to vector<16xf32>
      %broadcast_in_dim3A_941 = arith.constant 0 : i32
      %broadcast_in_dim3A_942 = vector.broadcast %broadcast_in_dim3A_941 : i32 to vector<16xi32>
      %scan3A_943 = arith.constant 0 : i32
      %scan3A_944 = arith.constant 0x7F800000 : f32
      %scan3A_945 = arith.constant 0 : i32
      %scan3A_946 = arith.constant 0x7F800000 : f32
      %scan3A_947 = arith.constant 0 : i32
      %scan3A_948 = arith.constant 0x7F800000 : f32
      %scan3A_949 = arith.constant 0 : i32
      %scan3A_950 = arith.constant 0x7F800000 : f32
      %scan3A_951 = arith.constant 0 : i32
      %scan3A_952 = arith.constant 256 : i32
      %scan3A_953 = arith.addi %scan3A_951, %scan3A_952 : i32
      %scan3A_954 = arith.constant 1 : i32
      %scan3A_955:16 = scf.for %scan3A_1177 = %scan3A_951 to %scan3A_953 step %scan3A_954 iter_args(%scan3A_1178 = %scan3A_943, %scan3A_1179 = %scan3A_944, %scan3A_1180 = %broadcast_in_dim3A_928, %scan3A_1181 = %broadcast_in_dim3A_930, %scan3A_1182 = %scan3A_945, %scan3A_1183 = %scan3A_946, %scan3A_1184 = %broadcast_in_dim3A_932, %scan3A_1185 = %broadcast_in_dim3A_934, %scan3A_1186 = %scan3A_947, %scan3A_1187 = %scan3A_948, %scan3A_1188 = %broadcast_in_dim3A_936, %scan3A_1189 = %broadcast_in_dim3A_938, %scan3A_1190 = %scan3A_949, %scan3A_1191 = %scan3A_950, %scan3A_1192 = %broadcast_in_dim3A_940, %scan3A_1193 = %broadcast_in_dim3A_942) -> (i32, f32, vector<16xf32>, vector<16xi32>, i32, f32, vector<16xf32>, vector<16xi32>, i32, f32, vector<16xf32>, vector<16xi32>, i32, f32, vector<16xf32>, vector<16xi32>)  : i32 {
        %mul3A_1194 = arith.constant 64 : i32
        %mul3A_1195 = arith.muli %scan3A_1177, %mul3A_1194 : i32
        %parallel_loop3A = arith.constant 0 : i32
        %parallel_loop3A_1196 = arith.constant 4 : i32
        %parallel_loop3A_1197 = arith.constant 1 : i32
        %parallel_loop3A_1198:4 = scf.for %parallel_loop3A_1227 = %parallel_loop3A to %parallel_loop3A_1196 step %parallel_loop3A_1197 iter_args(%parallel_loop3A_1228 = %scan3A_1178, %parallel_loop3A_1229 = %scan3A_1182, %parallel_loop3A_1230 = %scan3A_1186, %parallel_loop3A_1231 = %scan3A_1190) -> (i32, i32, i32, i32)  : i32 {
          %parallel_loop3A_1232 = arith.constant 16 : i32
          %parallel_loop3A_1233 = arith.muli %parallel_loop3A_1227, %parallel_loop3A_1232 : i32
          %parallel_loop3A_1234 = arith.addi %mul3A_1195, %parallel_loop3A_1233 : i32
          %parallel_loop3A_1235 = arith.index_cast %parallel_loop3A_1234 : i32 to index
          %parallel_loop3A_1236 = tpu.vector_load %arg7[%parallel_loop3A_1235] {strides = array<i32>} : memref<16384xf32, #tpu.memory_space<vmem>>, vector<16xf32>,
          %parallel_loop3A_1237 = arith.index_cast %parallel_loop3A_1234 : i32 to index
          %parallel_loop3A_1238 = tpu.vector_load %arg8[%parallel_loop3A_1237] {strides = array<i32>} : memref<16384xf32, #tpu.memory_space<vmem>>, vector<16xf32>,
          %parallel_loop3A_1239 = arith.index_cast %parallel_loop3A_1234 : i32 to index
          %parallel_loop3A_1240 = tpu.vector_load %arg9[%parallel_loop3A_1239] {strides = array<i32>} : memref<16384xf32, #tpu.memory_space<vmem>>, vector<16xf32>,
          %parallel_loop3A_1241 = arith.index_cast %parallel_loop3A_1234 : i32 to index
          %parallel_loop3A_1242 = tpu.vector_load %arg10[%parallel_loop3A_1241] {strides = array<i32>} : memref<16384xf32, #tpu.memory_space<vmem>>, vector<16xf32>,
          %parallel_loop3A_1243 = vector.broadcast %parallel_loop3A_1234 : i32 to vector<16xi32>
          %parallel_loop3A_1244 = arith.addi %iota3A, %parallel_loop3A_1243 : vector<16xi32>
          %parallel_loop3A_1245 = vector.broadcast %squeeze3A_896 : f32 to vector<16xf32>
          %parallel_loop3A_1246 = arith.mulf %parallel_loop3A_1245, %parallel_loop3A_1236 : vector<16xf32>
          %parallel_loop3A_1247 = vector.broadcast %squeeze3A_904 : f32 to vector<16xf32>
          %parallel_loop3A_1248 = arith.mulf %parallel_loop3A_1247, %parallel_loop3A_1238 : vector<16xf32>
          %parallel_loop3A_1249 = arith.addf %parallel_loop3A_1246, %parallel_loop3A_1248 : vector<16xf32>
          %parallel_loop3A_1250 = vector.broadcast %squeeze3A_912 : f32 to vector<16xf32>
          %parallel_loop3A_1251 = arith.mulf %parallel_loop3A_1250, %parallel_loop3A_1240 : vector<16xf32>
          %parallel_loop3A_1252 = arith.addf %parallel_loop3A_1249, %parallel_loop3A_1251 : vector<16xf32>
          %parallel_loop3A_1253 = arith.constant 2.000000e+00 : f32
          %parallel_loop3A_1254 = vector.broadcast %parallel_loop3A_1253 : f32 to vector<16xf32>
          %parallel_loop3A_1255 = arith.mulf %parallel_loop3A_1254, %parallel_loop3A_1252 : vector<16xf32>
          %parallel_loop3A_1256 = arith.subf %parallel_loop3A_1242, %parallel_loop3A_1255 : vector<16xf32>
          %parallel_loop3A_1257 = vector.broadcast %scan3A_1179 : f32 to vector<16xf32>
          %parallel_loop3A_1258 = arith.cmpf olt, %parallel_loop3A_1256, %parallel_loop3A_1257 : vector<16xf32>
          %parallel_loop3A_1259 = arith.constant 1 : i32
          %parallel_loop3A_1260 = arith.constant 0 : i32
          %parallel_loop3A_1261 = vector.broadcast %parallel_loop3A_1259 : i32 to vector<16xi32>
          %parallel_loop3A_1262 = vector.broadcast %parallel_loop3A_1260 : i32 to vector<16xi32>
          %parallel_loop3A_1263 = arith.select %parallel_loop3A_1258, %parallel_loop3A_1261, %parallel_loop3A_1262 : vector<16xi1>, vector<16xi32>
          %parallel_loop3A_1264 = arith.constant true
          %parallel_loop3A_1265 = vector.broadcast %parallel_loop3A_1264 : i1 to vector<16xi1>
          %parallel_loop3A_1266 = tpu.scan <sum>, %parallel_loop3A_1263 masked %parallel_loop3A_1265 : vector<16xi32>, vector<16xi1> -> vector<16xi32>
          %parallel_loop3A_1267 = arith.constant -1 : i32
          %parallel_loop3A_1268 = arith.addi %parallel_loop3A_1267, %parallel_loop3A_1228 : i32
          %parallel_loop3A_1269 = vector.broadcast %parallel_loop3A_1268 : i32 to vector<16xi32>
          %parallel_loop3A_1270 = arith.addi %parallel_loop3A_1269, %parallel_loop3A_1266 : vector<16xi32>
          tpu.vector_store_idx %arg15[%parallel_loop3A_1270], %parallel_loop3A_1244 masked %parallel_loop3A_1258 : memref<384xi32, #tpu.memory_space<vmem>>[vector<16xi32>], vector<16xi32>, vector<16xi1>
          %parallel_loop3A_1271 = vector.extract_strided_slice %parallel_loop3A_1266 {offsets = [15], sizes = [1], strides = [1]} : vector<16xi32> to vector<1xi32>
          %parallel_loop3A_1272 = vector.extract %parallel_loop3A_1271[0] : i32 from vector<1xi32>
          %parallel_loop3A_1273 = arith.addi %parallel_loop3A_1228, %parallel_loop3A_1272 : i32
          %parallel_loop3A_1274 = vector.broadcast %squeeze3A_898 : f32 to vector<16xf32>
          %parallel_loop3A_1275 = arith.mulf %parallel_loop3A_1274, %parallel_loop3A_1236 : vector<16xf32>
          %parallel_loop3A_1276 = vector.broadcast %squeeze3A_906 : f32 to vector<16xf32>
          %parallel_loop3A_1277 = arith.mulf %parallel_loop3A_1276, %parallel_loop3A_1238 : vector<16xf32>
          %parallel_loop3A_1278 = arith.addf %parallel_loop3A_1275, %parallel_loop3A_1277 : vector<16xf32>
          %parallel_loop3A_1279 = vector.broadcast %squeeze3A_914 : f32 to vector<16xf32>
          %parallel_loop3A_1280 = arith.mulf %parallel_loop3A_1279, %parallel_loop3A_1240 : vector<16xf32>
          %parallel_loop3A_1281 = arith.addf %parallel_loop3A_1278, %parallel_loop3A_1280 : vector<16xf32>
          %parallel_loop3A_1282 = arith.constant 2.000000e+00 : f32
          %parallel_loop3A_1283 = vector.broadcast %parallel_loop3A_1282 : f32 to vector<16xf32>
          %parallel_loop3A_1284 = arith.mulf %parallel_loop3A_1283, %parallel_loop3A_1281 : vector<16xf32>
          %parallel_loop3A_1285 = arith.subf %parallel_loop3A_1242, %parallel_loop3A_1284 : vector<16xf32>
          %parallel_loop3A_1286 = vector.broadcast %scan3A_1183 : f32 to vector<16xf32>
          %parallel_loop3A_1287 = arith.cmpf olt, %parallel_loop3A_1285, %parallel_loop3A_1286 : vector<16xf32>
          %parallel_loop3A_1288 = arith.constant 1 : i32
          %parallel_loop3A_1289 = arith.constant 0 : i32
          %parallel_loop3A_1290 = vector.broadcast %parallel_loop3A_1288 : i32 to vector<16xi32>
          %parallel_loop3A_1291 = vector.broadcast %parallel_loop3A_1289 : i32 to vector<16xi32>
          %parallel_loop3A_1292 = arith.select %parallel_loop3A_1287, %parallel_loop3A_1290, %parallel_loop3A_1291 : vector<16xi1>, vector<16xi32>
          %parallel_loop3A_1293 = arith.constant true
          %parallel_loop3A_1294 = vector.broadcast %parallel_loop3A_1293 : i1 to vector<16xi1>
          %parallel_loop3A_1295 = tpu.scan <sum>, %parallel_loop3A_1292 masked %parallel_loop3A_1294 : vector<16xi32>, vector<16xi1> -> vector<16xi32>
          %parallel_loop3A_1296 = arith.constant 95 : i32
          %parallel_loop3A_1297 = arith.addi %parallel_loop3A_1296, %parallel_loop3A_1229 : i32
          %parallel_loop3A_1298 = vector.broadcast %parallel_loop3A_1297 : i32 to vector<16xi32>
          %parallel_loop3A_1299 = arith.addi %parallel_loop3A_1298, %parallel_loop3A_1295 : vector<16xi32>
          tpu.vector_store_idx %arg15[%parallel_loop3A_1299], %parallel_loop3A_1244 masked %parallel_loop3A_1287 : memref<384xi32, #tpu.memory_space<vmem>>[vector<16xi32>], vector<16xi32>, vector<16xi1>
          %parallel_loop3A_1300 = vector.extract_strided_slice %parallel_loop3A_1295 {offsets = [15], sizes = [1], strides = [1]} : vector<16xi32> to vector<1xi32>
          %parallel_loop3A_1301 = vector.extract %parallel_loop3A_1300[0] : i32 from vector<1xi32>
          %parallel_loop3A_1302 = arith.addi %parallel_loop3A_1229, %parallel_loop3A_1301 : i32
          %parallel_loop3A_1303 = vector.broadcast %squeeze3A_900 : f32 to vector<16xf32>
          %parallel_loop3A_1304 = arith.mulf %parallel_loop3A_1303, %parallel_loop3A_1236 : vector<16xf32>
          %parallel_loop3A_1305 = vector.broadcast %squeeze3A_908 : f32 to vector<16xf32>
          %parallel_loop3A_1306 = arith.mulf %parallel_loop3A_1305, %parallel_loop3A_1238 : vector<16xf32>
          %parallel_loop3A_1307 = arith.addf %parallel_loop3A_1304, %parallel_loop3A_1306 : vector<16xf32>
          %parallel_loop3A_1308 = vector.broadcast %squeeze3A_916 : f32 to vector<16xf32>
          %parallel_loop3A_1309 = arith.mulf %parallel_loop3A_1308, %parallel_loop3A_1240 : vector<16xf32>
          %parallel_loop3A_1310 = arith.addf %parallel_loop3A_1307, %parallel_loop3A_1309 : vector<16xf32>
          %parallel_loop3A_1311 = arith.constant 2.000000e+00 : f32
          %parallel_loop3A_1312 = vector.broadcast %parallel_loop3A_1311 : f32 to vector<16xf32>
          %parallel_loop3A_1313 = arith.mulf %parallel_loop3A_1312, %parallel_loop3A_1310 : vector<16xf32>
          %parallel_loop3A_1314 = arith.subf %parallel_loop3A_1242, %parallel_loop3A_1313 : vector<16xf32>
          %parallel_loop3A_1315 = vector.broadcast %scan3A_1187 : f32 to vector<16xf32>
          %parallel_loop3A_1316 = arith.cmpf olt, %parallel_loop3A_1314, %parallel_loop3A_1315 : vector<16xf32>
          %parallel_loop3A_1317 = arith.constant 1 : i32
          %parallel_loop3A_1318 = arith.constant 0 : i32
          %parallel_loop3A_1319 = vector.broadcast %parallel_loop3A_1317 : i32 to vector<16xi32>
          %parallel_loop3A_1320 = vector.broadcast %parallel_loop3A_1318 : i32 to vector<16xi32>
          %parallel_loop3A_1321 = arith.select %parallel_loop3A_1316, %parallel_loop3A_1319, %parallel_loop3A_1320 : vector<16xi1>, vector<16xi32>
          %parallel_loop3A_1322 = arith.constant true
          %parallel_loop3A_1323 = vector.broadcast %parallel_loop3A_1322 : i1 to vector<16xi1>
          %parallel_loop3A_1324 = tpu.scan <sum>, %parallel_loop3A_1321 masked %parallel_loop3A_1323 : vector<16xi32>, vector<16xi1> -> vector<16xi32>
          %parallel_loop3A_1325 = arith.constant 191 : i32
          %parallel_loop3A_1326 = arith.addi %parallel_loop3A_1325, %parallel_loop3A_1230 : i32
          %parallel_loop3A_1327 = vector.broadcast %parallel_loop3A_1326 : i32 to vector<16xi32>
          %parallel_loop3A_1328 = arith.addi %parallel_loop3A_1327, %parallel_loop3A_1324 : vector<16xi32>
          tpu.vector_store_idx %arg15[%parallel_loop3A_1328], %parallel_loop3A_1244 masked %parallel_loop3A_1316 : memref<384xi32, #tpu.memory_space<vmem>>[vector<16xi32>], vector<16xi32>, vector<16xi1>
          %parallel_loop3A_1329 = vector.extract_strided_slice %parallel_loop3A_1324 {offsets = [15], sizes = [1], strides = [1]} : vector<16xi32> to vector<1xi32>
          %parallel_loop3A_1330 = vector.extract %parallel_loop3A_1329[0] : i32 from vector<1xi32>
          %parallel_loop3A_1331 = arith.addi %parallel_loop3A_1230, %parallel_loop3A_1330 : i32
          %parallel_loop3A_1332 = vector.broadcast %squeeze3A_902 : f32 to vector<16xf32>
          %parallel_loop3A_1333 = arith.mulf %parallel_loop3A_1332, %parallel_loop3A_1236 : vector<16xf32>
          %parallel_loop3A_1334 = vector.broadcast %squeeze3A_910 : f32 to vector<16xf32>
          %parallel_loop3A_1335 = arith.mulf %parallel_loop3A_1334, %parallel_loop3A_1238 : vector<16xf32>
          %parallel_loop3A_1336 = arith.addf %parallel_loop3A_1333, %parallel_loop3A_1335 : vector<16xf32>
          %parallel_loop3A_1337 = vector.broadcast %squeeze3A_918 : f32 to vector<16xf32>
          %parallel_loop3A_1338 = arith.mulf %parallel_loop3A_1337, %parallel_loop3A_1240 : vector<16xf32>
          %parallel_loop3A_1339 = arith.addf %parallel_loop3A_1336, %parallel_loop3A_1338 : vector<16xf32>
          %parallel_loop3A_1340 = arith.constant 2.000000e+00 : f32
          %parallel_loop3A_1341 = vector.broadcast %parallel_loop3A_1340 : f32 to vector<16xf32>
          %parallel_loop3A_1342 = arith.mulf %parallel_loop3A_1341, %parallel_loop3A_1339 : vector<16xf32>
          %parallel_loop3A_1343 = arith.subf %parallel_loop3A_1242, %parallel_loop3A_1342 : vector<16xf32>
          %parallel_loop3A_1344 = vector.broadcast %scan3A_1191 : f32 to vector<16xf32>
          %parallel_loop3A_1345 = arith.cmpf olt, %parallel_loop3A_1343, %parallel_loop3A_1344 : vector<16xf32>
          %parallel_loop3A_1346 = arith.constant 1 : i32
          %parallel_loop3A_1347 = arith.constant 0 : i32
          %parallel_loop3A_1348 = vector.broadcast %parallel_loop3A_1346 : i32 to vector<16xi32>
          %parallel_loop3A_1349 = vector.broadcast %parallel_loop3A_1347 : i32 to vector<16xi32>
          %parallel_loop3A_1350 = arith.select %parallel_loop3A_1345, %parallel_loop3A_1348, %parallel_loop3A_1349 : vector<16xi1>, vector<16xi32>
          %parallel_loop3A_1351 = arith.constant true
          %parallel_loop3A_1352 = vector.broadcast %parallel_loop3A_1351 : i1 to vector<16xi1>
          %parallel_loop3A_1353 = tpu.scan <sum>, %parallel_loop3A_1350 masked %parallel_loop3A_1352 : vector<16xi32>, vector<16xi1> -> vector<16xi32>
          %parallel_loop3A_1354 = arith.constant 287 : i32
          %parallel_loop3A_1355 = arith.addi %parallel_loop3A_1354, %parallel_loop3A_1231 : i32
          %parallel_loop3A_1356 = vector.broadcast %parallel_loop3A_1355 : i32 to vector<16xi32>
          %parallel_loop3A_1357 = arith.addi %parallel_loop3A_1356, %parallel_loop3A_1353 : vector<16xi32>
          tpu.vector_store_idx %arg15[%parallel_loop3A_1357], %parallel_loop3A_1244 masked %parallel_loop3A_1345 : memref<384xi32, #tpu.memory_space<vmem>>[vector<16xi32>], vector<16xi32>, vector<16xi1>
          %parallel_loop3A_1358 = vector.extract_strided_slice %parallel_loop3A_1353 {offsets = [15], sizes = [1], strides = [1]} : vector<16xi32> to vector<1xi32>
          %parallel_loop3A_1359 = vector.extract %parallel_loop3A_1358[0] : i32 from vector<1xi32>
          %parallel_loop3A_1360 = arith.addi %parallel_loop3A_1231, %parallel_loop3A_1359 : i32
          scf.yield %parallel_loop3A_1273, %parallel_loop3A_1302, %parallel_loop3A_1331, %parallel_loop3A_1360 : i32, i32, i32, i32
        } {sc.loop_unroll_factor = 4 : i64, sc.parallel_access}
        %while3A = arith.constant 0 : i32
        %while3A_1199:4 = scf.while (%while3A_1227 = %while3A, %while3A_1228 = %scan3A_1179, %while3A_1229 = %scan3A_1180, %while3A_1230 = %scan3A_1181) : (i32, f32, vector<16xf32>, vector<16xi32>) -> (i32, f32, vector<16xf32>, vector<16xi32>) {
          %sub3A_1231 = arith.subi %parallel_loop3A_1198#0, %while3A_1227 : i32
          %ge3A = arith.constant 16 : i32
          %ge3A_1232 = arith.cmpi sge, %sub3A_1231, %ge3A : i32
          scf.condition(%ge3A_1232) %while3A_1227, %while3A_1228, %while3A_1229, %while3A_1230 : i32, f32, vector<16xf32>, vector<16xi32>
        } do {
        ^bb0(%while3A_1227: i32, %while3A_1228: f32, %while3A_1229: vector<16xf32>, %while3A_1230: vector<16xi32>):
          %add3A_1231 = arith.constant 0 : i32
          %add3A_1232 = arith.addi %add3A_1231, %while3A_1227 : i32
          %get3A_1233 = arith.index_cast %add3A_1232 : i32 to index
          %get3A_1234 = tpu.vector_load %arg15[%get3A_1233] {strides = array<i32>} : memref<384xi32, #tpu.memory_space<vmem>>, vector<16xi32>,
          %gather3A_1235 = tpu.vector_load_idx %arg7[%get3A_1234] : memref<16384xf32, #tpu.memory_space<vmem>>[vector<16xi32>], vector<16xf32>,
          %gather3A_1236 = tpu.vector_load_idx %arg8[%get3A_1234] : memref<16384xf32, #tpu.memory_space<vmem>>[vector<16xi32>], vector<16xf32>,
          %gather3A_1237 = tpu.vector_load_idx %arg9[%get3A_1234] : memref<16384xf32, #tpu.memory_space<vmem>>[vector<16xi32>], vector<16xf32>,
          %gather3A_1238 = tpu.vector_load_idx %arg10[%get3A_1234] : memref<16384xf32, #tpu.memory_space<vmem>>[vector<16xi32>], vector<16xf32>,
          %mul3A_1239 = vector.broadcast %squeeze3A_896 : f32 to vector<16xf32>
          %mul3A_1240 = arith.mulf %mul3A_1239, %gather3A_1235 : vector<16xf32>
          %mul3A_1241 = vector.broadcast %squeeze3A_904 : f32 to vector<16xf32>
          %mul3A_1242 = arith.mulf %mul3A_1241, %gather3A_1236 : vector<16xf32>
          %add3A_1243 = arith.addf %mul3A_1240, %mul3A_1242 : vector<16xf32>
          %mul3A_1244 = vector.broadcast %squeeze3A_912 : f32 to vector<16xf32>
          %mul3A_1245 = arith.mulf %mul3A_1244, %gather3A_1237 : vector<16xf32>
          %add3A_1246 = arith.addf %add3A_1243, %mul3A_1245 : vector<16xf32>
          %add3A_1247 = vector.broadcast %squeeze3A_920 : f32 to vector<16xf32>
          %add3A_1248 = arith.addf %add3A_1247, %gather3A_1238 : vector<16xf32>
          %mul3A_1249 = arith.constant 2.000000e+00 : f32
          %mul3A_1250 = vector.broadcast %mul3A_1249 : f32 to vector<16xf32>
          %mul3A_1251 = arith.mulf %mul3A_1250, %add3A_1246 : vector<16xf32>
          %sub3A_1252 = arith.subf %add3A_1248, %mul3A_1251 : vector<16xf32>
          %masked_sort3A_1253 = arith.constant dense<true> : vector<16xi1>
          %masked_sort3A_1254, %masked_sort3A_1255, %masked_sort3A_1256 = tpu.sort %sub3A_1252, %get3A_1234 masked %masked_sort3A_1253 : (vector<16xf32>, vector<16xi32>, vector<16xi1>) -> (vector<16xi1>, vector<16xf32>, vector<16xi32>)
          %rev3A_1257 = arith.constant 15 : i32
          %rev3A_1258 = vector.broadcast %rev3A_1257 : i32 to vector<16xi32>
          %rev3A_1259 = tpu.iota {dimensions = array<i32: 0>} : vector<16xi32>
          %rev3A_1260 = arith.subi %rev3A_1258, %rev3A_1259 : vector<16xi32>
          %rev3A_1261 = tpu.dynamic_gather %masked_sort3A_1255[%rev3A_1260] in [0] : vector<16xf32>, vector<16xi32> -> vector<16xf32>
          %rev3A_1262 = arith.constant 15 : i32
          %rev3A_1263 = vector.broadcast %rev3A_1262 : i32 to vector<16xi32>
          %rev3A_1264 = tpu.iota {dimensions = array<i32: 0>} : vector<16xi32>
          %rev3A_1265 = arith.subi %rev3A_1263, %rev3A_1264 : vector<16xi32>
          %rev3A_1266 = tpu.dynamic_gather %masked_sort3A_1256[%rev3A_1265] in [0] : vector<16xi32>, vector<16xi32> -> vector<16xi32>
          %le3A_1267 = arith.cmpf ole, %while3A_1229, %rev3A_1261 : vector<16xf32>
          %select_n3A_1268 = arith.select %le3A_1267, %while3A_1229, %rev3A_1261 : vector<16xi1>, vector<16xf32>
          %select_n3A_1269 = arith.select %le3A_1267, %while3A_1230, %rev3A_1266 : vector<16xi1>, vector<16xi32>
          %masked_sort3A_1270 = arith.constant dense<true> : vector<16xi1>
          %masked_sort3A_1271, %masked_sort3A_1272, %masked_sort3A_1273 = tpu.sort %select_n3A_1268, %select_n3A_1269 masked %masked_sort3A_1270 : (vector<16xf32>, vector<16xi32>, vector<16xi1>) -> (vector<16xi1>, vector<16xf32>, vector<16xi32>)
          %add3A_1274 = arith.constant 16 : i32
          %add3A_1275 = arith.addi %while3A_1227, %add3A_1274 : i32
          %sub3A_1276 = vector.broadcast %squeeze3A_920 : f32 to vector<16xf32>
          %sub3A_1277 = arith.subf %masked_sort3A_1272, %sub3A_1276 : vector<16xf32>
          %add3A_1278 = arith.constant 9.99999974E-5 : f32
          %add3A_1279 = vector.broadcast %add3A_1278 : f32 to vector<16xf32>
          %add3A_1280 = arith.addf %sub3A_1277, %add3A_1279 : vector<16xf32>
          %reduce_max3A = arith.constant true
          %reduce_max3A_1281 = vector.broadcast %reduce_max3A : i1 to vector<16xi1>
          %reduce_max3A_1282 = tpu.scan <max>, %add3A_1280 masked %reduce_max3A_1281 : vector<16xf32>, vector<16xi1> -> vector<16xf32>
          %reduce_max3A_1283 = vector.extract %reduce_max3A_1282[15] : f32 from vector<16xf32>
          scf.yield %add3A_1275, %reduce_max3A_1283, %masked_sort3A_1272, %masked_sort3A_1273 : i32, f32, vector<16xf32>, vector<16xi32>
        }
        %gt3A = arith.constant 0 : i32
        %gt3A_1200 = arith.cmpi sgt, %while3A_1199#0, %gt3A : i32
        %convert_element_type3A = arith.extui %gt3A_1200 : i1 to i32
        %cond3A = arith.constant 0 : i32
        %cond3A_1201 = arith.cmpi ne, %convert_element_type3A, %cond3A : i32
        scf.if %cond3A_1201 {
          %add3A_1227 = arith.constant 0 : i32
          %add3A_1228 = arith.addi %add3A_1227, %while3A_1199#0 : i32
          %get3A_1229 = arith.index_cast %add3A_1228 : i32 to index
          %get3A_1230 = tpu.vector_load %arg15[%get3A_1229] {strides = array<i32>} : memref<384xi32, #tpu.memory_space<vmem>>, vector<16xi32>,
          %swap3A_1231 = arith.constant 0 : index
          %swap3A_1232 = tpu.vector_load %arg15[%swap3A_1231] {strides = array<i32>} : memref<384xi32, #tpu.memory_space<vmem>>, vector<16xi32>,
          tpu.vector_store %arg15[%swap3A_1231], %get3A_1230 {strides = array<i32>} : memref<384xi32, #tpu.memory_space<vmem>>, vector<16xi32>,
        } else {
        }
        %sub3A_1202 = arith.subi %parallel_loop3A_1198#0, %while3A_1199#0 : i32
        %while3A_1203 = arith.constant 0 : i32
        %while3A_1204:4 = scf.while (%while3A_1227 = %while3A_1203, %while3A_1228 = %scan3A_1183, %while3A_1229 = %scan3A_1184, %while3A_1230 = %scan3A_1185) : (i32, f32, vector<16xf32>, vector<16xi32>) -> (i32, f32, vector<16xf32>, vector<16xi32>) {
          %sub3A_1231 = arith.subi %parallel_loop3A_1198#1, %while3A_1227 : i32
          %ge3A = arith.constant 16 : i32
          %ge3A_1232 = arith.cmpi sge, %sub3A_1231, %ge3A : i32
          scf.condition(%ge3A_1232) %while3A_1227, %while3A_1228, %while3A_1229, %while3A_1230 : i32, f32, vector<16xf32>, vector<16xi32>
        } do {
        ^bb0(%while3A_1227: i32, %while3A_1228: f32, %while3A_1229: vector<16xf32>, %while3A_1230: vector<16xi32>):
          %add3A_1231 = arith.constant 96 : i32
          %add3A_1232 = arith.addi %add3A_1231, %while3A_1227 : i32
          %get3A_1233 = arith.index_cast %add3A_1232 : i32 to index
          %get3A_1234 = tpu.vector_load %arg15[%get3A_1233] {strides = array<i32>} : memref<384xi32, #tpu.memory_space<vmem>>, vector<16xi32>,
          %gather3A_1235 = tpu.vector_load_idx %arg7[%get3A_1234] : memref<16384xf32, #tpu.memory_space<vmem>>[vector<16xi32>], vector<16xf32>,
          %gather3A_1236 = tpu.vector_load_idx %arg8[%get3A_1234] : memref<16384xf32, #tpu.memory_space<vmem>>[vector<16xi32>], vector<16xf32>,
          %gather3A_1237 = tpu.vector_load_idx %arg9[%get3A_1234] : memref<16384xf32, #tpu.memory_space<vmem>>[vector<16xi32>], vector<16xf32>,
          %gather3A_1238 = tpu.vector_load_idx %arg10[%get3A_1234] : memref<16384xf32, #tpu.memory_space<vmem>>[vector<16xi32>], vector<16xf32>,
          %mul3A_1239 = vector.broadcast %squeeze3A_898 : f32 to vector<16xf32>
          %mul3A_1240 = arith.mulf %mul3A_1239, %gather3A_1235 : vector<16xf32>
          %mul3A_1241 = vector.broadcast %squeeze3A_906 : f32 to vector<16xf32>
          %mul3A_1242 = arith.mulf %mul3A_1241, %gather3A_1236 : vector<16xf32>
          %add3A_1243 = arith.addf %mul3A_1240, %mul3A_1242 : vector<16xf32>
          %mul3A_1244 = vector.broadcast %squeeze3A_914 : f32 to vector<16xf32>
          %mul3A_1245 = arith.mulf %mul3A_1244, %gather3A_1237 : vector<16xf32>
          %add3A_1246 = arith.addf %add3A_1243, %mul3A_1245 : vector<16xf32>
          %add3A_1247 = vector.broadcast %squeeze3A_922 : f32 to vector<16xf32>
          %add3A_1248 = arith.addf %add3A_1247, %gather3A_1238 : vector<16xf32>
          %mul3A_1249 = arith.constant 2.000000e+00 : f32
          %mul3A_1250 = vector.broadcast %mul3A_1249 : f32 to vector<16xf32>
          %mul3A_1251 = arith.mulf %mul3A_1250, %add3A_1246 : vector<16xf32>
          %sub3A_1252 = arith.subf %add3A_1248, %mul3A_1251 : vector<16xf32>
          %masked_sort3A_1253 = arith.constant dense<true> : vector<16xi1>
          %masked_sort3A_1254, %masked_sort3A_1255, %masked_sort3A_1256 = tpu.sort %sub3A_1252, %get3A_1234 masked %masked_sort3A_1253 : (vector<16xf32>, vector<16xi32>, vector<16xi1>) -> (vector<16xi1>, vector<16xf32>, vector<16xi32>)
          %rev3A_1257 = arith.constant 15 : i32
          %rev3A_1258 = vector.broadcast %rev3A_1257 : i32 to vector<16xi32>
          %rev3A_1259 = tpu.iota {dimensions = array<i32: 0>} : vector<16xi32>
          %rev3A_1260 = arith.subi %rev3A_1258, %rev3A_1259 : vector<16xi32>
          %rev3A_1261 = tpu.dynamic_gather %masked_sort3A_1255[%rev3A_1260] in [0] : vector<16xf32>, vector<16xi32> -> vector<16xf32>
          %rev3A_1262 = arith.constant 15 : i32
          %rev3A_1263 = vector.broadcast %rev3A_1262 : i32 to vector<16xi32>
          %rev3A_1264 = tpu.iota {dimensions = array<i32: 0>} : vector<16xi32>
          %rev3A_1265 = arith.subi %rev3A_1263, %rev3A_1264 : vector<16xi32>
          %rev3A_1266 = tpu.dynamic_gather %masked_sort3A_1256[%rev3A_1265] in [0] : vector<16xi32>, vector<16xi32> -> vector<16xi32>
          %le3A_1267 = arith.cmpf ole, %while3A_1229, %rev3A_1261 : vector<16xf32>
          %select_n3A_1268 = arith.select %le3A_1267, %while3A_1229, %rev3A_1261 : vector<16xi1>, vector<16xf32>
          %select_n3A_1269 = arith.select %le3A_1267, %while3A_1230, %rev3A_1266 : vector<16xi1>, vector<16xi32>
          %masked_sort3A_1270 = arith.constant dense<true> : vector<16xi1>
          %masked_sort3A_1271, %masked_sort3A_1272, %masked_sort3A_1273 = tpu.sort %select_n3A_1268, %select_n3A_1269 masked %masked_sort3A_1270 : (vector<16xf32>, vector<16xi32>, vector<16xi1>) -> (vector<16xi1>, vector<16xf32>, vector<16xi32>)
          %add3A_1274 = arith.constant 16 : i32
          %add3A_1275 = arith.addi %while3A_1227, %add3A_1274 : i32
          %sub3A_1276 = vector.broadcast %squeeze3A_922 : f32 to vector<16xf32>
          %sub3A_1277 = arith.subf %masked_sort3A_1272, %sub3A_1276 : vector<16xf32>
          %add3A_1278 = arith.constant 9.99999974E-5 : f32
          %add3A_1279 = vector.broadcast %add3A_1278 : f32 to vector<16xf32>
          %add3A_1280 = arith.addf %sub3A_1277, %add3A_1279 : vector<16xf32>
          %reduce_max3A = arith.constant true
          %reduce_max3A_1281 = vector.broadcast %reduce_max3A : i1 to vector<16xi1>
          %reduce_max3A_1282 = tpu.scan <max>, %add3A_1280 masked %reduce_max3A_1281 : vector<16xf32>, vector<16xi1> -> vector<16xf32>
          %reduce_max3A_1283 = vector.extract %reduce_max3A_1282[15] : f32 from vector<16xf32>
          scf.yield %add3A_1275, %reduce_max3A_1283, %masked_sort3A_1272, %masked_sort3A_1273 : i32, f32, vector<16xf32>, vector<16xi32>
        }
        %gt3A_1205 = arith.constant 0 : i32
        %gt3A_1206 = arith.cmpi sgt, %while3A_1204#0, %gt3A_1205 : i32
        %convert_element_type3A_1207 = arith.extui %gt3A_1206 : i1 to i32
        %cond3A_1208 = arith.constant 0 : i32
        %cond3A_1209 = arith.cmpi ne, %convert_element_type3A_1207, %cond3A_1208 : i32
        scf.if %cond3A_1209 {
          %add3A_1227 = arith.constant 96 : i32
          %add3A_1228 = arith.addi %add3A_1227, %while3A_1204#0 : i32
          %get3A_1229 = arith.index_cast %add3A_1228 : i32 to index
          %get3A_1230 = tpu.vector_load %arg15[%get3A_1229] {strides = array<i32>} : memref<384xi32, #tpu.memory_space<vmem>>, vector<16xi32>,
          %swap3A_1231 = arith.constant 96 : index
          %swap3A_1232 = tpu.vector_load %arg15[%swap3A_1231] {strides = array<i32>} : memref<384xi32, #tpu.memory_space<vmem>>, vector<16xi32>,
          tpu.vector_store %arg15[%swap3A_1231], %get3A_1230 {strides = array<i32>} : memref<384xi32, #tpu.memory_space<vmem>>, vector<16xi32>,
        } else {
        }
        %sub3A_1210 = arith.subi %parallel_loop3A_1198#1, %while3A_1204#0 : i32
        %while3A_1211 = arith.constant 0 : i32
        %while3A_1212:4 = scf.while (%while3A_1227 = %while3A_1211, %while3A_1228 = %scan3A_1187, %while3A_1229 = %scan3A_1188, %while3A_1230 = %scan3A_1189) : (i32, f32, vector<16xf32>, vector<16xi32>) -> (i32, f32, vector<16xf32>, vector<16xi32>) {
          %sub3A_1231 = arith.subi %parallel_loop3A_1198#2, %while3A_1227 : i32
          %ge3A = arith.constant 16 : i32
          %ge3A_1232 = arith.cmpi sge, %sub3A_1231, %ge3A : i32
          scf.condition(%ge3A_1232) %while3A_1227, %while3A_1228, %while3A_1229, %while3A_1230 : i32, f32, vector<16xf32>, vector<16xi32>
        } do {
        ^bb0(%while3A_1227: i32, %while3A_1228: f32, %while3A_1229: vector<16xf32>, %while3A_1230: vector<16xi32>):
          %add3A_1231 = arith.constant 192 : i32
          %add3A_1232 = arith.addi %add3A_1231, %while3A_1227 : i32
          %get3A_1233 = arith.index_cast %add3A_1232 : i32 to index
          %get3A_1234 = tpu.vector_load %arg15[%get3A_1233] {strides = array<i32>} : memref<384xi32, #tpu.memory_space<vmem>>, vector<16xi32>,
          %gather3A_1235 = tpu.vector_load_idx %arg7[%get3A_1234] : memref<16384xf32, #tpu.memory_space<vmem>>[vector<16xi32>], vector<16xf32>,
          %gather3A_1236 = tpu.vector_load_idx %arg8[%get3A_1234] : memref<16384xf32, #tpu.memory_space<vmem>>[vector<16xi32>], vector<16xf32>,
          %gather3A_1237 = tpu.vector_load_idx %arg9[%get3A_1234] : memref<16384xf32, #tpu.memory_space<vmem>>[vector<16xi32>], vector<16xf32>,
          %gather3A_1238 = tpu.vector_load_idx %arg10[%get3A_1234] : memref<16384xf32, #tpu.memory_space<vmem>>[vector<16xi32>], vector<16xf32>,
          %mul3A_1239 = vector.broadcast %squeeze3A_900 : f32 to vector<16xf32>
          %mul3A_1240 = arith.mulf %mul3A_1239, %gather3A_1235 : vector<16xf32>
          %mul3A_1241 = vector.broadcast %squeeze3A_908 : f32 to vector<16xf32>
          %mul3A_1242 = arith.mulf %mul3A_1241, %gather3A_1236 : vector<16xf32>
          %add3A_1243 = arith.addf %mul3A_1240, %mul3A_1242 : vector<16xf32>
          %mul3A_1244 = vector.broadcast %squeeze3A_916 : f32 to vector<16xf32>
          %mul3A_1245 = arith.mulf %mul3A_1244, %gather3A_1237 : vector<16xf32>
          %add3A_1246 = arith.addf %add3A_1243, %mul3A_1245 : vector<16xf32>
          %add3A_1247 = vector.broadcast %squeeze3A_924 : f32 to vector<16xf32>
          %add3A_1248 = arith.addf %add3A_1247, %gather3A_1238 : vector<16xf32>
          %mul3A_1249 = arith.constant 2.000000e+00 : f32
          %mul3A_1250 = vector.broadcast %mul3A_1249 : f32 to vector<16xf32>
          %mul3A_1251 = arith.mulf %mul3A_1250, %add3A_1246 : vector<16xf32>
          %sub3A_1252 = arith.subf %add3A_1248, %mul3A_1251 : vector<16xf32>
          %masked_sort3A_1253 = arith.constant dense<true> : vector<16xi1>
          %masked_sort3A_1254, %masked_sort3A_1255, %masked_sort3A_1256 = tpu.sort %sub3A_1252, %get3A_1234 masked %masked_sort3A_1253 : (vector<16xf32>, vector<16xi32>, vector<16xi1>) -> (vector<16xi1>, vector<16xf32>, vector<16xi32>)
          %rev3A_1257 = arith.constant 15 : i32
          %rev3A_1258 = vector.broadcast %rev3A_1257 : i32 to vector<16xi32>
          %rev3A_1259 = tpu.iota {dimensions = array<i32: 0>} : vector<16xi32>
          %rev3A_1260 = arith.subi %rev3A_1258, %rev3A_1259 : vector<16xi32>
          %rev3A_1261 = tpu.dynamic_gather %masked_sort3A_1255[%rev3A_1260] in [0] : vector<16xf32>, vector<16xi32> -> vector<16xf32>
          %rev3A_1262 = arith.constant 15 : i32
          %rev3A_1263 = vector.broadcast %rev3A_1262 : i32 to vector<16xi32>
          %rev3A_1264 = tpu.iota {dimensions = array<i32: 0>} : vector<16xi32>
          %rev3A_1265 = arith.subi %rev3A_1263, %rev3A_1264 : vector<16xi32>
          %rev3A_1266 = tpu.dynamic_gather %masked_sort3A_1256[%rev3A_1265] in [0] : vector<16xi32>, vector<16xi32> -> vector<16xi32>
          %le3A_1267 = arith.cmpf ole, %while3A_1229, %rev3A_1261 : vector<16xf32>
          %select_n3A_1268 = arith.select %le3A_1267, %while3A_1229, %rev3A_1261 : vector<16xi1>, vector<16xf32>
          %select_n3A_1269 = arith.select %le3A_1267, %while3A_1230, %rev3A_1266 : vector<16xi1>, vector<16xi32>
          %masked_sort3A_1270 = arith.constant dense<true> : vector<16xi1>
          %masked_sort3A_1271, %masked_sort3A_1272, %masked_sort3A_1273 = tpu.sort %select_n3A_1268, %select_n3A_1269 masked %masked_sort3A_1270 : (vector<16xf32>, vector<16xi32>, vector<16xi1>) -> (vector<16xi1>, vector<16xf32>, vector<16xi32>)
          %add3A_1274 = arith.constant 16 : i32
          %add3A_1275 = arith.addi %while3A_1227, %add3A_1274 : i32
          %sub3A_1276 = vector.broadcast %squeeze3A_924 : f32 to vector<16xf32>
          %sub3A_1277 = arith.subf %masked_sort3A_1272, %sub3A_1276 : vector<16xf32>
          %add3A_1278 = arith.constant 9.99999974E-5 : f32
          %add3A_1279 = vector.broadcast %add3A_1278 : f32 to vector<16xf32>
          %add3A_1280 = arith.addf %sub3A_1277, %add3A_1279 : vector<16xf32>
          %reduce_max3A = arith.constant true
          %reduce_max3A_1281 = vector.broadcast %reduce_max3A : i1 to vector<16xi1>
          %reduce_max3A_1282 = tpu.scan <max>, %add3A_1280 masked %reduce_max3A_1281 : vector<16xf32>, vector<16xi1> -> vector<16xf32>
          %reduce_max3A_1283 = vector.extract %reduce_max3A_1282[15] : f32 from vector<16xf32>
          scf.yield %add3A_1275, %reduce_max3A_1283, %masked_sort3A_1272, %masked_sort3A_1273 : i32, f32, vector<16xf32>, vector<16xi32>
        }
        %gt3A_1213 = arith.constant 0 : i32
        %gt3A_1214 = arith.cmpi sgt, %while3A_1212#0, %gt3A_1213 : i32
        %convert_element_type3A_1215 = arith.extui %gt3A_1214 : i1 to i32
        %cond3A_1216 = arith.constant 0 : i32
        %cond3A_1217 = arith.cmpi ne, %convert_element_type3A_1215, %cond3A_1216 : i32
        scf.if %cond3A_1217 {
          %add3A_1227 = arith.constant 192 : i32
          %add3A_1228 = arith.addi %add3A_1227, %while3A_1212#0 : i32
          %get3A_1229 = arith.index_cast %add3A_1228 : i32 to index
          %get3A_1230 = tpu.vector_load %arg15[%get3A_1229] {strides = array<i32>} : memref<384xi32, #tpu.memory_space<vmem>>, vector<16xi32>,
          %swap3A_1231 = arith.constant 192 : index
          %swap3A_1232 = tpu.vector_load %arg15[%swap3A_1231] {strides = array<i32>} : memref<384xi32, #tpu.memory_space<vmem>>, vector<16xi32>,
          tpu.vector_store %arg15[%swap3A_1231], %get3A_1230 {strides = array<i32>} : memref<384xi32, #tpu.memory_space<vmem>>, vector<16xi32>,
        } else {
        }
        %sub3A_1218 = arith.subi %parallel_loop3A_1198#2, %while3A_1212#0 : i32
        %while3A_1219 = arith.constant 0 : i32
        %while3A_1220:4 = scf.while (%while3A_1227 = %while3A_1219, %while3A_1228 = %scan3A_1191, %while3A_1229 = %scan3A_1192, %while3A_1230 = %scan3A_1193) : (i32, f32, vector<16xf32>, vector<16xi32>) -> (i32, f32, vector<16xf32>, vector<16xi32>) {
          %sub3A_1231 = arith.subi %parallel_loop3A_1198#3, %while3A_1227 : i32
          %ge3A = arith.constant 16 : i32
          %ge3A_1232 = arith.cmpi sge, %sub3A_1231, %ge3A : i32
          scf.condition(%ge3A_1232) %while3A_1227, %while3A_1228, %while3A_1229, %while3A_1230 : i32, f32, vector<16xf32>, vector<16xi32>
        } do {
        ^bb0(%while3A_1227: i32, %while3A_1228: f32, %while3A_1229: vector<16xf32>, %while3A_1230: vector<16xi32>):
          %add3A_1231 = arith.constant 288 : i32
          %add3A_1232 = arith.addi %add3A_1231, %while3A_1227 : i32
          %get3A_1233 = arith.index_cast %add3A_1232 : i32 to index
          %get3A_1234 = tpu.vector_load %arg15[%get3A_1233] {strides = array<i32>} : memref<384xi32, #tpu.memory_space<vmem>>, vector<16xi32>,
          %gather3A_1235 = tpu.vector_load_idx %arg7[%get3A_1234] : memref<16384xf32, #tpu.memory_space<vmem>>[vector<16xi32>], vector<16xf32>,
          %gather3A_1236 = tpu.vector_load_idx %arg8[%get3A_1234] : memref<16384xf32, #tpu.memory_space<vmem>>[vector<16xi32>], vector<16xf32>,
          %gather3A_1237 = tpu.vector_load_idx %arg9[%get3A_1234] : memref<16384xf32, #tpu.memory_space<vmem>>[vector<16xi32>], vector<16xf32>,
          %gather3A_1238 = tpu.vector_load_idx %arg10[%get3A_1234] : memref<16384xf32, #tpu.memory_space<vmem>>[vector<16xi32>], vector<16xf32>,
          %mul3A_1239 = vector.broadcast %squeeze3A_902 : f32 to vector<16xf32>
          %mul3A_1240 = arith.mulf %mul3A_1239, %gather3A_1235 : vector<16xf32>
          %mul3A_1241 = vector.broadcast %squeeze3A_910 : f32 to vector<16xf32>
          %mul3A_1242 = arith.mulf %mul3A_1241, %gather3A_1236 : vector<16xf32>
          %add3A_1243 = arith.addf %mul3A_1240, %mul3A_1242 : vector<16xf32>
          %mul3A_1244 = vector.broadcast %squeeze3A_918 : f32 to vector<16xf32>
          %mul3A_1245 = arith.mulf %mul3A_1244, %gather3A_1237 : vector<16xf32>
          %add3A_1246 = arith.addf %add3A_1243, %mul3A_1245 : vector<16xf32>
          %add3A_1247 = vector.broadcast %squeeze3A_926 : f32 to vector<16xf32>
          %add3A_1248 = arith.addf %add3A_1247, %gather3A_1238 : vector<16xf32>
          %mul3A_1249 = arith.constant 2.000000e+00 : f32
          %mul3A_1250 = vector.broadcast %mul3A_1249 : f32 to vector<16xf32>
          %mul3A_1251 = arith.mulf %mul3A_1250, %add3A_1246 : vector<16xf32>
          %sub3A_1252 = arith.subf %add3A_1248, %mul3A_1251 : vector<16xf32>
          %masked_sort3A_1253 = arith.constant dense<true> : vector<16xi1>
          %masked_sort3A_1254, %masked_sort3A_1255, %masked_sort3A_1256 = tpu.sort %sub3A_1252, %get3A_1234 masked %masked_sort3A_1253 : (vector<16xf32>, vector<16xi32>, vector<16xi1>) -> (vector<16xi1>, vector<16xf32>, vector<16xi32>)
          %rev3A_1257 = arith.constant 15 : i32
          %rev3A_1258 = vector.broadcast %rev3A_1257 : i32 to vector<16xi32>
          %rev3A_1259 = tpu.iota {dimensions = array<i32: 0>} : vector<16xi32>
          %rev3A_1260 = arith.subi %rev3A_1258, %rev3A_1259 : vector<16xi32>
          %rev3A_1261 = tpu.dynamic_gather %masked_sort3A_1255[%rev3A_1260] in [0] : vector<16xf32>, vector<16xi32> -> vector<16xf32>
          %rev3A_1262 = arith.constant 15 : i32
          %rev3A_1263 = vector.broadcast %rev3A_1262 : i32 to vector<16xi32>
          %rev3A_1264 = tpu.iota {dimensions = array<i32: 0>} : vector<16xi32>
          %rev3A_1265 = arith.subi %rev3A_1263, %rev3A_1264 : vector<16xi32>
          %rev3A_1266 = tpu.dynamic_gather %masked_sort3A_1256[%rev3A_1265] in [0] : vector<16xi32>, vector<16xi32> -> vector<16xi32>
          %le3A_1267 = arith.cmpf ole, %while3A_1229, %rev3A_1261 : vector<16xf32>
          %select_n3A_1268 = arith.select %le3A_1267, %while3A_1229, %rev3A_1261 : vector<16xi1>, vector<16xf32>
          %select_n3A_1269 = arith.select %le3A_1267, %while3A_1230, %rev3A_1266 : vector<16xi1>, vector<16xi32>
          %masked_sort3A_1270 = arith.constant dense<true> : vector<16xi1>
          %masked_sort3A_1271, %masked_sort3A_1272, %masked_sort3A_1273 = tpu.sort %select_n3A_1268, %select_n3A_1269 masked %masked_sort3A_1270 : (vector<16xf32>, vector<16xi32>, vector<16xi1>) -> (vector<16xi1>, vector<16xf32>, vector<16xi32>)
          %add3A_1274 = arith.constant 16 : i32
          %add3A_1275 = arith.addi %while3A_1227, %add3A_1274 : i32
          %sub3A_1276 = vector.broadcast %squeeze3A_926 : f32 to vector<16xf32>
          %sub3A_1277 = arith.subf %masked_sort3A_1272, %sub3A_1276 : vector<16xf32>
          %add3A_1278 = arith.constant 9.99999974E-5 : f32
          %add3A_1279 = vector.broadcast %add3A_1278 : f32 to vector<16xf32>
          %add3A_1280 = arith.addf %sub3A_1277, %add3A_1279 : vector<16xf32>
          %reduce_max3A = arith.constant true
          %reduce_max3A_1281 = vector.broadcast %reduce_max3A : i1 to vector<16xi1>
          %reduce_max3A_1282 = tpu.scan <max>, %add3A_1280 masked %reduce_max3A_1281 : vector<16xf32>, vector<16xi1> -> vector<16xf32>
          %reduce_max3A_1283 = vector.extract %reduce_max3A_1282[15] : f32 from vector<16xf32>
          scf.yield %add3A_1275, %reduce_max3A_1283, %masked_sort3A_1272, %masked_sort3A_1273 : i32, f32, vector<16xf32>, vector<16xi32>
        }
        %gt3A_1221 = arith.constant 0 : i32
        %gt3A_1222 = arith.cmpi sgt, %while3A_1220#0, %gt3A_1221 : i32
        %convert_element_type3A_1223 = arith.extui %gt3A_1222 : i1 to i32
        %cond3A_1224 = arith.constant 0 : i32
        %cond3A_1225 = arith.cmpi ne, %convert_element_type3A_1223, %cond3A_1224 : i32
        scf.if %cond3A_1225 {
          %add3A_1227 = arith.constant 288 : i32
          %add3A_1228 = arith.addi %add3A_1227, %while3A_1220#0 : i32
          %get3A_1229 = arith.index_cast %add3A_1228 : i32 to index
          %get3A_1230 = tpu.vector_load %arg15[%get3A_1229] {strides = array<i32>} : memref<384xi32, #tpu.memory_space<vmem>>, vector<16xi32>,
          %swap3A_1231 = arith.constant 288 : index
          %swap3A_1232 = tpu.vector_load %arg15[%swap3A_1231] {strides = array<i32>} : memref<384xi32, #tpu.memory_space<vmem>>, vector<16xi32>,
          tpu.vector_store %arg15[%swap3A_1231], %get3A_1230 {strides = array<i32>} : memref<384xi32, #tpu.memory_space<vmem>>, vector<16xi32>,
        } else {
        }
        %sub3A_1226 = arith.subi %parallel_loop3A_1198#3, %while3A_1220#0 : i32
        scf.yield %sub3A_1202, %while3A_1199#1, %while3A_1199#2, %while3A_1199#3, %sub3A_1210, %while3A_1204#1, %while3A_1204#2, %while3A_1204#3, %sub3A_1218, %while3A_1212#1, %while3A_1212#2, %while3A_1212#3, %sub3A_1226, %while3A_1220#1, %while3A_1220#2, %while3A_1220#3 : i32, f32, vector<16xf32>, vector<16xi32>, i32, f32, vector<16xf32>, vector<16xi32>, i32, f32, vector<16xf32>, vector<16xi32>, i32, f32, vector<16xf32>, vector<16xi32>
      }
      %scan3A_956 = arith.constant 256 : i32
      %lt3A_957 = vector.broadcast %scan3A_955#0 : i32 to vector<16xi32>
      %lt3A_958 = arith.cmpi slt, %iota3A, %lt3A_957 : vector<16xi32>
      %get3A_959 = arith.constant 0 : index
      %get3A_960 = tpu.vector_load %arg15[%get3A_959] {strides = array<i32>} : memref<384xi32, #tpu.memory_space<vmem>>, vector<16xi32>,
      %jit3A_961 = arith.constant 0 : i32
      %broadcast_in_dim3A_962 = vector.broadcast %jit3A_961 : i32 to vector<16xi32>
      %select_n3A_963 = arith.select %lt3A_958, %get3A_960, %broadcast_in_dim3A_962 : vector<16xi1>, vector<16xi32>
      %gather3A_964 = tpu.vector_load_idx %arg7[%select_n3A_963] : memref<16384xf32, #tpu.memory_space<vmem>>[vector<16xi32>], vector<16xf32>,
      %gather3A_965 = tpu.vector_load_idx %arg8[%select_n3A_963] : memref<16384xf32, #tpu.memory_space<vmem>>[vector<16xi32>], vector<16xf32>,
      %gather3A_966 = tpu.vector_load_idx %arg9[%select_n3A_963] : memref<16384xf32, #tpu.memory_space<vmem>>[vector<16xi32>], vector<16xf32>,
      %gather3A_967 = tpu.vector_load_idx %arg10[%select_n3A_963] : memref<16384xf32, #tpu.memory_space<vmem>>[vector<16xi32>], vector<16xf32>,
      %mul3A_968 = vector.broadcast %squeeze3A_896 : f32 to vector<16xf32>
      %mul3A_969 = arith.mulf %mul3A_968, %gather3A_964 : vector<16xf32>
      %mul3A_970 = vector.broadcast %squeeze3A_904 : f32 to vector<16xf32>
      %mul3A_971 = arith.mulf %mul3A_970, %gather3A_965 : vector<16xf32>
      %add3A_972 = arith.addf %mul3A_969, %mul3A_971 : vector<16xf32>
      %mul3A_973 = vector.broadcast %squeeze3A_912 : f32 to vector<16xf32>
      %mul3A_974 = arith.mulf %mul3A_973, %gather3A_966 : vector<16xf32>
      %add3A_975 = arith.addf %add3A_972, %mul3A_974 : vector<16xf32>
      %add3A_976 = vector.broadcast %squeeze3A_920 : f32 to vector<16xf32>
      %add3A_977 = arith.addf %add3A_976, %gather3A_967 : vector<16xf32>
      %mul3A_978 = arith.constant 2.000000e+00 : f32
      %mul3A_979 = vector.broadcast %mul3A_978 : f32 to vector<16xf32>
      %mul3A_980 = arith.mulf %mul3A_979, %add3A_975 : vector<16xf32>
      %sub3A_981 = arith.subf %add3A_977, %mul3A_980 : vector<16xf32>
      %jit3A_982 = arith.constant 0x7F800000 : f32
      %broadcast_in_dim3A_983 = vector.broadcast %jit3A_982 : f32 to vector<16xf32>
      %select_n3A_984 = arith.select %lt3A_958, %sub3A_981, %broadcast_in_dim3A_983 : vector<16xi1>, vector<16xf32>
      %masked_sort3A_985 = arith.constant dense<true> : vector<16xi1>
      %masked_sort3A_986, %masked_sort3A_987, %masked_sort3A_988 = tpu.sort %select_n3A_984, %select_n3A_963 masked %masked_sort3A_985 : (vector<16xf32>, vector<16xi32>, vector<16xi1>) -> (vector<16xi1>, vector<16xf32>, vector<16xi32>)
      %rev3A_989 = arith.constant 15 : i32
      %rev3A_990 = vector.broadcast %rev3A_989 : i32 to vector<16xi32>
      %rev3A_991 = tpu.iota {dimensions = array<i32: 0>} : vector<16xi32>
      %rev3A_992 = arith.subi %rev3A_990, %rev3A_991 : vector<16xi32>
      %rev3A_993 = tpu.dynamic_gather %masked_sort3A_987[%rev3A_992] in [0] : vector<16xf32>, vector<16xi32> -> vector<16xf32>
      %rev3A_994 = arith.constant 15 : i32
      %rev3A_995 = vector.broadcast %rev3A_994 : i32 to vector<16xi32>
      %rev3A_996 = tpu.iota {dimensions = array<i32: 0>} : vector<16xi32>
      %rev3A_997 = arith.subi %rev3A_995, %rev3A_996 : vector<16xi32>
      %rev3A_998 = tpu.dynamic_gather %masked_sort3A_988[%rev3A_997] in [0] : vector<16xi32>, vector<16xi32> -> vector<16xi32>
      %le3A_999 = arith.cmpf ole, %scan3A_955#2, %rev3A_993 : vector<16xf32>
      %select_n3A_1000 = arith.select %le3A_999, %scan3A_955#2, %rev3A_993 : vector<16xi1>, vector<16xf32>
      %select_n3A_1001 = arith.select %le3A_999, %scan3A_955#3, %rev3A_998 : vector<16xi1>, vector<16xi32>
      %masked_sort3A_1002 = arith.constant dense<true> : vector<16xi1>
      %masked_sort3A_1003, %masked_sort3A_1004, %masked_sort3A_1005 = tpu.sort %select_n3A_1000, %select_n3A_1001 masked %masked_sort3A_1002 : (vector<16xf32>, vector<16xi32>, vector<16xi1>) -> (vector<16xi1>, vector<16xf32>, vector<16xi32>)
      %add3A_1006 = arith.constant 0 : i32
      %add3A_1007 = arith.addi %add3A_894, %add3A_1006 : i32
      %mul3A_1008 = arith.constant 16 : i32
      %mul3A_1009 = arith.muli %add3A_1007, %mul3A_1008 : i32
      %swap3A_1010 = arith.index_cast %mul3A_1009 : i32 to index
      %swap3A_1011 = tpu.vector_load %arg16[%swap3A_1010] {strides = array<i32>} : memref<2048xi32, #tpu.memory_space<vmem>>, vector<16xi32>,
      tpu.vector_store %arg16[%swap3A_1010], %masked_sort3A_1005 {strides = array<i32>} : memref<2048xi32, #tpu.memory_space<vmem>>, vector<16xi32>,
      %lt3A_1012 = vector.broadcast %scan3A_955#4 : i32 to vector<16xi32>
      %lt3A_1013 = arith.cmpi slt, %iota3A, %lt3A_1012 : vector<16xi32>
      %get3A_1014 = arith.constant 96 : index
      %get3A_1015 = tpu.vector_load %arg15[%get3A_1014] {strides = array<i32>} : memref<384xi32, #tpu.memory_space<vmem>>, vector<16xi32>,
      %jit3A_1016 = arith.constant 0 : i32
      %broadcast_in_dim3A_1017 = vector.broadcast %jit3A_1016 : i32 to vector<16xi32>
      %select_n3A_1018 = arith.select %lt3A_1013, %get3A_1015, %broadcast_in_dim3A_1017 : vector<16xi1>, vector<16xi32>
      %gather3A_1019 = tpu.vector_load_idx %arg7[%select_n3A_1018] : memref<16384xf32, #tpu.memory_space<vmem>>[vector<16xi32>], vector<16xf32>,
      %gather3A_1020 = tpu.vector_load_idx %arg8[%select_n3A_1018] : memref<16384xf32, #tpu.memory_space<vmem>>[vector<16xi32>], vector<16xf32>,
      %gather3A_1021 = tpu.vector_load_idx %arg9[%select_n3A_1018] : memref<16384xf32, #tpu.memory_space<vmem>>[vector<16xi32>], vector<16xf32>,
      %gather3A_1022 = tpu.vector_load_idx %arg10[%select_n3A_1018] : memref<16384xf32, #tpu.memory_space<vmem>>[vector<16xi32>], vector<16xf32>,
      %mul3A_1023 = vector.broadcast %squeeze3A_898 : f32 to vector<16xf32>
      %mul3A_1024 = arith.mulf %mul3A_1023, %gather3A_1019 : vector<16xf32>
      %mul3A_1025 = vector.broadcast %squeeze3A_906 : f32 to vector<16xf32>
      %mul3A_1026 = arith.mulf %mul3A_1025, %gather3A_1020 : vector<16xf32>
      %add3A_1027 = arith.addf %mul3A_1024, %mul3A_1026 : vector<16xf32>
      %mul3A_1028 = vector.broadcast %squeeze3A_914 : f32 to vector<16xf32>
      %mul3A_1029 = arith.mulf %mul3A_1028, %gather3A_1021 : vector<16xf32>
      %add3A_1030 = arith.addf %add3A_1027, %mul3A_1029 : vector<16xf32>
      %add3A_1031 = vector.broadcast %squeeze3A_922 : f32 to vector<16xf32>
      %add3A_1032 = arith.addf %add3A_1031, %gather3A_1022 : vector<16xf32>
      %mul3A_1033 = arith.constant 2.000000e+00 : f32
      %mul3A_1034 = vector.broadcast %mul3A_1033 : f32 to vector<16xf32>
      %mul3A_1035 = arith.mulf %mul3A_1034, %add3A_1030 : vector<16xf32>
      %sub3A_1036 = arith.subf %add3A_1032, %mul3A_1035 : vector<16xf32>
      %jit3A_1037 = arith.constant 0x7F800000 : f32
      %broadcast_in_dim3A_1038 = vector.broadcast %jit3A_1037 : f32 to vector<16xf32>
      %select_n3A_1039 = arith.select %lt3A_1013, %sub3A_1036, %broadcast_in_dim3A_1038 : vector<16xi1>, vector<16xf32>
      %masked_sort3A_1040 = arith.constant dense<true> : vector<16xi1>
      %masked_sort3A_1041, %masked_sort3A_1042, %masked_sort3A_1043 = tpu.sort %select_n3A_1039, %select_n3A_1018 masked %masked_sort3A_1040 : (vector<16xf32>, vector<16xi32>, vector<16xi1>) -> (vector<16xi1>, vector<16xf32>, vector<16xi32>)
      %rev3A_1044 = arith.constant 15 : i32
      %rev3A_1045 = vector.broadcast %rev3A_1044 : i32 to vector<16xi32>
      %rev3A_1046 = tpu.iota {dimensions = array<i32: 0>} : vector<16xi32>
      %rev3A_1047 = arith.subi %rev3A_1045, %rev3A_1046 : vector<16xi32>
      %rev3A_1048 = tpu.dynamic_gather %masked_sort3A_1042[%rev3A_1047] in [0] : vector<16xf32>, vector<16xi32> -> vector<16xf32>
      %rev3A_1049 = arith.constant 15 : i32
      %rev3A_1050 = vector.broadcast %rev3A_1049 : i32 to vector<16xi32>
      %rev3A_1051 = tpu.iota {dimensions = array<i32: 0>} : vector<16xi32>
      %rev3A_1052 = arith.subi %rev3A_1050, %rev3A_1051 : vector<16xi32>
      %rev3A_1053 = tpu.dynamic_gather %masked_sort3A_1043[%rev3A_1052] in [0] : vector<16xi32>, vector<16xi32> -> vector<16xi32>
      %le3A_1054 = arith.cmpf ole, %scan3A_955#6, %rev3A_1048 : vector<16xf32>
      %select_n3A_1055 = arith.select %le3A_1054, %scan3A_955#6, %rev3A_1048 : vector<16xi1>, vector<16xf32>
      %select_n3A_1056 = arith.select %le3A_1054, %scan3A_955#7, %rev3A_1053 : vector<16xi1>, vector<16xi32>
      %masked_sort3A_1057 = arith.constant dense<true> : vector<16xi1>
      %masked_sort3A_1058, %masked_sort3A_1059, %masked_sort3A_1060 = tpu.sort %select_n3A_1055, %select_n3A_1056 masked %masked_sort3A_1057 : (vector<16xf32>, vector<16xi32>, vector<16xi1>) -> (vector<16xi1>, vector<16xf32>, vector<16xi32>)
      %add3A_1061 = arith.constant 1 : i32
      %add3A_1062 = arith.addi %add3A_894, %add3A_1061 : i32
      %mul3A_1063 = arith.constant 16 : i32
      %mul3A_1064 = arith.muli %add3A_1062, %mul3A_1063 : i32
      %swap3A_1065 = arith.index_cast %mul3A_1064 : i32 to index
      %swap3A_1066 = tpu.vector_load %arg16[%swap3A_1065] {strides = array<i32>} : memref<2048xi32, #tpu.memory_space<vmem>>, vector<16xi32>,
      tpu.vector_store %arg16[%swap3A_1065], %masked_sort3A_1060 {strides = array<i32>} : memref<2048xi32, #tpu.memory_space<vmem>>, vector<16xi32>,
      %lt3A_1067 = vector.broadcast %scan3A_955#8 : i32 to vector<16xi32>
      %lt3A_1068 = arith.cmpi slt, %iota3A, %lt3A_1067 : vector<16xi32>
      %get3A_1069 = arith.constant 192 : index
      %get3A_1070 = tpu.vector_load %arg15[%get3A_1069] {strides = array<i32>} : memref<384xi32, #tpu.memory_space<vmem>>, vector<16xi32>,
      %jit3A_1071 = arith.constant 0 : i32
      %broadcast_in_dim3A_1072 = vector.broadcast %jit3A_1071 : i32 to vector<16xi32>
      %select_n3A_1073 = arith.select %lt3A_1068, %get3A_1070, %broadcast_in_dim3A_1072 : vector<16xi1>, vector<16xi32>
      %gather3A_1074 = tpu.vector_load_idx %arg7[%select_n3A_1073] : memref<16384xf32, #tpu.memory_space<vmem>>[vector<16xi32>], vector<16xf32>,
      %gather3A_1075 = tpu.vector_load_idx %arg8[%select_n3A_1073] : memref<16384xf32, #tpu.memory_space<vmem>>[vector<16xi32>], vector<16xf32>,
      %gather3A_1076 = tpu.vector_load_idx %arg9[%select_n3A_1073] : memref<16384xf32, #tpu.memory_space<vmem>>[vector<16xi32>], vector<16xf32>,
      %gather3A_1077 = tpu.vector_load_idx %arg10[%select_n3A_1073] : memref<16384xf32, #tpu.memory_space<vmem>>[vector<16xi32>], vector<16xf32>,
      %mul3A_1078 = vector.broadcast %squeeze3A_900 : f32 to vector<16xf32>
      %mul3A_1079 = arith.mulf %mul3A_1078, %gather3A_1074 : vector<16xf32>
      %mul3A_1080 = vector.broadcast %squeeze3A_908 : f32 to vector<16xf32>
      %mul3A_1081 = arith.mulf %mul3A_1080, %gather3A_1075 : vector<16xf32>
      %add3A_1082 = arith.addf %mul3A_1079, %mul3A_1081 : vector<16xf32>
      %mul3A_1083 = vector.broadcast %squeeze3A_916 : f32 to vector<16xf32>
      %mul3A_1084 = arith.mulf %mul3A_1083, %gather3A_1076 : vector<16xf32>
      %add3A_1085 = arith.addf %add3A_1082, %mul3A_1084 : vector<16xf32>
      %add3A_1086 = vector.broadcast %squeeze3A_924 : f32 to vector<16xf32>
      %add3A_1087 = arith.addf %add3A_1086, %gather3A_1077 : vector<16xf32>
      %mul3A_1088 = arith.constant 2.000000e+00 : f32
      %mul3A_1089 = vector.broadcast %mul3A_1088 : f32 to vector<16xf32>
      %mul3A_1090 = arith.mulf %mul3A_1089, %add3A_1085 : vector<16xf32>
      %sub3A_1091 = arith.subf %add3A_1087, %mul3A_1090 : vector<16xf32>
      %jit3A_1092 = arith.constant 0x7F800000 : f32
      %broadcast_in_dim3A_1093 = vector.broadcast %jit3A_1092 : f32 to vector<16xf32>
      %select_n3A_1094 = arith.select %lt3A_1068, %sub3A_1091, %broadcast_in_dim3A_1093 : vector<16xi1>, vector<16xf32>
      %masked_sort3A_1095 = arith.constant dense<true> : vector<16xi1>
      %masked_sort3A_1096, %masked_sort3A_1097, %masked_sort3A_1098 = tpu.sort %select_n3A_1094, %select_n3A_1073 masked %masked_sort3A_1095 : (vector<16xf32>, vector<16xi32>, vector<16xi1>) -> (vector<16xi1>, vector<16xf32>, vector<16xi32>)
      %rev3A_1099 = arith.constant 15 : i32
      %rev3A_1100 = vector.broadcast %rev3A_1099 : i32 to vector<16xi32>
      %rev3A_1101 = tpu.iota {dimensions = array<i32: 0>} : vector<16xi32>
      %rev3A_1102 = arith.subi %rev3A_1100, %rev3A_1101 : vector<16xi32>
      %rev3A_1103 = tpu.dynamic_gather %masked_sort3A_1097[%rev3A_1102] in [0] : vector<16xf32>, vector<16xi32> -> vector<16xf32>
      %rev3A_1104 = arith.constant 15 : i32
      %rev3A_1105 = vector.broadcast %rev3A_1104 : i32 to vector<16xi32>
      %rev3A_1106 = tpu.iota {dimensions = array<i32: 0>} : vector<16xi32>
      %rev3A_1107 = arith.subi %rev3A_1105, %rev3A_1106 : vector<16xi32>
      %rev3A_1108 = tpu.dynamic_gather %masked_sort3A_1098[%rev3A_1107] in [0] : vector<16xi32>, vector<16xi32> -> vector<16xi32>
      %le3A_1109 = arith.cmpf ole, %scan3A_955#10, %rev3A_1103 : vector<16xf32>
      %select_n3A_1110 = arith.select %le3A_1109, %scan3A_955#10, %rev3A_1103 : vector<16xi1>, vector<16xf32>
      %select_n3A_1111 = arith.select %le3A_1109, %scan3A_955#11, %rev3A_1108 : vector<16xi1>, vector<16xi32>
      %masked_sort3A_1112 = arith.constant dense<true> : vector<16xi1>
      %masked_sort3A_1113, %masked_sort3A_1114, %masked_sort3A_1115 = tpu.sort %select_n3A_1110, %select_n3A_1111 masked %masked_sort3A_1112 : (vector<16xf32>, vector<16xi32>, vector<16xi1>) -> (vector<16xi1>, vector<16xf32>, vector<16xi32>)
      %add3A_1116 = arith.constant 2 : i32
      %add3A_1117 = arith.addi %add3A_894, %add3A_1116 : i32
      %mul3A_1118 = arith.constant 16 : i32
      %mul3A_1119 = arith.muli %add3A_1117, %mul3A_1118 : i32
      %swap3A_1120 = arith.index_cast %mul3A_1119 : i32 to index
      %swap3A_1121 = tpu.vector_load %arg16[%swap3A_1120] {strides = array<i32>} : memref<2048xi32, #tpu.memory_space<vmem>>, vector<16xi32>,
      tpu.vector_store %arg16[%swap3A_1120], %masked_sort3A_1115 {strides = array<i32>} : memref<2048xi32, #tpu.memory_space<vmem>>, vector<16xi32>,
      %lt3A_1122 = vector.broadcast %scan3A_955#12 : i32 to vector<16xi32>
      %lt3A_1123 = arith.cmpi slt, %iota3A, %lt3A_1122 : vector<16xi32>
      %get3A_1124 = arith.constant 288 : index
      %get3A_1125 = tpu.vector_load %arg15[%get3A_1124] {strides = array<i32>} : memref<384xi32, #tpu.memory_space<vmem>>, vector<16xi32>,
      %jit3A_1126 = arith.constant 0 : i32
      %broadcast_in_dim3A_1127 = vector.broadcast %jit3A_1126 : i32 to vector<16xi32>
      %select_n3A_1128 = arith.select %lt3A_1123, %get3A_1125, %broadcast_in_dim3A_1127 : vector<16xi1>, vector<16xi32>
      %gather3A_1129 = tpu.vector_load_idx %arg7[%select_n3A_1128] : memref<16384xf32, #tpu.memory_space<vmem>>[vector<16xi32>], vector<16xf32>,
      %gather3A_1130 = tpu.vector_load_idx %arg8[%select_n3A_1128] : memref<16384xf32, #tpu.memory_space<vmem>>[vector<16xi32>], vector<16xf32>,
      %gather3A_1131 = tpu.vector_load_idx %arg9[%select_n3A_1128] : memref<16384xf32, #tpu.memory_space<vmem>>[vector<16xi32>], vector<16xf32>,
      %gather3A_1132 = tpu.vector_load_idx %arg10[%select_n3A_1128] : memref<16384xf32, #tpu.memory_space<vmem>>[vector<16xi32>], vector<16xf32>,
      %mul3A_1133 = vector.broadcast %squeeze3A_902 : f32 to vector<16xf32>
      %mul3A_1134 = arith.mulf %mul3A_1133, %gather3A_1129 : vector<16xf32>
      %mul3A_1135 = vector.broadcast %squeeze3A_910 : f32 to vector<16xf32>
      %mul3A_1136 = arith.mulf %mul3A_1135, %gather3A_1130 : vector<16xf32>
      %add3A_1137 = arith.addf %mul3A_1134, %mul3A_1136 : vector<16xf32>
      %mul3A_1138 = vector.broadcast %squeeze3A_918 : f32 to vector<16xf32>
      %mul3A_1139 = arith.mulf %mul3A_1138, %gather3A_1131 : vector<16xf32>
      %add3A_1140 = arith.addf %add3A_1137, %mul3A_1139 : vector<16xf32>
      %add3A_1141 = vector.broadcast %squeeze3A_926 : f32 to vector<16xf32>
      %add3A_1142 = arith.addf %add3A_1141, %gather3A_1132 : vector<16xf32>
      %mul3A_1143 = arith.constant 2.000000e+00 : f32
      %mul3A_1144 = vector.broadcast %mul3A_1143 : f32 to vector<16xf32>
      %mul3A_1145 = arith.mulf %mul3A_1144, %add3A_1140 : vector<16xf32>
      %sub3A_1146 = arith.subf %add3A_1142, %mul3A_1145 : vector<16xf32>
      %jit3A_1147 = arith.constant 0x7F800000 : f32
      %broadcast_in_dim3A_1148 = vector.broadcast %jit3A_1147 : f32 to vector<16xf32>
      %select_n3A_1149 = arith.select %lt3A_1123, %sub3A_1146, %broadcast_in_dim3A_1148 : vector<16xi1>, vector<16xf32>
      %masked_sort3A_1150 = arith.constant dense<true> : vector<16xi1>
      %masked_sort3A_1151, %masked_sort3A_1152, %masked_sort3A_1153 = tpu.sort %select_n3A_1149, %select_n3A_1128 masked %masked_sort3A_1150 : (vector<16xf32>, vector<16xi32>, vector<16xi1>) -> (vector<16xi1>, vector<16xf32>, vector<16xi32>)
      %rev3A_1154 = arith.constant 15 : i32
      %rev3A_1155 = vector.broadcast %rev3A_1154 : i32 to vector<16xi32>
      %rev3A_1156 = tpu.iota {dimensions = array<i32: 0>} : vector<16xi32>
      %rev3A_1157 = arith.subi %rev3A_1155, %rev3A_1156 : vector<16xi32>
      %rev3A_1158 = tpu.dynamic_gather %masked_sort3A_1152[%rev3A_1157] in [0] : vector<16xf32>, vector<16xi32> -> vector<16xf32>
      %rev3A_1159 = arith.constant 15 : i32
      %rev3A_1160 = vector.broadcast %rev3A_1159 : i32 to vector<16xi32>
      %rev3A_1161 = tpu.iota {dimensions = array<i32: 0>} : vector<16xi32>
      %rev3A_1162 = arith.subi %rev3A_1160, %rev3A_1161 : vector<16xi32>
      %rev3A_1163 = tpu.dynamic_gather %masked_sort3A_1153[%rev3A_1162] in [0] : vector<16xi32>, vector<16xi32> -> vector<16xi32>
      %le3A_1164 = arith.cmpf ole, %scan3A_955#14, %rev3A_1158 : vector<16xf32>
      %select_n3A_1165 = arith.select %le3A_1164, %scan3A_955#14, %rev3A_1158 : vector<16xi1>, vector<16xf32>
      %select_n3A_1166 = arith.select %le3A_1164, %scan3A_955#15, %rev3A_1163 : vector<16xi1>, vector<16xi32>
      %masked_sort3A_1167 = arith.constant dense<true> : vector<16xi1>
      %masked_sort3A_1168, %masked_sort3A_1169, %masked_sort3A_1170 = tpu.sort %select_n3A_1165, %select_n3A_1166 masked %masked_sort3A_1167 : (vector<16xf32>, vector<16xi32>, vector<16xi1>) -> (vector<16xi1>, vector<16xf32>, vector<16xi32>)
      %add3A_1171 = arith.constant 3 : i32
      %add3A_1172 = arith.addi %add3A_894, %add3A_1171 : i32
      %mul3A_1173 = arith.constant 16 : i32
      %mul3A_1174 = arith.muli %add3A_1172, %mul3A_1173 : i32
      %swap3A_1175 = arith.index_cast %mul3A_1174 : i32 to index
      %swap3A_1176 = tpu.vector_load %arg16[%swap3A_1175] {strides = array<i32>} : memref<2048xi32, #tpu.memory_space<vmem>>, vector<16xi32>,
      tpu.vector_store %arg16[%swap3A_1175], %masked_sort3A_1170 {strides = array<i32>} : memref<2048xi32, #tpu.memory_space<vmem>>, vector<16xi32>,
    }
    %scan3A_37 = arith.constant 8 : i32
    %mul3A_38 = arith.constant 32768 : i32
    %mul3A_39 = arith.muli %arg0, %mul3A_38 : i32
    %mul3A_40 = arith.constant 16 : i32
    %mul3A_41 = arith.muli %mul3A_0, %mul3A_40 : i32
    %add3A_42 = arith.addi %mul3A_39, %mul3A_41 : i32
    "tpu.region"() ({
      %run_scoped3A = tpu.sem_alloc : memref<!tpu.dma_semaphore, #tpu.memory_space<semaphore_mem>>
      %dma_start3A = tpu.memref_slice %arg6[%add3A_42] : memref<65536xi32, #tpu.memory_space<hbm>> -> memref<2048xi32, #tpu.memory_space<hbm>>
      %dma_start3A_43 = tpu.memref_slice %arg6[%add3A_42] : memref<65536xi32, #tpu.memory_space<hbm>> -> memref<2048xi32, #tpu.memory_space<hbm>>
      tpu.enqueue_dma source(%arg16 : memref<2048xi32, #tpu.memory_space<vmem>>) target(%dma_start3A_43 : memref<2048xi32, #tpu.memory_space<hbm>>) target_semaphore(%run_scoped3A : memref<!tpu.dma_semaphore, #tpu.memory_space<semaphore_mem>>)
      %dma_wait3A = tpu.memref_slice %arg6[%add3A_42] : memref<65536xi32, #tpu.memory_space<hbm>> -> memref<2048xi32, #tpu.memory_space<hbm>>
      %dma_wait3A_44 = tpu.memref_slice %arg6[%add3A_42] : memref<65536xi32, #tpu.memory_space<hbm>> -> memref<2048xi32, #tpu.memory_space<hbm>>
      tpu.wait_dma2 semaphore(%run_scoped3A : memref<!tpu.dma_semaphore, #tpu.memory_space<semaphore_mem>>) src(%arg16 : memref<2048xi32, #tpu.memory_space<vmem>>) dst(%dma_wait3A_44 : memref<2048xi32, #tpu.memory_space<hbm>>)
      tpu.yield
    }) : () -> ()
    return
  }
}

</mosaic_0001>

<sc_bundles>
// kernel: _knn.3.cloned.1.call-start
scs
__scs_entry_jumppad:
0x0: {  	(pc) =	sbr.rel $0x88, $3  }
0x1: {  	(tag) =	ssettag $0x0;
	lr =	simm.s32 $0x1  }
0x2: {  	[smem:$0x3F9D] =	sst lr;
	_ =	strace $0xD0000000  }
0x3: {  	_ = 	snop  }
0x4: {  	_ = 	snop  }
0x5: {  	_ = 	snop  }
0x6: {  	_ = 	snop  }
0x7: {  	_ = 	snop  }
__scs_overlays_trampoline_lowered:
0x8: {  	[smem:$0x3FAC] =	sst s0  }
0x9: {  	[smem:$0x3FAD] =	sst s1  }
0xa: {  	[smem:$0x3FAE] =	sst s2  }
0xb: {  	[smem:$0x3FAF] =	sst s3  }
0xc: {  	[smem:$0x3FB0] =	sst s4  }
0xd: {  	[smem:$0x3FB1] =	sst s5  }
0xe: {  	[smem:$0x3FB2] =	sst s6  }
0xf: {  	[smem:$0x3FB3] =	sst s7  }
0x10: {  	[smem:$0x3FB4] =	sst s8  }
0x11: {  	[smem:$0x3FB5] =	sst s9;
	s0 =	simm.s32 @!p0 $0x0  }
0x12: {  	s1 =	sld [smem:$0x3F9B];
	s0 =	simm.s32 @p0 $0x1  }
0x13: {  	[smem:$0x3FB6] =	sst s0;
	s0 =	simm.s32 @!p1 $0x0  }
0x14: {  	s2 =	sld [smem:$0x3F9A];
	s0 =	simm.s32 @p1 $0x1  }
0x15: {  	[smem:$0x3FB7] =	sst s0;
	s0 =	simm.s32 @!p2 $0x0  }
0x16: {  	s3 =	sld [smem:$0x3FDB];
	s0 =	simm.s32 @p2 $0x1  }
0x17: {  	s4 =	simm.s32 $0x1BF5;
	[smem:$0x3FB9] =	sst s0  }
0x18: {  	s0 =	sld [smem:$0x3F9C];
	_ =	swait.ge [sflag:s4], $0x0  }
0x19: {  	s7 =	sld [smem:$0x3F9D]  }
0x1a: {  	s8 =	sadd.s32 $0xFFFFE003, lr  }
0x1b: {  	s9 =	sadd.s32 $0xFFFFFEF7, lr;
	s5 =	simm.s32 $0xFFFFFFFF;
	p2 =	slt.u32 s8, $0xFFFFF086  }
0x1c: {  	p1 =	slt.u32 s9, $0xF7A;
	s5 =	simm.s32 @!p2 $0x0  }
0x1d: {  	s5 =	simm.s32 @p1 $0x1;
	p0 =	seq.s32 s7, s2  }
0x1e: {  	s7 =	smul.u32 @!p0 $0xF7A, s2;
	p2 =	seq.s32 @!p0 s5, $0x0  }
0x1f: {  	s9 =	smul.u32 $0xF7A, s1;
	s8 =	simm.s32 @!p0 $0x1BF5;
	p2 =	por !p2, p0  }
0x20: {  	[sflag:s8] =	ssyncset.s32 @!p0 $0xFFFFF086;
	s6 =	sadd.s32 @!p0 s3, s7;
	s7 =	simm.s32 @!p0 $0x108  }
0x21: {  	s3 =	sadd.s32 s3, s9;
	s6 =	sadd.s32 @!p0 $0x88, s6;
	s7 =	simm.s32 @p2 $0x1082  }
0x22: {  	[simem:s7], [sflag:s8] =	dma.local @!p0 [hbm:s6], $0xF7A  }
0x23: {  	s9 =	sor.u32 $0xD0000000, s2;
	s6 =	simm.s32 $0x108;
	_ =	swait.ge @!p0 [sflag:s8], $0x0  }
0x24: {  	s3 =	sadd.s32 $0x88, s3;
	s6 =	simm.s32 @!p1 $0x1082;
	[sflag:s4] =	ssyncset.s32 $0xFFFFF086  }
0x25: {  	[simem:s6], [sflag:s4] =	dma.local [hbm:s3], $0xF7A  }
0x26: {  	[smem:$0x3F9D] =	sst s1;
	(tag) =	ssettag s2;
	_ =	strace s9  }
0x27: {  	s1 =	sld [smem:$0x3FAD]  }
0x28: {  	s2 =	sld [smem:$0x3FAE]  }
0x29: {  	s4 =	sld [smem:$0x3FB0]  }
0x2a: {  	p0 =	seq.s32 s5, $0x0;
	s5 =	sld [smem:$0x3FB1]  }
0x2b: {  	s6 =	sld [smem:$0x3FB2]  }
0x2c: {  	s7 =	sld [smem:$0x3FB3]  }
0x2d: {  	s3 =	simm.s32 $0x108;
	s8 =	sld [smem:$0x3FB4]  }
0x2e: {  	s3 =	simm.s32 @!p0 $0x1082;
	s9 =	sld [smem:$0x3FB5]  }
0x2f: {  	lr =	sadd.s32 s0, s3;
	s0 =	sld [smem:$0x3FAC]  }
0x30: {  	s3 =	sld [smem:$0x3FAF]  }
0x31: {  	[smem:$0x3FB8] =	sst s10  }
0x32: {  	s10 =	sld [smem:$0x3FB6];
	_ =	sdelay $0x3  }
0x33: {  	p0 =	seq.s32 s10, $0x1;
	s10 =	sld [smem:$0x3FB8];
	_ =	sdelay $0x3  }
0x34: {  	[smem:$0x3FB8] =	sst s10  }
0x35: {  	s10 =	sld [smem:$0x3FB7];
	_ =	sdelay $0x3  }
0x36: {  	p1 =	seq.s32 s10, $0x1;
	s10 =	sld [smem:$0x3FB8];
	_ =	sdelay $0x3  }
0x37: {  	[smem:$0x3FB8] =	sst s10  }
0x38: {  	s10 =	sld [smem:$0x3FB9]  }
0x39: {  	_ = 	snop;
	(pc) =	sbr.ind lr, $3  }
0x3a: {  	_ = 	snop  }
0x3b: {  	_ = 	snop  }
0x3c: {  	p2 =	seq.s32 s10, $0x1;
	s10 =	sld [smem:$0x3FB8]  }
0x3d: {  	_ =	shalt  }
0x3e: {  	_ =	shalt  }
0x3f: {  	_ =	shalt  }
0x40: {  	_ =	shalt  }
0x41: {  	_ =	shalt  }
0x42: {  	_ =	shalt  }
0x43: {  	_ =	shalt  }
0x44: {  	_ =	shalt  }
0x45: {  	_ =	shalt  }
0x46: {  	_ =	shalt  }
0x47: {  	_ =	shalt  }
0x48: {  	_ =	shalt  }
0x49: {  	_ =	shalt  }
0x4a: {  	_ =	shalt  }
0x4b: {  	_ =	shalt  }
0x4c: {  	_ =	shalt  }
0x4d: {  	_ =	shalt  }
0x4e: {  	_ =	shalt  }
0x4f: {  	_ =	shalt  }
0x50: {  	_ =	shalt  }
0x51: {  	_ =	shalt  }
0x52: {  	_ =	shalt  }
0x53: {  	_ =	shalt  }
0x54: {  	_ =	shalt  }
0x55: {  	_ =	shalt  }
0x56: {  	_ =	shalt  }
0x57: {  	_ =	shalt  }
0x58: {  	_ =	shalt  }
0x59: {  	_ =	shalt  }
0x5a: {  	_ =	shalt  }
0x5b: {  	_ =	shalt  }
0x5c: {  	_ =	shalt  }
0x5d: {  	_ =	shalt  }
0x5e: {  	_ =	shalt  }
0x5f: {  	_ =	shalt  }
0x60: {  	_ =	shalt  }
0x61: {  	_ =	shalt  }
0x62: {  	_ =	shalt  }
0x63: {  	_ =	shalt  }
0x64: {  	_ =	shalt  }
0x65: {  	_ =	shalt  }
0x66: {  	_ =	shalt  }
0x67: {  	_ =	shalt  }
0x68: {  	_ =	shalt  }
0x69: {  	_ =	shalt  }
0x6a: {  	_ =	shalt  }
0x6b: {  	_ =	shalt  }
0x6c: {  	_ =	shalt  }
0x6d: {  	_ =	shalt  }
0x6e: {  	_ =	shalt  }
0x6f: {  	_ =	shalt  }
0x70: {  	_ =	shalt  }
0x71: {  	_ =	shalt  }
0x72: {  	_ =	shalt  }
0x73: {  	_ =	shalt  }
0x74: {  	_ =	shalt  }
0x75: {  	_ =	shalt  }
0x76: {  	_ =	shalt  }
0x77: {  	_ =	shalt  }
0x78: {  	_ =	shalt  }
0x79: {  	_ =	shalt  }
0x7a: {  	_ =	shalt  }
0x7b: {  	_ =	shalt  }
0x7c: {  	_ =	shalt  }
0x7d: {  	_ =	shalt  }
0x7e: {  	_ =	shalt  }
0x7f: {  	_ =	shalt  }
0x80: {  	_ =	shalt  }
0x81: {  	_ =	shalt  }
0x82: {  	_ =	shalt  }
0x83: {  	_ =	shalt  }
0x84: {  	_ =	shalt  }
0x85: {  	_ =	shalt  }
0x86: {  	_ =	shalt  }
0x87: {  	_ =	shalt  }
.Lfunc_end0:
.L_simem_size_0:
called_computation_lowered:
.L_overlay_start_0:
0x88: {  	s2 =	sld [smem:$0x3FD9]  }
0x89: {  	s3 =	sld [smem:$0x3FFE];
	_ =	sdelay $0x1  }
0x8a: {  	s1 =	srdreg.scid  }
0x8b: {  	s0 =	sand.u32 $0x1, s1  }
0x8c: {  	s18 =	sshll.u32 s0, $0xA;
	s2 =	sadd.s32 s3, s2  }
0x8d: {  	s2 =	sadd.s32 s2, s18  }
0x8e: {  	[smem:$0x3FC4] =	sst s2  }
0x8f: {  	_ = 	snop  }
0x90: {  	s2 =	sld [smem:$0x3FC9]  }
0x91: {  	s19 =	sld [smem:$0x3FC8]  }
0x92: {  	s4 =	sld [smem:$0x3FC7]  }
0x93: {  	s5 =	sld [smem:$0x3FC6]  }
0x94: {  	s6 =	sld [smem:$0x3FD0];
	(tm) =	ssettm $0x1  }
0x95: {  	s7 =	sld [smem:$0x3FFB];
	_ =	sdelay $0x3  }
0x96: {  	_ =	strace s7  }
0x97: {  	s7 =	sld [smem:$0x3FFC];
	_ =	sdelay $0x3  }
0x98: {  	_ =	strace s7  }
0x99: {  	s7 =	sld [smem:$0x3FFD];
	_ =	sdelay $0x3  }
0x9a: {  	_ =	strace s7  }
0x9b: {  	_ =	strace $0x8FFFFFFF  }
0x9c: {  	s20 =	sld [smem:$0x3FDB];
	_ =	sdelay $0x1  }
0x9d: {  	s8 =	simm.s32 $_scs_section_size  }
0x9e: {  	s9 =	simm.s32 $_size__tile_overlayer_lowered;
	s10 =	simm.s32 $_tile_overlayer_lowered  }
0x9f: {  	s23 =	simm.s32 $0x1BFF;
	s22 =	sshll.u32 s10, $0x1;
	s7 =	sadd.s32 s8, s20  }
0xa0: {  	s11 =	simm.s32 $0x0;
	s21 =	sshll.u32 s9, $0x1;
	s9 =	sadd.s32 s22, s7  }
0xa1: {  	[timem:s11], [sflag:s23] =	dma.local [hbm:s9], s21  }
0xa2: {  	_ =	swait.ge [sflag:s23], s21  }
0xa3: {  	s8 =	ssub.s32 $0x0, s21;
	[sflag:s23] =	ssyncset.done $0x0  }
0xa4: {  	[sflag:s23] =	ssyncadd.s32 s8;
	_ =	sdelay $0x1  }
0xa5: {  	s24 =	simm.s32 $0x1B8B  }
0xa6: {  	_ =	swait.ge [sflag:s24], $0x1  }
0xa7: {  	[sflag:s24] =	ssyncset.done $0x0  }
0xa8: {  	s25 =	simm.s32 $0x1B8E;
	[sflag:s24] =	ssyncadd.s32 $0xFFFFFFFF  }
0xa9: {  	s26 =	simm.s32 $execute0_lowered;
	[smem:$0x3FD2] =	sst s25  }
0xaa: {  	s8 =	sshll.u32 s26, $0x1;
	_ =	strace $0x80000046;
	[dreg:$0x1] =	wrdreg $0xFFFFFFFF  }
0xab: {  	s28 =	simm.s32 $_size_execute0_lowered;
	s7 =	sadd.s32 s7, s8;
	[dreg:$0x0] =	wrdreg $0x0  }
0xac: {  	s8 =	sshll.u32 s28, $0x1;
	[dreg:$0x2] =	wrdreg s7  }
0xad: {  	[dreg:$0x3] =	wrdreg s8  }
0xae: {  	[dreg:$0x4] =	wrdreg $0xC0  }
0xaf: {  	_ =	task [dreg:s11], $0x5FFFF  }
0xb0: {  	[dreg:$0x1] =	wrdreg $0xFFFFFFFF  }
0xb1: {  	[dreg:$0x0] =	wrdreg $0x60  }
0xb2: {  	[dreg:$0x2] =	wrdreg s2  }
0xb3: {  	[dreg:$0x3] =	wrdreg s19  }
0xb4: {  	[dreg:$0x4] =	wrdreg s4  }
0xb5: {  	[dreg:$0x5] =	wrdreg s5  }
0xb6: {  	[dreg:$0x6] =	wrdreg s6  }
0xb7: {  	[dreg:$0x7] =	wrdreg $0x9  }
0xb8: {  	_ =	task.clear_ibuf [dreg:s11], $0x8FFFF;
	_ =	strace $0x90000046  }
0xb9: {  	s29 =	simm.s32 $0x9;
	_ =	strace $0x80000048  }
0xba: {  	_ =	swait.ge [sflag:s29], $0x1  }
0xbb: {  	[sflag:s29] =	ssyncadd.s32 $0xFFFFFFFF  }
0xbc: {  	_ =	strace $0x90000048  }
0xbd: {  	_ =	sfence  }
0xbe: {  	s30 =	sld [smem:$0x0];
	_ =	sdelay $0x2  }
0xbf: {  	s31 =	sshll.u32 s1, $0xD;
	s1 =	sshrl.u32 s1, $0x2  }
0xc0: {  	s3 =	sand.u32 $0x4000, s31;
	s1 =	sadd.s32 s1, s30  }
0xc1: {  	s0 =	sor.u32 s3, s0;
	s1 =	sshll.u32 s1, $0x11  }
0xc2: {  	s0 =	sor.u32 s1, s0  }
0xc3: {  	s0 =	sadd.s32 $0x8F2B, s0  }
0xc4: {  	[sflag:s0] =	ssyncadd.remote.s32 $0x1  }
0xc5: {  	_ =	sfence.sel $0xFFFF  }
0xc6: {  	[dreg:$0x0] =	wrdreg $0xFFFFFFFF;
	(pc) =	sbr.abs _section_cstart, $3  }
0xc7: {  	[dreg:$0x1] =	wrdreg $0xFFFFFFFF  }
0xc8: {  	_ =	task.clear_ibuf [dreg:s11], $0x2FFFF;
	_ =	strace $0x9FFFFFFF  }
0xc9: {  	(tm) =	ssettm $0x7FFFFFFF  }
tec
execute0_lowered:
.L_overlay_start_1:
0x0: {  	(tag) =	ssettag $0x1  }
0x1: {  	s0 =	rddreg [dreg:$0x0]  }
0x2: {  	s2 =	rddreg [dreg:$0x1]  }
0x3: {  	s3 =	rddreg [dreg:$0x2]  }
0x4: {  	s4 =	rddreg [dreg:$0x3]  }
0x5: {  	s5 =	rddreg [dreg:$0x4];
	s1 =	simm.s32 $0x0  }
0x6: {  	s6 =	srdreg.scid;
	s13 =	stileid.u32;
	s17 =	simm.s32 $0x1  }
0x7: {  	s18 =	simm.s32 $0x4000;
	s19 =	simm.s32 $0x8000;
	[smem:$0x7FF] =	sst s1  }
0x8: {  	s6 =	sand.u32 $0x1, s6;
	s11 =	sshll.u32 s13, $0x7;
	s30 =	sshll.u32 s13, $0x8  }
0x9: {  	_ =	strace $0x80000047;
	s7 =	smul.u32 $0xC000, s6;
	s8 =	ssub.s32 $0x2, s6  }
0xa: {  	s9 =	smul.u32 $0x1800, s6;
	s31 =	sshll.u32 s6, $0xC;
	s10 =	sshrl.u32 s8, $0x1  }
0xb: {  	s6 =	simm.s32 $0x10080;
	s7 =	sshrl.u32 s7, $0x3;
	s8 =	ssub.s32 s8, s10  }
0xc: {  	s9 =	sor.u32 s11, s9;
	s21 =	sadd.s32 s2, s7;
	s22 =	sadd.s32 $0x800, s7  }
0xd: {  	s23 =	sadd.s32 $0x1000, s7;
	s12 =	sshrl.u32 s9, $0x3;
	s29 =	sadd.s32 s4, s7  }
0xe: {  	s16 =	smax.u32 s8, $0x1;
	s7 =	simm.s32 $0x10100;
	[dreg:$0x6] =	wrdreg s21  }
0xf: {  	s24 =	sadd.s32 s2, s22;
	s2 =	sadd.s32 s2, s23;
	s25 =	sadd.s32 $0x100, s12  }
0x10: {  	s26 =	sadd.s32 s0, s12;
	s14 =	sadd.s32 $0x200, s12;
	[dreg:$0xc] =	wrdreg s29  }
0x11: {  	s10 =	sadd.s32 s4, s22;
	s11 =	sadd.s32 s4, s23;
	[dreg:$0x7] =	wrdreg s24  }
.Ltmp0:
0x12: {  	s12 =	sadd.s32 s3, s12;
	[dreg:$0x8] =	wrdreg s2;
	(pc) =	sbr.rel .LBB2_1-.Ltmp0, $4  }
0x13: {  	s23 =	simm.s32 $0xC000;
	[dreg:$0x9] =	wrdreg s26;
	s28 =	sadd.s32 s0, s25  }
0x14: {  	s0 =	sadd.s32 s0, s14;
	s13 =	sadd.s32 s3, s25;
	s14 =	sadd.s32 s3, s14  }
0x15: {  	s25 =	simm.s32 $0x0;
	[dreg:$0xb] =	wrdreg s0;
	s0 =	sadd.s32 s5, s30  }
0x16: {  	v0 =	vlaneseq.u32;
	v1 =	vimm.s32 $0x0;
	[dreg:$0xa] =	wrdreg s28;
	s5 =	simm.s32 $0x10000;
	s15 =	sadd.s32 s31, s0  }
.LBB2_141:
0x17: {  	s25 =	sadd.s32 $0x1, s25  }
0x18: {  	p0 =	sne.s32 s25, s16  }
.Ltmp1:
0x19: {  	s0 =	simm.s32 $0x10380;
	(pc) =	sbr.rel @!p0 .LBB2_142-.Ltmp1, $4  }
0x1a: {  	[hbm4b:s15+s1] =	stream.linear.scatter [tilespmem:s0], [sflag:$0x1], $0x800, $0x38;
	[tilespmem:$0x10B80] =	vst v63  }
0x1b: {  	_ =	swait.ge [sflag:s17], $0x800  }
0x1c: {  	s5 =	simm.s32 $0x10000;
	[sflag:s17] =	ssyncset.done $0x0  }
0x1d: {  	s6 =	simm.s32 $0x10080;
	s7 =	simm.s32 $0x10100;
	[sflag:s17] =	ssyncadd.s32 $0xFFFFF800  }
.LBB2_1:
0x1e: {  	s0 =	rddreg [dreg:$0x6]  }
0x1f: {  	[tilespmem:s1], [sflag:$0x1] =	stream.linear.gather [hbm4b:s0+s1], $0x4000, $0x38;
	[tilespmem:$0x10B80] =	vst v63  }
0x20: {  	_ =	swait.ge [sflag:s17], $0x4000  }
0x21: {  	[sflag:s17] =	ssyncset.done $0x0  }
0x22: {  	s26 =	rddreg [dreg:$0x7];
	[sflag:s17] =	ssyncadd.s32 $0xFFFFC000  }
0x23: {  	[tilespmem:s18], [sflag:$0x1] =	stream.linear.gather [hbm4b:s26+s1], $0x4000, $0x38;
	[tilespmem:$0x10B80] =	vst v63  }
0x24: {  	_ =	swait.ge [sflag:s17], $0x4000  }
0x25: {  	[sflag:s17] =	ssyncset.done $0x0  }
0x26: {  	s28 =	rddreg [dreg:$0x8];
	[sflag:s17] =	ssyncadd.s32 $0xFFFFC000  }
0x27: {  	[tilespmem:s19], [sflag:$0x1] =	stream.linear.gather [hbm4b:s28+s1], $0x4000, $0x38;
	[tilespmem:$0x10B80] =	vst v63  }
0x28: {  	_ =	swait.ge [sflag:s17], $0x4000  }
0x29: {  	[sflag:s17] =	ssyncset.done $0x0  }
0x2a: {  	s29 =	rddreg [dreg:$0x9];
	[sflag:s17] =	ssyncadd.s32 $0xFFFFC000  }
0x2b: {  	[tilespmem:s5], [sflag:$0x1] =	stream.linear.gather [hbm4b:s29+s1], $0x80, $0x38;
	[tilespmem:$0x10B80] =	vst v63  }
0x2c: {  	_ =	swait.ge [sflag:s17], $0x80  }
0x2d: {  	[sflag:s17] =	ssyncset.done $0x0  }
0x2e: {  	s30 =	rddreg [dreg:$0xa];
	[sflag:s17] =	ssyncadd.s32 $0xFFFFFF80  }
0x2f: {  	[tilespmem:s6], [sflag:$0x1] =	stream.linear.gather [hbm4b:s30+s1], $0x80, $0x38;
	[tilespmem:$0x10B80] =	vst v63  }
0x30: {  	_ =	swait.ge [sflag:s17], $0x80  }
0x31: {  	[sflag:s17] =	ssyncset.done $0x0  }
0x32: {  	s31 =	rddreg [dreg:$0xb];
	[sflag:s17] =	ssyncadd.s32 $0xFFFFFF80  }
0x33: {  	[tilespmem:s7], [sflag:$0x1] =	stream.linear.gather [hbm4b:s31+s1], $0x80, $0x38;
	[tilespmem:$0x10B80] =	vst v63  }
0x34: {  	_ =	swait.ge [sflag:s17], $0x80  }
0x35: {  	[sflag:s17] =	ssyncset.done $0x0  }
0x36: {  	s0 =	simm.s32 $0x0;
	[sflag:s17] =	ssyncadd.s32 $0xFFFFFF80  }
0x37: {  	v2 =	vld [tilespmem:s0+$0x0]  }
0x38: {  	v3 =	vld [tilespmem:s0+$0x4000]  }
0x39: {  	v4 =	vld [tilespmem:s0+$0x8000];
	_ =	sdelay $0x2  }
0x3a: {  	s2 =	simm.s32 $0x10  }
0x3b: {  	v5 =	vmul.f32 v2, v2;
	v3 =	vmul.f32 v3, v3;
	v2 =	vld [tilespmem:s2+$0x0]  }
0x3c: {  	v6 =	vmul.f32 v4, v4;
	v4 =	vld [tilespmem:s2+$0x4000]  }
0x3d: {  	v5 =	vadd.f32 v3, v5  }
0x3e: {  	v3 =	vld [tilespmem:s2+$0x8000]  }
0x3f: {  	s3 =	simm.s32 $0x80;
	v5 =	vadd.f32 v6, v5  }
.LBB2_2:
0x40: {  	s4 =	sshra.s32 s3, $0x2;
	p0 =	sne.s32 s3, $0xFFC0  }
.Ltmp2:
0x41: {  	s3 =	sadd.s32 $0x40, s3;
	v6 =	vmul.f32 v2, v2;
	v2 =	vld [tilespmem:s4+$0x0];
	v7 =	vmul.f32 v4, v4;
	[tilespmem:s0+$0xC000] =	vst v5;
	(pc) =	sbr.rel @p0 .LBB2_2-.Ltmp2, $4  }
0x42: {  	s0 =	smov.u32 s2;
	s2 =	smov.u32 s4;
	v4 =	vld [tilespmem:s4+$0x4000]  }
0x43: {  	v5 =	vadd.f32 v7, v6;
	v6 =	vmul.f32 v3, v3  }
0x44: {  	v3 =	vld [tilespmem:s2+$0x8000]  }
0x45: {  	v5 =	vadd.f32 v6, v5  }
0x46: {  	_ = 	snop  }
0x47: {  	v2 =	vmul.f32 v2, v2;
	v4 =	vmul.f32 v4, v4;
	_ =	sdelay $0x1  }
0x48: {  	v2 =	vadd.f32 v4, v2;
	v3 =	vmul.f32 v3, v3;
	_ =	sdelay $0x1  }
0x49: {  	v2 =	vadd.f32 v3, v2  }
0x4a: {  	[tilespmem:s0+$0xC000] =	vst v5  }
0x4b: {  	[tilespmem:s2+$0xC000] =	vst v2  }
0x4c: {  	v2 =	vld [tilespmem:$0x10000]  }
0x4d: {  	v3 =	vld [tilespmem:$0x10080]  }
0x4e: {  	v39 =	vld [tilespmem:$0x10100]  }
0x4f: {  	v5 =	vld [tilespmem:$0x10010]  }
0x50: {  	v6 =	vld [tilespmem:$0x10090]  }
0x51: {  	v7 =	vld [tilespmem:$0x10110]  }
0x52: {  	v8 =	vld [tilespmem:$0x10020]  }
0x53: {  	v9 =	vld [tilespmem:$0x100A0]  }
0x54: {  	v10 =	vld [tilespmem:$0x10120]  }
0x55: {  	v11 =	vld [tilespmem:$0x10030]  }
0x56: {  	v12 =	vld [tilespmem:$0x100B0]  }
0x57: {  	v13 =	vld [tilespmem:$0x10130]  }
0x58: {  	v14 =	vld [tilespmem:$0x10040]  }
0x59: {  	v15 =	vld [tilespmem:$0x100C0]  }
0x5a: {  	v16 =	vld [tilespmem:$0x10140];
	v2 =	vmul.f32 v2, v2  }
0x5b: {  	v17 =	vld [tilespmem:$0x10050];
	v3 =	vmul.f32 v3, v3;
	v5 =	vmul.f32 v5, v5  }
0x5c: {  	v18 =	vld [tilespmem:$0x100D0];
	v6 =	vmul.f32 v6, v6;
	v41 =	vmul.f32 v7, v7  }
0x5d: {  	v40 =	vld [tilespmem:$0x10150];
	v43 =	vmul.f32 v9, v9;
	v45 =	vmul.f32 v11, v11  }
0x5e: {  	v42 =	vld [tilespmem:$0x10060];
	v46 =	vmul.f32 v12, v12;
	v48 =	vmul.f32 v10, v10  }
0x5f: {  	v44 =	vld [tilespmem:$0x100E0];
	v49 =	vmul.f32 v13, v13;
	v2 =	vadd.f32 v3, v2;
	v3 =	vmul.f32 v39, v39  }
0x60: {  	v47 =	vld [tilespmem:$0x10070];
	v51 =	vmul.f32 v14, v14;
	v52 =	vmul.f32 v15, v15  }
0x61: {  	v50 =	vld [tilespmem:$0x100F0];
	v54 =	vmul.f32 v16, v16;
	v2 =	vadd.f32 v3, v2;
	v3 =	vmul.f32 v8, v8  }
0x62: {  	v53 =	vld [tilespmem:$0x10160];
	v55 =	vmul.f32 v17, v17;
	v57 =	vmul.f32 v18, v18;
	v5 =	vadd.f32 v6, v5  }
0x63: {  	v56 =	vld [tilespmem:$0x10170];
	v4 =	vmul.f32 v40, v40;
	v7 =	vmul.f32 v42, v42;
	v3 =	vadd.f32 v43, v3  }
0x64: {  	v9 =	vmul.f32 v44, v44;
	v6 =	vadd.f32 v46, v45;
	v5 =	vadd.f32 v41, v5  }
0x65: {  	v59 =	vmul.f32 v47, v47;
	[tilespmem:$0x10180] =	vst v2;
	v2 =	vadd.f32 v52, v51;
	v3 =	vadd.f32 v48, v3  }
0x66: {  	v60 =	vmul.f32 v50, v50;
	v58 =	vadd.f32 v57, v55;
	v6 =	vadd.f32 v49, v6;
	[tilespmem:$0x10190] =	vst v5  }
0x67: {  	v61 =	vmul.f32 v53, v53;
	v2 =	vadd.f32 v54, v2;
	[tilespmem:$0x101A0] =	vst v3;
	v3 =	vadd.f32 v9, v7  }
0x68: {  	v63 =	vmul.f32 v56, v56;
	v62 =	vadd.f32 v60, v59;
	v4 =	vadd.f32 v4, v58;
	[tilespmem:$0x101B0] =	vst v6  }
0x69: {  	[tilespmem:$0x101C0] =	vst v2;
	v2 =	vadd.f32 v61, v3  }
0x6a: {  	[tilespmem:$0x101D0] =	vst v4;
	v3 =	vadd.f32 v63, v62  }
0x6b: {  	[tilespmem:$0x101E0] =	vst v2  }
0x6c: {  	s26 =	simm.s32 $0x0;
	s31 =	rddreg [dreg:$0xc];
	[tilespmem:$0x101F0] =	vst v3  }
0x6d: {  	[tilespmem:s26], [sflag:$0x1] =	stream.linear.gather [hbm4b:s31+s26], $0x4000, $0x38;
	[tilespmem:$0x10B80] =	vst v63  }
0x6e: {  	_ =	swait.ge [sflag:s17], $0x4000  }
0x6f: {  	[sflag:s17] =	ssyncset.done $0x0  }
0x70: {  	[sflag:s17] =	ssyncadd.s32 $0xFFFFC000  }
0x71: {  	[tilespmem:s18], [sflag:$0x1] =	stream.linear.gather [hbm4b:s10+s26], $0x4000, $0x38;
	[tilespmem:$0x10B80] =	vst v63  }
0x72: {  	_ =	swait.ge [sflag:s17], $0x4000  }
0x73: {  	[sflag:s17] =	ssyncset.done $0x0  }
0x74: {  	[sflag:s17] =	ssyncadd.s32 $0xFFFFC000  }
0x75: {  	[tilespmem:s19], [sflag:$0x1] =	stream.linear.gather [hbm4b:s11+s26], $0x4000, $0x38;
	[tilespmem:$0x10B80] =	vst v63  }
0x76: {  	_ =	swait.ge [sflag:s17], $0x4000  }
0x77: {  	[sflag:s17] =	ssyncset.done $0x0  }
0x78: {  	[sflag:s17] =	ssyncadd.s32 $0xFFFFC000  }
0x79: {  	[tilespmem:s5], [sflag:$0x1] =	stream.linear.gather [hbm4b:s12+s26], $0x80, $0x38;
	[tilespmem:$0x10B80] =	vst v63  }
0x7a: {  	_ =	swait.ge [sflag:s17], $0x80  }
0x7b: {  	[sflag:s17] =	ssyncset.done $0x0  }
0x7c: {  	[sflag:s17] =	ssyncadd.s32 $0xFFFFFF80  }
0x7d: {  	[tilespmem:s6], [sflag:$0x1] =	stream.linear.gather [hbm4b:s13+s26], $0x80, $0x38;
	[tilespmem:$0x10B80] =	vst v63  }
0x7e: {  	_ =	swait.ge [sflag:s17], $0x80  }
0x7f: {  	[sflag:s17] =	ssyncset.done $0x0  }
.Ltmp3:
0x80: {  	[sflag:s17] =	ssyncadd.s32 $0xFFFFFF80;
	(pc) =	sbr.rel .LBB2_4-.Ltmp3, $4  }
0x81: {  	[tilespmem:s7], [sflag:$0x1] =	stream.linear.gather [hbm4b:s14+s26], $0x80, $0x38;
	[tilespmem:$0x10B80] =	vst v63  }
0x82: {  	_ =	swait.ge [sflag:s17], $0x80  }
0x83: {  	[sflag:s17] =	ssyncset.done $0x0  }
0x84: {  	[sflag:s17] =	ssyncadd.s32 $0xFFFFFF80  }
.LBB2_140:
0x85: {  	v27 =	vld [tilespmem:$0x10200];
	_ =	sdelay $0x2  }
0x86: {  	v28 =	vmov s30  }
0x87: {  	vm0 =	vgt.s32 v28, v0  }
0x88: {  	v27 =	vnsel vm0, $0x0, v27;
	_ =	sdelay $0x4  }
0x89: {  	v40 =	vld.idx.msk [tilespmem:v27+s1+$0x0], $0xffff  }
0x8a: {  	v29 =	vld.idx.msk [tilespmem:v27+s18+$0x0], $0xffff;
	_ =	sdelay $0x1  }
0x8b: {  	v30 =	vld.idx.msk [tilespmem:v27+s19+$0x0], $0xffff;
	_ =	sdelay $0x2  }
0x8c: {  	v22 =	vmul.f32 v40, v22;
	v23 =	vmul.f32 v29, v23  }
0x8d: {  	v41 =	vld.idx.msk [tilespmem:v27+s23+$0x0], $0xffff  }
0x8e: {  	v21 =	vmul.f32 v30, v21;
	v22 =	vadd.f32 v23, v22;
	_ =	sdelay $0x1  }
0x8f: {  	v21 =	vadd.f32 v21, v22;
	_ =	sdelay $0x1  }
0x90: {  	v42 =	vadd.f32 v41, v24;
	v21 =	vadd.f32 v21, v21;
	_ =	sdelay $0x1  }
0x91: {  	v21 =	vsub.f32 v42, v21;
	_ =	sdelay $0x1  }
0x92: {  	v21 =	vnsel vm0, $0x7F800000, v21  }
0x93: {  	(xrf1) =	vsort.ascd.msk.f32 $0xffff, v21, v27;
	_ =	sdelay $0xd  }
0x94: {  	v21, v43, _ =	vpop (xrf1)  }
0x95: {  	v21 =	vperm.xlane v21, v2  }
0x96: {  	v22 =	vperm.xlane v43, v2  }
0x97: {  	vm9 =	vle.f32 v26, v21  }
0x98: {  	v21 =	vsel vm9, v26, v21;
	v22 =	vsel vm9, v25, v22  }
0x99: {  	(xrf1) =	vsort.ascd.msk.f32 $0xffff, v21, v22;
	_ =	sdelay $0xd  }
0x9a: {  	_, v21, _ =	vpop (xrf1)  }
0x9b: {  	[tilespmem:s28+$0x10440] =	vst v21  }
0x9c: {  	v21 =	vld [tilespmem:$0x10260];
	_ =	sdelay $0x2  }
0x9d: {  	v44 =	vmov s20  }
0x9e: {  	vm10 =	vgt.s32 v44, v0  }
0x9f: {  	v21 =	vnsel vm10, $0x0, v21;
	_ =	sdelay $0x4  }
0xa0: {  	v45 =	vld.idx.msk [tilespmem:v21+s1+$0x0], $0xffff  }
0xa1: {  	v46 =	vld.idx.msk [tilespmem:v21+s18+$0x0], $0xffff;
	_ =	sdelay $0x1  }
0xa2: {  	v47 =	vld.idx.msk [tilespmem:v21+s19+$0x0], $0xffff;
	_ =	sdelay $0x2  }
0xa3: {  	v16 =	vmul.f32 v45, v16;
	v17 =	vmul.f32 v46, v17  }
0xa4: {  	v48 =	vld.idx.msk [tilespmem:v21+s23+$0x0], $0xffff  }
0xa5: {  	v15 =	vmul.f32 v47, v15;
	v16 =	vadd.f32 v17, v16;
	_ =	sdelay $0x1  }
0xa6: {  	v15 =	vadd.f32 v15, v16;
	_ =	sdelay $0x1  }
0xa7: {  	v49 =	vadd.f32 v48, v18;
	v15 =	vadd.f32 v15, v15;
	_ =	sdelay $0x1  }
0xa8: {  	v15 =	vsub.f32 v49, v15;
	_ =	sdelay $0x1  }
0xa9: {  	v15 =	vnsel vm10, $0x7F800000, v15  }
0xaa: {  	(xrf1) =	vsort.ascd.msk.f32 $0xffff, v15, v21;
	_ =	sdelay $0xd  }
0xab: {  	v15, v50, _ =	vpop (xrf1)  }
0xac: {  	v15 =	vperm.xlane v15, v2  }
0xad: {  	v16 =	vperm.xlane v50, v2  }
0xae: {  	vm11 =	vle.f32 v20, v15  }
0xaf: {  	v15 =	vsel vm11, v20, v15;
	v16 =	vsel vm11, v19, v16  }
0xb0: {  	(xrf1) =	vsort.ascd.msk.f32 $0xffff, v15, v16;
	_ =	sdelay $0xd  }
0xb1: {  	_, v15, _ =	vpop (xrf1)  }
0xb2: {  	[tilespmem:s28+$0x10450] =	vst v15  }
0xb3: {  	v15 =	vld [tilespmem:$0x102C0];
	_ =	sdelay $0x2  }
0xb4: {  	v51 =	vmov s21  }
0xb5: {  	vm12 =	vgt.s32 v51, v0  }
0xb6: {  	v15 =	vnsel vm12, $0x0, v15;
	_ =	sdelay $0x4  }
0xb7: {  	v52 =	vld.idx.msk [tilespmem:v15+s1+$0x0], $0xffff  }
0xb8: {  	v53 =	vld.idx.msk [tilespmem:v15+s18+$0x0], $0xffff;
	_ =	sdelay $0x1  }
0xb9: {  	v54 =	vld.idx.msk [tilespmem:v15+s19+$0x0], $0xffff;
	_ =	sdelay $0x2  }
0xba: {  	v10 =	vmul.f32 v52, v10;
	v11 =	vmul.f32 v53, v11  }
0xbb: {  	v55 =	vld.idx.msk [tilespmem:v15+s23+$0x0], $0xffff  }
0xbc: {  	v9 =	vmul.f32 v54, v9;
	v10 =	vadd.f32 v11, v10;
	_ =	sdelay $0x1  }
0xbd: {  	v9 =	vadd.f32 v9, v10;
	_ =	sdelay $0x1  }
0xbe: {  	v56 =	vadd.f32 v55, v13;
	v9 =	vadd.f32 v9, v9;
	_ =	sdelay $0x1  }
0xbf: {  	v9 =	vsub.f32 v56, v9;
	_ =	sdelay $0x1  }
0xc0: {  	v9 =	vnsel vm12, $0x7F800000, v9  }
0xc1: {  	(xrf1) =	vsort.ascd.msk.f32 $0xffff, v9, v15;
	_ =	sdelay $0xd  }
0xc2: {  	v9, v57, _ =	vpop (xrf1)  }
0xc3: {  	v9 =	vperm.xlane v9, v2  }
0xc4: {  	v10 =	vperm.xlane v57, v2  }
0xc5: {  	vm13 =	vle.f32 v14, v9  }
0xc6: {  	v9 =	vsel vm13, v14, v9;
	v10 =	vsel vm13, v12, v10  }
0xc7: {  	(xrf1) =	vsort.ascd.msk.f32 $0xffff, v9, v10;
	_ =	sdelay $0xd  }
0xc8: {  	_, v9, _ =	vpop (xrf1)  }
0xc9: {  	[tilespmem:s28+$0x10460] =	vst v9  }
0xca: {  	v9 =	vld [tilespmem:$0x10320];
	_ =	sdelay $0x2  }
0xcb: {  	v58 =	vmov s22  }
0xcc: {  	vm14 =	vgt.s32 v58, v0  }
0xcd: {  	v9 =	vnsel vm14, $0x0, v9;
	_ =	sdelay $0x4  }
0xce: {  	v59 =	vld.idx.msk [tilespmem:v9+s1+$0x0], $0xffff  }
0xcf: {  	v60 =	vld.idx.msk [tilespmem:v9+s18+$0x0], $0xffff;
	_ =	sdelay $0x1  }
0xd0: {  	v61 =	vld.idx.msk [tilespmem:v9+s19+$0x0], $0xffff;
	_ =	sdelay $0x2  }
0xd1: {  	v7 =	vmul.f32 v59, v7;
	v8 =	vmul.f32 v60, v8  }
0xd2: {  	v62 =	vld.idx.msk [tilespmem:v9+s23+$0x0], $0xffff  }
0xd3: {  	v6 =	vmul.f32 v61, v6;
	v7 =	vadd.f32 v8, v7;
	_ =	sdelay $0x1  }
0xd4: {  	v6 =	vadd.f32 v6, v7;
	_ =	sdelay $0x1  }
0xd5: {  	v3 =	vadd.f32 v62, v3;
	v6 =	vadd.f32 v6, v6;
	_ =	sdelay $0x1  }
0xd6: {  	v3 =	vsub.f32 v3, v6;
	_ =	sdelay $0x1  }
0xd7: {  	v3 =	vnsel vm14, $0x7F800000, v3  }
0xd8: {  	(xrf1) =	vsort.ascd.msk.f32 $0xffff, v3, v9;
	_ =	sdelay $0xd  }
0xd9: {  	v3, v63, _ =	vpop (xrf1)  }
0xda: {  	v3 =	vperm.xlane v3, v2  }
0xdb: {  	v2 =	vperm.xlane v63, v2  }
0xdc: {  	vm15 =	vle.f32 v5, v3  }
0xdd: {  	v3 =	vsel vm15, v5, v3;
	v2 =	vsel vm15, v4, v2  }
0xde: {  	(xrf1) =	vsort.ascd.msk.f32 $0xffff, v3, v2;
	_ =	sdelay $0x8  }
0xdf: {  	s26 =	sadd.s32 $0x1, s26  }
0xe0: {  	p0 =	sne.s32 s26, $0x8  }
.Ltmp4:
0xe1: {  	_ = 	snop;
	(pc) =	sbr.rel @!p0 .LBB2_141-.Ltmp4, $3  }
0xe2: {  	_ =	sdelay $0x1  }
0xe3: {  	_, v2, _ =	vpop (xrf1)  }
0xe4: {  	[tilespmem:s28+$0x10470] =	vst v2  }
.LBB2_4:
0xe5: {  	s0 =	sshll.u32 s26, $0x4  }
0xe6: {  	v4 =	vld [tilespmem:s0+$0x10000]  }
0xe7: {  	v5 =	vld [tilespmem:s0+$0x10080]  }
0xe8: {  	v6 =	vld [tilespmem:s0+$0x10100];
	_ =	sdelay $0x3  }
0xe9: {  	v9 =	vimm.f32 $+Inf;
	v25 =	vbroadcast v4, $0x0;
	v26 =	vbroadcast v5, $0x0  }
0xea: {  	v7 =	vimm.s32 $0x0;
	v3 =	vld [tilespmem:s0+$0x10180];
	v2 =	vbroadcast v6, $0x0;
	v20 =	vbroadcast v4, $0x1  }
0xeb: {  	v17 =	vimm.s32 $0x0;
	v21 =	vbroadcast v5, $0x1;
	v19 =	vbroadcast v6, $0x1  }
.Ltmp5:
0xec: {  	v18 =	vimm.f32 $+Inf;
	v14 =	vbroadcast v4, $0x2;
	v15 =	vbroadcast v5, $0x2;
	(pc) =	sbr.rel .LBB2_5-.Ltmp5, $4  }
0xed: {  	v23 =	vimm.s32 $0x0;
	v13 =	vbroadcast v6, $0x2;
	v10 =	vbroadcast v4, $0x3  }
0xee: {  	s30 =	simm.f32 $+Inf;
	s3 =	simm.s32 $0x0;
	s31 =	simm.f32 $+Inf;
	v24 =	vimm.f32 $+Inf;
	v11 =	vbroadcast v5, $0x3;
	v8 =	vbroadcast v6, $0x3  }
0xef: {  	s20 =	simm.s32 $0x0;
	s24 =	simm.s32 $0x0;
	v28 =	vimm.s32 $0x0;
	s2 =	simm.f32 $+Inf;
	v27 =	vbroadcast v3, $0x0;
	v22 =	vbroadcast v3, $0x1  }
0xf0: {  	v29 =	vimm.f32 $+Inf;
	s29 =	simm.s32 $0x0;
	s28 =	simm.s32 $0x0;
	s0 =	simm.f32 $+Inf;
	v16 =	vbroadcast v3, $0x2;
	v12 =	vbroadcast v3, $0x3  }
.LBB2_31:
0xf1: {  	_ = 	snop  }
.LBB2_36:
0xf2: {  	v32 =	vadd.f32 v36, v34;
	v33 =	vmul.f32 v33, v8;
	_ =	sdelay $0x1  }
0xf3: {  	v32 =	vadd.f32 v33, v32;
	v33 =	vmul.u32 @p0 $0xFFFFFFFF, v0;
	_ =	sdelay $0x1  }
0xf4: {  	v31 =	vadd.f32 v31, v12;
	v34, v35, _ =	vpop @p0 (xrf1);
	v32 =	vadd.f32 v32, v32;
	v33 =	vadd.s32 @p0 $0xF, v33  }
0xf5: {  	v36, v37, _ =	vpop @p1 (xrf1);
	v34 =	vperm.xlane @p0 v34, v33  }
0xf6: {  	v31 =	vsub.f32 v31, v32;
	v32 =	vperm.xlane @p0 v35, v33;
	v33 =	vpsel p1, v36, v9  }
0xf7: {  	v35 =	vpsel p1, v37, v7;
	vm0 =	vle.f32 @p0 v33, v34  }
0xf8: {  	(xrf1) =	vsort.ascd.msk.f32 $0xffff, v31, v30;
	v30 =	vsel @p0 vm0, v33, v34;
	v31 =	vsel @p0 vm0, v35, v32  }
0xf9: {  	(xrf1) =	vsort.ascd.msk.f32 @p0 $0xffff, v30, v31;
	_ =	sdelay $0xa  }
0xfa: {  	v30 =	vmul.u32 $0xFFFFFFFF, v0;
	_ =	sdelay $0x1  }
0xfb: {  	v30 =	vadd.s32 $0xF, v30;
	v31, v32, _ =	vpop (xrf1)  }
0xfc: {  	v31 =	vperm.xlane v31, v30;
	v33, v34, _ =	vpop @p0 (xrf1)  }
0xfd: {  	v30 =	vperm.xlane v32, v30;
	v9 =	vpsel p0, v33, v9  }
0xfe: {  	v7 =	vpsel p0, v34, v7;
	vm15 =	vle.f32 v9, v31  }
0xff: {  	v9 =	vsel vm15, v9, v31;
	v7 =	vsel vm15, v7, v30  }
0x100: {  	(xrf1) =	vsort.ascd.msk.f32 $0xffff, v9, v7;
	_ =	sdelay $0xd  }
0x101: {  	v9, v7, _ =	vpop (xrf1)  }
0x102: {  	v30 =	vsub.f32 v9, v12;
	_ =	sdelay $0x1  }
0x103: {  	v30 =	vadd.f32 $9.999999740e-05, v30;
	_ =	sdelay $0x1  }
0x104: {  	(xrf0) =	vmax.scan.msk.f32 $0xffff, v30;
	_ =	sdelay $0x5  }
0x105: {  	v30, _, _ =	vpop (xrf0)  }
0x106: {  	(v2sf) =	vpush v30, $0xF;
	_ =	sdelay $0x7  }
0x107: {  	s3 =	ssub.s32 $0x0, s6  }
0x108: {  	p0 =	slt.s32 s3, $0x1  }
0x109: {  	v30 =	vld @!p0 [tilespmem:s4+$0x10];
	_ =	sdelay $0x4  }
0x10a: {  	s3 =	smov.u32 s5;
	[tilespmem:$0x10320] =	vst @!p0 v30;
	s30 =	spop (v2sf)  }
.LBB2_37:
0x10b: {  	s28 =	sadd.s32 $0x1, s28  }
0x10c: {  	p0 =	sne.s32 s28, $0x100  }
.Ltmp6:
0x10d: {  	_ = 	snop;
	(pc) =	sbr.rel @!p0 .LBB2_38-.Ltmp6, $1  }
0x10e: {  	_ =	sdelay $0x3  }
.LBB2_5:
0x10f: {  	s4 =	sshll.u32 s28, $0x6  }
0x110: {  	v30 =	vld [tilespmem:s4+$0x0]  }
0x111: {  	v31 =	vld [tilespmem:s4+$0x4000]  }
0x112: {  	v32 =	vld [tilespmem:s4+$0x8000];
	_ =	sdelay $0x3  }
0x113: {  	v37 =	vld [tilespmem:s4+$0x10];
	v33 =	vmul.f32 v30, v25;
	v34 =	vmul.f32 v31, v26  }
0x114: {  	v40 =	vld [tilespmem:s4+$0x4010];
	v52 =	vmul.f32 v32, v2;
	v53 =	vmul.f32 v30, v20  }
0x115: {  	v36 =	vmul.f32 v31, v21;
	v54 =	vmul.f32 v32, v19  }
0x116: {  	v38 =	vmul.f32 v30, v14;
	v39 =	vmul.f32 v31, v15  }
0x117: {  	v57 =	vld [tilespmem:s4+$0x8010];
	v56 =	vmul.f32 v32, v13;
	v30 =	vmul.f32 v30, v10  }
0x118: {  	v31 =	vmul.f32 v31, v11;
	v59 =	vmul.f32 v37, v25  }
0x119: {  	v41 =	vmul.f32 v40, v26;
	v45 =	vmul.f32 v37, v20  }
0x11a: {  	v46 =	vmul.f32 v40, v21;
	v42 =	vmul.f32 v37, v14;
	v33 =	vadd.f32 v34, v33  }
0x11b: {  	v43 =	vmul.f32 v40, v15;
	v34 =	vadd.f32 v36, v53;
	v55 =	vadd.f32 v39, v38  }
0x11c: {  	v61 =	vmul.f32 v57, v2;
	v30 =	vadd.f32 v31, v30;
	v60 =	vadd.f32 v41, v59  }
0x11d: {  	v35 =	vld [tilespmem:s4+$0xC000];
	v31 =	vmul.f32 v32, v8;
	v32 =	vadd.f32 v46, v45;
	v48 =	vadd.f32 v43, v42  }
0x11e: {  	v47 =	vmul.f32 v57, v19;
	v33 =	vadd.f32 v52, v33;
	v34 =	vadd.f32 v54, v34  }
0x11f: {  	v63 =	vld [tilespmem:s4+$0xC010];
	v30 =	vadd.f32 v31, v30;
	v31 =	vadd.f32 v61, v60  }
0x120: {  	v32 =	vadd.f32 v47, v32;
	v33 =	vadd.f32 v33, v33  }
0x121: {  	v49 =	vmul.f32 v57, v13;
	v34 =	vadd.f32 v34, v34;
	v30 =	vadd.f32 v30, v30  }
0x122: {  	v54 =	vmul.f32 v57, v8;
	v57 =	vld [tilespmem:s4+$0x8020];
	v31 =	vadd.f32 v31, v31;
	v33 =	vsub.f32 v35, v33  }
0x123: {  	v51 =	vmul.f32 v37, v10;
	v34 =	vsub.f32 v35, v34;
	v30 =	vsub.f32 v35, v30  }
0x124: {  	v52 =	vmul.f32 v40, v11;
	v31 =	vsub.f32 v63, v31;
	vm0 =	vlt.f32 v33, s2  }
0x125: {  	v33 =	vadd.f32 v56, v55;
	vm1 =	vlt.f32 v34, s0;
	vm3 =	vlt.f32 v30, s30;
	v55 =	vld [tilespmem:s4+$0x20]  }
0x126: {  	v30 =	vadd.f32 v49, v48;
	vm2 =	vlt.f32 v31, s2;
	v31 =	vadd.f32 v32, v32;
	v56 =	vld [tilespmem:s4+$0x4020]  }
0x127: {  	v32 =	vadd.f32 v52, v51;
	v48 =	vmul.f32 v57, v19;
	v52 =	vmul.f32 v57, v13  }
0x128: {  	v58 =	vsel vm0, $0x1, v1;
	v62 =	vsel vm1, $0x1, v1;
	v33 =	vadd.f32 v33, v33  }
0x129: {  	v50 =	vsel vm3, $0x1, v1;
	v53 =	vsel vm2, $0x1, v1;
	(xrf0) =	vadd.scan.msk.s32 $0xffff, v58;
	v30 =	vadd.f32 v30, v30  }
0x12a: {  	v31 =	vsub.f32 v63, v31;
	(xrf0) =	vadd.scan.msk.s32 $0xffff, v62;
	v62 =	vmul.f32 v57, v2;
	v33 =	vsub.f32 v35, v33  }
0x12b: {  	v45 =	vld [tilespmem:s4+$0x30];
	v30 =	vsub.f32 v63, v30;
	v58 =	vmul.f32 v55, v25;
	v59 =	vmul.f32 v56, v26  }
0x12c: {  	vm6 =	vlt.f32 v31, s0;
	v60 =	vmul.f32 v55, v20;
	v61 =	vmul.f32 v56, v21  }
0x12d: {  	v31 =	vsel vm6, $0x1, v1;
	v51 =	vmul.f32 v56, v15;
	v34 =	vmul.f32 v55, v10  }
0x12e: {  	vm4 =	vlt.f32 v33, s31;
	vm5 =	vlt.f32 v30, s31;
	v30 =	vadd.f32 v54, v32  }
0x12f: {  	v32 =	vmul.f32 v56, v11;
	v54 =	vld [tilespmem:s4+$0x4030];
	v33 =	vsel vm4, $0x1, v1;
	v39 =	vadd.f32 v59, v58  }
0x130: {  	v41 =	vadd.f32 v61, v60;
	v58 =	vmul.f32 v45, v25;
	(xrf0) =	vadd.scan.msk.s32 $0xffff, v33;
	v35, _, _ =	vpop (xrf0);
	v30 =	vadd.f32 v30, v30  }
0x131: {  	v60 =	vmul.f32 v45, v20;
	v32 =	vadd.f32 v32, v34;
	(xrf0) =	vadd.scan.msk.s32 $0xffff, v50;
	(v2sf) =	vpush v35, $0xF  }
0x132: {  	v39 =	vadd.f32 v62, v39;
	v49 =	vadd.f32 v48, v41;
	v50 =	vmul.f32 v55, v14;
	(xrf0) =	vadd.scan.msk.s32 $0xffff, v53  }
0x133: {  	v34 =	vld [tilespmem:s4+$0x8030];
	v33, _, _ =	vpop (xrf0);
	v30 =	vsub.f32 v63, v30;
	v53 =	vmul.f32 v57, v8;
	(xrf0) =	vadd.scan.msk.s32 $0xffff, v31;
	v31 =	vsel vm5, $0x1, v1  }
0x134: {  	v63 =	vld [tilespmem:s4+$0xC020];
	(v2sf) =	vpush v33, $0xF;
	v40 =	vadd.f32 v49, v49;
	v59 =	vmul.f32 v54, v26  }
0x135: {  	v41 =	vadd.f32 v51, v50;
	v47 =	vmul.f32 v54, v21;
	v49 =	vmul.f32 v45, v14  }
0x136: {  	v39 =	vadd.f32 v39, v39;
	v50 =	vmul.f32 v54, v15;
	v37 =	vmul.f32 v54, v11  }
0x137: {  	vm7 =	vlt.f32 v30, s30;
	v32 =	vadd.f32 v53, v32;
	v41 =	vadd.f32 v52, v41;
	v36, _, _ =	vpop (xrf0);
	(xrf0) =	vadd.scan.msk.s32 $0xffff, v31  }
0x138: {  	v44 =	vsel vm7, $0x1, v1;
	v61 =	vadd.f32 v59, v58;
	v62 =	vmul.f32 v34, v2  }
0x139: {  	v48 =	vmul.f32 v34, v19;
	v39 =	vsub.f32 v63, v39;
	v55 =	vadd.f32 v41, v41  }
0x13a: {  	v52 =	vmul.f32 v45, v10;
	v32 =	vadd.f32 v32, v32;
	(v2sf) =	vpush v36, $0xF;
	v38, _, _ =	vpop (xrf0)  }
0x13b: {  	v40 =	vsub.f32 v63, v40;
	v31, _, _ =	vpop (xrf0);
	vm9 =	vlt.f32 v39, s2;
	v39 =	vsub.f32 v63, v55  }
0x13c: {  	v51 =	vld [tilespmem:s4+$0xC030];
	v54 =	vmul.f32 v34, v13;
	v37 =	vadd.f32 v37, v52;
	(v2sf) =	vpush v38, $0xF;
	v43, _, _ =	vpop (xrf0)  }
0x13d: {  	v56 =	vsel vm9, $0x1, v1;
	vm10 =	vlt.f32 v39, s31;
	v39 =	vadd.f32 v62, v61;
	v30, _, _ =	vpop (xrf0);
	(xrf0) =	vadd.scan.msk.s32 $0xffff, v44  }
0x13e: {  	v34 =	vmul.f32 v34, v8;
	v32 =	vsub.f32 v63, v32;
	(v2sf) =	vpush v31, $0xF;
	(xrf0) =	vadd.scan.msk.s32 $0xffff, v56  }
0x13f: {  	vm8 =	vlt.f32 v40, s0;
	v63 =	vadd.f32 v47, v60;
	v39 =	vadd.f32 v39, v39  }
0x140: {  	v40 =	vadd.f32 v50, v49;
	v34 =	vadd.f32 v34, v37;
	v57 =	vsel vm8, $0x1, v1  }
0x141: {  	(v2sf) =	vpush v43, $0xF;
	(xrf0) =	vadd.scan.msk.s32 $0xffff, v57;
	v56 =	vsub.f32 v51, v39  }
0x142: {  	vm11 =	vlt.f32 v32, s30;
	v32 =	vadd.f32 v48, v63;
	v53 =	vsel vm10, $0x1, v1  }
0x143: {  	v55 =	vsel vm11, $0x1, v1;
	v40 =	vadd.f32 v54, v40;
	vm12 =	vlt.f32 v56, s2;
	v46, _, _ =	vpop (xrf0);
	(xrf0) =	vadd.scan.msk.s32 $0xffff, v53  }
0x144: {  	(v2sf) =	vpush v30, $0xF;
	v32 =	vadd.f32 v32, v32;
	v60 =	vsel vm12, $0x1, v1;
	v45, _, _ =	vpop (xrf0);
	(xrf0) =	vadd.scan.msk.s32 $0xffff, v55  }
0x145: {  	v34 =	vadd.f32 v34, v34;
	v57 =	vadd.f32 v40, v40;
	(xrf0) =	vadd.scan.msk.s32 $0xffff, v60  }
0x146: {  	v32 =	vsub.f32 v51, v32;
	(v2sf) =	vpush v46, $0xF  }
0x147: {  	v58 =	vsub.f32 v51, v57;
	(v2sf) =	vpush v45, $0xF;
	v40, _, _ =	vpop (xrf0)  }
0x148: {  	v61 =	vsub.f32 v51, v34;
	vm13 =	vlt.f32 v32, s0;
	(v2sf) =	vpush v40, $0xF  }
0x149: {  	s6 =	spop (v2sf);
	v62 =	vsel vm13, $0x1, v1;
	vm14 =	vlt.f32 v58, s31;
	v59, _, _ =	vpop (xrf0)  }
0x14a: {  	vm15 =	vlt.f32 v61, s30;
	s7 =	spop (v2sf);
	v48 =	vsel vm14, $0x1, v1;
	(xrf0) =	vadd.scan.msk.s32 $0xffff, v62;
	(v2sf) =	vpush v59, $0xF;
	v63, _, _ =	vpop (xrf0)  }
0x14b: {  	s22 =	sadd.s32 $0xBF, s20;
	v32 =	vsel vm15, $0x1, v1;
	s21 =	spop (v2sf);
	(xrf0) =	vadd.scan.msk.s32 $0xffff, v48;
	(v2sf) =	vpush v63, $0xF;
	v50, _, _ =	vpop (xrf0)  }
0x14c: {  	v36 =	vadd.s32 s22, v36;
	s22 =	spop (v2sf);
	(xrf0) =	vadd.scan.msk.s32 $0xffff, v32;
	(v2sf) =	vpush v50, $0xF  }
0x14d: {  	s5 =	sadd.s32 $0xFFFFFFFF, s29  }
0x14e: {  	s8 =	sadd.s32 $0x5F, s24;
	v49 =	vadd.s32 s5, v35  }
0x14f: {  	v33 =	vadd.s32 s8, v33  }
0x150: {  	s9 =	sadd.s32 $0x11F, s3;
	s5 =	simm.s32 $0x10200;
	s6 =	sadd.s32 s29, s6;
	v51, _, _ =	vpop (xrf0)  }
0x151: {  	v38 =	vadd.s32 s9, v38;
	s9 =	sadd.s32 $0xFFFFFFFF, s6;
	s7 =	sadd.s32 s24, s7;
	s24 =	spop (v2sf);
	(v2sf) =	vpush v51, $0xF;
	v52, _, _ =	vpop (xrf0)  }
0x152: {  	v53 =	vor.u32 s4, v0;
	v31 =	vadd.s32 s9, v31;
	s9 =	sadd.s32 $0x5F, s7;
	s20 =	sadd.s32 s20, s21;
	s21 =	spop (v2sf);
	(v2sf) =	vpush v52, $0xF;
	v54, _, _ =	vpop (xrf0)  }
0x153: {  	[tilespmem:v49+s5+$0x0] =	vst.idx.msk vm0, v53;
	v55 =	vadd.s32 s9, v43;
	s3 =	sadd.s32 s3, s22;
	s9 =	sadd.s32 $0xBF, s20;
	s22 =	spop (v2sf);
	(v2sf) =	vpush v54, $0xF  }
0x154: {  	[tilespmem:v33+s5+$0x0] =	vst.idx.msk vm1, v53;
	s6 =	sadd.s32 s6, s24;
	v30 =	vadd.s32 s9, v30;
	s9 =	sadd.s32 $0x11F, s3;
	s7 =	sadd.s32 s7, s21  }
0x155: {  	[tilespmem:v36+s5+$0x0] =	vst.idx.msk vm4, v53;
	s21 =	sor.u32 $0x10, s4;
	v56 =	vadd.s32 s9, v46;
	s9 =	sadd.s32 $0xFFFFFFFF, s6;
	s24 =	spop (v2sf)  }
0x156: {  	[tilespmem:v38+s5+$0x0] =	vst.idx.msk vm3, v53;
	v57 =	vor.u32 s21, v0;
	v58 =	vadd.s32 s9, v45;
	s9 =	sadd.s32 $0x5F, s7;
	s20 =	sadd.s32 s20, s22;
	s21 =	spop (v2sf)  }
0x157: {  	[tilespmem:v31+s5+$0x0] =	vst.idx.msk vm2, v57;
	v31 =	vadd.s32 s9, v40;
	s3 =	sadd.s32 s3, s24;
	s24 =	sadd.s32 $0xBF, s20;
	s22 =	spop (v2sf)  }
0x158: {  	[tilespmem:v55+s5+$0x0] =	vst.idx.msk vm6, v57;
	s6 =	sadd.s32 s6, s21;
	v59 =	vadd.s32 s24, v59;
	s9 =	sadd.s32 $0x11F, s3;
	s24 =	sadd.s32 s7, s22  }
0x159: {  	[tilespmem:v30+s5+$0x0] =	vst.idx.msk vm5, v57;
	s22 =	sor.u32 $0x20, s4;
	v30 =	vadd.s32 s9, v63;
	s9 =	sadd.s32 $0xFFFFFFFF, s6;
	s21 =	spop (v2sf)  }
0x15a: {  	[tilespmem:v56+s5+$0x0] =	vst.idx.msk vm7, v57;
	v60 =	vor.u32 s22, v0;
	v61 =	vadd.s32 s9, v50;
	s22 =	sadd.s32 $0x5F, s24;
	s20 =	sadd.s32 s20, s21;
	s21 =	spop (v2sf)  }
0x15b: {  	[tilespmem:v58+s5+$0x0] =	vst.idx.msk vm9, v60;
	v62 =	vadd.s32 s22, v51;
	s3 =	sadd.s32 s3, s21;
	s9 =	sadd.s32 $0xBF, s20;
	s22 =	spop (v2sf)  }
0x15c: {  	[tilespmem:v31+s5+$0x0] =	vst.idx.msk vm8, v60;
	v31 =	vadd.s32 s9, v52;
	s21 =	sadd.s32 $0x11F, s3;
	s29 =	sadd.s32 s6, s22  }
0x15d: {  	s4 =	sor.u32 $0x30, s4;
	[tilespmem:v59+s5+$0x0] =	vst.idx.msk vm10, v60;
	v63 =	vadd.s32 s21, v54;
	p0 =	slt.s32 s29, $0x10  }
.Ltmp7:
0x15e: {  	[tilespmem:v30+s5+$0x0] =	vst.idx.msk vm11, v60;
	v30 =	vor.u32 s4, v0;
	(pc) =	sbr.rel @p0 .LBB2_13-.Ltmp7, $4  }
0x15f: {  	[tilespmem:v61+s5+$0x0] =	vst.idx.msk vm12, v30  }
0x160: {  	s4 =	spop (v2sf);
	[tilespmem:v62+s5+$0x0] =	vst.idx.msk vm13, v30  }
0x161: {  	s22 =	spop (v2sf);
	[tilespmem:v31+s5+$0x0] =	vst.idx.msk vm14, v30  }
0x162: {  	s21 =	spop (v2sf);
	[tilespmem:v63+s5+$0x0] =	vst.idx.msk vm15, v30  }
0x163: {  	v30 =	vld [tilespmem:s5+$0x0];
	_ =	sdelay $0x6  }
0x164: {  	s6 =	sadd.s32 $0xFFFFFFF0, s29  }
0x165: {  	s7 =	sadd.s32 $0x10, s6;
	v32 =	vld.idx.msk [tilespmem:v30+s1+$0x0], $0xffff  }
0x166: {  	p2 =	sgt.u32 s7, $0x1F;
	v34 =	vld.idx.msk [tilespmem:v30+s18+$0x0], $0xffff  }
.Ltmp8:
0x167: {  	_ = 	snop;
	(pc) =	sbr.rel @!p2 .LBB2_7-.Ltmp8, $3  }
0x168: {  	_ =	sdelay $0x1  }
0x169: {  	s2 =	simm.s32 $0xFFFFFFF0;
	v33 =	vld.idx.msk [tilespmem:v30+s19+$0x0], $0xffff  }
0x16a: {  	p0 =	por $0x0, $0x0;
	p1 =	por $0x0, $0x0;
	s7 =	simm.s32 $0x10210;
	v31 =	vld.idx.msk [tilespmem:v30+s23+$0x0], $0xffff;
	v35 =	vmul.f32 v32, v25;
	v36 =	vmul.f32 v34, v26  }
0x16b: {  	v34 =	vld [tilespmem:s7+$0x0];
	_ =	sdelay $0x5  }
0x16c: {  	v32 =	vadd.f32 v36, v35;
	v33 =	vmul.f32 v33, v2  }
0x16d: {  	s6 =	sadd.s32 $0xFFFFFFE0, s29  }
0x16e: {  	s2 =	sadd.s32 $0x10, s6;
	v32 =	vadd.f32 v33, v32;
	v62 =	vld.idx.msk [tilespmem:v34+s1+$0x0], $0xffff  }
0x16f: {  	p2 =	sgt.u32 s2, $0x1F;
	v63 =	vld.idx.msk [tilespmem:v34+s18+$0x0], $0xffff  }
.Ltmp9:
0x170: {  	v31 =	vadd.f32 v31, v27;
	v32 =	vadd.f32 v32, v32;
	(pc) =	sbr.rel @!p2 .LBB2_9-.Ltmp9, $4  }
0x171: {  	_ = 	snop  }
0x172: {  	v31 =	vsub.f32 v31, v32  }
0x173: {  	v33 =	vld.idx.msk [tilespmem:v34+s19+$0x0], $0xffff  }
0x174: {  	s7 =	simm.s32 $0x10220;
	p0 =	por $0x1, $0x1;
	s2 =	simm.s32 $0xFFFFFFE0;
	(xrf1) =	vsort.ascd.msk.f32 $0xffff, v31, v30;
	v31 =	vld.idx.msk [tilespmem:v34+s23+$0x0], $0xffff;
	v35 =	vmul.f32 v62, v25;
	v36 =	vmul.f32 v63, v26  }
0x175: {  	_ =	sdelay $0x7  }
0x176: {  	v32 =	vadd.f32 v36, v35;
	v33 =	vmul.f32 v33, v2  }
0x177: {  	v30 =	vld [tilespmem:s7+$0x0]  }
0x178: {  	v32 =	vadd.f32 v33, v32  }
0x179: {  	v58 =	vmul.u32 $0xFFFFFFFF, v0  }
0x17a: {  	v31 =	vadd.f32 v31, v27;
	v60 =	vadd.f32 v32, v32  }
0x17b: {  	v32 =	vadd.s32 $0xF, v58;
	v61, v37, _ =	vpop (xrf1)  }
0x17c: {  	v31 =	vsub.f32 v31, v60;
	v33 =	vperm.xlane v61, v32  }
0x17d: {  	v62 =	vperm.xlane v37, v32  }
0x17e: {  	(xrf1) =	vsort.ascd.msk.f32 $0xffff, v31, v34;
	vm0 =	vle.f32 v29, v33  }
0x17f: {  	s6 =	sadd.s32 $0xFFFFFFD0, s29;
	v59 =	vld.idx.msk [tilespmem:v30+s1+$0x0], $0xffff;
	v31 =	vsel vm0, v29, v33;
	v63 =	vsel vm0, v28, v62  }
0x180: {  	s2 =	sadd.s32 $0x10, s6;
	v38 =	vld.idx.msk [tilespmem:v30+s18+$0x0], $0xffff;
	(xrf1) =	vsort.ascd.msk.f32 $0xffff, v31, v63  }
0x181: {  	p2 =	sgt.u32 s2, $0x1F  }
.Ltmp10:
0x182: {  	v33 =	vld.idx.msk [tilespmem:v30+s19+$0x0], $0xffff;
	(pc) =	sbr.rel @!p2 .LBB2_12-.Ltmp10, $3  }
0x183: {  	_ =	sdelay $0x1  }
0x184: {  	v35 =	vmul.f32 v59, v25;
	v36 =	vmul.f32 v38, v26  }
0x185: {  	s7 =	simm.s32 $0x10230;
	p1 =	por $0x1, $0x1;
	s2 =	simm.s32 $0xFFFFFFD0;
	v31 =	vld.idx.msk [tilespmem:v30+s23+$0x0], $0xffff  }
.LBB2_11:
0x186: {  	v34 =	vld [tilespmem:s7+$0x0];
	s2 =	sadd.s32 $0xFFFFFFF0, s2;
	v35 =	vadd.f32 v36, v35;
	v33 =	vmul.f32 v33, v2  }
0x187: {  	s6 =	sadd.s32 s2, s29  }
0x188: {  	s8 =	sadd.s32 $0x10, s6;
	v33 =	vadd.f32 v33, v35  }
0x189: {  	p2 =	sgt.u32 s8, $0x1F  }
0x18a: {  	v31 =	vadd.f32 v31, v27;
	v33 =	vadd.f32 v33, v33  }
0x18b: {  	v35, v36, _ =	vpop (xrf1)  }
0x18c: {  	v31 =	vsub.f32 v31, v33;
	v33 =	vperm.xlane v35, v32  }
0x18d: {  	v35 =	vperm.xlane v36, v32;
	v36, v37, _ =	vpop (xrf1)  }
0x18e: {  	v38 =	vld.idx.msk [tilespmem:v34+s1+$0x0], $0xffff;
	(xrf1) =	vsort.ascd.msk.f32 $0xffff, v31, v30;
	vm0 =	vle.f32 v36, v33;
	v30 =	vmov v34  }
0x18f: {  	v39 =	vld.idx.msk [tilespmem:v34+s18+$0x0], $0xffff;
	v31 =	vsel vm0, v36, v33;
	v33 =	vsel vm0, v37, v35  }
0x190: {  	(xrf1) =	vsort.ascd.msk.f32 $0xffff, v31, v33  }
0x191: {  	v33 =	vld.idx.msk [tilespmem:v34+s19+$0x0], $0xffff  }
.Ltmp11:
0x192: {  	(pc) =	sbr.rel @p2 .LBB2_11-.Ltmp11, $3  }
0x193: {  	_ =	sdelay $0x1  }
0x194: {  	v35 =	vmul.f32 v38, v25;
	v36 =	vmul.f32 v39, v26;
	v31 =	vld.idx.msk [tilespmem:v34+s23+$0x0], $0xffff  }
0x195: {  	s7 =	sadd.s32 $0x10, s7  }
.LBB2_12:
0x196: {  	_ =	sdelay $0x1  }
0x197: {  	v32 =	vadd.f32 v36, v35;
	v33 =	vmul.f32 v33, v2;
	_ =	sdelay $0x1  }
0x198: {  	v32 =	vadd.f32 v33, v32;
	v33 =	vmul.u32 @p0 $0xFFFFFFFF, v0;
	_ =	sdelay $0x1  }
0x199: {  	v31 =	vadd.f32 v31, v27;
	v32 =	vadd.f32 v32, v32;
	v33 =	vadd.s32 @p0 $0xF, v33;
	v34, v35, _ =	vpop @p0 (xrf1)  }
0x19a: {  	v34 =	vperm.xlane @p0 v34, v33;
	v36, v37, _ =	vpop @p1 (xrf1)  }
0x19b: {  	v31 =	vsub.f32 v31, v32;
	v32 =	vperm.xlane @p0 v35, v33;
	v33 =	vpsel p1, v36, v29  }
0x19c: {  	v35 =	vpsel p1, v37, v28;
	vm0 =	vle.f32 @p0 v33, v34  }
0x19d: {  	(xrf1) =	vsort.ascd.msk.f32 $0xffff, v31, v30;
	v30 =	vsel @p0 vm0, v33, v34;
	v31 =	vsel @p0 vm0, v35, v32  }
0x19e: {  	(xrf1) =	vsort.ascd.msk.f32 @p0 $0xffff, v30, v31;
	_ =	sdelay $0xa  }
0x19f: {  	v30 =	vmul.u32 $0xFFFFFFFF, v0;
	_ =	sdelay $0x1  }
0x1a0: {  	v30 =	vadd.s32 $0xF, v30;
	v31, v32, _ =	vpop (xrf1)  }
0x1a1: {  	v31 =	vperm.xlane v31, v30;
	v33, v34, _ =	vpop @p0 (xrf1)  }
0x1a2: {  	v30 =	vperm.xlane v32, v30;
	v29 =	vpsel p0, v33, v29  }
0x1a3: {  	v28 =	vpsel p0, v34, v28;
	vm15 =	vle.f32 v29, v31  }
0x1a4: {  	v29 =	vsel vm15, v29, v31;
	v28 =	vsel vm15, v28, v30  }
0x1a5: {  	(xrf1) =	vsort.ascd.msk.f32 $0xffff, v29, v28;
	_ =	sdelay $0xd  }
0x1a6: {  	v29, v28, _ =	vpop (xrf1)  }
0x1a7: {  	v30 =	vsub.f32 v29, v27;
	_ =	sdelay $0x1  }
0x1a8: {  	v30 =	vadd.f32 $9.999999740e-05, v30;
	_ =	sdelay $0x1  }
0x1a9: {  	(xrf0) =	vmax.scan.msk.f32 $0xffff, v30;
	_ =	sdelay $0x5  }
0x1aa: {  	v30, _, _ =	vpop (xrf0)  }
0x1ab: {  	(v2sf) =	vpush v30, $0xF;
	_ =	sdelay $0x7  }
0x1ac: {  	s2 =	ssub.s32 $0x0, s2  }
0x1ad: {  	p0 =	slt.s32 s2, $0x1  }
0x1ae: {  	v30 =	vld @!p0 [tilespmem:s5+$0x10];
	_ =	sdelay $0x4  }
0x1af: {  	s29 =	smov.u32 s6;
	[tilespmem:$0x10200] =	vst @!p0 v30;
	s2 =	spop (v2sf)  }
.LBB2_13:
0x1b0: {  	s24 =	sadd.s32 s24, s4  }
0x1b1: {  	p0 =	slt.s32 s24, $0x10  }
.Ltmp12:
0x1b2: {  	_ = 	snop;
	(pc) =	sbr.rel @p0 .LBB2_21-.Ltmp12, $1  }
0x1b3: {  	_ =	sdelay $0x3  }
0x1b4: {  	s0 =	simm.s32 $0x10260  }
0x1b5: {  	v30 =	vld [tilespmem:s0+$0x0];
	_ =	sdelay $0x6  }
0x1b6: {  	s4 =	sadd.s32 $0xFFFFFFF0, s24  }
0x1b7: {  	s6 =	sadd.s32 $0x10, s4;
	v32 =	vld.idx.msk [tilespmem:v30+s1+$0x0], $0xffff  }
0x1b8: {  	p2 =	sgt.u32 s6, $0x1F;
	v35 =	vld.idx.msk [tilespmem:v30+s18+$0x0], $0xffff  }
.Ltmp13:
0x1b9: {  	_ = 	snop;
	(pc) =	sbr.rel @!p2 .LBB2_15-.Ltmp13, $3  }
0x1ba: {  	_ =	sdelay $0x1  }
0x1bb: {  	s5 =	simm.s32 $0xFFFFFFF0;
	v33 =	vld.idx.msk [tilespmem:v30+s19+$0x0], $0xffff  }
0x1bc: {  	p0 =	por $0x0, $0x0;
	p1 =	por $0x0, $0x0;
	s6 =	simm.s32 $0x10270;
	v31 =	vld.idx.msk [tilespmem:v30+s23+$0x0], $0xffff;
	v34 =	vmul.f32 v32, v20;
	v36 =	vmul.f32 v35, v21  }
0x1bd: {  	v35 =	vld [tilespmem:s6+$0x0];
	_ =	sdelay $0x5  }
0x1be: {  	v32 =	vadd.f32 v36, v34;
	v33 =	vmul.f32 v33, v19  }
0x1bf: {  	s4 =	sadd.s32 $0xFFFFFFE0, s24  }
0x1c0: {  	s0 =	sadd.s32 $0x10, s4;
	v32 =	vadd.f32 v33, v32;
	v62 =	vld.idx.msk [tilespmem:v35+s1+$0x0], $0xffff  }
0x1c1: {  	p2 =	sgt.u32 s0, $0x1F;
	v63 =	vld.idx.msk [tilespmem:v35+s18+$0x0], $0xffff  }
.Ltmp14:
0x1c2: {  	v31 =	vadd.f32 v31, v22;
	v32 =	vadd.f32 v32, v32;
	(pc) =	sbr.rel @!p2 .LBB2_17-.Ltmp14, $4  }
0x1c3: {  	_ = 	snop  }
0x1c4: {  	v31 =	vsub.f32 v31, v32  }
0x1c5: {  	v33 =	vld.idx.msk [tilespmem:v35+s19+$0x0], $0xffff  }
0x1c6: {  	s5 =	simm.s32 $0xFFFFFFE0;
	p0 =	por $0x1, $0x1;
	s0 =	simm.s32 $0x10280;
	(xrf1) =	vsort.ascd.msk.f32 $0xffff, v31, v30;
	v31 =	vld.idx.msk [tilespmem:v35+s23+$0x0], $0xffff;
	v34 =	vmul.f32 v62, v20;
	v36 =	vmul.f32 v63, v21  }
0x1c7: {  	_ =	sdelay $0x7  }
0x1c8: {  	v32 =	vadd.f32 v36, v34;
	v33 =	vmul.f32 v33, v19  }
0x1c9: {  	v30 =	vld [tilespmem:s0+$0x0]  }
0x1ca: {  	v32 =	vadd.f32 v33, v32  }
0x1cb: {  	v58 =	vmul.u32 $0xFFFFFFFF, v0  }
0x1cc: {  	v31 =	vadd.f32 v31, v22;
	v60 =	vadd.f32 v32, v32  }
0x1cd: {  	v32 =	vadd.s32 $0xF, v58;
	v61, v37, _ =	vpop (xrf1)  }
0x1ce: {  	v31 =	vsub.f32 v31, v60;
	v33 =	vperm.xlane v61, v32  }
0x1cf: {  	v62 =	vperm.xlane v37, v32  }
0x1d0: {  	s4 =	sadd.s32 $0xFFFFFFD0, s24;
	(xrf1) =	vsort.ascd.msk.f32 $0xffff, v31, v35;
	vm0 =	vle.f32 v24, v33  }
0x1d1: {  	s5 =	sadd.s32 $0x10, s4;
	v59 =	vld.idx.msk [tilespmem:v30+s1+$0x0], $0xffff;
	v31 =	vsel vm0, v24, v33;
	v63 =	vsel vm0, v23, v62  }
0x1d2: {  	p2 =	sgt.u32 s5, $0x1F;
	v38 =	vld.idx.msk [tilespmem:v30+s18+$0x0], $0xffff;
	(xrf1) =	vsort.ascd.msk.f32 $0xffff, v31, v63  }
.Ltmp15:
0x1d3: {  	_ = 	snop;
	(pc) =	sbr.rel @!p2 .LBB2_20-.Ltmp15, $2  }
0x1d4: {  	v33 =	vld.idx.msk [tilespmem:v30+s19+$0x0], $0xffff;
	_ =	sdelay $0x2  }
0x1d5: {  	s6 =	simm.s32 $0x10290;
	p1 =	por $0x1, $0x1;
	s5 =	simm.s32 $0xFFFFFFD0;
	v34 =	vmul.f32 v59, v20;
	v36 =	vmul.f32 v38, v21;
	v31 =	vld.idx.msk [tilespmem:v30+s23+$0x0], $0xffff  }
.LBB2_19:
0x1d6: {  	s0 =	smov.u32 s6  }
0x1d7: {  	s5 =	sadd.s32 $0xFFFFFFF0, s5;
	v34 =	vadd.f32 v36, v34;
	v33 =	vmul.f32 v33, v19;
	v35 =	vld [tilespmem:s6+$0x0]  }
0x1d8: {  	s4 =	sadd.s32 s5, s24  }
0x1d9: {  	s7 =	sadd.s32 $0x10, s4;
	v33 =	vadd.f32 v33, v34  }
0x1da: {  	p2 =	sgt.u32 s7, $0x1F  }
0x1db: {  	v31 =	vadd.f32 v31, v22;
	v33 =	vadd.f32 v33, v33  }
0x1dc: {  	v34, v36, _ =	vpop (xrf1)  }
0x1dd: {  	v31 =	vsub.f32 v31, v33;
	v33 =	vperm.xlane v34, v32  }
0x1de: {  	v34 =	vperm.xlane v36, v32;
	v36, v37, _ =	vpop (xrf1)  }
0x1df: {  	v38 =	vld.idx.msk [tilespmem:v35+s1+$0x0], $0xffff;
	(xrf1) =	vsort.ascd.msk.f32 $0xffff, v31, v30;
	vm0 =	vle.f32 v36, v33;
	v30 =	vmov v35  }
0x1e0: {  	v39 =	vld.idx.msk [tilespmem:v35+s18+$0x0], $0xffff;
	v31 =	vsel vm0, v36, v33;
	v33 =	vsel vm0, v37, v34  }
0x1e1: {  	(xrf1) =	vsort.ascd.msk.f32 $0xffff, v31, v33  }
0x1e2: {  	v33 =	vld.idx.msk [tilespmem:v35+s19+$0x0], $0xffff  }
.Ltmp16:
0x1e3: {  	(pc) =	sbr.rel @p2 .LBB2_19-.Ltmp16, $3  }
0x1e4: {  	_ =	sdelay $0x1  }
0x1e5: {  	v34 =	vmul.f32 v38, v20;
	v36 =	vmul.f32 v39, v21;
	v31 =	vld.idx.msk [tilespmem:v35+s23+$0x0], $0xffff  }
0x1e6: {  	s6 =	sadd.s32 $0x10, s6  }
.LBB2_20:
0x1e7: {  	_ =	sdelay $0x2  }
0x1e8: {  	v32 =	vadd.f32 v36, v34;
	v33 =	vmul.f32 v33, v19;
	_ =	sdelay $0x1  }
0x1e9: {  	v32 =	vadd.f32 v33, v32;
	v33 =	vmul.u32 @p0 $0xFFFFFFFF, v0;
	_ =	sdelay $0x1  }
0x1ea: {  	v31 =	vadd.f32 v31, v22;
	v32 =	vadd.f32 v32, v32;
	v33 =	vadd.s32 @p0 $0xF, v33;
	v34, v35, _ =	vpop @p0 (xrf1)  }
0x1eb: {  	v34 =	vperm.xlane @p0 v34, v33;
	v36, v37, _ =	vpop @p1 (xrf1)  }
0x1ec: {  	v31 =	vsub.f32 v31, v32;
	v32 =	vperm.xlane @p0 v35, v33;
	v33 =	vpsel p1, v36, v24  }
0x1ed: {  	v35 =	vpsel p1, v37, v23;
	vm0 =	vle.f32 @p0 v33, v34  }
0x1ee: {  	(xrf1) =	vsort.ascd.msk.f32 $0xffff, v31, v30;
	v30 =	vsel @p0 vm0, v33, v34;
	v31 =	vsel @p0 vm0, v35, v32  }
0x1ef: {  	(xrf1) =	vsort.ascd.msk.f32 @p0 $0xffff, v30, v31;
	_ =	sdelay $0xa  }
0x1f0: {  	v30 =	vmul.u32 $0xFFFFFFFF, v0;
	_ =	sdelay $0x1  }
0x1f1: {  	v30 =	vadd.s32 $0xF, v30;
	v31, v32, _ =	vpop (xrf1)  }
0x1f2: {  	v31 =	vperm.xlane v31, v30;
	v33, v34, _ =	vpop @p0 (xrf1)  }
0x1f3: {  	v30 =	vperm.xlane v32, v30;
	v24 =	vpsel p0, v33, v24  }
0x1f4: {  	v23 =	vpsel p0, v34, v23;
	vm15 =	vle.f32 v24, v31  }
0x1f5: {  	v24 =	vsel vm15, v24, v31;
	v23 =	vsel vm15, v23, v30  }
0x1f6: {  	(xrf1) =	vsort.ascd.msk.f32 $0xffff, v24, v23;
	_ =	sdelay $0xd  }
0x1f7: {  	v24, v23, _ =	vpop (xrf1)  }
0x1f8: {  	v30 =	vsub.f32 v24, v22;
	_ =	sdelay $0x1  }
0x1f9: {  	v30 =	vadd.f32 $9.999999740e-05, v30;
	_ =	sdelay $0x1  }
0x1fa: {  	(xrf0) =	vmax.scan.msk.f32 $0xffff, v30;
	_ =	sdelay $0x5  }
0x1fb: {  	v30, _, _ =	vpop (xrf0)  }
0x1fc: {  	(v2sf) =	vpush v30, $0xF;
	_ =	sdelay $0x7  }
0x1fd: {  	s5 =	ssub.s32 $0x0, s5  }
0x1fe: {  	p0 =	slt.s32 s5, $0x1  }
0x1ff: {  	v30 =	vld @!p0 [tilespmem:s0+$0x10];
	_ =	sdelay $0x4  }
0x200: {  	s24 =	smov.u32 s4;
	[tilespmem:$0x10260] =	vst @!p0 v30;
	s0 =	spop (v2sf)  }
.LBB2_21:
0x201: {  	s20 =	sadd.s32 s20, s22  }
0x202: {  	p0 =	slt.s32 s20, $0x10  }
.Ltmp17:
0x203: {  	_ = 	snop;
	(pc) =	sbr.rel @p0 .LBB2_29-.Ltmp17, $1  }
0x204: {  	_ =	sdelay $0x3  }
0x205: {  	s4 =	simm.s32 $0x102C0  }
0x206: {  	v30 =	vld [tilespmem:s4+$0x0];
	_ =	sdelay $0x6  }
0x207: {  	s5 =	sadd.s32 $0xFFFFFFF0, s20  }
0x208: {  	s7 =	sadd.s32 $0x10, s5;
	v32 =	vld.idx.msk [tilespmem:v30+s1+$0x0], $0xffff  }
0x209: {  	p2 =	sgt.u32 s7, $0x1F;
	v35 =	vld.idx.msk [tilespmem:v30+s18+$0x0], $0xffff  }
.Ltmp18:
0x20a: {  	_ = 	snop;
	(pc) =	sbr.rel @!p2 .LBB2_23-.Ltmp18, $3  }
0x20b: {  	_ =	sdelay $0x1  }
0x20c: {  	s6 =	simm.s32 $0xFFFFFFF0;
	v33 =	vld.idx.msk [tilespmem:v30+s19+$0x0], $0xffff  }
0x20d: {  	p0 =	por $0x0, $0x0;
	p1 =	por $0x0, $0x0;
	s7 =	simm.s32 $0x102D0;
	v31 =	vld.idx.msk [tilespmem:v30+s23+$0x0], $0xffff;
	v34 =	vmul.f32 v32, v14;
	v36 =	vmul.f32 v35, v15  }
0x20e: {  	v35 =	vld [tilespmem:s7+$0x0];
	_ =	sdelay $0x5  }
0x20f: {  	v32 =	vadd.f32 v36, v34;
	v33 =	vmul.f32 v33, v13  }
0x210: {  	s5 =	sadd.s32 $0xFFFFFFE0, s20  }
0x211: {  	s4 =	sadd.s32 $0x10, s5;
	v32 =	vadd.f32 v33, v32;
	v62 =	vld.idx.msk [tilespmem:v35+s1+$0x0], $0xffff  }
0x212: {  	p2 =	sgt.u32 s4, $0x1F;
	v63 =	vld.idx.msk [tilespmem:v35+s18+$0x0], $0xffff  }
.Ltmp19:
0x213: {  	v31 =	vadd.f32 v31, v16;
	v32 =	vadd.f32 v32, v32;
	(pc) =	sbr.rel @!p2 .LBB2_25-.Ltmp19, $4  }
0x214: {  	_ = 	snop  }
0x215: {  	v31 =	vsub.f32 v31, v32  }
0x216: {  	v33 =	vld.idx.msk [tilespmem:v35+s19+$0x0], $0xffff  }
0x217: {  	s6 =	simm.s32 $0xFFFFFFE0;
	p0 =	por $0x1, $0x1;
	s4 =	simm.s32 $0x102E0;
	(xrf1) =	vsort.ascd.msk.f32 $0xffff, v31, v30;
	v31 =	vld.idx.msk [tilespmem:v35+s23+$0x0], $0xffff;
	v34 =	vmul.f32 v62, v14;
	v36 =	vmul.f32 v63, v15  }
0x218: {  	_ =	sdelay $0x7  }
0x219: {  	v32 =	vadd.f32 v36, v34;
	v33 =	vmul.f32 v33, v13  }
0x21a: {  	v30 =	vld [tilespmem:s4+$0x0]  }
0x21b: {  	v32 =	vadd.f32 v33, v32  }
0x21c: {  	v58 =	vmul.u32 $0xFFFFFFFF, v0  }
0x21d: {  	v31 =	vadd.f32 v31, v16;
	v60 =	vadd.f32 v32, v32  }
0x21e: {  	v32 =	vadd.s32 $0xF, v58;
	v61, v37, _ =	vpop (xrf1)  }
0x21f: {  	v31 =	vsub.f32 v31, v60;
	v33 =	vperm.xlane v61, v32  }
0x220: {  	v62 =	vperm.xlane v37, v32  }
0x221: {  	s5 =	sadd.s32 $0xFFFFFFD0, s20;
	(xrf1) =	vsort.ascd.msk.f32 $0xffff, v31, v35;
	vm0 =	vle.f32 v18, v33  }
0x222: {  	s6 =	sadd.s32 $0x10, s5;
	v59 =	vld.idx.msk [tilespmem:v30+s1+$0x0], $0xffff;
	v31 =	vsel vm0, v18, v33;
	v63 =	vsel vm0, v17, v62  }
0x223: {  	p2 =	sgt.u32 s6, $0x1F;
	v38 =	vld.idx.msk [tilespmem:v30+s18+$0x0], $0xffff;
	(xrf1) =	vsort.ascd.msk.f32 $0xffff, v31, v63  }
.Ltmp20:
0x224: {  	_ = 	snop;
	(pc) =	sbr.rel @!p2 .LBB2_28-.Ltmp20, $2  }
0x225: {  	v33 =	vld.idx.msk [tilespmem:v30+s19+$0x0], $0xffff;
	_ =	sdelay $0x2  }
0x226: {  	s7 =	simm.s32 $0x102F0;
	p1 =	por $0x1, $0x1;
	s6 =	simm.s32 $0xFFFFFFD0;
	v34 =	vmul.f32 v59, v14;
	v36 =	vmul.f32 v38, v15;
	v31 =	vld.idx.msk [tilespmem:v30+s23+$0x0], $0xffff  }
.LBB2_27:
0x227: {  	s4 =	smov.u32 s7  }
0x228: {  	s6 =	sadd.s32 $0xFFFFFFF0, s6;
	v34 =	vadd.f32 v36, v34;
	v33 =	vmul.f32 v33, v13;
	v35 =	vld [tilespmem:s7+$0x0]  }
0x229: {  	s5 =	sadd.s32 s6, s20  }
0x22a: {  	s8 =	sadd.s32 $0x10, s5;
	v33 =	vadd.f32 v33, v34  }
0x22b: {  	p2 =	sgt.u32 s8, $0x1F  }
0x22c: {  	v31 =	vadd.f32 v31, v16;
	v33 =	vadd.f32 v33, v33  }
0x22d: {  	v34, v36, _ =	vpop (xrf1)  }
0x22e: {  	v31 =	vsub.f32 v31, v33;
	v33 =	vperm.xlane v34, v32  }
0x22f: {  	v34 =	vperm.xlane v36, v32;
	v36, v37, _ =	vpop (xrf1)  }
0x230: {  	v38 =	vld.idx.msk [tilespmem:v35+s1+$0x0], $0xffff;
	(xrf1) =	vsort.ascd.msk.f32 $0xffff, v31, v30;
	vm0 =	vle.f32 v36, v33;
	v30 =	vmov v35  }
0x231: {  	v39 =	vld.idx.msk [tilespmem:v35+s18+$0x0], $0xffff;
	v31 =	vsel vm0, v36, v33;
	v33 =	vsel vm0, v37, v34  }
0x232: {  	(xrf1) =	vsort.ascd.msk.f32 $0xffff, v31, v33  }
0x233: {  	v33 =	vld.idx.msk [tilespmem:v35+s19+$0x0], $0xffff  }
.Ltmp21:
0x234: {  	(pc) =	sbr.rel @p2 .LBB2_27-.Ltmp21, $3  }
0x235: {  	_ =	sdelay $0x1  }
0x236: {  	v34 =	vmul.f32 v38, v14;
	v36 =	vmul.f32 v39, v15;
	v31 =	vld.idx.msk [tilespmem:v35+s23+$0x0], $0xffff  }
0x237: {  	s7 =	sadd.s32 $0x10, s7  }
.LBB2_28:
0x238: {  	_ =	sdelay $0x2  }
0x239: {  	v32 =	vadd.f32 v36, v34;
	v33 =	vmul.f32 v33, v13;
	_ =	sdelay $0x1  }
0x23a: {  	v32 =	vadd.f32 v33, v32;
	v33 =	vmul.u32 @p0 $0xFFFFFFFF, v0;
	_ =	sdelay $0x1  }
0x23b: {  	v31 =	vadd.f32 v31, v16;
	v32 =	vadd.f32 v32, v32;
	v33 =	vadd.s32 @p0 $0xF, v33;
	v34, v35, _ =	vpop @p0 (xrf1)  }
0x23c: {  	v34 =	vperm.xlane @p0 v34, v33;
	v36, v37, _ =	vpop @p1 (xrf1)  }
0x23d: {  	v31 =	vsub.f32 v31, v32;
	v32 =	vperm.xlane @p0 v35, v33;
	v33 =	vpsel p1, v36, v18  }
0x23e: {  	v35 =	vpsel p1, v37, v17;
	vm0 =	vle.f32 @p0 v33, v34  }
0x23f: {  	(xrf1) =	vsort.ascd.msk.f32 $0xffff, v31, v30;
	v30 =	vsel @p0 vm0, v33, v34;
	v31 =	vsel @p0 vm0, v35, v32  }
0x240: {  	(xrf1) =	vsort.ascd.msk.f32 @p0 $0xffff, v30, v31;
	_ =	sdelay $0xa  }
0x241: {  	v30 =	vmul.u32 $0xFFFFFFFF, v0;
	_ =	sdelay $0x1  }
0x242: {  	v30 =	vadd.s32 $0xF, v30;
	v31, v32, _ =	vpop (xrf1)  }
0x243: {  	v31 =	vperm.xlane v31, v30;
	v33, v34, _ =	vpop @p0 (xrf1)  }
0x244: {  	v30 =	vperm.xlane v32, v30;
	v18 =	vpsel p0, v33, v18  }
0x245: {  	v17 =	vpsel p0, v34, v17;
	vm15 =	vle.f32 v18, v31  }
0x246: {  	v18 =	vsel vm15, v18, v31;
	v17 =	vsel vm15, v17, v30  }
0x247: {  	(xrf1) =	vsort.ascd.msk.f32 $0xffff, v18, v17;
	_ =	sdelay $0xd  }
0x248: {  	v18, v17, _ =	vpop (xrf1)  }
0x249: {  	v30 =	vsub.f32 v18, v16;
	_ =	sdelay $0x1  }
0x24a: {  	v30 =	vadd.f32 $9.999999740e-05, v30;
	_ =	sdelay $0x1  }
0x24b: {  	(xrf0) =	vmax.scan.msk.f32 $0xffff, v30;
	_ =	sdelay $0x5  }
0x24c: {  	v30, _, _ =	vpop (xrf0)  }
0x24d: {  	(v2sf) =	vpush v30, $0xF;
	_ =	sdelay $0x7  }
0x24e: {  	s6 =	ssub.s32 $0x0, s6  }
0x24f: {  	p0 =	slt.s32 s6, $0x1  }
0x250: {  	v30 =	vld @!p0 [tilespmem:s4+$0x10];
	_ =	sdelay $0x4  }
0x251: {  	s20 =	smov.u32 s5;
	[tilespmem:$0x102C0] =	vst @!p0 v30;
	s31 =	spop (v2sf)  }
.LBB2_29:
0x252: {  	s3 =	sadd.s32 s3, s21  }
0x253: {  	p0 =	slt.s32 s3, $0x10  }
.Ltmp22:
0x254: {  	_ = 	snop;
	(pc) =	sbr.rel @p0 .LBB2_37-.Ltmp22, $1  }
0x255: {  	_ =	sdelay $0x3  }
0x256: {  	s4 =	simm.s32 $0x10320  }
0x257: {  	v30 =	vld [tilespmem:s4+$0x0];
	_ =	sdelay $0x7  }
0x258: {  	s5 =	sadd.s32 $0xFFFFFFF0, s3;
	v32 =	vld.idx.msk [tilespmem:v30+s1+$0x0], $0xffff  }
0x259: {  	s7 =	sadd.s32 $0x10, s5;
	v35 =	vld.idx.msk [tilespmem:v30+s18+$0x0], $0xffff  }
0x25a: {  	p2 =	sgt.u32 s7, $0x1F  }
.Ltmp23:
0x25b: {  	v33 =	vld.idx.msk [tilespmem:v30+s19+$0x0], $0xffff;
	(pc) =	sbr.rel @!p2 .LBB2_31-.Ltmp23, $3  }
0x25c: {  	_ =	sdelay $0x1  }
0x25d: {  	s6 =	simm.s32 $0xFFFFFFF0;
	v34 =	vmul.f32 v32, v10;
	v36 =	vmul.f32 v35, v11  }
0x25e: {  	p0 =	por $0x0, $0x0;
	p1 =	por $0x0, $0x0;
	s7 =	simm.s32 $0x10330;
	v31 =	vld.idx.msk [tilespmem:v30+s23+$0x0], $0xffff  }
0x25f: {  	v32 =	vadd.f32 v36, v34;
	v33 =	vmul.f32 v33, v8;
	_ =	sdelay $0x1  }
0x260: {  	v35 =	vld [tilespmem:s7+$0x0];
	v32 =	vadd.f32 v33, v32;
	_ =	sdelay $0x1  }
0x261: {  	v31 =	vadd.f32 v31, v12;
	v32 =	vadd.f32 v32, v32;
	_ =	sdelay $0x1  }
0x262: {  	v31 =	vsub.f32 v31, v32;
	_ =	sdelay $0x1  }
0x263: {  	(xrf1) =	vsort.ascd.msk.f32 $0xffff, v31, v30;
	_ =	sdelay $0x1  }
0x264: {  	s5 =	sadd.s32 $0xFFFFFFE0, s3;
	v62 =	vld.idx.msk [tilespmem:v35+s1+$0x0], $0xffff  }
0x265: {  	s4 =	sadd.s32 $0x10, s5;
	v63 =	vld.idx.msk [tilespmem:v35+s18+$0x0], $0xffff  }
0x266: {  	p2 =	sgt.u32 s4, $0x1F  }
.Ltmp24:
0x267: {  	v33 =	vld.idx.msk [tilespmem:v35+s19+$0x0], $0xffff;
	(pc) =	sbr.rel @!p2 .LBB2_33-.Ltmp24, $3  }
0x268: {  	_ =	sdelay $0x1  }
0x269: {  	v34 =	vmul.f32 v62, v10;
	v36 =	vmul.f32 v63, v11  }
0x26a: {  	s6 =	simm.s32 $0xFFFFFFE0;
	p0 =	por $0x1, $0x1;
	s4 =	simm.s32 $0x10340;
	v31 =	vld.idx.msk [tilespmem:v35+s23+$0x0], $0xffff  }
0x26b: {  	v32 =	vadd.f32 v36, v34;
	v33 =	vmul.f32 v33, v8;
	_ =	sdelay $0x1  }
0x26c: {  	v30 =	vld [tilespmem:s4+$0x0];
	v58 =	vmul.u32 $0xFFFFFFFF, v0;
	v32 =	vadd.f32 v33, v32;
	_ =	sdelay $0x1  }
0x26d: {  	v31 =	vadd.f32 v31, v12;
	v60 =	vadd.f32 v32, v32;
	v32 =	vadd.s32 $0xF, v58;
	v61, v37, _ =	vpop (xrf1)  }
0x26e: {  	v33 =	vperm.xlane v61, v32  }
0x26f: {  	v62 =	vperm.xlane v37, v32;
	v31 =	vsub.f32 v31, v60  }
0x270: {  	vm0 =	vle.f32 v9, v33  }
0x271: {  	(xrf1) =	vsort.ascd.msk.f32 $0xffff, v31, v35;
	v31 =	vsel vm0, v9, v33;
	v63 =	vsel vm0, v7, v62  }
0x272: {  	(xrf1) =	vsort.ascd.msk.f32 $0xffff, v31, v63  }
0x273: {  	s5 =	sadd.s32 $0xFFFFFFD0, s3;
	v59 =	vld.idx.msk [tilespmem:v30+s1+$0x0], $0xffff  }
0x274: {  	s6 =	sadd.s32 $0x10, s5;
	v38 =	vld.idx.msk [tilespmem:v30+s18+$0x0], $0xffff  }
0x275: {  	p2 =	sgt.u32 s6, $0x1F  }
.Ltmp25:
0x276: {  	v33 =	vld.idx.msk [tilespmem:v30+s19+$0x0], $0xffff;
	(pc) =	sbr.rel @!p2 .LBB2_36-.Ltmp25, $3  }
0x277: {  	_ =	sdelay $0x1  }
0x278: {  	v34 =	vmul.f32 v59, v10;
	v36 =	vmul.f32 v38, v11  }
0x279: {  	s7 =	simm.s32 $0x10350;
	p1 =	por $0x1, $0x1;
	s6 =	simm.s32 $0xFFFFFFD0;
	v31 =	vld.idx.msk [tilespmem:v30+s23+$0x0], $0xffff  }
.LBB2_35:
0x27a: {  	s4 =	smov.u32 s7  }
0x27b: {  	s6 =	sadd.s32 $0xFFFFFFF0, s6;
	v34 =	vadd.f32 v36, v34;
	v33 =	vmul.f32 v33, v8;
	v35 =	vld [tilespmem:s7+$0x0]  }
0x27c: {  	s5 =	sadd.s32 s6, s3  }
0x27d: {  	s8 =	sadd.s32 $0x10, s5;
	v33 =	vadd.f32 v33, v34  }
0x27e: {  	p2 =	sgt.u32 s8, $0x1F  }
0x27f: {  	v31 =	vadd.f32 v31, v12;
	v33 =	vadd.f32 v33, v33  }
0x280: {  	v34, v36, _ =	vpop (xrf1)  }
0x281: {  	v31 =	vsub.f32 v31, v33;
	v33 =	vperm.xlane v34, v32  }
0x282: {  	v34 =	vperm.xlane v36, v32;
	v36, v37, _ =	vpop (xrf1)  }
0x283: {  	v38 =	vld.idx.msk [tilespmem:v35+s1+$0x0], $0xffff;
	(xrf1) =	vsort.ascd.msk.f32 $0xffff, v31, v30;
	vm0 =	vle.f32 v36, v33;
	v30 =	vmov v35  }
0x284: {  	v39 =	vld.idx.msk [tilespmem:v35+s18+$0x0], $0xffff;
	v31 =	vsel vm0, v36, v33;
	v33 =	vsel vm0, v37, v34  }
0x285: {  	(xrf1) =	vsort.ascd.msk.f32 $0xffff, v31, v33  }
0x286: {  	v33 =	vld.idx.msk [tilespmem:v35+s19+$0x0], $0xffff  }
.Ltmp26:
0x287: {  	(pc) =	sbr.rel @p2 .LBB2_35-.Ltmp26, $3  }
0x288: {  	_ =	sdelay $0x1  }
0x289: {  	v34 =	vmul.f32 v38, v10;
	v36 =	vmul.f32 v39, v11;
	v31 =	vld.idx.msk [tilespmem:v35+s23+$0x0], $0xffff  }
0x28a: {  	s7 =	sadd.s32 $0x10, s7  }
.Ltmp27:
0x28b: {  	_ = 	snop;
	(pc) =	sbr.rel .LBB2_36-.Ltmp27, $1  }
0x28c: {  	_ =	sdelay $0x3  }
.LBB2_7:
.Ltmp28:
0x28d: {  	(pc) =	sbr.rel .LBB2_12-.Ltmp28, $2  }
0x28e: {  	_ =	sdelay $0x2  }
0x28f: {  	_ = 	snop  }
.LBB2_15:
.Ltmp29:
0x290: {  	(pc) =	sbr.rel .LBB2_20-.Ltmp29, $2  }
0x291: {  	_ =	sdelay $0x2  }
0x292: {  	_ = 	snop  }
.LBB2_23:
.Ltmp30:
0x293: {  	(pc) =	sbr.rel .LBB2_28-.Ltmp30, $2  }
0x294: {  	_ =	sdelay $0x2  }
0x295: {  	_ = 	snop  }
.LBB2_9:
.Ltmp31:
0x296: {  	(pc) =	sbr.rel .LBB2_12-.Ltmp31, $2  }
0x297: {  	_ =	sdelay $0x2  }
0x298: {  	v30 =	vmov v34  }
.LBB2_17:
.Ltmp32:
0x299: {  	(pc) =	sbr.rel .LBB2_20-.Ltmp32, $2  }
0x29a: {  	_ =	sdelay $0x2  }
0x29b: {  	s0 =	simm.s32 $0x10270;
	v30 =	vmov v35  }
.LBB2_25:
.Ltmp33:
0x29c: {  	(pc) =	sbr.rel .LBB2_28-.Ltmp33, $2  }
0x29d: {  	_ =	sdelay $0x2  }
0x29e: {  	s4 =	simm.s32 $0x102D0;
	v30 =	vmov v35  }
.LBB2_33:
.Ltmp34:
0x29f: {  	(pc) =	sbr.rel .LBB2_36-.Ltmp34, $2  }
0x2a0: {  	_ =	sdelay $0x2  }
0x2a1: {  	s4 =	simm.s32 $0x10330;
	v30 =	vmov v35  }
.LBB2_38:
0x2a2: {  	v30 =	vld [tilespmem:$0x10200];
	_ =	sdelay $0x2  }
0x2a3: {  	v31 =	vmov s29  }
0x2a4: {  	vm0 =	vgt.s32 v31, v0  }
0x2a5: {  	v30 =	vnsel vm0, $0x0, v30;
	_ =	sdelay $0x3  }
0x2a6: {  	s22 =	simm.s32 $0x0  }
0x2a7: {  	v31 =	vld.idx.msk [tilespmem:v30+s22+$0x0], $0xffff  }
0x2a8: {  	v32 =	vld.idx.msk [tilespmem:v30+s18+$0x0], $0xffff;
	_ =	sdelay $0x1  }
0x2a9: {  	v33 =	vld.idx.msk [tilespmem:v30+s19+$0x0], $0xffff;
	_ =	sdelay $0x2  }
0x2aa: {  	v25 =	vmul.f32 v31, v25;
	v26 =	vmul.f32 v32, v26  }
0x2ab: {  	v31 =	vld.idx.msk [tilespmem:v30+s23+$0x0], $0xffff  }
0x2ac: {  	v2 =	vmul.f32 v33, v2;
	v25 =	vadd.f32 v26, v25;
	_ =	sdelay $0x1  }
0x2ad: {  	v2 =	vadd.f32 v2, v25;
	_ =	sdelay $0x1  }
0x2ae: {  	v25 =	vadd.f32 v31, v27;
	v2 =	vadd.f32 v2, v2;
	_ =	sdelay $0x1  }
0x2af: {  	v2 =	vsub.f32 v25, v2;
	_ =	sdelay $0x1  }
0x2b0: {  	v2 =	vnsel vm0, $0x7F800000, v2  }
0x2b1: {  	(xrf1) =	vsort.ascd.msk.f32 $0xffff, v2, v30;
	_ =	sdelay $0xb  }
0x2b2: {  	v2 =	vmul.u32 $0xFFFFFFFF, v0;
	_ =	sdelay $0x1  }
0x2b3: {  	v2 =	vadd.s32 $0xF, v2;
	v25, v26, _ =	vpop (xrf1)  }
0x2b4: {  	v25 =	vperm.xlane v25, v2  }
0x2b5: {  	v26 =	vperm.xlane v26, v2  }
0x2b6: {  	vm9 =	vle.f32 v29, v25  }
0x2b7: {  	v25 =	vsel vm9, v29, v25;
	v26 =	vsel vm9, v28, v26  }
0x2b8: {  	(xrf1) =	vsort.ascd.msk.f32 $0xffff, v25, v26;
	_ =	sdelay $0xc  }
0x2b9: {  	s0 =	sshll.u32 s26, $0x8  }
0x2ba: {  	s28 =	sand.u32 $0x3FFFFF00, s0;
	_, v25, _ =	vpop (xrf1)  }
0x2bb: {  	[tilespmem:s28+$0x10380] =	vst v25  }
0x2bc: {  	v25 =	vld [tilespmem:$0x10260];
	_ =	sdelay $0x2  }
0x2bd: {  	v26 =	vmov s24  }
0x2be: {  	vm10 =	vgt.s32 v26, v0  }
0x2bf: {  	v25 =	vnsel vm10, $0x0, v25;
	_ =	sdelay $0x4  }
0x2c0: {  	v26 =	vld.idx.msk [tilespmem:v25+s22+$0x0], $0xffff  }
0x2c1: {  	v27 =	vld.idx.msk [tilespmem:v25+s18+$0x0], $0xffff;
	_ =	sdelay $0x1  }
0x2c2: {  	v28 =	vld.idx.msk [tilespmem:v25+s19+$0x0], $0xffff;
	_ =	sdelay $0x2  }
0x2c3: {  	v20 =	vmul.f32 v26, v20;
	v21 =	vmul.f32 v27, v21  }
0x2c4: {  	v26 =	vld.idx.msk [tilespmem:v25+s23+$0x0], $0xffff  }
0x2c5: {  	v19 =	vmul.f32 v28, v19;
	v20 =	vadd.f32 v21, v20;
	_ =	sdelay $0x1  }
0x2c6: {  	v19 =	vadd.f32 v19, v20;
	_ =	sdelay $0x1  }
0x2c7: {  	v20 =	vadd.f32 v26, v22;
	v19 =	vadd.f32 v19, v19;
	_ =	sdelay $0x1  }
0x2c8: {  	v19 =	vsub.f32 v20, v19;
	_ =	sdelay $0x1  }
0x2c9: {  	v19 =	vnsel vm10, $0x7F800000, v19  }
0x2ca: {  	(xrf1) =	vsort.ascd.msk.f32 $0xffff, v19, v25;
	_ =	sdelay $0xd  }
0x2cb: {  	v19, v20, _ =	vpop (xrf1)  }
0x2cc: {  	v19 =	vperm.xlane v19, v2  }
0x2cd: {  	v20 =	vperm.xlane v20, v2  }
0x2ce: {  	vm11 =	vle.f32 v24, v19  }
0x2cf: {  	v19 =	vsel vm11, v24, v19;
	v20 =	vsel vm11, v23, v20  }
0x2d0: {  	(xrf1) =	vsort.ascd.msk.f32 $0xffff, v19, v20;
	_ =	sdelay $0xd  }
0x2d1: {  	_, v19, _ =	vpop (xrf1)  }
0x2d2: {  	[tilespmem:s28+$0x10390] =	vst v19  }
0x2d3: {  	v19 =	vld [tilespmem:$0x102C0];
	_ =	sdelay $0x2  }
0x2d4: {  	v20 =	vmov s20  }
0x2d5: {  	vm12 =	vgt.s32 v20, v0  }
0x2d6: {  	v19 =	vnsel vm12, $0x0, v19;
	_ =	sdelay $0x4  }
0x2d7: {  	v20 =	vld.idx.msk [tilespmem:v19+s22+$0x0], $0xffff  }
0x2d8: {  	v21 =	vld.idx.msk [tilespmem:v19+s18+$0x0], $0xffff;
	_ =	sdelay $0x1  }
0x2d9: {  	v22 =	vld.idx.msk [tilespmem:v19+s19+$0x0], $0xffff;
	_ =	sdelay $0x2  }
0x2da: {  	v14 =	vmul.f32 v20, v14;
	v15 =	vmul.f32 v21, v15  }
0x2db: {  	v20 =	vld.idx.msk [tilespmem:v19+s23+$0x0], $0xffff  }
0x2dc: {  	v13 =	vmul.f32 v22, v13;
	v14 =	vadd.f32 v15, v14;
	_ =	sdelay $0x1  }
0x2dd: {  	v13 =	vadd.f32 v13, v14;
	_ =	sdelay $0x1  }
0x2de: {  	v14 =	vadd.f32 v20, v16;
	v13 =	vadd.f32 v13, v13;
	_ =	sdelay $0x1  }
0x2df: {  	v13 =	vsub.f32 v14, v13;
	_ =	sdelay $0x1  }
0x2e0: {  	v13 =	vnsel vm12, $0x7F800000, v13  }
0x2e1: {  	(xrf1) =	vsort.ascd.msk.f32 $0xffff, v13, v19;
	_ =	sdelay $0xd  }
0x2e2: {  	v13, v14, _ =	vpop (xrf1)  }
0x2e3: {  	v13 =	vperm.xlane v13, v2  }
0x2e4: {  	v14 =	vperm.xlane v14, v2  }
0x2e5: {  	vm13 =	vle.f32 v18, v13  }
0x2e6: {  	v13 =	vsel vm13, v18, v13;
	v14 =	vsel vm13, v17, v14  }
0x2e7: {  	(xrf1) =	vsort.ascd.msk.f32 $0xffff, v13, v14;
	_ =	sdelay $0xd  }
0x2e8: {  	_, v13, _ =	vpop (xrf1)  }
0x2e9: {  	[tilespmem:s28+$0x103A0] =	vst v13  }
0x2ea: {  	v13 =	vld [tilespmem:$0x10320];
	_ =	sdelay $0x2  }
0x2eb: {  	v14 =	vmov s3  }
0x2ec: {  	vm14 =	vgt.s32 v14, v0  }
0x2ed: {  	v13 =	vnsel vm14, $0x0, v13;
	_ =	sdelay $0x4  }
0x2ee: {  	v14 =	vld.idx.msk [tilespmem:v13+s22+$0x0], $0xffff  }
0x2ef: {  	v15 =	vld.idx.msk [tilespmem:v13+s18+$0x0], $0xffff;
	_ =	sdelay $0x1  }
0x2f0: {  	v16 =	vld.idx.msk [tilespmem:v13+s19+$0x0], $0xffff;
	_ =	sdelay $0x2  }
0x2f1: {  	v10 =	vmul.f32 v14, v10;
	v11 =	vmul.f32 v15, v11  }
0x2f2: {  	v14 =	vld.idx.msk [tilespmem:v13+s23+$0x0], $0xffff  }
0x2f3: {  	v8 =	vmul.f32 v16, v8;
	v10 =	vadd.f32 v11, v10;
	_ =	sdelay $0x1  }
0x2f4: {  	v8 =	vadd.f32 v8, v10;
	_ =	sdelay $0x1  }
0x2f5: {  	v10 =	vadd.f32 v14, v12;
	v8 =	vadd.f32 v8, v8;
	_ =	sdelay $0x1  }
0x2f6: {  	v8 =	vsub.f32 v10, v8;
	_ =	sdelay $0x1  }
0x2f7: {  	v8 =	vnsel vm14, $0x7F800000, v8  }
0x2f8: {  	(xrf1) =	vsort.ascd.msk.f32 $0xffff, v8, v13;
	_ =	sdelay $0xd  }
0x2f9: {  	v8, v10, _ =	vpop (xrf1)  }
0x2fa: {  	v8 =	vperm.xlane v8, v2  }
0x2fb: {  	v10 =	vperm.xlane v10, v2  }
0x2fc: {  	vm15 =	vle.f32 v9, v8  }
0x2fd: {  	v8 =	vsel vm15, v9, v8;
	v7 =	vsel vm15, v7, v10  }
0x2fe: {  	(xrf1) =	vsort.ascd.msk.f32 $0xffff, v8, v7;
	_ =	sdelay $0x6  }
0x2ff: {  	v27 =	vbroadcast v5, $0x4;
	v28 =	vbroadcast v3, $0x4  }
0x300: {  	v26 =	vbroadcast v4, $0x4;
	v25 =	vbroadcast v6, $0x4  }
0x301: {  	v21 =	vbroadcast v5, $0x5;
	v22 =	vbroadcast v3, $0x5  }
0x302: {  	v30 =	vimm.f32 $+Inf;
	v20 =	vbroadcast v4, $0x5;
	v19 =	vbroadcast v6, $0x5  }
.Ltmp35:
0x303: {  	v29 =	vimm.s32 $0x0;
	v17 =	vbroadcast v3, $0x6;
	v15 =	vbroadcast v5, $0x6;
	(pc) =	sbr.rel .LBB2_39-.Ltmp35, $4  }
0x304: {  	v23 =	vimm.s32 $0x0;
	v11 =	vbroadcast v5, $0x7;
	v14 =	vbroadcast v4, $0x6  }
0x305: {  	s2 =	simm.f32 $+Inf;
	s21 =	simm.s32 $0x0;
	v18 =	vimm.f32 $+Inf;
	v12 =	vbroadcast v3, $0x7;
	v13 =	vbroadcast v6, $0x6  }
0x306: {  	s31 =	simm.f32 $+Inf;
	s7 =	simm.s32 $0x0;
	s29 =	simm.s32 $0x0;
	v16 =	vimm.s32 $0x0;
	v10 =	vbroadcast v4, $0x7;
	v9 =	vbroadcast v6, $0x7;
	_, v24, _ =	vpop (xrf1)  }
0x307: {  	s0 =	simm.f32 $+Inf;
	s24 =	simm.f32 $+Inf;
	s20 =	simm.s32 $0x0;
	v7 =	vimm.s32 $0x0;
	v8 =	vimm.f32 $+Inf;
	[tilespmem:s28+$0x103B0] =	vst v24;
	v24 =	vimm.f32 $+Inf  }
.LBB2_65:
0x308: {  	_ = 	snop  }
.LBB2_70:
0x309: {  	v34 =	vadd.f32 v36, v34;
	v33 =	vmul.f32 v33, v9;
	_ =	sdelay $0x1  }
0x30a: {  	v33 =	vadd.f32 v33, v34;
	_ =	sdelay $0x1  }
0x30b: {  	v32 =	vadd.f32 v32, v12;
	v33 =	vadd.f32 v33, v33;
	v34, v35, _ =	vpop @p0 (xrf1)  }
0x30c: {  	v34 =	vperm.xlane @p0 v34, v2;
	v36, v37, _ =	vpop @p1 (xrf1)  }
0x30d: {  	v32 =	vsub.f32 v32, v33;
	v33 =	vperm.xlane @p0 v35, v2;
	v35 =	vpsel p1, v36, v8  }
0x30e: {  	v36 =	vpsel p1, v37, v7;
	vm0 =	vle.f32 @p0 v35, v34  }
0x30f: {  	(xrf1) =	vsort.ascd.msk.f32 $0xffff, v32, v31;
	v31 =	vsel @p0 vm0, v35, v34;
	v32 =	vsel @p0 vm0, v36, v33  }
0x310: {  	(xrf1) =	vsort.ascd.msk.f32 @p0 $0xffff, v31, v32;
	_ =	sdelay $0xc  }
0x311: {  	v31, v32, _ =	vpop (xrf1)  }
0x312: {  	v31 =	vperm.xlane v31, v2;
	v33, v34, _ =	vpop @p0 (xrf1)  }
0x313: {  	v32 =	vperm.xlane v32, v2;
	v8 =	vpsel p0, v33, v8  }
0x314: {  	v7 =	vpsel p0, v34, v7;
	vm15 =	vle.f32 v8, v31  }
0x315: {  	v8 =	vsel vm15, v8, v31;
	v7 =	vsel vm15, v7, v32  }
0x316: {  	(xrf1) =	vsort.ascd.msk.f32 $0xffff, v8, v7;
	_ =	sdelay $0xd  }
0x317: {  	v8, v7, _ =	vpop (xrf1)  }
0x318: {  	v31 =	vsub.f32 v8, v12;
	_ =	sdelay $0x1  }
0x319: {  	v31 =	vadd.f32 $9.999999740e-05, v31;
	_ =	sdelay $0x1  }
0x31a: {  	(xrf0) =	vmax.scan.msk.f32 $0xffff, v31;
	_ =	sdelay $0x5  }
0x31b: {  	v31, _, _ =	vpop (xrf0)  }
0x31c: {  	(v2sf) =	vpush v31, $0xF;
	_ =	sdelay $0x7  }
0x31d: {  	s4 =	ssub.s32 $0x0, s4  }
0x31e: {  	p0 =	slt.s32 s4, $0x1  }
0x31f: {  	v31 =	vld @!p0 [tilespmem:s0+$0x10];
	_ =	sdelay $0x4  }
0x320: {  	s22 =	smov.u32 s3;
	[tilespmem:$0x10320] =	vst @!p0 v31;
	s0 =	spop (v2sf)  }
.LBB2_71:
0x321: {  	s29 =	sadd.s32 $0x1, s29  }
0x322: {  	p0 =	sne.s32 s29, $0x100  }
.Ltmp36:
0x323: {  	_ = 	snop;
	(pc) =	sbr.rel @!p0 .LBB2_72-.Ltmp36, $1  }
0x324: {  	_ =	sdelay $0x3  }
.LBB2_39:
0x325: {  	s4 =	sshll.u32 s29, $0x6  }
0x326: {  	v31 =	vld [tilespmem:s4+$0x0]  }
0x327: {  	v32 =	vld [tilespmem:s4+$0x4000]  }
0x328: {  	v33 =	vld [tilespmem:s4+$0x8000];
	_ =	sdelay $0x3  }
0x329: {  	v38 =	vld [tilespmem:s4+$0x10];
	v34 =	vmul.f32 v31, v26;
	v35 =	vmul.f32 v32, v27  }
0x32a: {  	v41 =	vld [tilespmem:s4+$0x4010];
	v46 =	vmul.f32 v33, v25;
	v47 =	vmul.f32 v31, v20  }
0x32b: {  	v37 =	vmul.f32 v32, v21;
	v48 =	vmul.f32 v33, v19  }
0x32c: {  	v39 =	vmul.f32 v31, v14;
	v40 =	vmul.f32 v32, v15  }
0x32d: {  	v50 =	vmul.f32 v33, v13;
	v31 =	vmul.f32 v31, v10  }
0x32e: {  	v51 =	vld [tilespmem:s4+$0x8010];
	v32 =	vmul.f32 v32, v11;
	v53 =	vmul.f32 v38, v26  }
0x32f: {  	v42 =	vmul.f32 v41, v27;
	v54 =	vmul.f32 v33, v9  }
0x330: {  	v60 =	vmul.f32 v38, v20;
	v61 =	vmul.f32 v41, v21  }
0x331: {  	v43 =	vmul.f32 v38, v14;
	v34 =	vadd.f32 v35, v34;
	v35 =	vadd.f32 v37, v47  }
0x332: {  	v44 =	vmul.f32 v41, v15;
	v49 =	vadd.f32 v40, v39;
	v31 =	vadd.f32 v32, v31  }
0x333: {  	v36 =	vld [tilespmem:s4+$0xC000];
	v56 =	vmul.f32 v51, v25;
	v55 =	vadd.f32 v42, v53;
	v33 =	vadd.f32 v61, v60  }
0x334: {  	v58 =	vld [tilespmem:s4+$0xC010];
	v62 =	vmul.f32 v51, v19;
	v63 =	vadd.f32 v44, v43;
	v34 =	vadd.f32 v46, v34  }
0x335: {  	v53 =	vld [tilespmem:s4+$0x4020];
	v35 =	vadd.f32 v48, v35;
	v31 =	vadd.f32 v54, v31  }
0x336: {  	v59 =	vadd.f32 v56, v55;
	v33 =	vadd.f32 v62, v33;
	v55 =	vld [tilespmem:s4+$0x8020]  }
0x337: {  	v45 =	vmul.f32 v51, v13;
	v34 =	vadd.f32 v34, v34;
	v35 =	vadd.f32 v35, v35  }
0x338: {  	v51 =	vmul.f32 v51, v9;
	v31 =	vadd.f32 v31, v31;
	v32 =	vadd.f32 v59, v59  }
0x339: {  	v48 =	vmul.f32 v38, v10;
	v47 =	vadd.f32 v33, v33;
	v34 =	vsub.f32 v36, v34  }
0x33a: {  	v59 =	vmul.f32 v53, v21;
	v35 =	vsub.f32 v36, v35;
	v31 =	vsub.f32 v36, v31  }
0x33b: {  	v32 =	vsub.f32 v58, v32;
	v60 =	vmul.f32 v55, v25;
	v62 =	vmul.f32 v55, v19  }
0x33c: {  	vm0 =	vlt.f32 v34, s24;
	vm3 =	vlt.f32 v31, s0;
	v31 =	vadd.f32 v45, v63  }
0x33d: {  	v34 =	vadd.f32 v50, v49;
	vm1 =	vlt.f32 v35, s31;
	v52 =	vsel vm0, $0x1, v1  }
0x33e: {  	vm2 =	vlt.f32 v32, s24;
	v49 =	vmul.f32 v41, v11;
	(xrf0) =	vadd.scan.msk.s32 $0xffff, v52;
	v31 =	vadd.f32 v31, v31;
	v52 =	vld [tilespmem:s4+$0x20]  }
0x33f: {  	v32 =	vsub.f32 v58, v47;
	v47 =	vmul.f32 v53, v15;
	v34 =	vadd.f32 v34, v34  }
0x340: {  	v57 =	vsel vm1, $0x1, v1;
	v33 =	vadd.f32 v49, v48;
	v31 =	vsub.f32 v58, v31  }
0x341: {  	v46 =	vsel vm3, $0x1, v1;
	v50 =	vsel vm2, $0x1, v1;
	v34 =	vsub.f32 v36, v34  }
0x342: {  	vm6 =	vlt.f32 v32, s31;
	vm5 =	vlt.f32 v31, s2;
	v31 =	vadd.f32 v51, v33  }
0x343: {  	(xrf0) =	vadd.scan.msk.s32 $0xffff, v57;
	v57 =	vmul.f32 v53, v27;
	vm4 =	vlt.f32 v34, s2;
	v56 =	vmul.f32 v52, v26  }
0x344: {  	v48 =	vmul.f32 v55, v13;
	v34 =	vsel vm4, $0x1, v1;
	v31 =	vadd.f32 v31, v31  }
0x345: {  	v33 =	vmul.f32 v53, v11;
	v35 =	vmul.f32 v52, v10;
	(xrf0) =	vadd.scan.msk.s32 $0xffff, v34;
	v40 =	vadd.f32 v57, v56  }
0x346: {  	v61 =	vld [tilespmem:s4+$0xC020];
	v49 =	vmul.f32 v55, v9;
	v31 =	vsub.f32 v58, v31;
	v58 =	vmul.f32 v52, v20  }
0x347: {  	v38 =	vld [tilespmem:s4+$0x4030];
	v32 =	vsel vm6, $0x1, v1;
	v36, _, _ =	vpop (xrf0);
	(xrf0) =	vadd.scan.msk.s32 $0xffff, v46;
	v33 =	vadd.f32 v33, v35;
	v40 =	vadd.f32 v60, v40  }
0x348: {  	(v2sf) =	vpush v36, $0xF;
	v46 =	vmul.f32 v52, v14;
	v35 =	vld [tilespmem:s4+$0x8030];
	(xrf0) =	vadd.scan.msk.s32 $0xffff, v50;
	v42 =	vadd.f32 v59, v58  }
0x349: {  	v54 =	vsel vm5, $0x1, v1;
	v34, _, _ =	vpop (xrf0);
	(xrf0) =	vadd.scan.msk.s32 $0xffff, v32;
	v33 =	vadd.f32 v49, v33;
	v40 =	vadd.f32 v40, v40  }
0x34a: {  	vm7 =	vlt.f32 v31, s0;
	v63 =	vadd.f32 v62, v42;
	v42 =	vadd.f32 v47, v46;
	v46 =	vld [tilespmem:s4+$0x30]  }
0x34b: {  	(v2sf) =	vpush v34, $0xF;
	v45 =	vsel vm7, $0x1, v1;
	v33 =	vadd.f32 v33, v33;
	v37, _, _ =	vpop (xrf0)  }
0x34c: {  	(xrf0) =	vadd.scan.msk.s32 $0xffff, v54;
	v54 =	vmul.f32 v38, v27;
	(v2sf) =	vpush v37, $0xF;
	v40 =	vsub.f32 v61, v40  }
0x34d: {  	v57 =	vmul.f32 v35, v25;
	v39, _, _ =	vpop (xrf0);
	v33 =	vsub.f32 v61, v33;
	v42 =	vadd.f32 v48, v42  }
0x34e: {  	v59 =	vmul.f32 v35, v19;
	(v2sf) =	vpush v39, $0xF;
	v32, _, _ =	vpop (xrf0);
	v41 =	vadd.f32 v63, v63  }
0x34f: {  	(v2sf) =	vpush v32, $0xF;
	v44, _, _ =	vpop (xrf0);
	v50 =	vadd.f32 v42, v42;
	v53 =	vmul.f32 v46, v26  }
0x350: {  	v48 =	vmul.f32 v38, v21;
	vm9 =	vlt.f32 v40, s24;
	(v2sf) =	vpush v44, $0xF  }
0x351: {  	vm11 =	vlt.f32 v33, s0;
	v40 =	vsub.f32 v61, v50;
	v56 =	vadd.f32 v54, v53  }
0x352: {  	v62 =	vld [tilespmem:s4+$0xC030];
	v41 =	vsub.f32 v61, v41;
	v51 =	vsel vm9, $0x1, v1;
	v55 =	vmul.f32 v46, v20  }
0x353: {  	v60 =	vmul.f32 v46, v14;
	v31, _, _ =	vpop (xrf0);
	(xrf0) =	vadd.scan.msk.s32 $0xffff, v45;
	vm10 =	vlt.f32 v40, s2;
	v40 =	vadd.f32 v57, v56  }
0x354: {  	v63 =	vmul.f32 v46, v10;
	vm8 =	vlt.f32 v41, s31;
	v61 =	vmul.f32 v38, v15;
	(xrf0) =	vadd.scan.msk.s32 $0xffff, v51  }
0x355: {  	v38 =	vmul.f32 v38, v11;
	(v2sf) =	vpush v31, $0xF;
	v40 =	vadd.f32 v40, v40  }
0x356: {  	v52 =	vsel vm8, $0x1, v1;
	v58 =	vadd.f32 v48, v55;
	v53 =	vmul.f32 v35, v13  }
0x357: {  	v35 =	vmul.f32 v35, v9;
	v41 =	vadd.f32 v61, v60;
	v55 =	vsub.f32 v62, v40  }
0x358: {  	(xrf0) =	vadd.scan.msk.s32 $0xffff, v52;
	v38 =	vadd.f32 v38, v63;
	v33 =	vadd.f32 v59, v58;
	v52 =	vsel vm10, $0x1, v1  }
0x359: {  	v54 =	vsel vm11, $0x1, v1;
	v41 =	vadd.f32 v53, v41;
	v47, _, _ =	vpop (xrf0);
	(xrf0) =	vadd.scan.msk.s32 $0xffff, v52;
	vm12 =	vlt.f32 v55, s24  }
0x35a: {  	v35 =	vadd.f32 v35, v38;
	v33 =	vadd.f32 v33, v33;
	v46, _, _ =	vpop (xrf0);
	(xrf0) =	vadd.scan.msk.s32 $0xffff, v54;
	v58 =	vsel vm12, $0x1, v1  }
0x35b: {  	v56 =	vadd.f32 v41, v41;
	(xrf0) =	vadd.scan.msk.s32 $0xffff, v58  }
0x35c: {  	v35 =	vadd.f32 v35, v35;
	v33 =	vsub.f32 v62, v33  }
0x35d: {  	(v2sf) =	vpush v47, $0xF;
	v57 =	vsub.f32 v62, v56  }
0x35e: {  	(v2sf) =	vpush v46, $0xF;
	v41, _, _ =	vpop (xrf0);
	v59 =	vsub.f32 v62, v35;
	vm13 =	vlt.f32 v33, s31  }
0x35f: {  	s3 =	spop (v2sf);
	(v2sf) =	vpush v41, $0xF;
	v60 =	vsel vm13, $0x1, v1;
	vm14 =	vlt.f32 v57, s2;
	v40, _, _ =	vpop (xrf0)  }
0x360: {  	s6 =	spop (v2sf);
	vm15 =	vlt.f32 v59, s0;
	v62 =	vsel vm14, $0x1, v1;
	(xrf0) =	vadd.scan.msk.s32 $0xffff, v60;
	(v2sf) =	vpush v40, $0xF;
	v61, _, _ =	vpop (xrf0)  }
0x361: {  	s8 =	sadd.s32 $0x5F, s20;
	s30 =	spop (v2sf);
	v33 =	vsel vm15, $0x1, v1;
	(xrf0) =	vadd.scan.msk.s32 $0xffff, v62;
	(v2sf) =	vpush v61, $0xF;
	v48, _, _ =	vpop (xrf0)  }
0x362: {  	v34 =	vadd.s32 s8, v34;
	s8 =	spop (v2sf);
	(xrf0) =	vadd.scan.msk.s32 $0xffff, v33;
	(v2sf) =	vpush v48, $0xF  }
0x363: {  	s5 =	sadd.s32 $0xFFFFFFFF, s7  }
0x364: {  	v63 =	vadd.s32 s5, v36  }
0x365: {  	s9 =	sadd.s32 $0xBF, s21  }
0x366: {  	v37 =	vadd.s32 s9, v37;
	s9 =	sadd.s32 $0x11F, s22;
	s5 =	simm.s32 $0x10200;
	s3 =	sadd.s32 s7, s3;
	v49, _, _ =	vpop (xrf0)  }
0x367: {  	v39 =	vadd.s32 s9, v39;
	s9 =	sadd.s32 $0xFFFFFFFF, s3;
	s6 =	sadd.s32 s20, s6;
	s20 =	spop (v2sf);
	v50, _, _ =	vpop (xrf0);
	(v2sf) =	vpush v49, $0xF  }
0x368: {  	v51 =	vor.u32 s4, v0;
	v32 =	vadd.s32 s9, v32;
	s9 =	sadd.s32 $0x5F, s6;
	s21 =	sadd.s32 s21, s30;
	s30 =	spop (v2sf);
	(v2sf) =	vpush v50, $0xF;
	v52, _, _ =	vpop (xrf0)  }
0x369: {  	[tilespmem:v63+s5+$0x0] =	vst.idx.msk vm0, v51;
	v53 =	vadd.s32 s9, v44;
	s8 =	sadd.s32 s22, s8;
	s9 =	sadd.s32 $0xBF, s21;
	s22 =	spop (v2sf);
	(v2sf) =	vpush v52, $0xF  }
0x36a: {  	[tilespmem:v34+s5+$0x0] =	vst.idx.msk vm1, v51;
	s3 =	sadd.s32 s3, s20;
	v31 =	vadd.s32 s9, v31;
	s9 =	sadd.s32 $0x11F, s8;
	s6 =	sadd.s32 s6, s30  }
0x36b: {  	[tilespmem:v37+s5+$0x0] =	vst.idx.msk vm4, v51;
	s30 =	sor.u32 $0x10, s4;
	v54 =	vadd.s32 s9, v47;
	s9 =	sadd.s32 $0xFFFFFFFF, s3;
	s21 =	sadd.s32 s21, s22  }
0x36c: {  	[tilespmem:v39+s5+$0x0] =	vst.idx.msk vm3, v51;
	v55 =	vor.u32 s30, v0;
	v56 =	vadd.s32 s9, v46;
	s30 =	sadd.s32 $0x5F, s6;
	s9 =	sadd.s32 $0xBF, s21;
	s20 =	spop (v2sf)  }
0x36d: {  	[tilespmem:v32+s5+$0x0] =	vst.idx.msk vm2, v55;
	v57 =	vadd.s32 s30, v41;
	v58 =	vadd.s32 s9, v40;
	s9 =	sor.u32 $0x20, s4;
	s22 =	spop (v2sf);
	s8 =	sadd.s32 s8, s20  }
0x36e: {  	[tilespmem:v53+s5+$0x0] =	vst.idx.msk vm6, v55;
	s20 =	spop (v2sf);
	s22 =	sadd.s32 s3, s22;
	s30 =	sadd.s32 $0x11F, s8  }
0x36f: {  	[tilespmem:v31+s5+$0x0] =	vst.idx.msk vm5, v55;
	s20 =	sadd.s32 s6, s20;
	v31 =	vadd.s32 s30, v61;
	s30 =	sadd.s32 $0xFFFFFFFF, s22;
	s3 =	spop (v2sf)  }
0x370: {  	[tilespmem:v54+s5+$0x0] =	vst.idx.msk vm7, v55;
	v59 =	vor.u32 s9, v0;
	v60 =	vadd.s32 s30, v48;
	s7 =	sadd.s32 $0x5F, s20;
	s21 =	sadd.s32 s21, s3;
	s6 =	spop (v2sf)  }
0x371: {  	[tilespmem:v56+s5+$0x0] =	vst.idx.msk vm9, v59;
	v61 =	vadd.s32 s7, v49;
	s3 =	sadd.s32 s8, s6;
	s8 =	sadd.s32 $0xBF, s21;
	s30 =	spop (v2sf)  }
0x372: {  	[tilespmem:v57+s5+$0x0] =	vst.idx.msk vm8, v59;
	v62 =	vadd.s32 s8, v50;
	s9 =	sadd.s32 $0x11F, s3;
	s7 =	sadd.s32 s22, s30  }
0x373: {  	s4 =	sor.u32 $0x30, s4;
	[tilespmem:v58+s5+$0x0] =	vst.idx.msk vm10, v59;
	v63 =	vadd.s32 s9, v52;
	p0 =	slt.s32 s7, $0x10  }
.Ltmp37:
0x374: {  	[tilespmem:v31+s5+$0x0] =	vst.idx.msk vm11, v59;
	v31 =	vor.u32 s4, v0;
	(pc) =	sbr.rel @p0 .LBB2_47-.Ltmp37, $4  }
0x375: {  	[tilespmem:v60+s5+$0x0] =	vst.idx.msk vm12, v31  }
0x376: {  	[tilespmem:v61+s5+$0x0] =	vst.idx.msk vm13, v31;
	s6 =	spop (v2sf)  }
0x377: {  	s4 =	spop (v2sf);
	[tilespmem:v62+s5+$0x0] =	vst.idx.msk vm14, v31  }
0x378: {  	s22 =	spop (v2sf);
	[tilespmem:v63+s5+$0x0] =	vst.idx.msk vm15, v31  }
0x379: {  	v31 =	vld [tilespmem:s5+$0x0];
	_ =	sdelay $0x6  }
0x37a: {  	s30 =	sadd.s32 $0xFFFFFFF0, s7  }
0x37b: {  	s8 =	sadd.s32 $0x10, s30;
	v34 =	vld.idx.msk [tilespmem:v31+s1+$0x0], $0xffff  }
0x37c: {  	p2 =	sgt.u32 s8, $0x1F;
	v35 =	vld.idx.msk [tilespmem:v31+s18+$0x0], $0xffff  }
.Ltmp38:
0x37d: {  	_ = 	snop;
	(pc) =	sbr.rel @!p2 .LBB2_41-.Ltmp38, $3  }
0x37e: {  	_ =	sdelay $0x1  }
0x37f: {  	s24 =	simm.s32 $0xFFFFFFF0;
	v33 =	vld.idx.msk [tilespmem:v31+s19+$0x0], $0xffff  }
0x380: {  	p0 =	por $0x0, $0x0;
	p1 =	por $0x0, $0x0;
	s8 =	simm.s32 $0x10210;
	v32 =	vld.idx.msk [tilespmem:v31+s23+$0x0], $0xffff;
	v34 =	vmul.f32 v34, v26;
	v36 =	vmul.f32 v35, v27  }
0x381: {  	v35 =	vld [tilespmem:s8+$0x0];
	_ =	sdelay $0x5  }
0x382: {  	v34 =	vadd.f32 v36, v34;
	v33 =	vmul.f32 v33, v25  }
0x383: {  	s30 =	sadd.s32 $0xFFFFFFE0, s7  }
0x384: {  	s24 =	sadd.s32 $0x10, s30;
	v33 =	vadd.f32 v33, v34;
	v62 =	vld.idx.msk [tilespmem:v35+s1+$0x0], $0xffff  }
0x385: {  	p2 =	sgt.u32 s24, $0x1F;
	v63 =	vld.idx.msk [tilespmem:v35+s18+$0x0], $0xffff  }
.Ltmp39:
0x386: {  	v32 =	vadd.f32 v32, v28;
	v33 =	vadd.f32 v33, v33;
	(pc) =	sbr.rel @!p2 .LBB2_43-.Ltmp39, $4  }
0x387: {  	_ = 	snop  }
0x388: {  	v32 =	vsub.f32 v32, v33  }
0x389: {  	v33 =	vld.idx.msk [tilespmem:v35+s19+$0x0], $0xffff  }
0x38a: {  	s8 =	simm.s32 $0x10220;
	p0 =	por $0x1, $0x1;
	s24 =	simm.s32 $0xFFFFFFE0;
	(xrf1) =	vsort.ascd.msk.f32 $0xffff, v32, v31;
	v32 =	vld.idx.msk [tilespmem:v35+s23+$0x0], $0xffff;
	v34 =	vmul.f32 v62, v26;
	v36 =	vmul.f32 v63, v27  }
0x38b: {  	_ =	sdelay $0x7  }
0x38c: {  	v34 =	vadd.f32 v36, v34;
	v33 =	vmul.f32 v33, v25  }
0x38d: {  	v31 =	vld [tilespmem:s8+$0x0]  }
0x38e: {  	v33 =	vadd.f32 v33, v34;
	_ =	sdelay $0x1  }
0x38f: {  	v32 =	vadd.f32 v32, v28;
	v33 =	vadd.f32 v33, v33  }
0x390: {  	v60, v37, _ =	vpop (xrf1)  }
0x391: {  	v32 =	vsub.f32 v32, v33;
	v36 =	vperm.xlane v60, v2  }
0x392: {  	v61 =	vperm.xlane v37, v2  }
0x393: {  	(xrf1) =	vsort.ascd.msk.f32 $0xffff, v32, v35;
	vm0 =	vle.f32 v30, v36  }
0x394: {  	s30 =	sadd.s32 $0xFFFFFFD0, s7;
	v59 =	vld.idx.msk [tilespmem:v31+s1+$0x0], $0xffff;
	v62 =	vsel vm0, v30, v36;
	v63 =	vsel vm0, v29, v61  }
0x395: {  	s24 =	sadd.s32 $0x10, s30;
	v38 =	vld.idx.msk [tilespmem:v31+s18+$0x0], $0xffff;
	(xrf1) =	vsort.ascd.msk.f32 $0xffff, v62, v63  }
0x396: {  	p2 =	sgt.u32 s24, $0x1F  }
.Ltmp40:
0x397: {  	v33 =	vld.idx.msk [tilespmem:v31+s19+$0x0], $0xffff;
	(pc) =	sbr.rel @!p2 .LBB2_46-.Ltmp40, $3  }
0x398: {  	_ =	sdelay $0x1  }
0x399: {  	v34 =	vmul.f32 v59, v26;
	v36 =	vmul.f32 v38, v27  }
0x39a: {  	s8 =	simm.s32 $0x10230;
	p1 =	por $0x1, $0x1;
	s24 =	simm.s32 $0xFFFFFFD0;
	v32 =	vld.idx.msk [tilespmem:v31+s23+$0x0], $0xffff  }
.LBB2_45:
0x39b: {  	v35 =	vld [tilespmem:s8+$0x0];
	s24 =	sadd.s32 $0xFFFFFFF0, s24;
	v34 =	vadd.f32 v36, v34;
	v33 =	vmul.f32 v33, v25  }
0x39c: {  	s30 =	sadd.s32 s24, s7  }
0x39d: {  	s9 =	sadd.s32 $0x10, s30;
	v33 =	vadd.f32 v33, v34  }
0x39e: {  	p2 =	sgt.u32 s9, $0x1F  }
0x39f: {  	v32 =	vadd.f32 v32, v28;
	v33 =	vadd.f32 v33, v33  }
0x3a0: {  	v34, v36, _ =	vpop (xrf1)  }
0x3a1: {  	v32 =	vsub.f32 v32, v33;
	v33 =	vperm.xlane v34, v2  }
0x3a2: {  	v34 =	vperm.xlane v36, v2;
	v36, v37, _ =	vpop (xrf1)  }
0x3a3: {  	v38 =	vld.idx.msk [tilespmem:v35+s1+$0x0], $0xffff;
	(xrf1) =	vsort.ascd.msk.f32 $0xffff, v32, v31;
	vm0 =	vle.f32 v36, v33;
	v31 =	vmov v35  }
0x3a4: {  	v39 =	vld.idx.msk [tilespmem:v35+s18+$0x0], $0xffff;
	v32 =	vsel vm0, v36, v33;
	v33 =	vsel vm0, v37, v34  }
0x3a5: {  	(xrf1) =	vsort.ascd.msk.f32 $0xffff, v32, v33  }
0x3a6: {  	v33 =	vld.idx.msk [tilespmem:v35+s19+$0x0], $0xffff  }
.Ltmp41:
0x3a7: {  	(pc) =	sbr.rel @p2 .LBB2_45-.Ltmp41, $3  }
0x3a8: {  	_ =	sdelay $0x1  }
0x3a9: {  	v34 =	vmul.f32 v38, v26;
	v36 =	vmul.f32 v39, v27;
	v32 =	vld.idx.msk [tilespmem:v35+s23+$0x0], $0xffff  }
0x3aa: {  	s8 =	sadd.s32 $0x10, s8  }
.LBB2_46:
0x3ab: {  	_ =	sdelay $0x1  }
0x3ac: {  	v34 =	vadd.f32 v36, v34;
	v33 =	vmul.f32 v33, v25;
	_ =	sdelay $0x1  }
0x3ad: {  	v33 =	vadd.f32 v33, v34;
	_ =	sdelay $0x1  }
0x3ae: {  	v32 =	vadd.f32 v32, v28;
	v33 =	vadd.f32 v33, v33;
	v34, v35, _ =	vpop @p0 (xrf1)  }
0x3af: {  	v34 =	vperm.xlane @p0 v34, v2;
	v36, v37, _ =	vpop @p1 (xrf1)  }
0x3b0: {  	v32 =	vsub.f32 v32, v33;
	v33 =	vperm.xlane @p0 v35, v2;
	v35 =	vpsel p1, v36, v30  }
0x3b1: {  	v36 =	vpsel p1, v37, v29;
	vm0 =	vle.f32 @p0 v35, v34  }
0x3b2: {  	(xrf1) =	vsort.ascd.msk.f32 $0xffff, v32, v31;
	v31 =	vsel @p0 vm0, v35, v34;
	v32 =	vsel @p0 vm0, v36, v33  }
0x3b3: {  	(xrf1) =	vsort.ascd.msk.f32 @p0 $0xffff, v31, v32;
	_ =	sdelay $0xc  }
0x3b4: {  	v31, v32, _ =	vpop (xrf1)  }
0x3b5: {  	v31 =	vperm.xlane v31, v2;
	v33, v34, _ =	vpop @p0 (xrf1)  }
0x3b6: {  	v32 =	vperm.xlane v32, v2;
	v30 =	vpsel p0, v33, v30  }
0x3b7: {  	v29 =	vpsel p0, v34, v29;
	vm15 =	vle.f32 v30, v31  }
0x3b8: {  	v30 =	vsel vm15, v30, v31;
	v29 =	vsel vm15, v29, v32  }
0x3b9: {  	(xrf1) =	vsort.ascd.msk.f32 $0xffff, v30, v29;
	_ =	sdelay $0xd  }
0x3ba: {  	v30, v29, _ =	vpop (xrf1)  }
0x3bb: {  	v31 =	vsub.f32 v30, v28;
	_ =	sdelay $0x1  }
0x3bc: {  	v31 =	vadd.f32 $9.999999740e-05, v31;
	_ =	sdelay $0x1  }
0x3bd: {  	(xrf0) =	vmax.scan.msk.f32 $0xffff, v31;
	_ =	sdelay $0x5  }
0x3be: {  	v31, _, _ =	vpop (xrf0)  }
0x3bf: {  	(v2sf) =	vpush v31, $0xF;
	_ =	sdelay $0x7  }
0x3c0: {  	s7 =	ssub.s32 $0x0, s24  }
0x3c1: {  	p0 =	slt.s32 s7, $0x1  }
0x3c2: {  	v31 =	vld @!p0 [tilespmem:s5+$0x10];
	_ =	sdelay $0x4  }
0x3c3: {  	s7 =	smov.u32 s30;
	[tilespmem:$0x10200] =	vst @!p0 v31;
	s24 =	spop (v2sf)  }
.LBB2_47:
0x3c4: {  	s20 =	sadd.s32 s20, s6  }
0x3c5: {  	p0 =	slt.s32 s20, $0x10  }
.Ltmp42:
0x3c6: {  	_ = 	snop;
	(pc) =	sbr.rel @p0 .LBB2_55-.Ltmp42, $1  }
0x3c7: {  	_ =	sdelay $0x3  }
0x3c8: {  	s5 =	simm.s32 $0x10260  }
0x3c9: {  	v31 =	vld [tilespmem:s5+$0x0];
	_ =	sdelay $0x6  }
0x3ca: {  	s6 =	sadd.s32 $0xFFFFFFF0, s20  }
0x3cb: {  	s8 =	sadd.s32 $0x10, s6;
	v34 =	vld.idx.msk [tilespmem:v31+s1+$0x0], $0xffff  }
0x3cc: {  	p2 =	sgt.u32 s8, $0x1F;
	v35 =	vld.idx.msk [tilespmem:v31+s18+$0x0], $0xffff  }
.Ltmp43:
0x3cd: {  	_ = 	snop;
	(pc) =	sbr.rel @!p2 .LBB2_49-.Ltmp43, $3  }
0x3ce: {  	_ =	sdelay $0x1  }
0x3cf: {  	s30 =	simm.s32 $0xFFFFFFF0;
	v33 =	vld.idx.msk [tilespmem:v31+s19+$0x0], $0xffff  }
0x3d0: {  	p0 =	por $0x0, $0x0;
	p1 =	por $0x0, $0x0;
	s8 =	simm.s32 $0x10270;
	v32 =	vld.idx.msk [tilespmem:v31+s23+$0x0], $0xffff;
	v34 =	vmul.f32 v34, v20;
	v36 =	vmul.f32 v35, v21  }
0x3d1: {  	v35 =	vld [tilespmem:s8+$0x0];
	_ =	sdelay $0x5  }
0x3d2: {  	v34 =	vadd.f32 v36, v34;
	v33 =	vmul.f32 v33, v19  }
0x3d3: {  	s6 =	sadd.s32 $0xFFFFFFE0, s20  }
0x3d4: {  	s5 =	sadd.s32 $0x10, s6;
	v33 =	vadd.f32 v33, v34;
	v62 =	vld.idx.msk [tilespmem:v35+s1+$0x0], $0xffff  }
0x3d5: {  	p2 =	sgt.u32 s5, $0x1F;
	v63 =	vld.idx.msk [tilespmem:v35+s18+$0x0], $0xffff  }
.Ltmp44:
0x3d6: {  	v32 =	vadd.f32 v32, v22;
	v33 =	vadd.f32 v33, v33;
	(pc) =	sbr.rel @!p2 .LBB2_51-.Ltmp44, $4  }
0x3d7: {  	_ = 	snop  }
0x3d8: {  	v32 =	vsub.f32 v32, v33  }
0x3d9: {  	v33 =	vld.idx.msk [tilespmem:v35+s19+$0x0], $0xffff  }
0x3da: {  	s30 =	simm.s32 $0xFFFFFFE0;
	p0 =	por $0x1, $0x1;
	s5 =	simm.s32 $0x10280;
	(xrf1) =	vsort.ascd.msk.f32 $0xffff, v32, v31;
	v32 =	vld.idx.msk [tilespmem:v35+s23+$0x0], $0xffff;
	v34 =	vmul.f32 v62, v20;
	v36 =	vmul.f32 v63, v21  }
0x3db: {  	_ =	sdelay $0x7  }
0x3dc: {  	v34 =	vadd.f32 v36, v34;
	v33 =	vmul.f32 v33, v19  }
0x3dd: {  	v31 =	vld [tilespmem:s5+$0x0]  }
0x3de: {  	v33 =	vadd.f32 v33, v34;
	_ =	sdelay $0x1  }
0x3df: {  	v32 =	vadd.f32 v32, v22;
	v33 =	vadd.f32 v33, v33  }
0x3e0: {  	v60, v37, _ =	vpop (xrf1)  }
0x3e1: {  	v32 =	vsub.f32 v32, v33;
	v36 =	vperm.xlane v60, v2  }
0x3e2: {  	v61 =	vperm.xlane v37, v2  }
0x3e3: {  	s6 =	sadd.s32 $0xFFFFFFD0, s20;
	(xrf1) =	vsort.ascd.msk.f32 $0xffff, v32, v35;
	vm0 =	vle.f32 v24, v36  }
0x3e4: {  	s8 =	sadd.s32 $0x10, s6;
	v59 =	vld.idx.msk [tilespmem:v31+s1+$0x0], $0xffff;
	v62 =	vsel vm0, v24, v36;
	v63 =	vsel vm0, v23, v61  }
0x3e5: {  	p2 =	sgt.u32 s8, $0x1F;
	v38 =	vld.idx.msk [tilespmem:v31+s18+$0x0], $0xffff;
	(xrf1) =	vsort.ascd.msk.f32 $0xffff, v62, v63  }
.Ltmp45:
0x3e6: {  	_ = 	snop;
	(pc) =	sbr.rel @!p2 .LBB2_54-.Ltmp45, $2  }
0x3e7: {  	v33 =	vld.idx.msk [tilespmem:v31+s19+$0x0], $0xffff;
	_ =	sdelay $0x2  }
0x3e8: {  	s30 =	simm.s32 $0xFFFFFFD0;
	s31 =	simm.s32 $0x10290;
	p1 =	por $0x1, $0x1;
	v32 =	vld.idx.msk [tilespmem:v31+s23+$0x0], $0xffff;
	v34 =	vmul.f32 v59, v20;
	v36 =	vmul.f32 v38, v21  }
.LBB2_53:
0x3e9: {  	s5 =	smov.u32 s31  }
0x3ea: {  	s30 =	sadd.s32 $0xFFFFFFF0, s30;
	v34 =	vadd.f32 v36, v34;
	v33 =	vmul.f32 v33, v19;
	v35 =	vld [tilespmem:s31+$0x0]  }
0x3eb: {  	s6 =	sadd.s32 s30, s20  }
0x3ec: {  	s8 =	sadd.s32 $0x10, s6;
	v33 =	vadd.f32 v33, v34  }
0x3ed: {  	p2 =	sgt.u32 s8, $0x1F  }
0x3ee: {  	v32 =	vadd.f32 v32, v22;
	v33 =	vadd.f32 v33, v33  }
0x3ef: {  	v34, v36, _ =	vpop (xrf1)  }
0x3f0: {  	v32 =	vsub.f32 v32, v33;
	v33 =	vperm.xlane v34, v2  }
0x3f1: {  	v34 =	vperm.xlane v36, v2;
	v36, v37, _ =	vpop (xrf1)  }
0x3f2: {  	v38 =	vld.idx.msk [tilespmem:v35+s1+$0x0], $0xffff;
	(xrf1) =	vsort.ascd.msk.f32 $0xffff, v32, v31;
	vm0 =	vle.f32 v36, v33;
	v31 =	vmov v35  }
0x3f3: {  	v39 =	vld.idx.msk [tilespmem:v35+s18+$0x0], $0xffff;
	v32 =	vsel vm0, v36, v33;
	v33 =	vsel vm0, v37, v34  }
0x3f4: {  	(xrf1) =	vsort.ascd.msk.f32 $0xffff, v32, v33  }
0x3f5: {  	v33 =	vld.idx.msk [tilespmem:v35+s19+$0x0], $0xffff  }
.Ltmp46:
0x3f6: {  	(pc) =	sbr.rel @p2 .LBB2_53-.Ltmp46, $3  }
0x3f7: {  	_ =	sdelay $0x1  }
0x3f8: {  	v34 =	vmul.f32 v38, v20;
	v36 =	vmul.f32 v39, v21;
	v32 =	vld.idx.msk [tilespmem:v35+s23+$0x0], $0xffff  }
0x3f9: {  	s31 =	sadd.s32 $0x10, s31  }
.LBB2_54:
0x3fa: {  	_ =	sdelay $0x2  }
0x3fb: {  	v34 =	vadd.f32 v36, v34;
	v33 =	vmul.f32 v33, v19;
	_ =	sdelay $0x1  }
0x3fc: {  	v33 =	vadd.f32 v33, v34;
	_ =	sdelay $0x1  }
0x3fd: {  	v32 =	vadd.f32 v32, v22;
	v33 =	vadd.f32 v33, v33;
	v34, v35, _ =	vpop @p0 (xrf1)  }
0x3fe: {  	v34 =	vperm.xlane @p0 v34, v2;
	v36, v37, _ =	vpop @p1 (xrf1)  }
0x3ff: {  	v32 =	vsub.f32 v32, v33;
	v33 =	vperm.xlane @p0 v35, v2;
	v35 =	vpsel p1, v36, v24  }
0x400: {  	v36 =	vpsel p1, v37, v23;
	vm0 =	vle.f32 @p0 v35, v34  }
0x401: {  	(xrf1) =	vsort.ascd.msk.f32 $0xffff, v32, v31;
	v31 =	vsel @p0 vm0, v35, v34;
	v32 =	vsel @p0 vm0, v36, v33  }
0x402: {  	(xrf1) =	vsort.ascd.msk.f32 @p0 $0xffff, v31, v32;
	_ =	sdelay $0xc  }
0x403: {  	v31, v32, _ =	vpop (xrf1)  }
0x404: {  	v31 =	vperm.xlane v31, v2;
	v33, v34, _ =	vpop @p0 (xrf1)  }
0x405: {  	v32 =	vperm.xlane v32, v2;
	v24 =	vpsel p0, v33, v24  }
0x406: {  	v23 =	vpsel p0, v34, v23;
	vm15 =	vle.f32 v24, v31  }
0x407: {  	v24 =	vsel vm15, v24, v31;
	v23 =	vsel vm15, v23, v32  }
0x408: {  	(xrf1) =	vsort.ascd.msk.f32 $0xffff, v24, v23;
	_ =	sdelay $0xd  }
0x409: {  	v24, v23, _ =	vpop (xrf1)  }
0x40a: {  	v31 =	vsub.f32 v24, v22;
	_ =	sdelay $0x1  }
0x40b: {  	v31 =	vadd.f32 $9.999999740e-05, v31;
	_ =	sdelay $0x1  }
0x40c: {  	(xrf0) =	vmax.scan.msk.f32 $0xffff, v31;
	_ =	sdelay $0x5  }
0x40d: {  	v31, _, _ =	vpop (xrf0)  }
0x40e: {  	(v2sf) =	vpush v31, $0xF;
	_ =	sdelay $0x7  }
0x40f: {  	s8 =	ssub.s32 $0x0, s30  }
0x410: {  	p0 =	slt.s32 s8, $0x1  }
0x411: {  	v31 =	vld @!p0 [tilespmem:s5+$0x10];
	_ =	sdelay $0x4  }
0x412: {  	s20 =	smov.u32 s6;
	[tilespmem:$0x10260] =	vst @!p0 v31;
	s31 =	spop (v2sf)  }
.LBB2_55:
0x413: {  	s21 =	sadd.s32 s21, s4  }
0x414: {  	p0 =	slt.s32 s21, $0x10  }
.Ltmp47:
0x415: {  	_ = 	snop;
	(pc) =	sbr.rel @p0 .LBB2_63-.Ltmp47, $1  }
0x416: {  	_ =	sdelay $0x3  }
0x417: {  	s2 =	simm.s32 $0x102C0  }
0x418: {  	v31 =	vld [tilespmem:s2+$0x0];
	_ =	sdelay $0x6  }
0x419: {  	s4 =	sadd.s32 $0xFFFFFFF0, s21  }
0x41a: {  	s6 =	sadd.s32 $0x10, s4;
	v34 =	vld.idx.msk [tilespmem:v31+s1+$0x0], $0xffff  }
0x41b: {  	p2 =	sgt.u32 s6, $0x1F;
	v35 =	vld.idx.msk [tilespmem:v31+s18+$0x0], $0xffff  }
.Ltmp48:
0x41c: {  	_ = 	snop;
	(pc) =	sbr.rel @!p2 .LBB2_57-.Ltmp48, $3  }
0x41d: {  	_ =	sdelay $0x1  }
0x41e: {  	s5 =	simm.s32 $0xFFFFFFF0;
	v33 =	vld.idx.msk [tilespmem:v31+s19+$0x0], $0xffff  }
0x41f: {  	p0 =	por $0x0, $0x0;
	p1 =	por $0x0, $0x0;
	s6 =	simm.s32 $0x102D0;
	v32 =	vld.idx.msk [tilespmem:v31+s23+$0x0], $0xffff;
	v34 =	vmul.f32 v34, v14;
	v36 =	vmul.f32 v35, v15  }
0x420: {  	v35 =	vld [tilespmem:s6+$0x0];
	_ =	sdelay $0x5  }
0x421: {  	v34 =	vadd.f32 v36, v34;
	v33 =	vmul.f32 v33, v13  }
0x422: {  	s4 =	sadd.s32 $0xFFFFFFE0, s21  }
0x423: {  	s2 =	sadd.s32 $0x10, s4;
	v33 =	vadd.f32 v33, v34;
	v62 =	vld.idx.msk [tilespmem:v35+s1+$0x0], $0xffff  }
0x424: {  	p2 =	sgt.u32 s2, $0x1F;
	v63 =	vld.idx.msk [tilespmem:v35+s18+$0x0], $0xffff  }
.Ltmp49:
0x425: {  	v32 =	vadd.f32 v32, v17;
	v33 =	vadd.f32 v33, v33;
	(pc) =	sbr.rel @!p2 .LBB2_59-.Ltmp49, $4  }
0x426: {  	_ = 	snop  }
0x427: {  	v32 =	vsub.f32 v32, v33  }
0x428: {  	v33 =	vld.idx.msk [tilespmem:v35+s19+$0x0], $0xffff  }
0x429: {  	s5 =	simm.s32 $0xFFFFFFE0;
	p0 =	por $0x1, $0x1;
	s2 =	simm.s32 $0x102E0;
	(xrf1) =	vsort.ascd.msk.f32 $0xffff, v32, v31;
	v32 =	vld.idx.msk [tilespmem:v35+s23+$0x0], $0xffff;
	v34 =	vmul.f32 v62, v14;
	v36 =	vmul.f32 v63, v15  }
0x42a: {  	_ =	sdelay $0x7  }
0x42b: {  	v34 =	vadd.f32 v36, v34;
	v33 =	vmul.f32 v33, v13  }
0x42c: {  	v31 =	vld [tilespmem:s2+$0x0]  }
0x42d: {  	v33 =	vadd.f32 v33, v34;
	_ =	sdelay $0x1  }
0x42e: {  	v32 =	vadd.f32 v32, v17;
	v33 =	vadd.f32 v33, v33  }
0x42f: {  	v60, v37, _ =	vpop (xrf1)  }
0x430: {  	v32 =	vsub.f32 v32, v33;
	v36 =	vperm.xlane v60, v2  }
0x431: {  	v61 =	vperm.xlane v37, v2  }
0x432: {  	s4 =	sadd.s32 $0xFFFFFFD0, s21;
	(xrf1) =	vsort.ascd.msk.f32 $0xffff, v32, v35;
	vm0 =	vle.f32 v18, v36  }
0x433: {  	s5 =	sadd.s32 $0x10, s4;
	v59 =	vld.idx.msk [tilespmem:v31+s1+$0x0], $0xffff;
	v62 =	vsel vm0, v18, v36;
	v63 =	vsel vm0, v16, v61  }
0x434: {  	p2 =	sgt.u32 s5, $0x1F;
	v38 =	vld.idx.msk [tilespmem:v31+s18+$0x0], $0xffff;
	(xrf1) =	vsort.ascd.msk.f32 $0xffff, v62, v63  }
.Ltmp50:
0x435: {  	_ = 	snop;
	(pc) =	sbr.rel @!p2 .LBB2_62-.Ltmp50, $2  }
0x436: {  	v33 =	vld.idx.msk [tilespmem:v31+s19+$0x0], $0xffff;
	_ =	sdelay $0x2  }
0x437: {  	s6 =	simm.s32 $0x102F0;
	p1 =	por $0x1, $0x1;
	s5 =	simm.s32 $0xFFFFFFD0;
	v32 =	vld.idx.msk [tilespmem:v31+s23+$0x0], $0xffff;
	v34 =	vmul.f32 v59, v14;
	v36 =	vmul.f32 v38, v15  }
.LBB2_61:
0x438: {  	s2 =	smov.u32 s6  }
0x439: {  	s5 =	sadd.s32 $0xFFFFFFF0, s5;
	v34 =	vadd.f32 v36, v34;
	v33 =	vmul.f32 v33, v13;
	v35 =	vld [tilespmem:s6+$0x0]  }
0x43a: {  	s4 =	sadd.s32 s5, s21  }
0x43b: {  	s8 =	sadd.s32 $0x10, s4;
	v33 =	vadd.f32 v33, v34  }
0x43c: {  	p2 =	sgt.u32 s8, $0x1F  }
0x43d: {  	v32 =	vadd.f32 v32, v17;
	v33 =	vadd.f32 v33, v33  }
0x43e: {  	v34, v36, _ =	vpop (xrf1)  }
0x43f: {  	v32 =	vsub.f32 v32, v33;
	v33 =	vperm.xlane v34, v2  }
0x440: {  	v34 =	vperm.xlane v36, v2;
	v36, v37, _ =	vpop (xrf1)  }
0x441: {  	v38 =	vld.idx.msk [tilespmem:v35+s1+$0x0], $0xffff;
	(xrf1) =	vsort.ascd.msk.f32 $0xffff, v32, v31;
	vm0 =	vle.f32 v36, v33;
	v31 =	vmov v35  }
0x442: {  	v39 =	vld.idx.msk [tilespmem:v35+s18+$0x0], $0xffff;
	v32 =	vsel vm0, v36, v33;
	v33 =	vsel vm0, v37, v34  }
0x443: {  	(xrf1) =	vsort.ascd.msk.f32 $0xffff, v32, v33  }
0x444: {  	v33 =	vld.idx.msk [tilespmem:v35+s19+$0x0], $0xffff  }
.Ltmp51:
0x445: {  	(pc) =	sbr.rel @p2 .LBB2_61-.Ltmp51, $3  }
0x446: {  	_ =	sdelay $0x1  }
0x447: {  	v34 =	vmul.f32 v38, v14;
	v36 =	vmul.f32 v39, v15;
	v32 =	vld.idx.msk [tilespmem:v35+s23+$0x0], $0xffff  }
0x448: {  	s6 =	sadd.s32 $0x10, s6  }
.LBB2_62:
0x449: {  	_ =	sdelay $0x2  }
0x44a: {  	v34 =	vadd.f32 v36, v34;
	v33 =	vmul.f32 v33, v13;
	_ =	sdelay $0x1  }
0x44b: {  	v33 =	vadd.f32 v33, v34;
	_ =	sdelay $0x1  }
0x44c: {  	v32 =	vadd.f32 v32, v17;
	v33 =	vadd.f32 v33, v33;
	v34, v35, _ =	vpop @p0 (xrf1)  }
0x44d: {  	v34 =	vperm.xlane @p0 v34, v2;
	v36, v37, _ =	vpop @p1 (xrf1)  }
0x44e: {  	v32 =	vsub.f32 v32, v33;
	v33 =	vperm.xlane @p0 v35, v2;
	v35 =	vpsel p1, v36, v18  }
0x44f: {  	v36 =	vpsel p1, v37, v16;
	vm0 =	vle.f32 @p0 v35, v34  }
0x450: {  	(xrf1) =	vsort.ascd.msk.f32 $0xffff, v32, v31;
	v31 =	vsel @p0 vm0, v35, v34;
	v32 =	vsel @p0 vm0, v36, v33  }
0x451: {  	(xrf1) =	vsort.ascd.msk.f32 @p0 $0xffff, v31, v32;
	_ =	sdelay $0xc  }
0x452: {  	v31, v32, _ =	vpop (xrf1)  }
0x453: {  	v31 =	vperm.xlane v31, v2;
	v33, v34, _ =	vpop @p0 (xrf1)  }
0x454: {  	v32 =	vperm.xlane v32, v2;
	v18 =	vpsel p0, v33, v18  }
0x455: {  	v16 =	vpsel p0, v34, v16;
	vm15 =	vle.f32 v18, v31  }
0x456: {  	v18 =	vsel vm15, v18, v31;
	v16 =	vsel vm15, v16, v32  }
0x457: {  	(xrf1) =	vsort.ascd.msk.f32 $0xffff, v18, v16;
	_ =	sdelay $0xd  }
0x458: {  	v18, v16, _ =	vpop (xrf1)  }
0x459: {  	v31 =	vsub.f32 v18, v17;
	_ =	sdelay $0x1  }
0x45a: {  	v31 =	vadd.f32 $9.999999740e-05, v31;
	_ =	sdelay $0x1  }
0x45b: {  	(xrf0) =	vmax.scan.msk.f32 $0xffff, v31;
	_ =	sdelay $0x5  }
0x45c: {  	v31, _, _ =	vpop (xrf0)  }
0x45d: {  	(v2sf) =	vpush v31, $0xF;
	_ =	sdelay $0x7  }
0x45e: {  	s5 =	ssub.s32 $0x0, s5  }
0x45f: {  	p0 =	slt.s32 s5, $0x1  }
0x460: {  	v31 =	vld @!p0 [tilespmem:s2+$0x10];
	_ =	sdelay $0x4  }
0x461: {  	s21 =	smov.u32 s4;
	[tilespmem:$0x102C0] =	vst @!p0 v31;
	s2 =	spop (v2sf)  }
.LBB2_63:
0x462: {  	s22 =	sadd.s32 s3, s22  }
0x463: {  	p0 =	slt.s32 s22, $0x10  }
.Ltmp52:
0x464: {  	_ = 	snop;
	(pc) =	sbr.rel @p0 .LBB2_71-.Ltmp52, $1  }
0x465: {  	_ =	sdelay $0x3  }
0x466: {  	s0 =	simm.s32 $0x10320  }
0x467: {  	v31 =	vld [tilespmem:s0+$0x0];
	_ =	sdelay $0x7  }
0x468: {  	s3 =	sadd.s32 $0xFFFFFFF0, s22;
	v34 =	vld.idx.msk [tilespmem:v31+s1+$0x0], $0xffff  }
0x469: {  	s5 =	sadd.s32 $0x10, s3;
	v35 =	vld.idx.msk [tilespmem:v31+s18+$0x0], $0xffff  }
0x46a: {  	p2 =	sgt.u32 s5, $0x1F  }
.Ltmp53:
0x46b: {  	v33 =	vld.idx.msk [tilespmem:v31+s19+$0x0], $0xffff;
	(pc) =	sbr.rel @!p2 .LBB2_65-.Ltmp53, $3  }
0x46c: {  	_ =	sdelay $0x1  }
0x46d: {  	s4 =	simm.s32 $0xFFFFFFF0;
	v34 =	vmul.f32 v34, v10;
	v36 =	vmul.f32 v35, v11  }
0x46e: {  	p0 =	por $0x0, $0x0;
	p1 =	por $0x0, $0x0;
	s5 =	simm.s32 $0x10330;
	v32 =	vld.idx.msk [tilespmem:v31+s23+$0x0], $0xffff  }
0x46f: {  	v34 =	vadd.f32 v36, v34;
	v33 =	vmul.f32 v33, v9;
	_ =	sdelay $0x1  }
0x470: {  	v35 =	vld [tilespmem:s5+$0x0];
	v33 =	vadd.f32 v33, v34;
	_ =	sdelay $0x1  }
0x471: {  	v32 =	vadd.f32 v32, v12;
	v33 =	vadd.f32 v33, v33;
	_ =	sdelay $0x1  }
0x472: {  	v32 =	vsub.f32 v32, v33;
	_ =	sdelay $0x1  }
0x473: {  	(xrf1) =	vsort.ascd.msk.f32 $0xffff, v32, v31;
	_ =	sdelay $0x1  }
0x474: {  	s3 =	sadd.s32 $0xFFFFFFE0, s22;
	v62 =	vld.idx.msk [tilespmem:v35+s1+$0x0], $0xffff  }
0x475: {  	s0 =	sadd.s32 $0x10, s3;
	v63 =	vld.idx.msk [tilespmem:v35+s18+$0x0], $0xffff  }
0x476: {  	p2 =	sgt.u32 s0, $0x1F  }
.Ltmp54:
0x477: {  	v33 =	vld.idx.msk [tilespmem:v35+s19+$0x0], $0xffff;
	(pc) =	sbr.rel @!p2 .LBB2_67-.Ltmp54, $3  }
0x478: {  	_ =	sdelay $0x1  }
0x479: {  	v34 =	vmul.f32 v62, v10;
	v36 =	vmul.f32 v63, v11  }
0x47a: {  	s4 =	simm.s32 $0xFFFFFFE0;
	p0 =	por $0x1, $0x1;
	s0 =	simm.s32 $0x10340;
	v32 =	vld.idx.msk [tilespmem:v35+s23+$0x0], $0xffff  }
0x47b: {  	v34 =	vadd.f32 v36, v34;
	v33 =	vmul.f32 v33, v9;
	_ =	sdelay $0x1  }
0x47c: {  	v31 =	vld [tilespmem:s0+$0x0];
	v33 =	vadd.f32 v33, v34;
	_ =	sdelay $0x1  }
0x47d: {  	v32 =	vadd.f32 v32, v12;
	v33 =	vadd.f32 v33, v33;
	v60, v37, _ =	vpop (xrf1)  }
0x47e: {  	v36 =	vperm.xlane v60, v2  }
0x47f: {  	v61 =	vperm.xlane v37, v2;
	v32 =	vsub.f32 v32, v33  }
0x480: {  	vm0 =	vle.f32 v8, v36  }
0x481: {  	(xrf1) =	vsort.ascd.msk.f32 $0xffff, v32, v35;
	v62 =	vsel vm0, v8, v36;
	v63 =	vsel vm0, v7, v61  }
0x482: {  	(xrf1) =	vsort.ascd.msk.f32 $0xffff, v62, v63  }
0x483: {  	s3 =	sadd.s32 $0xFFFFFFD0, s22;
	v59 =	vld.idx.msk [tilespmem:v31+s1+$0x0], $0xffff  }
0x484: {  	s4 =	sadd.s32 $0x10, s3;
	v38 =	vld.idx.msk [tilespmem:v31+s18+$0x0], $0xffff  }
0x485: {  	p2 =	sgt.u32 s4, $0x1F  }
.Ltmp55:
0x486: {  	v33 =	vld.idx.msk [tilespmem:v31+s19+$0x0], $0xffff;
	(pc) =	sbr.rel @!p2 .LBB2_70-.Ltmp55, $3  }
0x487: {  	_ =	sdelay $0x1  }
0x488: {  	v34 =	vmul.f32 v59, v10;
	v36 =	vmul.f32 v38, v11  }
0x489: {  	s5 =	simm.s32 $0x10350;
	p1 =	por $0x1, $0x1;
	s4 =	simm.s32 $0xFFFFFFD0;
	v32 =	vld.idx.msk [tilespmem:v31+s23+$0x0], $0xffff  }
.LBB2_69:
0x48a: {  	s0 =	smov.u32 s5  }
0x48b: {  	s4 =	sadd.s32 $0xFFFFFFF0, s4;
	v34 =	vadd.f32 v36, v34;
	v33 =	vmul.f32 v33, v9;
	v35 =	vld [tilespmem:s5+$0x0]  }
0x48c: {  	s3 =	sadd.s32 s4, s22  }
0x48d: {  	s6 =	sadd.s32 $0x10, s3;
	v33 =	vadd.f32 v33, v34  }
0x48e: {  	p2 =	sgt.u32 s6, $0x1F  }
0x48f: {  	v32 =	vadd.f32 v32, v12;
	v33 =	vadd.f32 v33, v33  }
0x490: {  	v34, v36, _ =	vpop (xrf1)  }
0x491: {  	v32 =	vsub.f32 v32, v33;
	v33 =	vperm.xlane v34, v2  }
0x492: {  	v34 =	vperm.xlane v36, v2;
	v36, v37, _ =	vpop (xrf1)  }
0x493: {  	v38 =	vld.idx.msk [tilespmem:v35+s1+$0x0], $0xffff;
	(xrf1) =	vsort.ascd.msk.f32 $0xffff, v32, v31;
	vm0 =	vle.f32 v36, v33;
	v31 =	vmov v35  }
0x494: {  	v39 =	vld.idx.msk [tilespmem:v35+s18+$0x0], $0xffff;
	v32 =	vsel vm0, v36, v33;
	v33 =	vsel vm0, v37, v34  }
0x495: {  	(xrf1) =	vsort.ascd.msk.f32 $0xffff, v32, v33  }
0x496: {  	v33 =	vld.idx.msk [tilespmem:v35+s19+$0x0], $0xffff  }
.Ltmp56:
0x497: {  	(pc) =	sbr.rel @p2 .LBB2_69-.Ltmp56, $3  }
0x498: {  	_ =	sdelay $0x1  }
0x499: {  	v34 =	vmul.f32 v38, v10;
	v36 =	vmul.f32 v39, v11;
	v32 =	vld.idx.msk [tilespmem:v35+s23+$0x0], $0xffff  }
0x49a: {  	s5 =	sadd.s32 $0x10, s5  }
.Ltmp57:
0x49b: {  	_ = 	snop;
	(pc) =	sbr.rel .LBB2_70-.Ltmp57, $1  }
0x49c: {  	_ =	sdelay $0x3  }
.LBB2_41:
.Ltmp58:
0x49d: {  	(pc) =	sbr.rel .LBB2_46-.Ltmp58, $2  }
0x49e: {  	_ =	sdelay $0x2  }
0x49f: {  	_ = 	snop  }
.LBB2_49:
.Ltmp59:
0x4a0: {  	(pc) =	sbr.rel .LBB2_54-.Ltmp59, $2  }
0x4a1: {  	_ =	sdelay $0x2  }
0x4a2: {  	_ = 	snop  }
.LBB2_57:
.Ltmp60:
0x4a3: {  	(pc) =	sbr.rel .LBB2_62-.Ltmp60, $2  }
0x4a4: {  	_ =	sdelay $0x2  }
0x4a5: {  	_ = 	snop  }
.LBB2_43:
.Ltmp61:
0x4a6: {  	(pc) =	sbr.rel .LBB2_46-.Ltmp61, $2  }
0x4a7: {  	_ =	sdelay $0x2  }
0x4a8: {  	v31 =	vmov v35  }
.LBB2_51:
.Ltmp62:
0x4a9: {  	(pc) =	sbr.rel .LBB2_54-.Ltmp62, $2  }
0x4aa: {  	_ =	sdelay $0x2  }
0x4ab: {  	s5 =	simm.s32 $0x10270;
	v31 =	vmov v35  }
.LBB2_59:
.Ltmp63:
0x4ac: {  	(pc) =	sbr.rel .LBB2_62-.Ltmp63, $2  }
0x4ad: {  	_ =	sdelay $0x2  }
0x4ae: {  	s2 =	simm.s32 $0x102D0;
	v31 =	vmov v35  }
.LBB2_67:
.Ltmp64:
0x4af: {  	(pc) =	sbr.rel .LBB2_70-.Ltmp64, $2  }
0x4b0: {  	_ =	sdelay $0x2  }
0x4b1: {  	s0 =	simm.s32 $0x10330;
	v31 =	vmov v35  }
.LBB2_72:
0x4b2: {  	v31 =	vld [tilespmem:$0x10200];
	_ =	sdelay $0x2  }
0x4b3: {  	v32 =	vmov s7  }
0x4b4: {  	vm0 =	vgt.s32 v32, v0  }
0x4b5: {  	v31 =	vnsel vm0, $0x0, v31;
	_ =	sdelay $0x3  }
0x4b6: {  	s3 =	simm.s32 $0x0  }
0x4b7: {  	v62 =	vld.idx.msk [tilespmem:v31+s3+$0x0], $0xffff  }
0x4b8: {  	v33 =	vld.idx.msk [tilespmem:v31+s18+$0x0], $0xffff;
	_ =	sdelay $0x1  }
0x4b9: {  	v34 =	vld.idx.msk [tilespmem:v31+s19+$0x0], $0xffff;
	_ =	sdelay $0x2  }
0x4ba: {  	v26 =	vmul.f32 v62, v26;
	v27 =	vmul.f32 v33, v27  }
0x4bb: {  	v63 =	vld.idx.msk [tilespmem:v31+s23+$0x0], $0xffff  }
0x4bc: {  	v25 =	vmul.f32 v34, v25;
	v26 =	vadd.f32 v27, v26;
	_ =	sdelay $0x1  }
0x4bd: {  	v25 =	vadd.f32 v25, v26;
	_ =	sdelay $0x1  }
0x4be: {  	v26 =	vadd.f32 v63, v28;
	v25 =	vadd.f32 v25, v25;
	_ =	sdelay $0x1  }
0x4bf: {  	v25 =	vsub.f32 v26, v25;
	_ =	sdelay $0x1  }
0x4c0: {  	v25 =	vnsel vm0, $0x7F800000, v25  }
0x4c1: {  	(xrf1) =	vsort.ascd.msk.f32 $0xffff, v25, v31;
	_ =	sdelay $0xd  }
0x4c2: {  	v25, v26, _ =	vpop (xrf1)  }
0x4c3: {  	v25 =	vperm.xlane v25, v2  }
0x4c4: {  	v26 =	vperm.xlane v26, v2  }
0x4c5: {  	vm9 =	vle.f32 v30, v25  }
0x4c6: {  	v25 =	vsel vm9, v30, v25;
	v26 =	vsel vm9, v29, v26  }
0x4c7: {  	(xrf1) =	vsort.ascd.msk.f32 $0xffff, v25, v26;
	_ =	sdelay $0xd  }
0x4c8: {  	_, v25, _ =	vpop (xrf1)  }
0x4c9: {  	[tilespmem:s28+$0x103C0] =	vst v25  }
0x4ca: {  	v25 =	vld [tilespmem:$0x10260];
	_ =	sdelay $0x2  }
0x4cb: {  	v26 =	vmov s20  }
0x4cc: {  	vm10 =	vgt.s32 v26, v0  }
0x4cd: {  	v25 =	vnsel vm10, $0x0, v25;
	_ =	sdelay $0x4  }
0x4ce: {  	v26 =	vld.idx.msk [tilespmem:v25+s3+$0x0], $0xffff  }
0x4cf: {  	v27 =	vld.idx.msk [tilespmem:v25+s18+$0x0], $0xffff;
	_ =	sdelay $0x1  }
0x4d0: {  	v28 =	vld.idx.msk [tilespmem:v25+s19+$0x0], $0xffff;
	_ =	sdelay $0x2  }
0x4d1: {  	v20 =	vmul.f32 v26, v20;
	v21 =	vmul.f32 v27, v21  }
0x4d2: {  	v26 =	vld.idx.msk [tilespmem:v25+s23+$0x0], $0xffff  }
0x4d3: {  	v19 =	vmul.f32 v28, v19;
	v20 =	vadd.f32 v21, v20;
	_ =	sdelay $0x1  }
0x4d4: {  	v19 =	vadd.f32 v19, v20;
	_ =	sdelay $0x1  }
0x4d5: {  	v20 =	vadd.f32 v26, v22;
	v19 =	vadd.f32 v19, v19;
	_ =	sdelay $0x1  }
0x4d6: {  	v19 =	vsub.f32 v20, v19;
	_ =	sdelay $0x1  }
0x4d7: {  	v19 =	vnsel vm10, $0x7F800000, v19  }
0x4d8: {  	(xrf1) =	vsort.ascd.msk.f32 $0xffff, v19, v25;
	_ =	sdelay $0xd  }
0x4d9: {  	v19, v20, _ =	vpop (xrf1)  }
0x4da: {  	v19 =	vperm.xlane v19, v2  }
0x4db: {  	v20 =	vperm.xlane v20, v2  }
0x4dc: {  	vm11 =	vle.f32 v24, v19  }
0x4dd: {  	v19 =	vsel vm11, v24, v19;
	v20 =	vsel vm11, v23, v20  }
0x4de: {  	(xrf1) =	vsort.ascd.msk.f32 $0xffff, v19, v20;
	_ =	sdelay $0xd  }
0x4df: {  	_, v19, _ =	vpop (xrf1)  }
0x4e0: {  	[tilespmem:s28+$0x103D0] =	vst v19  }
0x4e1: {  	v19 =	vld [tilespmem:$0x102C0];
	_ =	sdelay $0x2  }
0x4e2: {  	v20 =	vmov s21  }
0x4e3: {  	vm12 =	vgt.s32 v20, v0  }
0x4e4: {  	v19 =	vnsel vm12, $0x0, v19;
	_ =	sdelay $0x4  }
0x4e5: {  	v20 =	vld.idx.msk [tilespmem:v19+s3+$0x0], $0xffff  }
0x4e6: {  	v21 =	vld.idx.msk [tilespmem:v19+s18+$0x0], $0xffff;
	_ =	sdelay $0x1  }
0x4e7: {  	v22 =	vld.idx.msk [tilespmem:v19+s19+$0x0], $0xffff;
	_ =	sdelay $0x2  }
0x4e8: {  	v14 =	vmul.f32 v20, v14;
	v15 =	vmul.f32 v21, v15  }
0x4e9: {  	v20 =	vld.idx.msk [tilespmem:v19+s23+$0x0], $0xffff  }
0x4ea: {  	v13 =	vmul.f32 v22, v13;
	v14 =	vadd.f32 v15, v14;
	_ =	sdelay $0x1  }
0x4eb: {  	v13 =	vadd.f32 v13, v14;
	_ =	sdelay $0x1  }
0x4ec: {  	v14 =	vadd.f32 v20, v17;
	v13 =	vadd.f32 v13, v13;
	_ =	sdelay $0x1  }
0x4ed: {  	v13 =	vsub.f32 v14, v13;
	_ =	sdelay $0x1  }
0x4ee: {  	v13 =	vnsel vm12, $0x7F800000, v13  }
0x4ef: {  	(xrf1) =	vsort.ascd.msk.f32 $0xffff, v13, v19;
	_ =	sdelay $0xd  }
0x4f0: {  	v13, v14, _ =	vpop (xrf1)  }
0x4f1: {  	v13 =	vperm.xlane v13, v2  }
0x4f2: {  	v14 =	vperm.xlane v14, v2  }
0x4f3: {  	vm13 =	vle.f32 v18, v13  }
0x4f4: {  	v13 =	vsel vm13, v18, v13;
	v14 =	vsel vm13, v16, v14  }
0x4f5: {  	(xrf1) =	vsort.ascd.msk.f32 $0xffff, v13, v14;
	_ =	sdelay $0xd  }
0x4f6: {  	_, v13, _ =	vpop (xrf1)  }
0x4f7: {  	[tilespmem:s28+$0x103E0] =	vst v13  }
0x4f8: {  	v13 =	vld [tilespmem:$0x10320];
	_ =	sdelay $0x2  }
0x4f9: {  	v14 =	vmov s22  }
0x4fa: {  	vm14 =	vgt.s32 v14, v0  }
0x4fb: {  	v13 =	vnsel vm14, $0x0, v13;
	_ =	sdelay $0x4  }
0x4fc: {  	v14 =	vld.idx.msk [tilespmem:v13+s3+$0x0], $0xffff  }
0x4fd: {  	v15 =	vld.idx.msk [tilespmem:v13+s18+$0x0], $0xffff;
	_ =	sdelay $0x1  }
0x4fe: {  	v16 =	vld.idx.msk [tilespmem:v13+s19+$0x0], $0xffff;
	_ =	sdelay $0x2  }
0x4ff: {  	v10 =	vmul.f32 v14, v10;
	v11 =	vmul.f32 v15, v11  }
0x500: {  	v14 =	vld.idx.msk [tilespmem:v13+s23+$0x0], $0xffff  }
0x501: {  	v9 =	vmul.f32 v16, v9;
	v10 =	vadd.f32 v11, v10;
	_ =	sdelay $0x1  }
0x502: {  	v9 =	vadd.f32 v9, v10;
	_ =	sdelay $0x1  }
0x503: {  	v10 =	vadd.f32 v14, v12;
	v9 =	vadd.f32 v9, v9;
	_ =	sdelay $0x1  }
0x504: {  	v9 =	vsub.f32 v10, v9;
	_ =	sdelay $0x1  }
0x505: {  	v9 =	vnsel vm14, $0x7F800000, v9  }
0x506: {  	(xrf1) =	vsort.ascd.msk.f32 $0xffff, v9, v13;
	_ =	sdelay $0xd  }
0x507: {  	v9, v10, _ =	vpop (xrf1)  }
0x508: {  	v9 =	vperm.xlane v9, v2  }
0x509: {  	v10 =	vperm.xlane v10, v2  }
0x50a: {  	vm15 =	vle.f32 v8, v9  }
0x50b: {  	v8 =	vsel vm15, v8, v9;
	v7 =	vsel vm15, v7, v10  }
0x50c: {  	(xrf1) =	vsort.ascd.msk.f32 $0xffff, v8, v7;
	_ =	sdelay $0x6  }
0x50d: {  	v27 =	vbroadcast v5, $0x8;
	v28 =	vbroadcast v3, $0x8  }
0x50e: {  	v26 =	vbroadcast v4, $0x8;
	v25 =	vbroadcast v6, $0x8  }
0x50f: {  	v21 =	vbroadcast v5, $0x9;
	v22 =	vbroadcast v3, $0x9  }
0x510: {  	v29 =	vimm.s32 $0x0;
	v20 =	vbroadcast v4, $0x9;
	v17 =	vbroadcast v3, $0xA  }
.Ltmp65:
0x511: {  	v30 =	vimm.f32 $+Inf;
	v19 =	vbroadcast v6, $0x9;
	v15 =	vbroadcast v5, $0xA;
	(pc) =	sbr.rel .LBB2_73-.Ltmp65, $4  }
0x512: {  	v23 =	vimm.s32 $0x0;
	v11 =	vbroadcast v5, $0xB;
	v14 =	vbroadcast v4, $0xA  }
0x513: {  	s0 =	simm.f32 $+Inf;
	s2 =	simm.f32 $+Inf;
	v18 =	vimm.f32 $+Inf;
	v12 =	vbroadcast v3, $0xB;
	v13 =	vbroadcast v6, $0xA  }
0x514: {  	s31 =	simm.f32 $+Inf;
	s24 =	simm.f32 $+Inf;
	s30 =	simm.s32 $0x0;
	v16 =	vimm.s32 $0x0;
	v10 =	vbroadcast v4, $0xB;
	v9 =	vbroadcast v6, $0xB;
	_, v24, _ =	vpop (xrf1)  }
0x515: {  	s29 =	simm.s32 $0x0;
	s20 =	simm.s32 $0x0;
	s21 =	simm.s32 $0x0;
	v7 =	vimm.s32 $0x0;
	v8 =	vimm.f32 $+Inf;
	[tilespmem:s28+$0x103F0] =	vst v24;
	v24 =	vimm.f32 $+Inf  }
.LBB2_99:
0x516: {  	_ = 	snop  }
.LBB2_104:
0x517: {  	v34 =	vadd.f32 v36, v34;
	v33 =	vmul.f32 v33, v9;
	_ =	sdelay $0x1  }
0x518: {  	v33 =	vadd.f32 v33, v34;
	_ =	sdelay $0x1  }
0x519: {  	v32 =	vadd.f32 v32, v12;
	v33 =	vadd.f32 v33, v33;
	v34, v35, _ =	vpop @p0 (xrf1)  }
0x51a: {  	v34 =	vperm.xlane @p0 v34, v2;
	v36, v37, _ =	vpop @p1 (xrf1)  }
0x51b: {  	v32 =	vsub.f32 v32, v33;
	v33 =	vperm.xlane @p0 v35, v2;
	v35 =	vpsel p1, v36, v8  }
0x51c: {  	v36 =	vpsel p1, v37, v7;
	vm0 =	vle.f32 @p0 v35, v34  }
0x51d: {  	(xrf1) =	vsort.ascd.msk.f32 $0xffff, v32, v31;
	v31 =	vsel @p0 vm0, v35, v34;
	v32 =	vsel @p0 vm0, v36, v33  }
0x51e: {  	(xrf1) =	vsort.ascd.msk.f32 @p0 $0xffff, v31, v32;
	_ =	sdelay $0xc  }
0x51f: {  	v31, v32, _ =	vpop (xrf1)  }
0x520: {  	v31 =	vperm.xlane v31, v2;
	v33, v34, _ =	vpop @p0 (xrf1)  }
0x521: {  	v32 =	vperm.xlane v32, v2;
	v8 =	vpsel p0, v33, v8  }
0x522: {  	v7 =	vpsel p0, v34, v7;
	vm15 =	vle.f32 v8, v31  }
0x523: {  	v8 =	vsel vm15, v8, v31;
	v7 =	vsel vm15, v7, v32  }
0x524: {  	(xrf1) =	vsort.ascd.msk.f32 $0xffff, v8, v7;
	_ =	sdelay $0xd  }
0x525: {  	v8, v7, _ =	vpop (xrf1)  }
0x526: {  	v31 =	vsub.f32 v8, v12;
	_ =	sdelay $0x1  }
0x527: {  	v31 =	vadd.f32 $9.999999740e-05, v31;
	_ =	sdelay $0x1  }
0x528: {  	(xrf0) =	vmax.scan.msk.f32 $0xffff, v31;
	_ =	sdelay $0x5  }
0x529: {  	v31, _, _ =	vpop (xrf0)  }
0x52a: {  	(v2sf) =	vpush v31, $0xF;
	_ =	sdelay $0x7  }
0x52b: {  	s3 =	ssub.s32 $0x0, s5  }
0x52c: {  	p0 =	slt.s32 s3, $0x1  }
0x52d: {  	v31 =	vld @!p0 [tilespmem:s0+$0x10];
	_ =	sdelay $0x4  }
0x52e: {  	s3 =	smov.u32 s4;
	[tilespmem:$0x10320] =	vst @!p0 v31;
	s0 =	spop (v2sf)  }
.LBB2_105:
0x52f: {  	s29 =	sadd.s32 $0x1, s29  }
0x530: {  	p0 =	sne.s32 s29, $0x100  }
.Ltmp66:
0x531: {  	_ = 	snop;
	(pc) =	sbr.rel @!p0 .LBB2_106-.Ltmp66, $1  }
0x532: {  	_ =	sdelay $0x3  }
.LBB2_73:
0x533: {  	s4 =	sshll.u32 s29, $0x6  }
0x534: {  	v31 =	vld [tilespmem:s4+$0x0]  }
0x535: {  	v32 =	vld [tilespmem:s4+$0x4000]  }
0x536: {  	v33 =	vld [tilespmem:s4+$0x8000];
	_ =	sdelay $0x3  }
0x537: {  	v38 =	vld [tilespmem:s4+$0x10];
	v34 =	vmul.f32 v31, v26;
	v35 =	vmul.f32 v32, v27  }
0x538: {  	v41 =	vld [tilespmem:s4+$0x4010];
	v46 =	vmul.f32 v33, v25;
	v47 =	vmul.f32 v31, v20  }
0x539: {  	v37 =	vmul.f32 v32, v21;
	v48 =	vmul.f32 v33, v19  }
0x53a: {  	v39 =	vmul.f32 v31, v14;
	v40 =	vmul.f32 v32, v15  }
0x53b: {  	v50 =	vmul.f32 v33, v13;
	v31 =	vmul.f32 v31, v10  }
0x53c: {  	v51 =	vld [tilespmem:s4+$0x8010];
	v32 =	vmul.f32 v32, v11;
	v53 =	vmul.f32 v38, v26  }
0x53d: {  	v42 =	vmul.f32 v41, v27;
	v54 =	vmul.f32 v33, v9  }
0x53e: {  	v60 =	vmul.f32 v38, v20;
	v61 =	vmul.f32 v41, v21  }
0x53f: {  	v43 =	vmul.f32 v38, v14;
	v34 =	vadd.f32 v35, v34;
	v35 =	vadd.f32 v37, v47  }
0x540: {  	v44 =	vmul.f32 v41, v15;
	v49 =	vadd.f32 v40, v39;
	v31 =	vadd.f32 v32, v31  }
0x541: {  	v36 =	vld [tilespmem:s4+$0xC000];
	v56 =	vmul.f32 v51, v25;
	v55 =	vadd.f32 v42, v53;
	v33 =	vadd.f32 v61, v60  }
0x542: {  	v58 =	vld [tilespmem:s4+$0xC010];
	v62 =	vmul.f32 v51, v19;
	v63 =	vadd.f32 v44, v43;
	v34 =	vadd.f32 v46, v34  }
0x543: {  	v53 =	vld [tilespmem:s4+$0x4020];
	v35 =	vadd.f32 v48, v35;
	v31 =	vadd.f32 v54, v31  }
0x544: {  	v59 =	vadd.f32 v56, v55;
	v33 =	vadd.f32 v62, v33;
	v55 =	vld [tilespmem:s4+$0x8020]  }
0x545: {  	v45 =	vmul.f32 v51, v13;
	v34 =	vadd.f32 v34, v34;
	v35 =	vadd.f32 v35, v35  }
0x546: {  	v51 =	vmul.f32 v51, v9;
	v31 =	vadd.f32 v31, v31;
	v32 =	vadd.f32 v59, v59  }
0x547: {  	v48 =	vmul.f32 v38, v10;
	v47 =	vadd.f32 v33, v33;
	v34 =	vsub.f32 v36, v34  }
0x548: {  	v59 =	vmul.f32 v53, v21;
	v35 =	vsub.f32 v36, v35;
	v31 =	vsub.f32 v36, v31  }
0x549: {  	v32 =	vsub.f32 v58, v32;
	v60 =	vmul.f32 v55, v25;
	v62 =	vmul.f32 v55, v19  }
0x54a: {  	vm0 =	vlt.f32 v34, s24;
	vm3 =	vlt.f32 v31, s0;
	v31 =	vadd.f32 v45, v63  }
0x54b: {  	v34 =	vadd.f32 v50, v49;
	vm1 =	vlt.f32 v35, s31;
	v52 =	vsel vm0, $0x1, v1  }
0x54c: {  	vm2 =	vlt.f32 v32, s24;
	v49 =	vmul.f32 v41, v11;
	(xrf0) =	vadd.scan.msk.s32 $0xffff, v52;
	v31 =	vadd.f32 v31, v31;
	v52 =	vld [tilespmem:s4+$0x20]  }
0x54d: {  	v32 =	vsub.f32 v58, v47;
	v47 =	vmul.f32 v53, v15;
	v34 =	vadd.f32 v34, v34  }
0x54e: {  	v57 =	vsel vm1, $0x1, v1;
	v33 =	vadd.f32 v49, v48;
	v31 =	vsub.f32 v58, v31  }
0x54f: {  	v46 =	vsel vm3, $0x1, v1;
	v50 =	vsel vm2, $0x1, v1;
	v34 =	vsub.f32 v36, v34  }
0x550: {  	vm6 =	vlt.f32 v32, s31;
	vm5 =	vlt.f32 v31, s2;
	v31 =	vadd.f32 v51, v33  }
0x551: {  	(xrf0) =	vadd.scan.msk.s32 $0xffff, v57;
	v57 =	vmul.f32 v53, v27;
	vm4 =	vlt.f32 v34, s2;
	v56 =	vmul.f32 v52, v26  }
0x552: {  	v48 =	vmul.f32 v55, v13;
	v34 =	vsel vm4, $0x1, v1;
	v31 =	vadd.f32 v31, v31  }
0x553: {  	v33 =	vmul.f32 v53, v11;
	v35 =	vmul.f32 v52, v10;
	(xrf0) =	vadd.scan.msk.s32 $0xffff, v34;
	v40 =	vadd.f32 v57, v56  }
0x554: {  	v61 =	vld [tilespmem:s4+$0xC020];
	v49 =	vmul.f32 v55, v9;
	v31 =	vsub.f32 v58, v31;
	v58 =	vmul.f32 v52, v20  }
0x555: {  	v38 =	vld [tilespmem:s4+$0x4030];
	v32 =	vsel vm6, $0x1, v1;
	v36, _, _ =	vpop (xrf0);
	(xrf0) =	vadd.scan.msk.s32 $0xffff, v46;
	v33 =	vadd.f32 v33, v35;
	v40 =	vadd.f32 v60, v40  }
0x556: {  	(v2sf) =	vpush v36, $0xF;
	v46 =	vmul.f32 v52, v14;
	v35 =	vld [tilespmem:s4+$0x8030];
	(xrf0) =	vadd.scan.msk.s32 $0xffff, v50;
	v42 =	vadd.f32 v59, v58  }
0x557: {  	v54 =	vsel vm5, $0x1, v1;
	v34, _, _ =	vpop (xrf0);
	(xrf0) =	vadd.scan.msk.s32 $0xffff, v32;
	v33 =	vadd.f32 v49, v33;
	v40 =	vadd.f32 v40, v40  }
0x558: {  	vm7 =	vlt.f32 v31, s0;
	v63 =	vadd.f32 v62, v42;
	v42 =	vadd.f32 v47, v46;
	v46 =	vld [tilespmem:s4+$0x30]  }
0x559: {  	(v2sf) =	vpush v34, $0xF;
	v45 =	vsel vm7, $0x1, v1;
	v33 =	vadd.f32 v33, v33;
	v37, _, _ =	vpop (xrf0)  }
0x55a: {  	(xrf0) =	vadd.scan.msk.s32 $0xffff, v54;
	v54 =	vmul.f32 v38, v27;
	(v2sf) =	vpush v37, $0xF;
	v40 =	vsub.f32 v61, v40  }
0x55b: {  	v57 =	vmul.f32 v35, v25;
	v39, _, _ =	vpop (xrf0);
	v33 =	vsub.f32 v61, v33;
	v42 =	vadd.f32 v48, v42  }
0x55c: {  	v59 =	vmul.f32 v35, v19;
	(v2sf) =	vpush v39, $0xF;
	v32, _, _ =	vpop (xrf0);
	v41 =	vadd.f32 v63, v63  }
0x55d: {  	(v2sf) =	vpush v32, $0xF;
	v44, _, _ =	vpop (xrf0);
	v50 =	vadd.f32 v42, v42;
	v53 =	vmul.f32 v46, v26  }
0x55e: {  	v48 =	vmul.f32 v38, v21;
	vm9 =	vlt.f32 v40, s24;
	(v2sf) =	vpush v44, $0xF  }
0x55f: {  	vm11 =	vlt.f32 v33, s0;
	v40 =	vsub.f32 v61, v50;
	v56 =	vadd.f32 v54, v53  }
0x560: {  	v62 =	vld [tilespmem:s4+$0xC030];
	v41 =	vsub.f32 v61, v41;
	v51 =	vsel vm9, $0x1, v1;
	v55 =	vmul.f32 v46, v20  }
0x561: {  	v60 =	vmul.f32 v46, v14;
	v31, _, _ =	vpop (xrf0);
	(xrf0) =	vadd.scan.msk.s32 $0xffff, v45;
	vm10 =	vlt.f32 v40, s2;
	v40 =	vadd.f32 v57, v56  }
0x562: {  	v63 =	vmul.f32 v46, v10;
	vm8 =	vlt.f32 v41, s31;
	v61 =	vmul.f32 v38, v15;
	(xrf0) =	vadd.scan.msk.s32 $0xffff, v51  }
0x563: {  	v38 =	vmul.f32 v38, v11;
	v52 =	vsel vm8, $0x1, v1;
	v40 =	vadd.f32 v40, v40  }
0x564: {  	v58 =	vadd.f32 v48, v55;
	v53 =	vmul.f32 v35, v13;
	v41 =	vadd.f32 v61, v60  }
0x565: {  	v35 =	vmul.f32 v35, v9;
	(xrf0) =	vadd.scan.msk.s32 $0xffff, v52;
	v38 =	vadd.f32 v38, v63;
	v55 =	vsub.f32 v62, v40  }
0x566: {  	v54 =	vsel vm11, $0x1, v1;
	v33 =	vadd.f32 v59, v58;
	v52 =	vsel vm10, $0x1, v1  }
0x567: {  	v41 =	vadd.f32 v53, v41;
	v35 =	vadd.f32 v35, v38;
	v47, _, _ =	vpop (xrf0);
	(xrf0) =	vadd.scan.msk.s32 $0xffff, v52;
	vm12 =	vlt.f32 v55, s24  }
0x568: {  	(v2sf) =	vpush v31, $0xF;
	v33 =	vadd.f32 v33, v33;
	v46, _, _ =	vpop (xrf0);
	(xrf0) =	vadd.scan.msk.s32 $0xffff, v54;
	v58 =	vsel vm12, $0x1, v1  }
0x569: {  	v56 =	vadd.f32 v41, v41;
	v35 =	vadd.f32 v35, v35;
	(xrf0) =	vadd.scan.msk.s32 $0xffff, v58  }
0x56a: {  	(v2sf) =	vpush v47, $0xF;
	v33 =	vsub.f32 v62, v33  }
0x56b: {  	(v2sf) =	vpush v46, $0xF;
	v41, _, _ =	vpop (xrf0);
	v57 =	vsub.f32 v62, v56  }
0x56c: {  	v59 =	vsub.f32 v62, v35;
	(v2sf) =	vpush v41, $0xF;
	vm13 =	vlt.f32 v33, s31  }
0x56d: {  	s6 =	spop (v2sf);
	v60 =	vsel vm13, $0x1, v1;
	vm14 =	vlt.f32 v57, s2;
	v40, _, _ =	vpop (xrf0)  }
0x56e: {  	s7 =	spop (v2sf);
	vm15 =	vlt.f32 v59, s0;
	v62 =	vsel vm14, $0x1, v1;
	(xrf0) =	vadd.scan.msk.s32 $0xffff, v60;
	(v2sf) =	vpush v40, $0xF;
	v61, _, _ =	vpop (xrf0)  }
0x56f: {  	s22 =	sadd.s32 $0xBF, s21;
	s9 =	spop (v2sf);
	v33 =	vsel vm15, $0x1, v1;
	(xrf0) =	vadd.scan.msk.s32 $0xffff, v62;
	(v2sf) =	vpush v61, $0xF;
	v48, _, _ =	vpop (xrf0)  }
0x570: {  	v37 =	vadd.s32 s22, v37;
	s22 =	spop (v2sf);
	(xrf0) =	vadd.scan.msk.s32 $0xffff, v33;
	(v2sf) =	vpush v48, $0xF  }
0x571: {  	s5 =	sadd.s32 $0xFFFFFFFF, s30  }
0x572: {  	s8 =	sadd.s32 $0x5F, s20;
	v63 =	vadd.s32 s5, v36  }
0x573: {  	v34 =	vadd.s32 s8, v34  }
0x574: {  	s8 =	sadd.s32 $0x11F, s3;
	s5 =	simm.s32 $0x10200;
	s6 =	sadd.s32 s30, s6;
	v49, _, _ =	vpop (xrf0)  }
0x575: {  	v39 =	vadd.s32 s8, v39;
	s8 =	sadd.s32 $0xFFFFFFFF, s6;
	s7 =	sadd.s32 s20, s7;
	s20 =	spop (v2sf);
	v50, _, _ =	vpop (xrf0);
	(v2sf) =	vpush v49, $0xF  }
0x576: {  	v51 =	vor.u32 s4, v0;
	v32 =	vadd.s32 s8, v32;
	s8 =	sadd.s32 $0x5F, s7;
	s9 =	sadd.s32 s21, s9;
	s21 =	spop (v2sf);
	(v2sf) =	vpush v50, $0xF;
	v52, _, _ =	vpop (xrf0)  }
0x577: {  	[tilespmem:v63+s5+$0x0] =	vst.idx.msk vm0, v51;
	v53 =	vadd.s32 s8, v44;
	s3 =	sadd.s32 s3, s22;
	s8 =	sadd.s32 $0xBF, s9;
	s22 =	spop (v2sf);
	(v2sf) =	vpush v52, $0xF  }
0x578: {  	[tilespmem:v34+s5+$0x0] =	vst.idx.msk vm1, v51;
	s6 =	sadd.s32 s6, s20;
	v31 =	vadd.s32 s8, v31;
	s8 =	sadd.s32 $0x11F, s3;
	s7 =	sadd.s32 s7, s21  }
0x579: {  	[tilespmem:v37+s5+$0x0] =	vst.idx.msk vm4, v51;
	s21 =	sor.u32 $0x10, s4;
	v54 =	vadd.s32 s8, v47;
	s8 =	sadd.s32 $0xFFFFFFFF, s6;
	s20 =	spop (v2sf)  }
0x57a: {  	[tilespmem:v39+s5+$0x0] =	vst.idx.msk vm3, v51;
	v55 =	vor.u32 s21, v0;
	v56 =	vadd.s32 s8, v46;
	s9 =	sadd.s32 s9, s22;
	s22 =	sadd.s32 $0x5F, s7;
	s21 =	spop (v2sf)  }
0x57b: {  	[tilespmem:v32+s5+$0x0] =	vst.idx.msk vm2, v55;
	v57 =	vadd.s32 s22, v41;
	s8 =	sadd.s32 $0xBF, s9;
	s3 =	sadd.s32 s3, s20;
	s20 =	spop (v2sf)  }
0x57c: {  	[tilespmem:v53+s5+$0x0] =	vst.idx.msk vm6, v55;
	v58 =	vadd.s32 s8, v40;
	s22 =	sadd.s32 s6, s21;
	s8 =	sadd.s32 $0x11F, s3;
	s21 =	sor.u32 $0x20, s4  }
0x57d: {  	[tilespmem:v31+s5+$0x0] =	vst.idx.msk vm5, v55;
	s20 =	sadd.s32 s7, s20;
	v31 =	vadd.s32 s8, v61;
	s8 =	sadd.s32 $0xFFFFFFFF, s22;
	s6 =	spop (v2sf)  }
0x57e: {  	[tilespmem:v54+s5+$0x0] =	vst.idx.msk vm7, v55;
	v59 =	vor.u32 s21, v0;
	v60 =	vadd.s32 s8, v48;
	s21 =	sadd.s32 s9, s6;
	s7 =	spop (v2sf);
	s9 =	sadd.s32 $0x5F, s20  }
0x57f: {  	[tilespmem:v56+s5+$0x0] =	vst.idx.msk vm9, v59;
	s3 =	sadd.s32 s3, s7;
	v61 =	vadd.s32 s9, v49;
	s7 =	sadd.s32 $0xBF, s21;
	s9 =	spop (v2sf)  }
0x580: {  	[tilespmem:v57+s5+$0x0] =	vst.idx.msk vm8, v59;
	v62 =	vadd.s32 s7, v50;
	s8 =	sadd.s32 $0x11F, s3;
	s30 =	sadd.s32 s22, s9  }
0x581: {  	s4 =	sor.u32 $0x30, s4;
	[tilespmem:v58+s5+$0x0] =	vst.idx.msk vm10, v59;
	v63 =	vadd.s32 s8, v52;
	p0 =	slt.s32 s30, $0x10  }
.Ltmp67:
0x582: {  	[tilespmem:v31+s5+$0x0] =	vst.idx.msk vm11, v59;
	v31 =	vor.u32 s4, v0;
	(pc) =	sbr.rel @p0 .LBB2_81-.Ltmp67, $4  }
0x583: {  	[tilespmem:v60+s5+$0x0] =	vst.idx.msk vm12, v31  }
0x584: {  	s6 =	spop (v2sf);
	[tilespmem:v61+s5+$0x0] =	vst.idx.msk vm13, v31  }
0x585: {  	s4 =	spop (v2sf);
	[tilespmem:v62+s5+$0x0] =	vst.idx.msk vm14, v31  }
0x586: {  	s22 =	spop (v2sf);
	[tilespmem:v63+s5+$0x0] =	vst.idx.msk vm15, v31  }
0x587: {  	v31 =	vld [tilespmem:s5+$0x0];
	_ =	sdelay $0x6  }
0x588: {  	s7 =	sadd.s32 $0xFFFFFFF0, s30  }
0x589: {  	s8 =	sadd.s32 $0x10, s7;
	v34 =	vld.idx.msk [tilespmem:v31+s1+$0x0], $0xffff  }
0x58a: {  	p2 =	sgt.u32 s8, $0x1F;
	v35 =	vld.idx.msk [tilespmem:v31+s18+$0x0], $0xffff  }
.Ltmp68:
0x58b: {  	_ = 	snop;
	(pc) =	sbr.rel @!p2 .LBB2_75-.Ltmp68, $3  }
0x58c: {  	_ =	sdelay $0x1  }
0x58d: {  	s24 =	simm.s32 $0xFFFFFFF0;
	v33 =	vld.idx.msk [tilespmem:v31+s19+$0x0], $0xffff  }
0x58e: {  	p0 =	por $0x0, $0x0;
	p1 =	por $0x0, $0x0;
	s8 =	simm.s32 $0x10210;
	v32 =	vld.idx.msk [tilespmem:v31+s23+$0x0], $0xffff;
	v34 =	vmul.f32 v34, v26;
	v36 =	vmul.f32 v35, v27  }
0x58f: {  	v35 =	vld [tilespmem:s8+$0x0];
	_ =	sdelay $0x5  }
0x590: {  	v34 =	vadd.f32 v36, v34;
	v33 =	vmul.f32 v33, v25  }
0x591: {  	s7 =	sadd.s32 $0xFFFFFFE0, s30  }
0x592: {  	s24 =	sadd.s32 $0x10, s7;
	v33 =	vadd.f32 v33, v34;
	v62 =	vld.idx.msk [tilespmem:v35+s1+$0x0], $0xffff  }
0x593: {  	p2 =	sgt.u32 s24, $0x1F;
	v63 =	vld.idx.msk [tilespmem:v35+s18+$0x0], $0xffff  }
.Ltmp69:
0x594: {  	v32 =	vadd.f32 v32, v28;
	v33 =	vadd.f32 v33, v33;
	(pc) =	sbr.rel @!p2 .LBB2_77-.Ltmp69, $4  }
0x595: {  	_ = 	snop  }
0x596: {  	v32 =	vsub.f32 v32, v33  }
0x597: {  	v33 =	vld.idx.msk [tilespmem:v35+s19+$0x0], $0xffff  }
0x598: {  	s8 =	simm.s32 $0x10220;
	p0 =	por $0x1, $0x1;
	s24 =	simm.s32 $0xFFFFFFE0;
	(xrf1) =	vsort.ascd.msk.f32 $0xffff, v32, v31;
	v32 =	vld.idx.msk [tilespmem:v35+s23+$0x0], $0xffff;
	v34 =	vmul.f32 v62, v26;
	v36 =	vmul.f32 v63, v27  }
0x599: {  	_ =	sdelay $0x7  }
0x59a: {  	v34 =	vadd.f32 v36, v34;
	v33 =	vmul.f32 v33, v25  }
0x59b: {  	v31 =	vld [tilespmem:s8+$0x0]  }
0x59c: {  	v33 =	vadd.f32 v33, v34;
	_ =	sdelay $0x1  }
0x59d: {  	v32 =	vadd.f32 v32, v28;
	v33 =	vadd.f32 v33, v33  }
0x59e: {  	v60, v37, _ =	vpop (xrf1)  }
0x59f: {  	v32 =	vsub.f32 v32, v33;
	v36 =	vperm.xlane v60, v2  }
0x5a0: {  	v61 =	vperm.xlane v37, v2  }
0x5a1: {  	(xrf1) =	vsort.ascd.msk.f32 $0xffff, v32, v35;
	vm0 =	vle.f32 v30, v36  }
0x5a2: {  	s7 =	sadd.s32 $0xFFFFFFD0, s30;
	v59 =	vld.idx.msk [tilespmem:v31+s1+$0x0], $0xffff;
	v62 =	vsel vm0, v30, v36;
	v63 =	vsel vm0, v29, v61  }
0x5a3: {  	s24 =	sadd.s32 $0x10, s7;
	v38 =	vld.idx.msk [tilespmem:v31+s18+$0x0], $0xffff;
	(xrf1) =	vsort.ascd.msk.f32 $0xffff, v62, v63  }
0x5a4: {  	p2 =	sgt.u32 s24, $0x1F  }
.Ltmp70:
0x5a5: {  	v33 =	vld.idx.msk [tilespmem:v31+s19+$0x0], $0xffff;
	(pc) =	sbr.rel @!p2 .LBB2_80-.Ltmp70, $3  }
0x5a6: {  	_ =	sdelay $0x1  }
0x5a7: {  	v34 =	vmul.f32 v59, v26;
	v36 =	vmul.f32 v38, v27  }
0x5a8: {  	s8 =	simm.s32 $0x10230;
	p1 =	por $0x1, $0x1;
	s24 =	simm.s32 $0xFFFFFFD0;
	v32 =	vld.idx.msk [tilespmem:v31+s23+$0x0], $0xffff  }
.LBB2_79:
0x5a9: {  	v35 =	vld [tilespmem:s8+$0x0];
	s24 =	sadd.s32 $0xFFFFFFF0, s24;
	v34 =	vadd.f32 v36, v34;
	v33 =	vmul.f32 v33, v25  }
0x5aa: {  	s7 =	sadd.s32 s24, s30  }
0x5ab: {  	s9 =	sadd.s32 $0x10, s7;
	v33 =	vadd.f32 v33, v34  }
0x5ac: {  	p2 =	sgt.u32 s9, $0x1F  }
0x5ad: {  	v32 =	vadd.f32 v32, v28;
	v33 =	vadd.f32 v33, v33  }
0x5ae: {  	v34, v36, _ =	vpop (xrf1)  }
0x5af: {  	v32 =	vsub.f32 v32, v33;
	v33 =	vperm.xlane v34, v2  }
0x5b0: {  	v34 =	vperm.xlane v36, v2;
	v36, v37, _ =	vpop (xrf1)  }
0x5b1: {  	v38 =	vld.idx.msk [tilespmem:v35+s1+$0x0], $0xffff;
	(xrf1) =	vsort.ascd.msk.f32 $0xffff, v32, v31;
	vm0 =	vle.f32 v36, v33;
	v31 =	vmov v35  }
0x5b2: {  	v39 =	vld.idx.msk [tilespmem:v35+s18+$0x0], $0xffff;
	v32 =	vsel vm0, v36, v33;
	v33 =	vsel vm0, v37, v34  }
0x5b3: {  	(xrf1) =	vsort.ascd.msk.f32 $0xffff, v32, v33  }
0x5b4: {  	v33 =	vld.idx.msk [tilespmem:v35+s19+$0x0], $0xffff  }
.Ltmp71:
0x5b5: {  	(pc) =	sbr.rel @p2 .LBB2_79-.Ltmp71, $3  }
0x5b6: {  	_ =	sdelay $0x1  }
0x5b7: {  	v34 =	vmul.f32 v38, v26;
	v36 =	vmul.f32 v39, v27;
	v32 =	vld.idx.msk [tilespmem:v35+s23+$0x0], $0xffff  }
0x5b8: {  	s8 =	sadd.s32 $0x10, s8  }
.LBB2_80:
0x5b9: {  	_ =	sdelay $0x1  }
0x5ba: {  	v34 =	vadd.f32 v36, v34;
	v33 =	vmul.f32 v33, v25;
	_ =	sdelay $0x1  }
0x5bb: {  	v33 =	vadd.f32 v33, v34;
	_ =	sdelay $0x1  }
0x5bc: {  	v32 =	vadd.f32 v32, v28;
	v33 =	vadd.f32 v33, v33;
	v34, v35, _ =	vpop @p0 (xrf1)  }
0x5bd: {  	v34 =	vperm.xlane @p0 v34, v2;
	v36, v37, _ =	vpop @p1 (xrf1)  }
0x5be: {  	v32 =	vsub.f32 v32, v33;
	v33 =	vperm.xlane @p0 v35, v2;
	v35 =	vpsel p1, v36, v30  }
0x5bf: {  	v36 =	vpsel p1, v37, v29;
	vm0 =	vle.f32 @p0 v35, v34  }
0x5c0: {  	(xrf1) =	vsort.ascd.msk.f32 $0xffff, v32, v31;
	v31 =	vsel @p0 vm0, v35, v34;
	v32 =	vsel @p0 vm0, v36, v33  }
0x5c1: {  	(xrf1) =	vsort.ascd.msk.f32 @p0 $0xffff, v31, v32;
	_ =	sdelay $0xc  }
0x5c2: {  	v31, v32, _ =	vpop (xrf1)  }
0x5c3: {  	v31 =	vperm.xlane v31, v2;
	v33, v34, _ =	vpop @p0 (xrf1)  }
0x5c4: {  	v32 =	vperm.xlane v32, v2;
	v30 =	vpsel p0, v33, v30  }
0x5c5: {  	v29 =	vpsel p0, v34, v29;
	vm15 =	vle.f32 v30, v31  }
0x5c6: {  	v30 =	vsel vm15, v30, v31;
	v29 =	vsel vm15, v29, v32  }
0x5c7: {  	(xrf1) =	vsort.ascd.msk.f32 $0xffff, v30, v29;
	_ =	sdelay $0xd  }
0x5c8: {  	v30, v29, _ =	vpop (xrf1)  }
0x5c9: {  	v31 =	vsub.f32 v30, v28;
	_ =	sdelay $0x1  }
0x5ca: {  	v31 =	vadd.f32 $9.999999740e-05, v31;
	_ =	sdelay $0x1  }
0x5cb: {  	(xrf0) =	vmax.scan.msk.f32 $0xffff, v31;
	_ =	sdelay $0x5  }
0x5cc: {  	v31, _, _ =	vpop (xrf0)  }
0x5cd: {  	(v2sf) =	vpush v31, $0xF;
	_ =	sdelay $0x7  }
0x5ce: {  	s8 =	ssub.s32 $0x0, s24  }
0x5cf: {  	p0 =	slt.s32 s8, $0x1  }
0x5d0: {  	v31 =	vld @!p0 [tilespmem:s5+$0x10];
	_ =	sdelay $0x4  }
0x5d1: {  	s30 =	smov.u32 s7;
	[tilespmem:$0x10200] =	vst @!p0 v31;
	s24 =	spop (v2sf)  }
.LBB2_81:
0x5d2: {  	s20 =	sadd.s32 s20, s6  }
0x5d3: {  	p0 =	slt.s32 s20, $0x10  }
.Ltmp72:
0x5d4: {  	_ = 	snop;
	(pc) =	sbr.rel @p0 .LBB2_89-.Ltmp72, $1  }
0x5d5: {  	_ =	sdelay $0x3  }
0x5d6: {  	s5 =	simm.s32 $0x10260  }
0x5d7: {  	v31 =	vld [tilespmem:s5+$0x0];
	_ =	sdelay $0x6  }
0x5d8: {  	s6 =	sadd.s32 $0xFFFFFFF0, s20  }
0x5d9: {  	s8 =	sadd.s32 $0x10, s6;
	v34 =	vld.idx.msk [tilespmem:v31+s1+$0x0], $0xffff  }
0x5da: {  	p2 =	sgt.u32 s8, $0x1F;
	v35 =	vld.idx.msk [tilespmem:v31+s18+$0x0], $0xffff  }
.Ltmp73:
0x5db: {  	_ = 	snop;
	(pc) =	sbr.rel @!p2 .LBB2_83-.Ltmp73, $3  }
0x5dc: {  	_ =	sdelay $0x1  }
0x5dd: {  	s7 =	simm.s32 $0xFFFFFFF0;
	v33 =	vld.idx.msk [tilespmem:v31+s19+$0x0], $0xffff  }
0x5de: {  	p0 =	por $0x0, $0x0;
	p1 =	por $0x0, $0x0;
	s8 =	simm.s32 $0x10270;
	v32 =	vld.idx.msk [tilespmem:v31+s23+$0x0], $0xffff;
	v34 =	vmul.f32 v34, v20;
	v36 =	vmul.f32 v35, v21  }
0x5df: {  	v35 =	vld [tilespmem:s8+$0x0];
	_ =	sdelay $0x5  }
0x5e0: {  	v34 =	vadd.f32 v36, v34;
	v33 =	vmul.f32 v33, v19  }
0x5e1: {  	s6 =	sadd.s32 $0xFFFFFFE0, s20  }
0x5e2: {  	s5 =	sadd.s32 $0x10, s6;
	v33 =	vadd.f32 v33, v34;
	v62 =	vld.idx.msk [tilespmem:v35+s1+$0x0], $0xffff  }
0x5e3: {  	p2 =	sgt.u32 s5, $0x1F;
	v63 =	vld.idx.msk [tilespmem:v35+s18+$0x0], $0xffff  }
.Ltmp74:
0x5e4: {  	v32 =	vadd.f32 v32, v22;
	v33 =	vadd.f32 v33, v33;
	(pc) =	sbr.rel @!p2 .LBB2_85-.Ltmp74, $4  }
0x5e5: {  	_ = 	snop  }
0x5e6: {  	v32 =	vsub.f32 v32, v33  }
0x5e7: {  	v33 =	vld.idx.msk [tilespmem:v35+s19+$0x0], $0xffff  }
0x5e8: {  	s7 =	simm.s32 $0xFFFFFFE0;
	p0 =	por $0x1, $0x1;
	s5 =	simm.s32 $0x10280;
	(xrf1) =	vsort.ascd.msk.f32 $0xffff, v32, v31;
	v32 =	vld.idx.msk [tilespmem:v35+s23+$0x0], $0xffff;
	v34 =	vmul.f32 v62, v20;
	v36 =	vmul.f32 v63, v21  }
0x5e9: {  	_ =	sdelay $0x7  }
0x5ea: {  	v34 =	vadd.f32 v36, v34;
	v33 =	vmul.f32 v33, v19  }
0x5eb: {  	v31 =	vld [tilespmem:s5+$0x0]  }
0x5ec: {  	v33 =	vadd.f32 v33, v34;
	_ =	sdelay $0x1  }
0x5ed: {  	v32 =	vadd.f32 v32, v22;
	v33 =	vadd.f32 v33, v33  }
0x5ee: {  	v60, v37, _ =	vpop (xrf1)  }
0x5ef: {  	v32 =	vsub.f32 v32, v33;
	v36 =	vperm.xlane v60, v2  }
0x5f0: {  	v61 =	vperm.xlane v37, v2  }
0x5f1: {  	s6 =	sadd.s32 $0xFFFFFFD0, s20;
	(xrf1) =	vsort.ascd.msk.f32 $0xffff, v32, v35;
	vm0 =	vle.f32 v24, v36  }
0x5f2: {  	s7 =	sadd.s32 $0x10, s6;
	v59 =	vld.idx.msk [tilespmem:v31+s1+$0x0], $0xffff;
	v62 =	vsel vm0, v24, v36;
	v63 =	vsel vm0, v23, v61  }
0x5f3: {  	p2 =	sgt.u32 s7, $0x1F;
	v38 =	vld.idx.msk [tilespmem:v31+s18+$0x0], $0xffff;
	(xrf1) =	vsort.ascd.msk.f32 $0xffff, v62, v63  }
.Ltmp75:
0x5f4: {  	_ = 	snop;
	(pc) =	sbr.rel @!p2 .LBB2_88-.Ltmp75, $2  }
0x5f5: {  	v33 =	vld.idx.msk [tilespmem:v31+s19+$0x0], $0xffff;
	_ =	sdelay $0x2  }
0x5f6: {  	s31 =	simm.s32 $0x10290;
	p1 =	por $0x1, $0x1;
	s7 =	simm.s32 $0xFFFFFFD0;
	v32 =	vld.idx.msk [tilespmem:v31+s23+$0x0], $0xffff;
	v34 =	vmul.f32 v59, v20;
	v36 =	vmul.f32 v38, v21  }
.LBB2_87:
0x5f7: {  	s5 =	smov.u32 s31  }
0x5f8: {  	s7 =	sadd.s32 $0xFFFFFFF0, s7;
	v34 =	vadd.f32 v36, v34;
	v33 =	vmul.f32 v33, v19;
	v35 =	vld [tilespmem:s31+$0x0]  }
0x5f9: {  	s6 =	sadd.s32 s7, s20  }
0x5fa: {  	s8 =	sadd.s32 $0x10, s6;
	v33 =	vadd.f32 v33, v34  }
0x5fb: {  	p2 =	sgt.u32 s8, $0x1F  }
0x5fc: {  	v32 =	vadd.f32 v32, v22;
	v33 =	vadd.f32 v33, v33  }
0x5fd: {  	v34, v36, _ =	vpop (xrf1)  }
0x5fe: {  	v32 =	vsub.f32 v32, v33;
	v33 =	vperm.xlane v34, v2  }
0x5ff: {  	v34 =	vperm.xlane v36, v2;
	v36, v37, _ =	vpop (xrf1)  }
0x600: {  	v38 =	vld.idx.msk [tilespmem:v35+s1+$0x0], $0xffff;
	(xrf1) =	vsort.ascd.msk.f32 $0xffff, v32, v31;
	vm0 =	vle.f32 v36, v33;
	v31 =	vmov v35  }
0x601: {  	v39 =	vld.idx.msk [tilespmem:v35+s18+$0x0], $0xffff;
	v32 =	vsel vm0, v36, v33;
	v33 =	vsel vm0, v37, v34  }
0x602: {  	(xrf1) =	vsort.ascd.msk.f32 $0xffff, v32, v33  }
0x603: {  	v33 =	vld.idx.msk [tilespmem:v35+s19+$0x0], $0xffff  }
.Ltmp76:
0x604: {  	(pc) =	sbr.rel @p2 .LBB2_87-.Ltmp76, $3  }
0x605: {  	_ =	sdelay $0x1  }
0x606: {  	v34 =	vmul.f32 v38, v20;
	v36 =	vmul.f32 v39, v21;
	v32 =	vld.idx.msk [tilespmem:v35+s23+$0x0], $0xffff  }
0x607: {  	s31 =	sadd.s32 $0x10, s31  }
.LBB2_88:
0x608: {  	_ =	sdelay $0x2  }
0x609: {  	v34 =	vadd.f32 v36, v34;
	v33 =	vmul.f32 v33, v19;
	_ =	sdelay $0x1  }
0x60a: {  	v33 =	vadd.f32 v33, v34;
	_ =	sdelay $0x1  }
0x60b: {  	v32 =	vadd.f32 v32, v22;
	v33 =	vadd.f32 v33, v33;
	v34, v35, _ =	vpop @p0 (xrf1)  }
0x60c: {  	v34 =	vperm.xlane @p0 v34, v2;
	v36, v37, _ =	vpop @p1 (xrf1)  }
0x60d: {  	v32 =	vsub.f32 v32, v33;
	v33 =	vperm.xlane @p0 v35, v2;
	v35 =	vpsel p1, v36, v24  }
0x60e: {  	v36 =	vpsel p1, v37, v23;
	vm0 =	vle.f32 @p0 v35, v34  }
0x60f: {  	(xrf1) =	vsort.ascd.msk.f32 $0xffff, v32, v31;
	v31 =	vsel @p0 vm0, v35, v34;
	v32 =	vsel @p0 vm0, v36, v33  }
0x610: {  	(xrf1) =	vsort.ascd.msk.f32 @p0 $0xffff, v31, v32;
	_ =	sdelay $0xc  }
0x611: {  	v31, v32, _ =	vpop (xrf1)  }
0x612: {  	v31 =	vperm.xlane v31, v2;
	v33, v34, _ =	vpop @p0 (xrf1)  }
0x613: {  	v32 =	vperm.xlane v32, v2;
	v24 =	vpsel p0, v33, v24  }
0x614: {  	v23 =	vpsel p0, v34, v23;
	vm15 =	vle.f32 v24, v31  }
0x615: {  	v24 =	vsel vm15, v24, v31;
	v23 =	vsel vm15, v23, v32  }
0x616: {  	(xrf1) =	vsort.ascd.msk.f32 $0xffff, v24, v23;
	_ =	sdelay $0xd  }
0x617: {  	v24, v23, _ =	vpop (xrf1)  }
0x618: {  	v31 =	vsub.f32 v24, v22;
	_ =	sdelay $0x1  }
0x619: {  	v31 =	vadd.f32 $9.999999740e-05, v31;
	_ =	sdelay $0x1  }
0x61a: {  	(xrf0) =	vmax.scan.msk.f32 $0xffff, v31;
	_ =	sdelay $0x5  }
0x61b: {  	v31, _, _ =	vpop (xrf0)  }
0x61c: {  	(v2sf) =	vpush v31, $0xF;
	_ =	sdelay $0x7  }
0x61d: {  	s7 =	ssub.s32 $0x0, s7  }
0x61e: {  	p0 =	slt.s32 s7, $0x1  }
0x61f: {  	v31 =	vld @!p0 [tilespmem:s5+$0x10];
	_ =	sdelay $0x4  }
0x620: {  	s20 =	smov.u32 s6;
	[tilespmem:$0x10260] =	vst @!p0 v31;
	s31 =	spop (v2sf)  }
.LBB2_89:
0x621: {  	s21 =	sadd.s32 s21, s4  }
0x622: {  	p0 =	slt.s32 s21, $0x10  }
.Ltmp77:
0x623: {  	_ = 	snop;
	(pc) =	sbr.rel @p0 .LBB2_97-.Ltmp77, $1  }
0x624: {  	_ =	sdelay $0x3  }
0x625: {  	s2 =	simm.s32 $0x102C0  }
0x626: {  	v31 =	vld [tilespmem:s2+$0x0];
	_ =	sdelay $0x6  }
0x627: {  	s4 =	sadd.s32 $0xFFFFFFF0, s21  }
0x628: {  	s6 =	sadd.s32 $0x10, s4;
	v34 =	vld.idx.msk [tilespmem:v31+s1+$0x0], $0xffff  }
0x629: {  	p2 =	sgt.u32 s6, $0x1F;
	v35 =	vld.idx.msk [tilespmem:v31+s18+$0x0], $0xffff  }
.Ltmp78:
0x62a: {  	_ = 	snop;
	(pc) =	sbr.rel @!p2 .LBB2_91-.Ltmp78, $3  }
0x62b: {  	_ =	sdelay $0x1  }
0x62c: {  	s5 =	simm.s32 $0xFFFFFFF0;
	v33 =	vld.idx.msk [tilespmem:v31+s19+$0x0], $0xffff  }
0x62d: {  	p0 =	por $0x0, $0x0;
	p1 =	por $0x0, $0x0;
	s6 =	simm.s32 $0x102D0;
	v32 =	vld.idx.msk [tilespmem:v31+s23+$0x0], $0xffff;
	v34 =	vmul.f32 v34, v14;
	v36 =	vmul.f32 v35, v15  }
0x62e: {  	v35 =	vld [tilespmem:s6+$0x0];
	_ =	sdelay $0x5  }
0x62f: {  	v34 =	vadd.f32 v36, v34;
	v33 =	vmul.f32 v33, v13  }
0x630: {  	s4 =	sadd.s32 $0xFFFFFFE0, s21  }
0x631: {  	s2 =	sadd.s32 $0x10, s4;
	v33 =	vadd.f32 v33, v34;
	v62 =	vld.idx.msk [tilespmem:v35+s1+$0x0], $0xffff  }
0x632: {  	p2 =	sgt.u32 s2, $0x1F;
	v63 =	vld.idx.msk [tilespmem:v35+s18+$0x0], $0xffff  }
.Ltmp79:
0x633: {  	v32 =	vadd.f32 v32, v17;
	v33 =	vadd.f32 v33, v33;
	(pc) =	sbr.rel @!p2 .LBB2_93-.Ltmp79, $4  }
0x634: {  	_ = 	snop  }
0x635: {  	v32 =	vsub.f32 v32, v33  }
0x636: {  	v33 =	vld.idx.msk [tilespmem:v35+s19+$0x0], $0xffff  }
0x637: {  	s5 =	simm.s32 $0xFFFFFFE0;
	p0 =	por $0x1, $0x1;
	s2 =	simm.s32 $0x102E0;
	(xrf1) =	vsort.ascd.msk.f32 $0xffff, v32, v31;
	v32 =	vld.idx.msk [tilespmem:v35+s23+$0x0], $0xffff;
	v34 =	vmul.f32 v62, v14;
	v36 =	vmul.f32 v63, v15  }
0x638: {  	_ =	sdelay $0x7  }
0x639: {  	v34 =	vadd.f32 v36, v34;
	v33 =	vmul.f32 v33, v13  }
0x63a: {  	v31 =	vld [tilespmem:s2+$0x0]  }
0x63b: {  	v33 =	vadd.f32 v33, v34;
	_ =	sdelay $0x1  }
0x63c: {  	v32 =	vadd.f32 v32, v17;
	v33 =	vadd.f32 v33, v33  }
0x63d: {  	v60, v37, _ =	vpop (xrf1)  }
0x63e: {  	v32 =	vsub.f32 v32, v33;
	v36 =	vperm.xlane v60, v2  }
0x63f: {  	v61 =	vperm.xlane v37, v2  }
0x640: {  	s4 =	sadd.s32 $0xFFFFFFD0, s21;
	(xrf1) =	vsort.ascd.msk.f32 $0xffff, v32, v35;
	vm0 =	vle.f32 v18, v36  }
0x641: {  	s5 =	sadd.s32 $0x10, s4;
	v59 =	vld.idx.msk [tilespmem:v31+s1+$0x0], $0xffff;
	v62 =	vsel vm0, v18, v36;
	v63 =	vsel vm0, v16, v61  }
0x642: {  	p2 =	sgt.u32 s5, $0x1F;
	v38 =	vld.idx.msk [tilespmem:v31+s18+$0x0], $0xffff;
	(xrf1) =	vsort.ascd.msk.f32 $0xffff, v62, v63  }
.Ltmp80:
0x643: {  	_ = 	snop;
	(pc) =	sbr.rel @!p2 .LBB2_96-.Ltmp80, $2  }
0x644: {  	v33 =	vld.idx.msk [tilespmem:v31+s19+$0x0], $0xffff;
	_ =	sdelay $0x2  }
0x645: {  	s6 =	simm.s32 $0x102F0;
	p1 =	por $0x1, $0x1;
	s5 =	simm.s32 $0xFFFFFFD0;
	v32 =	vld.idx.msk [tilespmem:v31+s23+$0x0], $0xffff;
	v34 =	vmul.f32 v59, v14;
	v36 =	vmul.f32 v38, v15  }
.LBB2_95:
0x646: {  	s2 =	smov.u32 s6  }
0x647: {  	s5 =	sadd.s32 $0xFFFFFFF0, s5;
	v34 =	vadd.f32 v36, v34;
	v33 =	vmul.f32 v33, v13;
	v35 =	vld [tilespmem:s6+$0x0]  }
0x648: {  	s4 =	sadd.s32 s5, s21  }
0x649: {  	s7 =	sadd.s32 $0x10, s4;
	v33 =	vadd.f32 v33, v34  }
0x64a: {  	p2 =	sgt.u32 s7, $0x1F  }
0x64b: {  	v32 =	vadd.f32 v32, v17;
	v33 =	vadd.f32 v33, v33  }
0x64c: {  	v34, v36, _ =	vpop (xrf1)  }
0x64d: {  	v32 =	vsub.f32 v32, v33;
	v33 =	vperm.xlane v34, v2  }
0x64e: {  	v34 =	vperm.xlane v36, v2;
	v36, v37, _ =	vpop (xrf1)  }
0x64f: {  	v38 =	vld.idx.msk [tilespmem:v35+s1+$0x0], $0xffff;
	(xrf1) =	vsort.ascd.msk.f32 $0xffff, v32, v31;
	vm0 =	vle.f32 v36, v33;
	v31 =	vmov v35  }
0x650: {  	v39 =	vld.idx.msk [tilespmem:v35+s18+$0x0], $0xffff;
	v32 =	vsel vm0, v36, v33;
	v33 =	vsel vm0, v37, v34  }
0x651: {  	(xrf1) =	vsort.ascd.msk.f32 $0xffff, v32, v33  }
0x652: {  	v33 =	vld.idx.msk [tilespmem:v35+s19+$0x0], $0xffff  }
.Ltmp81:
0x653: {  	(pc) =	sbr.rel @p2 .LBB2_95-.Ltmp81, $3  }
0x654: {  	_ =	sdelay $0x1  }
0x655: {  	v34 =	vmul.f32 v38, v14;
	v36 =	vmul.f32 v39, v15;
	v32 =	vld.idx.msk [tilespmem:v35+s23+$0x0], $0xffff  }
0x656: {  	s6 =	sadd.s32 $0x10, s6  }
.LBB2_96:
0x657: {  	_ =	sdelay $0x2  }
0x658: {  	v34 =	vadd.f32 v36, v34;
	v33 =	vmul.f32 v33, v13;
	_ =	sdelay $0x1  }
0x659: {  	v33 =	vadd.f32 v33, v34;
	_ =	sdelay $0x1  }
0x65a: {  	v32 =	vadd.f32 v32, v17;
	v33 =	vadd.f32 v33, v33;
	v34, v35, _ =	vpop @p0 (xrf1)  }
0x65b: {  	v34 =	vperm.xlane @p0 v34, v2;
	v36, v37, _ =	vpop @p1 (xrf1)  }
0x65c: {  	v32 =	vsub.f32 v32, v33;
	v33 =	vperm.xlane @p0 v35, v2;
	v35 =	vpsel p1, v36, v18  }
0x65d: {  	v36 =	vpsel p1, v37, v16;
	vm0 =	vle.f32 @p0 v35, v34  }
0x65e: {  	(xrf1) =	vsort.ascd.msk.f32 $0xffff, v32, v31;
	v31 =	vsel @p0 vm0, v35, v34;
	v32 =	vsel @p0 vm0, v36, v33  }
0x65f: {  	(xrf1) =	vsort.ascd.msk.f32 @p0 $0xffff, v31, v32;
	_ =	sdelay $0xc  }
0x660: {  	v31, v32, _ =	vpop (xrf1)  }
0x661: {  	v31 =	vperm.xlane v31, v2;
	v33, v34, _ =	vpop @p0 (xrf1)  }
0x662: {  	v32 =	vperm.xlane v32, v2;
	v18 =	vpsel p0, v33, v18  }
0x663: {  	v16 =	vpsel p0, v34, v16;
	vm15 =	vle.f32 v18, v31  }
0x664: {  	v18 =	vsel vm15, v18, v31;
	v16 =	vsel vm15, v16, v32  }
0x665: {  	(xrf1) =	vsort.ascd.msk.f32 $0xffff, v18, v16;
	_ =	sdelay $0xd  }
0x666: {  	v18, v16, _ =	vpop (xrf1)  }
0x667: {  	v31 =	vsub.f32 v18, v17;
	_ =	sdelay $0x1  }
0x668: {  	v31 =	vadd.f32 $9.999999740e-05, v31;
	_ =	sdelay $0x1  }
0x669: {  	(xrf0) =	vmax.scan.msk.f32 $0xffff, v31;
	_ =	sdelay $0x5  }
0x66a: {  	v31, _, _ =	vpop (xrf0)  }
0x66b: {  	(v2sf) =	vpush v31, $0xF;
	_ =	sdelay $0x7  }
0x66c: {  	s5 =	ssub.s32 $0x0, s5  }
0x66d: {  	p0 =	slt.s32 s5, $0x1  }
0x66e: {  	v31 =	vld @!p0 [tilespmem:s2+$0x10];
	_ =	sdelay $0x4  }
0x66f: {  	s21 =	smov.u32 s4;
	[tilespmem:$0x102C0] =	vst @!p0 v31;
	s2 =	spop (v2sf)  }
.LBB2_97:
0x670: {  	s3 =	sadd.s32 s3, s22  }
0x671: {  	p0 =	slt.s32 s3, $0x10  }
.Ltmp82:
0x672: {  	_ = 	snop;
	(pc) =	sbr.rel @p0 .LBB2_105-.Ltmp82, $1  }
0x673: {  	_ =	sdelay $0x3  }
0x674: {  	s0 =	simm.s32 $0x10320  }
0x675: {  	v31 =	vld [tilespmem:s0+$0x0];
	_ =	sdelay $0x7  }
0x676: {  	s4 =	sadd.s32 $0xFFFFFFF0, s3;
	v34 =	vld.idx.msk [tilespmem:v31+s1+$0x0], $0xffff  }
0x677: {  	s6 =	sadd.s32 $0x10, s4;
	v35 =	vld.idx.msk [tilespmem:v31+s18+$0x0], $0xffff  }
0x678: {  	p2 =	sgt.u32 s6, $0x1F  }
.Ltmp83:
0x679: {  	v33 =	vld.idx.msk [tilespmem:v31+s19+$0x0], $0xffff;
	(pc) =	sbr.rel @!p2 .LBB2_99-.Ltmp83, $3  }
0x67a: {  	_ =	sdelay $0x1  }
0x67b: {  	s5 =	simm.s32 $0xFFFFFFF0;
	v34 =	vmul.f32 v34, v10;
	v36 =	vmul.f32 v35, v11  }
0x67c: {  	p0 =	por $0x0, $0x0;
	p1 =	por $0x0, $0x0;
	s6 =	simm.s32 $0x10330;
	v32 =	vld.idx.msk [tilespmem:v31+s23+$0x0], $0xffff  }
0x67d: {  	v34 =	vadd.f32 v36, v34;
	v33 =	vmul.f32 v33, v9;
	_ =	sdelay $0x1  }
0x67e: {  	v35 =	vld [tilespmem:s6+$0x0];
	v33 =	vadd.f32 v33, v34;
	_ =	sdelay $0x1  }
0x67f: {  	v32 =	vadd.f32 v32, v12;
	v33 =	vadd.f32 v33, v33;
	_ =	sdelay $0x1  }
0x680: {  	v32 =	vsub.f32 v32, v33;
	_ =	sdelay $0x1  }
0x681: {  	(xrf1) =	vsort.ascd.msk.f32 $0xffff, v32, v31;
	_ =	sdelay $0x1  }
0x682: {  	s4 =	sadd.s32 $0xFFFFFFE0, s3;
	v62 =	vld.idx.msk [tilespmem:v35+s1+$0x0], $0xffff  }
0x683: {  	s0 =	sadd.s32 $0x10, s4;
	v63 =	vld.idx.msk [tilespmem:v35+s18+$0x0], $0xffff  }
0x684: {  	p2 =	sgt.u32 s0, $0x1F  }
.Ltmp84:
0x685: {  	v33 =	vld.idx.msk [tilespmem:v35+s19+$0x0], $0xffff;
	(pc) =	sbr.rel @!p2 .LBB2_101-.Ltmp84, $3  }
0x686: {  	_ =	sdelay $0x1  }
0x687: {  	v34 =	vmul.f32 v62, v10;
	v36 =	vmul.f32 v63, v11  }
0x688: {  	s5 =	simm.s32 $0xFFFFFFE0;
	p0 =	por $0x1, $0x1;
	s0 =	simm.s32 $0x10340;
	v32 =	vld.idx.msk [tilespmem:v35+s23+$0x0], $0xffff  }
0x689: {  	v34 =	vadd.f32 v36, v34;
	v33 =	vmul.f32 v33, v9;
	_ =	sdelay $0x1  }
0x68a: {  	v31 =	vld [tilespmem:s0+$0x0];
	v33 =	vadd.f32 v33, v34;
	_ =	sdelay $0x1  }
0x68b: {  	v32 =	vadd.f32 v32, v12;
	v33 =	vadd.f32 v33, v33;
	v60, v37, _ =	vpop (xrf1)  }
0x68c: {  	v36 =	vperm.xlane v60, v2  }
0x68d: {  	v61 =	vperm.xlane v37, v2;
	v32 =	vsub.f32 v32, v33  }
0x68e: {  	vm0 =	vle.f32 v8, v36  }
0x68f: {  	(xrf1) =	vsort.ascd.msk.f32 $0xffff, v32, v35;
	v62 =	vsel vm0, v8, v36;
	v63 =	vsel vm0, v7, v61  }
0x690: {  	(xrf1) =	vsort.ascd.msk.f32 $0xffff, v62, v63  }
0x691: {  	s4 =	sadd.s32 $0xFFFFFFD0, s3;
	v59 =	vld.idx.msk [tilespmem:v31+s1+$0x0], $0xffff  }
0x692: {  	s5 =	sadd.s32 $0x10, s4;
	v38 =	vld.idx.msk [tilespmem:v31+s18+$0x0], $0xffff  }
0x693: {  	p2 =	sgt.u32 s5, $0x1F  }
.Ltmp85:
0x694: {  	v33 =	vld.idx.msk [tilespmem:v31+s19+$0x0], $0xffff;
	(pc) =	sbr.rel @!p2 .LBB2_104-.Ltmp85, $3  }
0x695: {  	_ =	sdelay $0x1  }
0x696: {  	v34 =	vmul.f32 v59, v10;
	v36 =	vmul.f32 v38, v11  }
0x697: {  	s6 =	simm.s32 $0x10350;
	p1 =	por $0x1, $0x1;
	s5 =	simm.s32 $0xFFFFFFD0;
	v32 =	vld.idx.msk [tilespmem:v31+s23+$0x0], $0xffff  }
.LBB2_103:
0x698: {  	s0 =	smov.u32 s6  }
0x699: {  	s5 =	sadd.s32 $0xFFFFFFF0, s5;
	v34 =	vadd.f32 v36, v34;
	v33 =	vmul.f32 v33, v9;
	v35 =	vld [tilespmem:s6+$0x0]  }
0x69a: {  	s4 =	sadd.s32 s5, s3  }
0x69b: {  	s7 =	sadd.s32 $0x10, s4;
	v33 =	vadd.f32 v33, v34  }
0x69c: {  	p2 =	sgt.u32 s7, $0x1F  }
0x69d: {  	v32 =	vadd.f32 v32, v12;
	v33 =	vadd.f32 v33, v33  }
0x69e: {  	v34, v36, _ =	vpop (xrf1)  }
0x69f: {  	v32 =	vsub.f32 v32, v33;
	v33 =	vperm.xlane v34, v2  }
0x6a0: {  	v34 =	vperm.xlane v36, v2;
	v36, v37, _ =	vpop (xrf1)  }
0x6a1: {  	v38 =	vld.idx.msk [tilespmem:v35+s1+$0x0], $0xffff;
	(xrf1) =	vsort.ascd.msk.f32 $0xffff, v32, v31;
	vm0 =	vle.f32 v36, v33;
	v31 =	vmov v35  }
0x6a2: {  	v39 =	vld.idx.msk [tilespmem:v35+s18+$0x0], $0xffff;
	v32 =	vsel vm0, v36, v33;
	v33 =	vsel vm0, v37, v34  }
0x6a3: {  	(xrf1) =	vsort.ascd.msk.f32 $0xffff, v32, v33  }
0x6a4: {  	v33 =	vld.idx.msk [tilespmem:v35+s19+$0x0], $0xffff  }
.Ltmp86:
0x6a5: {  	(pc) =	sbr.rel @p2 .LBB2_103-.Ltmp86, $3  }
0x6a6: {  	_ =	sdelay $0x1  }
0x6a7: {  	v34 =	vmul.f32 v38, v10;
	v36 =	vmul.f32 v39, v11;
	v32 =	vld.idx.msk [tilespmem:v35+s23+$0x0], $0xffff  }
0x6a8: {  	s6 =	sadd.s32 $0x10, s6  }
.Ltmp87:
0x6a9: {  	_ = 	snop;
	(pc) =	sbr.rel .LBB2_104-.Ltmp87, $1  }
0x6aa: {  	_ =	sdelay $0x3  }
.LBB2_75:
.Ltmp88:
0x6ab: {  	(pc) =	sbr.rel .LBB2_80-.Ltmp88, $2  }
0x6ac: {  	_ =	sdelay $0x2  }
0x6ad: {  	_ = 	snop  }
.LBB2_83:
.Ltmp89:
0x6ae: {  	(pc) =	sbr.rel .LBB2_88-.Ltmp89, $2  }
0x6af: {  	_ =	sdelay $0x2  }
0x6b0: {  	_ = 	snop  }
.LBB2_91:
.Ltmp90:
0x6b1: {  	(pc) =	sbr.rel .LBB2_96-.Ltmp90, $2  }
0x6b2: {  	_ =	sdelay $0x2  }
0x6b3: {  	_ = 	snop  }
.LBB2_77:
.Ltmp91:
0x6b4: {  	(pc) =	sbr.rel .LBB2_80-.Ltmp91, $2  }
0x6b5: {  	_ =	sdelay $0x2  }
0x6b6: {  	v31 =	vmov v35  }
.LBB2_85:
.Ltmp92:
0x6b7: {  	(pc) =	sbr.rel .LBB2_88-.Ltmp92, $2  }
0x6b8: {  	_ =	sdelay $0x2  }
0x6b9: {  	s5 =	simm.s32 $0x10270;
	v31 =	vmov v35  }
.LBB2_93:
.Ltmp93:
0x6ba: {  	(pc) =	sbr.rel .LBB2_96-.Ltmp93, $2  }
0x6bb: {  	_ =	sdelay $0x2  }
0x6bc: {  	s2 =	simm.s32 $0x102D0;
	v31 =	vmov v35  }
.LBB2_101:
.Ltmp94:
0x6bd: {  	(pc) =	sbr.rel .LBB2_104-.Ltmp94, $2  }
0x6be: {  	_ =	sdelay $0x2  }
0x6bf: {  	s0 =	simm.s32 $0x10330;
	v31 =	vmov v35  }
.LBB2_106:
0x6c0: {  	v31 =	vld [tilespmem:$0x10200];
	_ =	sdelay $0x2  }
0x6c1: {  	v32 =	vmov s30  }
0x6c2: {  	vm0 =	vgt.s32 v32, v0  }
0x6c3: {  	v31 =	vnsel vm0, $0x0, v31;
	_ =	sdelay $0x3  }
0x6c4: {  	s22 =	simm.s32 $0x0  }
0x6c5: {  	v61 =	vld.idx.msk [tilespmem:v31+s22+$0x0], $0xffff  }
0x6c6: {  	v33 =	vld.idx.msk [tilespmem:v31+s18+$0x0], $0xffff;
	_ =	sdelay $0x1  }
0x6c7: {  	v34 =	vld.idx.msk [tilespmem:v31+s19+$0x0], $0xffff;
	_ =	sdelay $0x2  }
0x6c8: {  	v26 =	vmul.f32 v61, v26;
	v27 =	vmul.f32 v33, v27  }
0x6c9: {  	v62 =	vld.idx.msk [tilespmem:v31+s23+$0x0], $0xffff  }
0x6ca: {  	v25 =	vmul.f32 v34, v25;
	v26 =	vadd.f32 v27, v26;
	_ =	sdelay $0x1  }
0x6cb: {  	v25 =	vadd.f32 v25, v26;
	_ =	sdelay $0x1  }
0x6cc: {  	v26 =	vadd.f32 v62, v28;
	v25 =	vadd.f32 v25, v25;
	_ =	sdelay $0x1  }
0x6cd: {  	v25 =	vsub.f32 v26, v25;
	_ =	sdelay $0x1  }
0x6ce: {  	v25 =	vnsel vm0, $0x7F800000, v25  }
0x6cf: {  	(xrf1) =	vsort.ascd.msk.f32 $0xffff, v25, v31;
	_ =	sdelay $0xd  }
0x6d0: {  	v25, v26, _ =	vpop (xrf1)  }
0x6d1: {  	v25 =	vperm.xlane v25, v2  }
0x6d2: {  	v26 =	vperm.xlane v26, v2  }
0x6d3: {  	vm9 =	vle.f32 v30, v25  }
0x6d4: {  	v25 =	vsel vm9, v30, v25;
	v26 =	vsel vm9, v29, v26  }
0x6d5: {  	(xrf1) =	vsort.ascd.msk.f32 $0xffff, v25, v26;
	_ =	sdelay $0xd  }
0x6d6: {  	_, v25, _ =	vpop (xrf1)  }
0x6d7: {  	[tilespmem:s28+$0x10400] =	vst v25  }
0x6d8: {  	v25 =	vld [tilespmem:$0x10260];
	_ =	sdelay $0x2  }
0x6d9: {  	v26 =	vmov s20  }
0x6da: {  	vm10 =	vgt.s32 v26, v0  }
0x6db: {  	v25 =	vnsel vm10, $0x0, v25;
	_ =	sdelay $0x4  }
0x6dc: {  	v26 =	vld.idx.msk [tilespmem:v25+s22+$0x0], $0xffff  }
0x6dd: {  	v27 =	vld.idx.msk [tilespmem:v25+s18+$0x0], $0xffff;
	_ =	sdelay $0x1  }
0x6de: {  	v63 =	vld.idx.msk [tilespmem:v25+s19+$0x0], $0xffff;
	_ =	sdelay $0x2  }
0x6df: {  	v20 =	vmul.f32 v26, v20;
	v21 =	vmul.f32 v27, v21  }
0x6e0: {  	v26 =	vld.idx.msk [tilespmem:v25+s23+$0x0], $0xffff  }
0x6e1: {  	v19 =	vmul.f32 v63, v19;
	v20 =	vadd.f32 v21, v20;
	_ =	sdelay $0x1  }
0x6e2: {  	v19 =	vadd.f32 v19, v20;
	_ =	sdelay $0x1  }
0x6e3: {  	v20 =	vadd.f32 v26, v22;
	v19 =	vadd.f32 v19, v19;
	_ =	sdelay $0x1  }
0x6e4: {  	v19 =	vsub.f32 v20, v19;
	_ =	sdelay $0x1  }
0x6e5: {  	v19 =	vnsel vm10, $0x7F800000, v19  }
0x6e6: {  	(xrf1) =	vsort.ascd.msk.f32 $0xffff, v19, v25;
	_ =	sdelay $0xd  }
0x6e7: {  	v19, v20, _ =	vpop (xrf1)  }
0x6e8: {  	v19 =	vperm.xlane v19, v2  }
0x6e9: {  	v20 =	vperm.xlane v20, v2  }
0x6ea: {  	vm11 =	vle.f32 v24, v19  }
0x6eb: {  	v19 =	vsel vm11, v24, v19;
	v20 =	vsel vm11, v23, v20  }
0x6ec: {  	(xrf1) =	vsort.ascd.msk.f32 $0xffff, v19, v20;
	_ =	sdelay $0xd  }
0x6ed: {  	_, v19, _ =	vpop (xrf1)  }
0x6ee: {  	[tilespmem:s28+$0x10410] =	vst v19  }
0x6ef: {  	v19 =	vld [tilespmem:$0x102C0];
	_ =	sdelay $0x2  }
0x6f0: {  	v20 =	vmov s21  }
0x6f1: {  	vm12 =	vgt.s32 v20, v0  }
0x6f2: {  	v19 =	vnsel vm12, $0x0, v19;
	_ =	sdelay $0x4  }
0x6f3: {  	v20 =	vld.idx.msk [tilespmem:v19+s22+$0x0], $0xffff  }
0x6f4: {  	v21 =	vld.idx.msk [tilespmem:v19+s18+$0x0], $0xffff;
	_ =	sdelay $0x1  }
0x6f5: {  	v22 =	vld.idx.msk [tilespmem:v19+s19+$0x0], $0xffff;
	_ =	sdelay $0x2  }
0x6f6: {  	v14 =	vmul.f32 v20, v14;
	v15 =	vmul.f32 v21, v15  }
0x6f7: {  	v20 =	vld.idx.msk [tilespmem:v19+s23+$0x0], $0xffff  }
0x6f8: {  	v13 =	vmul.f32 v22, v13;
	v14 =	vadd.f32 v15, v14;
	_ =	sdelay $0x1  }
0x6f9: {  	v13 =	vadd.f32 v13, v14;
	_ =	sdelay $0x1  }
0x6fa: {  	v14 =	vadd.f32 v20, v17;
	v13 =	vadd.f32 v13, v13;
	_ =	sdelay $0x1  }
0x6fb: {  	v13 =	vsub.f32 v14, v13;
	_ =	sdelay $0x1  }
0x6fc: {  	v13 =	vnsel vm12, $0x7F800000, v13  }
0x6fd: {  	(xrf1) =	vsort.ascd.msk.f32 $0xffff, v13, v19;
	_ =	sdelay $0xd  }
0x6fe: {  	v13, v14, _ =	vpop (xrf1)  }
0x6ff: {  	v13 =	vperm.xlane v13, v2  }
0x700: {  	v14 =	vperm.xlane v14, v2  }
0x701: {  	vm13 =	vle.f32 v18, v13  }
0x702: {  	v13 =	vsel vm13, v18, v13;
	v14 =	vsel vm13, v16, v14  }
0x703: {  	(xrf1) =	vsort.ascd.msk.f32 $0xffff, v13, v14;
	_ =	sdelay $0xd  }
0x704: {  	_, v13, _ =	vpop (xrf1)  }
0x705: {  	[tilespmem:s28+$0x10420] =	vst v13  }
0x706: {  	v13 =	vld [tilespmem:$0x10320];
	_ =	sdelay $0x2  }
0x707: {  	v14 =	vmov s3  }
0x708: {  	vm14 =	vgt.s32 v14, v0  }
0x709: {  	v13 =	vnsel vm14, $0x0, v13;
	_ =	sdelay $0x4  }
0x70a: {  	v14 =	vld.idx.msk [tilespmem:v13+s22+$0x0], $0xffff  }
0x70b: {  	v15 =	vld.idx.msk [tilespmem:v13+s18+$0x0], $0xffff;
	_ =	sdelay $0x1  }
0x70c: {  	v16 =	vld.idx.msk [tilespmem:v13+s19+$0x0], $0xffff;
	_ =	sdelay $0x2  }
0x70d: {  	v10 =	vmul.f32 v14, v10;
	v11 =	vmul.f32 v15, v11  }
0x70e: {  	v14 =	vld.idx.msk [tilespmem:v13+s23+$0x0], $0xffff  }
0x70f: {  	v9 =	vmul.f32 v16, v9;
	v10 =	vadd.f32 v11, v10;
	_ =	sdelay $0x1  }
0x710: {  	v9 =	vadd.f32 v9, v10;
	_ =	sdelay $0x1  }
0x711: {  	v10 =	vadd.f32 v14, v12;
	v9 =	vadd.f32 v9, v9;
	_ =	sdelay $0x1  }
0x712: {  	v9 =	vsub.f32 v10, v9;
	_ =	sdelay $0x1  }
0x713: {  	v9 =	vnsel vm14, $0x7F800000, v9  }
0x714: {  	(xrf1) =	vsort.ascd.msk.f32 $0xffff, v9, v13;
	_ =	sdelay $0xd  }
0x715: {  	v9, v10, _ =	vpop (xrf1)  }
0x716: {  	v9 =	vperm.xlane v9, v2  }
0x717: {  	v10 =	vperm.xlane v10, v2  }
0x718: {  	vm15 =	vle.f32 v8, v9  }
0x719: {  	v8 =	vsel vm15, v8, v9;
	v7 =	vsel vm15, v7, v10  }
0x71a: {  	(xrf1) =	vsort.ascd.msk.f32 $0xffff, v8, v7;
	_ =	sdelay $0x6  }
0x71b: {  	v23 =	vbroadcast v5, $0xC;
	v24 =	vbroadcast v3, $0xC  }
0x71c: {  	v22 =	vbroadcast v4, $0xC;
	v21 =	vbroadcast v6, $0xC  }
0x71d: {  	v17 =	vbroadcast v5, $0xD;
	v18 =	vbroadcast v3, $0xD  }
0x71e: {  	v26 =	vimm.f32 $+Inf;
	v16 =	vbroadcast v4, $0xD;
	v15 =	vbroadcast v6, $0xD  }
.Ltmp95:
0x71f: {  	v25 =	vimm.s32 $0x0;
	v11 =	vbroadcast v5, $0xE;
	v13 =	vbroadcast v3, $0xE;
	(pc) =	sbr.rel .LBB2_107-.Ltmp95, $4  }
0x720: {  	v19 =	vimm.s32 $0x0;
	v3 =	vbroadcast v3, $0xF;
	v10 =	vbroadcast v4, $0xE  }
0x721: {  	s0 =	simm.f32 $+Inf;
	s2 =	simm.f32 $+Inf;
	v12 =	vimm.s32 $0x0;
	v9 =	vbroadcast v6, $0xE;
	v6 =	vbroadcast v6, $0xF  }
0x722: {  	s31 =	simm.f32 $+Inf;
	s24 =	simm.f32 $+Inf;
	s30 =	simm.s32 $0x0;
	v14 =	vimm.f32 $+Inf;
	v7 =	vbroadcast v4, $0xF;
	v8 =	vbroadcast v5, $0xF;
	_, v20, _ =	vpop (xrf1)  }
0x723: {  	s29 =	simm.s32 $0x0;
	s20 =	simm.s32 $0x0;
	s21 =	simm.s32 $0x0;
	v4 =	vimm.s32 $0x0;
	v5 =	vimm.f32 $+Inf;
	[tilespmem:s28+$0x10430] =	vst v20;
	v20 =	vimm.f32 $+Inf  }
.LBB2_133:
0x724: {  	_ = 	snop  }
.LBB2_138:
0x725: {  	v30 =	vadd.f32 v32, v30;
	v29 =	vmul.f32 v29, v6;
	_ =	sdelay $0x1  }
0x726: {  	v29 =	vadd.f32 v29, v30;
	_ =	sdelay $0x1  }
0x727: {  	v28 =	vadd.f32 v28, v3;
	v29 =	vadd.f32 v29, v29;
	v30, v31, _ =	vpop @p0 (xrf1)  }
0x728: {  	v30 =	vperm.xlane @p0 v30, v2;
	v32, v33, _ =	vpop @p1 (xrf1)  }
0x729: {  	v28 =	vsub.f32 v28, v29;
	v29 =	vperm.xlane @p0 v31, v2;
	v31 =	vpsel p1, v32, v5  }
0x72a: {  	v32 =	vpsel p1, v33, v4;
	vm0 =	vle.f32 @p0 v31, v30  }
0x72b: {  	(xrf1) =	vsort.ascd.msk.f32 $0xffff, v28, v27;
	v27 =	vsel @p0 vm0, v31, v30;
	v28 =	vsel @p0 vm0, v32, v29  }
0x72c: {  	(xrf1) =	vsort.ascd.msk.f32 @p0 $0xffff, v27, v28;
	_ =	sdelay $0xc  }
0x72d: {  	v27, v28, _ =	vpop (xrf1)  }
0x72e: {  	v27 =	vperm.xlane v27, v2;
	v29, v30, _ =	vpop @p0 (xrf1)  }
0x72f: {  	v28 =	vperm.xlane v28, v2;
	v5 =	vpsel p0, v29, v5  }
0x730: {  	v4 =	vpsel p0, v30, v4;
	vm15 =	vle.f32 v5, v27  }
0x731: {  	v5 =	vsel vm15, v5, v27;
	v4 =	vsel vm15, v4, v28  }
0x732: {  	(xrf1) =	vsort.ascd.msk.f32 $0xffff, v5, v4;
	_ =	sdelay $0xd  }
0x733: {  	v5, v4, _ =	vpop (xrf1)  }
0x734: {  	v27 =	vsub.f32 v5, v3;
	_ =	sdelay $0x1  }
0x735: {  	v27 =	vadd.f32 $9.999999740e-05, v27;
	_ =	sdelay $0x1  }
0x736: {  	(xrf0) =	vmax.scan.msk.f32 $0xffff, v27;
	_ =	sdelay $0x5  }
0x737: {  	v27, _, _ =	vpop (xrf0)  }
0x738: {  	(v2sf) =	vpush v27, $0xF;
	_ =	sdelay $0x7  }
0x739: {  	s4 =	ssub.s32 $0x0, s4  }
0x73a: {  	p0 =	slt.s32 s4, $0x1  }
0x73b: {  	v27 =	vld @!p0 [tilespmem:s0+$0x10];
	_ =	sdelay $0x4  }
0x73c: {  	s22 =	smov.u32 s3;
	[tilespmem:$0x10320] =	vst @!p0 v27;
	s0 =	spop (v2sf)  }
.LBB2_139:
0x73d: {  	s29 =	sadd.s32 $0x1, s29  }
0x73e: {  	p0 =	sne.s32 s29, $0x100  }
.Ltmp96:
0x73f: {  	_ = 	snop;
	(pc) =	sbr.rel @!p0 .LBB2_140-.Ltmp96, $1  }
0x740: {  	_ =	sdelay $0x3  }
.LBB2_107:
0x741: {  	s4 =	sshll.u32 s29, $0x6  }
0x742: {  	v27 =	vld [tilespmem:s4+$0x0]  }
0x743: {  	v28 =	vld [tilespmem:s4+$0x4000]  }
0x744: {  	v29 =	vld [tilespmem:s4+$0x8000];
	_ =	sdelay $0x3  }
0x745: {  	v34 =	vld [tilespmem:s4+$0x10];
	v30 =	vmul.f32 v27, v22;
	v31 =	vmul.f32 v28, v23  }
0x746: {  	v37 =	vld [tilespmem:s4+$0x4010];
	v57 =	vmul.f32 v29, v21;
	v58 =	vmul.f32 v27, v16  }
0x747: {  	v33 =	vmul.f32 v28, v17;
	v59 =	vmul.f32 v29, v15  }
0x748: {  	v35 =	vmul.f32 v27, v10;
	v36 =	vmul.f32 v28, v11  }
0x749: {  	v61 =	vmul.f32 v29, v9;
	v27 =	vmul.f32 v27, v7  }
0x74a: {  	v62 =	vld [tilespmem:s4+$0x8010];
	v28 =	vmul.f32 v28, v8;
	v42 =	vmul.f32 v34, v22  }
0x74b: {  	v38 =	vmul.f32 v37, v23;
	v49 =	vmul.f32 v34, v16  }
0x74c: {  	v50 =	vmul.f32 v37, v17;
	v39 =	vmul.f32 v34, v10;
	v30 =	vadd.f32 v31, v30  }
0x74d: {  	v40 =	vmul.f32 v37, v11;
	v31 =	vadd.f32 v33, v58;
	v60 =	vadd.f32 v36, v35  }
0x74e: {  	v43 =	vmul.f32 v29, v6;
	v27 =	vadd.f32 v28, v27;
	v44 =	vadd.f32 v38, v42  }
0x74f: {  	v45 =	vmul.f32 v62, v21;
	v29 =	vadd.f32 v50, v49;
	v52 =	vadd.f32 v40, v39  }
0x750: {  	v32 =	vld [tilespmem:s4+$0xC000];
	v51 =	vmul.f32 v62, v15;
	v30 =	vadd.f32 v57, v30;
	v31 =	vadd.f32 v59, v31  }
0x751: {  	v27 =	vadd.f32 v43, v27;
	v48 =	vadd.f32 v45, v44  }
0x752: {  	v47 =	vld [tilespmem:s4+$0xC010];
	v56 =	vmul.f32 v34, v7;
	v29 =	vadd.f32 v51, v29;
	v30 =	vadd.f32 v30, v30  }
0x753: {  	v57 =	vmul.f32 v37, v8;
	v31 =	vadd.f32 v31, v31;
	v27 =	vadd.f32 v27, v27  }
0x754: {  	v28 =	vadd.f32 v48, v48;
	v55 =	vadd.f32 v29, v29  }
0x755: {  	v29 =	vadd.f32 v57, v56;
	v30 =	vsub.f32 v32, v30  }
0x756: {  	v53 =	vmul.f32 v62, v9;
	v56 =	vld [tilespmem:s4+$0x4030];
	v31 =	vsub.f32 v32, v31;
	v27 =	vsub.f32 v32, v27  }
0x757: {  	v28 =	vsub.f32 v47, v28;
	vm0 =	vlt.f32 v30, s24;
	v30 =	vadd.f32 v61, v60;
	v60 =	vld [tilespmem:s4+$0x20]  }
0x758: {  	v59 =	vmul.f32 v62, v6;
	vm1 =	vlt.f32 v31, s31;
	vm3 =	vlt.f32 v27, s0;
	v61 =	vld [tilespmem:s4+$0x4020]  }
0x759: {  	v27 =	vadd.f32 v53, v52;
	vm2 =	vlt.f32 v28, s24;
	v28 =	vsub.f32 v47, v55  }
0x75a: {  	v63 =	vsel vm0, $0x1, v1;
	v46 =	vsel vm1, $0x1, v1;
	v54 =	vsel vm3, $0x1, v1  }
0x75b: {  	v58 =	vsel vm2, $0x1, v1;
	v27 =	vadd.f32 v27, v27;
	vm6 =	vlt.f32 v28, s31  }
0x75c: {  	v34 =	vmul.f32 v56, v8;
	v30 =	vadd.f32 v30, v30;
	v28 =	vsel vm6, $0x1, v1  }
0x75d: {  	(xrf0) =	vadd.scan.msk.s32 $0xffff, v63;
	v63 =	vld [tilespmem:s4+$0x8020];
	v27 =	vsub.f32 v47, v27;
	v44 =	vmul.f32 v60, v22;
	v45 =	vmul.f32 v61, v23  }
0x75e: {  	(xrf0) =	vadd.scan.msk.s32 $0xffff, v46;
	v30 =	vsub.f32 v32, v30;
	v46 =	vmul.f32 v60, v16;
	v52 =	vmul.f32 v60, v10  }
0x75f: {  	v53 =	vmul.f32 v61, v11;
	vm5 =	vlt.f32 v27, s2;
	v27 =	vadd.f32 v59, v29  }
0x760: {  	v57 =	vld [tilespmem:s4+$0x8030];
	v31 =	vmul.f32 v60, v7;
	vm4 =	vlt.f32 v30, s2;
	v29 =	vmul.f32 v61, v8  }
0x761: {  	v42 =	vld [tilespmem:s4+$0x30];
	v30 =	vsel vm4, $0x1, v1;
	v62 =	vsel vm5, $0x1, v1;
	v27 =	vadd.f32 v27, v27  }
0x762: {  	v36 =	vadd.f32 v45, v44;
	v48 =	vmul.f32 v63, v21;
	v50 =	vmul.f32 v63, v15  }
0x763: {  	v55 =	vmul.f32 v63, v6;
	(xrf0) =	vadd.scan.msk.s32 $0xffff, v30;
	v32, _, _ =	vpop (xrf0);
	v27 =	vsub.f32 v47, v27;
	v47 =	vmul.f32 v61, v17  }
0x764: {  	v44 =	vmul.f32 v56, v17;
	v29 =	vadd.f32 v29, v31;
	(v2sf) =	vpush v32, $0xF  }
0x765: {  	v49 =	vld [tilespmem:s4+$0xC020];
	v31 =	vmul.f32 v57, v6;
	v36 =	vadd.f32 v48, v36;
	v38 =	vadd.f32 v47, v46  }
0x766: {  	(xrf0) =	vadd.scan.msk.s32 $0xffff, v54;
	v54 =	vmul.f32 v63, v9;
	v63 =	vmul.f32 v42, v16;
	v29 =	vadd.f32 v55, v29  }
0x767: {  	v48 =	vmul.f32 v57, v21;
	(xrf0) =	vadd.scan.msk.s32 $0xffff, v58;
	v30, _, _ =	vpop (xrf0);
	v51 =	vadd.f32 v50, v38;
	v38 =	vadd.f32 v53, v52  }
0x768: {  	v61 =	vmul.f32 v42, v22;
	(xrf0) =	vadd.scan.msk.s32 $0xffff, v28;
	(v2sf) =	vpush v30, $0xF;
	v36 =	vadd.f32 v36, v36  }
0x769: {  	vm7 =	vlt.f32 v27, s0;
	v29 =	vadd.f32 v29, v29;
	v33, _, _ =	vpop (xrf0);
	(xrf0) =	vadd.scan.msk.s32 $0xffff, v62;
	v38 =	vadd.f32 v54, v38  }
0x76a: {  	v41 =	vsel vm7, $0x1, v1;
	v36 =	vsub.f32 v49, v36;
	v62 =	vmul.f32 v56, v23  }
0x76b: {  	v29 =	vsub.f32 v49, v29;
	v50 =	vmul.f32 v57, v15;
	v58 =	vadd.f32 v38, v38  }
0x76c: {  	v52 =	vmul.f32 v56, v11;
	(v2sf) =	vpush v33, $0xF;
	v35, _, _ =	vpop (xrf0);
	v37 =	vadd.f32 v51, v51  }
0x76d: {  	vm9 =	vlt.f32 v36, s24;
	v28, _, _ =	vpop (xrf0);
	v47 =	vadd.f32 v62, v61;
	v36 =	vsub.f32 v49, v58  }
0x76e: {  	v53 =	vld [tilespmem:s4+$0xC030];
	v56 =	vmul.f32 v57, v9;
	(v2sf) =	vpush v35, $0xF;
	v59 =	vsel vm9, $0x1, v1;
	v40, _, _ =	vpop (xrf0)  }
0x76f: {  	v37 =	vsub.f32 v49, v37;
	v27, _, _ =	vpop (xrf0);
	(xrf0) =	vadd.scan.msk.s32 $0xffff, v41;
	vm10 =	vlt.f32 v36, s2;
	v36 =	vadd.f32 v48, v47  }
0x770: {  	vm11 =	vlt.f32 v29, s0;
	v51 =	vmul.f32 v42, v10;
	v54 =	vmul.f32 v42, v7;
	(xrf0) =	vadd.scan.msk.s32 $0xffff, v59  }
0x771: {  	(v2sf) =	vpush v28, $0xF;
	vm8 =	vlt.f32 v37, s31;
	v36 =	vadd.f32 v36, v36  }
0x772: {  	v34 =	vadd.f32 v34, v54;
	v49 =	vadd.f32 v44, v63;
	v60 =	vsel vm8, $0x1, v1  }
0x773: {  	v57 =	vsel vm11, $0x1, v1;
	v37 =	vadd.f32 v52, v51;
	(xrf0) =	vadd.scan.msk.s32 $0xffff, v60;
	v58 =	vsub.f32 v53, v36  }
0x774: {  	(v2sf) =	vpush v40, $0xF;
	v29 =	vadd.f32 v50, v49;
	v55 =	vsel vm10, $0x1, v1  }
0x775: {  	v31 =	vadd.f32 v31, v34;
	v37 =	vadd.f32 v56, v37;
	v43, _, _ =	vpop (xrf0);
	(xrf0) =	vadd.scan.msk.s32 $0xffff, v55;
	vm12 =	vlt.f32 v58, s24  }
0x776: {  	(v2sf) =	vpush v27, $0xF;
	v29 =	vadd.f32 v29, v29;
	v42, _, _ =	vpop (xrf0);
	(xrf0) =	vadd.scan.msk.s32 $0xffff, v57;
	v63 =	vsel vm12, $0x1, v1  }
0x777: {  	v31 =	vadd.f32 v31, v31;
	v59 =	vadd.f32 v37, v37;
	(xrf0) =	vadd.scan.msk.s32 $0xffff, v63  }
0x778: {  	v29 =	vsub.f32 v53, v29;
	(v2sf) =	vpush v43, $0xF  }
0x779: {  	v61 =	vsub.f32 v53, v59;
	(v2sf) =	vpush v42, $0xF;
	v60, _, _ =	vpop (xrf0)  }
0x77a: {  	v41 =	vsub.f32 v53, v31;
	vm13 =	vlt.f32 v29, s31;
	(v2sf) =	vpush v60, $0xF  }
0x77b: {  	s3 =	spop (v2sf);
	vm14 =	vlt.f32 v61, s2;
	v44 =	vsel vm13, $0x1, v1;
	v62, _, _ =	vpop (xrf0)  }
0x77c: {  	vm15 =	vlt.f32 v41, s0;
	s6 =	spop (v2sf);
	v46 =	vsel vm14, $0x1, v1;
	(xrf0) =	vadd.scan.msk.s32 $0xffff, v44;
	(v2sf) =	vpush v62, $0xF;
	v45, _, _ =	vpop (xrf0)  }
0x77d: {  	s9 =	sadd.s32 $0xBF, s21;
	v29 =	vsel vm15, $0x1, v1;
	s8 =	spop (v2sf);
	(xrf0) =	vadd.scan.msk.s32 $0xffff, v46;
	(v2sf) =	vpush v45, $0xF;
	v48, _, _ =	vpop (xrf0)  }
0x77e: {  	v33 =	vadd.s32 s9, v33;
	s9 =	spop (v2sf);
	(xrf0) =	vadd.scan.msk.s32 $0xffff, v29;
	(v2sf) =	vpush v48, $0xF  }
0x77f: {  	s5 =	sadd.s32 $0xFFFFFFFF, s30  }
0x780: {  	s7 =	sadd.s32 $0x5F, s20;
	v47 =	vadd.s32 s5, v32  }
0x781: {  	v30 =	vadd.s32 s7, v30  }
0x782: {  	s7 =	sadd.s32 $0x11F, s22;
	s5 =	simm.s32 $0x10200;
	s3 =	sadd.s32 s30, s3;
	v49, _, _ =	vpop (xrf0)  }
0x783: {  	v35 =	vadd.s32 s7, v35;
	s7 =	sadd.s32 $0xFFFFFFFF, s3;
	s6 =	sadd.s32 s20, s6;
	s20 =	spop (v2sf);
	v50, _, _ =	vpop (xrf0);
	(v2sf) =	vpush v49, $0xF  }
0x784: {  	v51 =	vor.u32 s4, v0;
	v28 =	vadd.s32 s7, v28;
	s7 =	sadd.s32 $0x5F, s6;
	s8 =	sadd.s32 s21, s8;
	s21 =	spop (v2sf);
	(v2sf) =	vpush v50, $0xF;
	v52, _, _ =	vpop (xrf0)  }
0x785: {  	[tilespmem:v47+s5+$0x0] =	vst.idx.msk vm0, v51;
	v53 =	vadd.s32 s7, v40;
	s9 =	sadd.s32 s22, s9;
	s7 =	sadd.s32 $0xBF, s8;
	s22 =	spop (v2sf);
	(v2sf) =	vpush v52, $0xF  }
0x786: {  	[tilespmem:v30+s5+$0x0] =	vst.idx.msk vm1, v51;
	s3 =	sadd.s32 s3, s20;
	v27 =	vadd.s32 s7, v27;
	s7 =	sadd.s32 $0x11F, s9;
	s6 =	sadd.s32 s6, s21  }
0x787: {  	[tilespmem:v33+s5+$0x0] =	vst.idx.msk vm4, v51;
	s21 =	sor.u32 $0x10, s4;
	v54 =	vadd.s32 s7, v43;
	s7 =	sadd.s32 $0xFFFFFFFF, s3;
	s20 =	spop (v2sf)  }
0x788: {  	[tilespmem:v35+s5+$0x0] =	vst.idx.msk vm3, v51;
	v55 =	vor.u32 s21, v0;
	v56 =	vadd.s32 s7, v42;
	s8 =	sadd.s32 s8, s22;
	s22 =	sadd.s32 $0x5F, s6;
	s21 =	spop (v2sf)  }
0x789: {  	[tilespmem:v28+s5+$0x0] =	vst.idx.msk vm2, v55;
	v57 =	vadd.s32 s22, v60;
	s7 =	sadd.s32 $0xBF, s8;
	s9 =	sadd.s32 s9, s20;
	s20 =	spop (v2sf)  }
0x78a: {  	[tilespmem:v53+s5+$0x0] =	vst.idx.msk vm6, v55;
	v58 =	vadd.s32 s7, v62;
	s22 =	sadd.s32 s3, s21;
	s7 =	sadd.s32 $0x11F, s9;
	s21 =	sor.u32 $0x20, s4  }
0x78b: {  	[tilespmem:v27+s5+$0x0] =	vst.idx.msk vm5, v55;
	s20 =	sadd.s32 s6, s20;
	v27 =	vadd.s32 s7, v45;
	s7 =	sadd.s32 $0xFFFFFFFF, s22;
	s3 =	spop (v2sf)  }
0x78c: {  	[tilespmem:v54+s5+$0x0] =	vst.idx.msk vm7, v55;
	v59 =	vor.u32 s21, v0;
	v60 =	vadd.s32 s7, v48;
	s21 =	sadd.s32 s8, s3;
	s6 =	spop (v2sf);
	s8 =	sadd.s32 $0x5F, s20  }
0x78d: {  	[tilespmem:v56+s5+$0x0] =	vst.idx.msk vm9, v59;
	s3 =	sadd.s32 s9, s6;
	v61 =	vadd.s32 s8, v49;
	s7 =	sadd.s32 $0xBF, s21;
	s9 =	spop (v2sf)  }
0x78e: {  	[tilespmem:v57+s5+$0x0] =	vst.idx.msk vm8, v59;
	v62 =	vadd.s32 s7, v50;
	s8 =	sadd.s32 $0x11F, s3;
	s30 =	sadd.s32 s22, s9  }
0x78f: {  	s4 =	sor.u32 $0x30, s4;
	[tilespmem:v58+s5+$0x0] =	vst.idx.msk vm10, v59;
	v63 =	vadd.s32 s8, v52;
	p0 =	slt.s32 s30, $0x10  }
.Ltmp97:
0x790: {  	[tilespmem:v27+s5+$0x0] =	vst.idx.msk vm11, v59;
	v27 =	vor.u32 s4, v0;
	(pc) =	sbr.rel @p0 .LBB2_115-.Ltmp97, $4  }
0x791: {  	[tilespmem:v60+s5+$0x0] =	vst.idx.msk vm12, v27  }
0x792: {  	s6 =	spop (v2sf);
	[tilespmem:v61+s5+$0x0] =	vst.idx.msk vm13, v27  }
0x793: {  	s4 =	spop (v2sf);
	[tilespmem:v62+s5+$0x0] =	vst.idx.msk vm14, v27  }
0x794: {  	s22 =	spop (v2sf);
	[tilespmem:v63+s5+$0x0] =	vst.idx.msk vm15, v27  }
0x795: {  	v27 =	vld [tilespmem:s5+$0x0];
	_ =	sdelay $0x6  }
0x796: {  	s7 =	sadd.s32 $0xFFFFFFF0, s30  }
0x797: {  	s8 =	sadd.s32 $0x10, s7;
	v30 =	vld.idx.msk [tilespmem:v27+s1+$0x0], $0xffff  }
0x798: {  	p2 =	sgt.u32 s8, $0x1F;
	v31 =	vld.idx.msk [tilespmem:v27+s18+$0x0], $0xffff  }
.Ltmp98:
0x799: {  	_ = 	snop;
	(pc) =	sbr.rel @!p2 .LBB2_109-.Ltmp98, $3  }
0x79a: {  	_ =	sdelay $0x1  }
0x79b: {  	s24 =	simm.s32 $0xFFFFFFF0;
	v29 =	vld.idx.msk [tilespmem:v27+s19+$0x0], $0xffff  }
0x79c: {  	p0 =	por $0x0, $0x0;
	p1 =	por $0x0, $0x0;
	s8 =	simm.s32 $0x10210;
	v28 =	vld.idx.msk [tilespmem:v27+s23+$0x0], $0xffff;
	v30 =	vmul.f32 v30, v22;
	v32 =	vmul.f32 v31, v23  }
0x79d: {  	v31 =	vld [tilespmem:s8+$0x0];
	_ =	sdelay $0x5  }
0x79e: {  	v30 =	vadd.f32 v32, v30;
	v29 =	vmul.f32 v29, v21  }
0x79f: {  	s7 =	sadd.s32 $0xFFFFFFE0, s30  }
0x7a0: {  	s24 =	sadd.s32 $0x10, s7;
	v29 =	vadd.f32 v29, v30;
	v30 =	vld.idx.msk [tilespmem:v31+s1+$0x0], $0xffff  }
0x7a1: {  	p2 =	sgt.u32 s24, $0x1F;
	v63 =	vld.idx.msk [tilespmem:v31+s18+$0x0], $0xffff  }
.Ltmp99:
0x7a2: {  	v28 =	vadd.f32 v28, v24;
	v29 =	vadd.f32 v29, v29;
	(pc) =	sbr.rel @!p2 .LBB2_111-.Ltmp99, $4  }
0x7a3: {  	_ = 	snop  }
0x7a4: {  	v28 =	vsub.f32 v28, v29  }
0x7a5: {  	v29 =	vld.idx.msk [tilespmem:v31+s19+$0x0], $0xffff  }
0x7a6: {  	s8 =	simm.s32 $0x10220;
	p0 =	por $0x1, $0x1;
	s24 =	simm.s32 $0xFFFFFFE0;
	(xrf1) =	vsort.ascd.msk.f32 $0xffff, v28, v27;
	v28 =	vld.idx.msk [tilespmem:v31+s23+$0x0], $0xffff;
	v30 =	vmul.f32 v30, v22;
	v32 =	vmul.f32 v63, v23  }
0x7a7: {  	_ =	sdelay $0x7  }
0x7a8: {  	v30 =	vadd.f32 v32, v30;
	v29 =	vmul.f32 v29, v21  }
0x7a9: {  	v27 =	vld [tilespmem:s8+$0x0]  }
0x7aa: {  	v29 =	vadd.f32 v29, v30;
	_ =	sdelay $0x1  }
0x7ab: {  	v28 =	vadd.f32 v28, v24;
	v29 =	vadd.f32 v29, v29  }
0x7ac: {  	v63, v33, _ =	vpop (xrf1)  }
0x7ad: {  	v28 =	vsub.f32 v28, v29;
	v32 =	vperm.xlane v63, v2  }
0x7ae: {  	v29 =	vperm.xlane v33, v2  }
0x7af: {  	(xrf1) =	vsort.ascd.msk.f32 $0xffff, v28, v31;
	vm0 =	vle.f32 v26, v32  }
0x7b0: {  	s7 =	sadd.s32 $0xFFFFFFD0, s30;
	v30 =	vld.idx.msk [tilespmem:v27+s1+$0x0], $0xffff;
	v28 =	vsel vm0, v26, v32;
	v31 =	vsel vm0, v25, v29  }
0x7b1: {  	s24 =	sadd.s32 $0x10, s7;
	v34 =	vld.idx.msk [tilespmem:v27+s18+$0x0], $0xffff;
	(xrf1) =	vsort.ascd.msk.f32 $0xffff, v28, v31  }
0x7b2: {  	p2 =	sgt.u32 s24, $0x1F  }
.Ltmp100:
0x7b3: {  	v29 =	vld.idx.msk [tilespmem:v27+s19+$0x0], $0xffff;
	(pc) =	sbr.rel @!p2 .LBB2_114-.Ltmp100, $3  }
0x7b4: {  	_ =	sdelay $0x1  }
0x7b5: {  	v30 =	vmul.f32 v30, v22;
	v32 =	vmul.f32 v34, v23  }
0x7b6: {  	s8 =	simm.s32 $0x10230;
	p1 =	por $0x1, $0x1;
	s24 =	simm.s32 $0xFFFFFFD0;
	v28 =	vld.idx.msk [tilespmem:v27+s23+$0x0], $0xffff  }
.LBB2_113:
0x7b7: {  	v31 =	vld [tilespmem:s8+$0x0];
	s24 =	sadd.s32 $0xFFFFFFF0, s24;
	v30 =	vadd.f32 v32, v30;
	v29 =	vmul.f32 v29, v21  }
0x7b8: {  	s7 =	sadd.s32 s24, s30  }
0x7b9: {  	s9 =	sadd.s32 $0x10, s7;
	v29 =	vadd.f32 v29, v30  }
0x7ba: {  	p2 =	sgt.u32 s9, $0x1F  }
0x7bb: {  	v28 =	vadd.f32 v28, v24;
	v29 =	vadd.f32 v29, v29  }
0x7bc: {  	v30, v32, _ =	vpop (xrf1)  }
0x7bd: {  	v28 =	vsub.f32 v28, v29;
	v29 =	vperm.xlane v30, v2  }
0x7be: {  	v30 =	vperm.xlane v32, v2;
	v32, v33, _ =	vpop (xrf1)  }
0x7bf: {  	v34 =	vld.idx.msk [tilespmem:v31+s1+$0x0], $0xffff;
	(xrf1) =	vsort.ascd.msk.f32 $0xffff, v28, v27;
	vm0 =	vle.f32 v32, v29;
	v27 =	vmov v31  }
0x7c0: {  	v35 =	vld.idx.msk [tilespmem:v31+s18+$0x0], $0xffff;
	v28 =	vsel vm0, v32, v29;
	v29 =	vsel vm0, v33, v30  }
0x7c1: {  	(xrf1) =	vsort.ascd.msk.f32 $0xffff, v28, v29  }
0x7c2: {  	v29 =	vld.idx.msk [tilespmem:v31+s19+$0x0], $0xffff  }
.Ltmp101:
0x7c3: {  	(pc) =	sbr.rel @p2 .LBB2_113-.Ltmp101, $3  }
0x7c4: {  	_ =	sdelay $0x1  }
0x7c5: {  	v30 =	vmul.f32 v34, v22;
	v32 =	vmul.f32 v35, v23;
	v28 =	vld.idx.msk [tilespmem:v31+s23+$0x0], $0xffff  }
0x7c6: {  	s8 =	sadd.s32 $0x10, s8  }
.LBB2_114:
0x7c7: {  	_ =	sdelay $0x1  }
0x7c8: {  	v30 =	vadd.f32 v32, v30;
	v29 =	vmul.f32 v29, v21;
	_ =	sdelay $0x1  }
0x7c9: {  	v29 =	vadd.f32 v29, v30;
	_ =	sdelay $0x1  }
0x7ca: {  	v28 =	vadd.f32 v28, v24;
	v29 =	vadd.f32 v29, v29;
	v30, v31, _ =	vpop @p0 (xrf1)  }
0x7cb: {  	v30 =	vperm.xlane @p0 v30, v2;
	v32, v33, _ =	vpop @p1 (xrf1)  }
0x7cc: {  	v28 =	vsub.f32 v28, v29;
	v29 =	vperm.xlane @p0 v31, v2;
	v31 =	vpsel p1, v32, v26  }
0x7cd: {  	v32 =	vpsel p1, v33, v25;
	vm0 =	vle.f32 @p0 v31, v30  }
0x7ce: {  	(xrf1) =	vsort.ascd.msk.f32 $0xffff, v28, v27;
	v27 =	vsel @p0 vm0, v31, v30;
	v28 =	vsel @p0 vm0, v32, v29  }
0x7cf: {  	(xrf1) =	vsort.ascd.msk.f32 @p0 $0xffff, v27, v28;
	_ =	sdelay $0xc  }
0x7d0: {  	v27, v28, _ =	vpop (xrf1)  }
0x7d1: {  	v27 =	vperm.xlane v27, v2;
	v29, v30, _ =	vpop @p0 (xrf1)  }
0x7d2: {  	v28 =	vperm.xlane v28, v2;
	v26 =	vpsel p0, v29, v26  }
0x7d3: {  	v25 =	vpsel p0, v30, v25;
	vm15 =	vle.f32 v26, v27  }
0x7d4: {  	v26 =	vsel vm15, v26, v27;
	v25 =	vsel vm15, v25, v28  }
0x7d5: {  	(xrf1) =	vsort.ascd.msk.f32 $0xffff, v26, v25;
	_ =	sdelay $0xd  }
0x7d6: {  	v26, v25, _ =	vpop (xrf1)  }
0x7d7: {  	v27 =	vsub.f32 v26, v24;
	_ =	sdelay $0x1  }
0x7d8: {  	v27 =	vadd.f32 $9.999999740e-05, v27;
	_ =	sdelay $0x1  }
0x7d9: {  	(xrf0) =	vmax.scan.msk.f32 $0xffff, v27;
	_ =	sdelay $0x5  }
0x7da: {  	v27, _, _ =	vpop (xrf0)  }
0x7db: {  	(v2sf) =	vpush v27, $0xF;
	_ =	sdelay $0x7  }
0x7dc: {  	s8 =	ssub.s32 $0x0, s24  }
0x7dd: {  	p0 =	slt.s32 s8, $0x1  }
0x7de: {  	v27 =	vld @!p0 [tilespmem:s5+$0x10];
	_ =	sdelay $0x4  }
0x7df: {  	s30 =	smov.u32 s7;
	[tilespmem:$0x10200] =	vst @!p0 v27;
	s24 =	spop (v2sf)  }
.LBB2_115:
0x7e0: {  	s20 =	sadd.s32 s20, s6  }
0x7e1: {  	p0 =	slt.s32 s20, $0x10  }
.Ltmp102:
0x7e2: {  	_ = 	snop;
	(pc) =	sbr.rel @p0 .LBB2_123-.Ltmp102, $1  }
0x7e3: {  	_ =	sdelay $0x3  }
0x7e4: {  	s5 =	simm.s32 $0x10260  }
0x7e5: {  	v27 =	vld [tilespmem:s5+$0x0];
	_ =	sdelay $0x6  }
0x7e6: {  	s6 =	sadd.s32 $0xFFFFFFF0, s20  }
0x7e7: {  	s8 =	sadd.s32 $0x10, s6;
	v30 =	vld.idx.msk [tilespmem:v27+s1+$0x0], $0xffff  }
0x7e8: {  	p2 =	sgt.u32 s8, $0x1F;
	v31 =	vld.idx.msk [tilespmem:v27+s18+$0x0], $0xffff  }
.Ltmp103:
0x7e9: {  	_ = 	snop;
	(pc) =	sbr.rel @!p2 .LBB2_117-.Ltmp103, $3  }
0x7ea: {  	_ =	sdelay $0x1  }
0x7eb: {  	s7 =	simm.s32 $0xFFFFFFF0;
	v29 =	vld.idx.msk [tilespmem:v27+s19+$0x0], $0xffff  }
0x7ec: {  	p0 =	por $0x0, $0x0;
	p1 =	por $0x0, $0x0;
	s8 =	simm.s32 $0x10270;
	v28 =	vld.idx.msk [tilespmem:v27+s23+$0x0], $0xffff;
	v30 =	vmul.f32 v30, v16;
	v32 =	vmul.f32 v31, v17  }
0x7ed: {  	v31 =	vld [tilespmem:s8+$0x0];
	_ =	sdelay $0x5  }
0x7ee: {  	v30 =	vadd.f32 v32, v30;
	v29 =	vmul.f32 v29, v15  }
0x7ef: {  	s6 =	sadd.s32 $0xFFFFFFE0, s20  }
0x7f0: {  	s5 =	sadd.s32 $0x10, s6;
	v29 =	vadd.f32 v29, v30;
	v30 =	vld.idx.msk [tilespmem:v31+s1+$0x0], $0xffff  }
0x7f1: {  	p2 =	sgt.u32 s5, $0x1F;
	v63 =	vld.idx.msk [tilespmem:v31+s18+$0x0], $0xffff  }
.Ltmp104:
0x7f2: {  	v28 =	vadd.f32 v28, v18;
	v29 =	vadd.f32 v29, v29;
	(pc) =	sbr.rel @!p2 .LBB2_119-.Ltmp104, $4  }
0x7f3: {  	_ = 	snop  }
0x7f4: {  	v28 =	vsub.f32 v28, v29  }
0x7f5: {  	v29 =	vld.idx.msk [tilespmem:v31+s19+$0x0], $0xffff  }
0x7f6: {  	s7 =	simm.s32 $0xFFFFFFE0;
	p0 =	por $0x1, $0x1;
	s5 =	simm.s32 $0x10280;
	(xrf1) =	vsort.ascd.msk.f32 $0xffff, v28, v27;
	v28 =	vld.idx.msk [tilespmem:v31+s23+$0x0], $0xffff;
	v30 =	vmul.f32 v30, v16;
	v32 =	vmul.f32 v63, v17  }
0x7f7: {  	_ =	sdelay $0x7  }
0x7f8: {  	v30 =	vadd.f32 v32, v30;
	v29 =	vmul.f32 v29, v15  }
0x7f9: {  	v27 =	vld [tilespmem:s5+$0x0]  }
0x7fa: {  	v29 =	vadd.f32 v29, v30;
	_ =	sdelay $0x1  }
0x7fb: {  	v28 =	vadd.f32 v28, v18;
	v29 =	vadd.f32 v29, v29  }
0x7fc: {  	v63, v33, _ =	vpop (xrf1)  }
0x7fd: {  	v28 =	vsub.f32 v28, v29;
	v32 =	vperm.xlane v63, v2  }
0x7fe: {  	v29 =	vperm.xlane v33, v2  }
0x7ff: {  	s6 =	sadd.s32 $0xFFFFFFD0, s20;
	(xrf1) =	vsort.ascd.msk.f32 $0xffff, v28, v31;
	vm0 =	vle.f32 v20, v32  }
0x800: {  	s7 =	sadd.s32 $0x10, s6;
	v30 =	vld.idx.msk [tilespmem:v27+s1+$0x0], $0xffff;
	v28 =	vsel vm0, v20, v32;
	v31 =	vsel vm0, v19, v29  }
0x801: {  	p2 =	sgt.u32 s7, $0x1F;
	v34 =	vld.idx.msk [tilespmem:v27+s18+$0x0], $0xffff;
	(xrf1) =	vsort.ascd.msk.f32 $0xffff, v28, v31  }
.Ltmp105:
0x802: {  	_ = 	snop;
	(pc) =	sbr.rel @!p2 .LBB2_122-.Ltmp105, $2  }
0x803: {  	v29 =	vld.idx.msk [tilespmem:v27+s19+$0x0], $0xffff;
	_ =	sdelay $0x2  }
0x804: {  	s31 =	simm.s32 $0x10290;
	p1 =	por $0x1, $0x1;
	s7 =	simm.s32 $0xFFFFFFD0;
	v30 =	vmul.f32 v30, v16;
	v32 =	vmul.f32 v34, v17;
	v28 =	vld.idx.msk [tilespmem:v27+s23+$0x0], $0xffff  }
.LBB2_121:
0x805: {  	s5 =	smov.u32 s31  }
0x806: {  	s7 =	sadd.s32 $0xFFFFFFF0, s7;
	v30 =	vadd.f32 v32, v30;
	v29 =	vmul.f32 v29, v15;
	v31 =	vld [tilespmem:s31+$0x0]  }
0x807: {  	s6 =	sadd.s32 s7, s20  }
0x808: {  	s8 =	sadd.s32 $0x10, s6;
	v29 =	vadd.f32 v29, v30  }
0x809: {  	p2 =	sgt.u32 s8, $0x1F  }
0x80a: {  	v28 =	vadd.f32 v28, v18;
	v29 =	vadd.f32 v29, v29  }
0x80b: {  	v30, v32, _ =	vpop (xrf1)  }
0x80c: {  	v28 =	vsub.f32 v28, v29;
	v29 =	vperm.xlane v30, v2  }
0x80d: {  	v30 =	vperm.xlane v32, v2;
	v32, v33, _ =	vpop (xrf1)  }
0x80e: {  	v34 =	vld.idx.msk [tilespmem:v31+s1+$0x0], $0xffff;
	(xrf1) =	vsort.ascd.msk.f32 $0xffff, v28, v27;
	vm0 =	vle.f32 v32, v29;
	v27 =	vmov v31  }
0x80f: {  	v35 =	vld.idx.msk [tilespmem:v31+s18+$0x0], $0xffff;
	v28 =	vsel vm0, v32, v29;
	v29 =	vsel vm0, v33, v30  }
0x810: {  	(xrf1) =	vsort.ascd.msk.f32 $0xffff, v28, v29  }
0x811: {  	v29 =	vld.idx.msk [tilespmem:v31+s19+$0x0], $0xffff  }
.Ltmp106:
0x812: {  	(pc) =	sbr.rel @p2 .LBB2_121-.Ltmp106, $3  }
0x813: {  	_ =	sdelay $0x1  }
0x814: {  	v30 =	vmul.f32 v34, v16;
	v32 =	vmul.f32 v35, v17;
	v28 =	vld.idx.msk [tilespmem:v31+s23+$0x0], $0xffff  }
0x815: {  	s31 =	sadd.s32 $0x10, s31  }
.LBB2_122:
0x816: {  	_ =	sdelay $0x2  }
0x817: {  	v30 =	vadd.f32 v32, v30;
	v29 =	vmul.f32 v29, v15;
	_ =	sdelay $0x1  }
0x818: {  	v29 =	vadd.f32 v29, v30;
	_ =	sdelay $0x1  }
0x819: {  	v28 =	vadd.f32 v28, v18;
	v29 =	vadd.f32 v29, v29;
	v30, v31, _ =	vpop @p0 (xrf1)  }
0x81a: {  	v30 =	vperm.xlane @p0 v30, v2;
	v32, v33, _ =	vpop @p1 (xrf1)  }
0x81b: {  	v28 =	vsub.f32 v28, v29;
	v29 =	vperm.xlane @p0 v31, v2;
	v31 =	vpsel p1, v32, v20  }
0x81c: {  	v32 =	vpsel p1, v33, v19;
	vm0 =	vle.f32 @p0 v31, v30  }
0x81d: {  	(xrf1) =	vsort.ascd.msk.f32 $0xffff, v28, v27;
	v27 =	vsel @p0 vm0, v31, v30;
	v28 =	vsel @p0 vm0, v32, v29  }
0x81e: {  	(xrf1) =	vsort.ascd.msk.f32 @p0 $0xffff, v27, v28;
	_ =	sdelay $0xc  }
0x81f: {  	v27, v28, _ =	vpop (xrf1)  }
0x820: {  	v27 =	vperm.xlane v27, v2;
	v29, v30, _ =	vpop @p0 (xrf1)  }
0x821: {  	v28 =	vperm.xlane v28, v2;
	v20 =	vpsel p0, v29, v20  }
0x822: {  	v19 =	vpsel p0, v30, v19;
	vm15 =	vle.f32 v20, v27  }
0x823: {  	v20 =	vsel vm15, v20, v27;
	v19 =	vsel vm15, v19, v28  }
0x824: {  	(xrf1) =	vsort.ascd.msk.f32 $0xffff, v20, v19;
	_ =	sdelay $0xd  }
0x825: {  	v20, v19, _ =	vpop (xrf1)  }
0x826: {  	v27 =	vsub.f32 v20, v18;
	_ =	sdelay $0x1  }
0x827: {  	v27 =	vadd.f32 $9.999999740e-05, v27;
	_ =	sdelay $0x1  }
0x828: {  	(xrf0) =	vmax.scan.msk.f32 $0xffff, v27;
	_ =	sdelay $0x5  }
0x829: {  	v27, _, _ =	vpop (xrf0)  }
0x82a: {  	(v2sf) =	vpush v27, $0xF;
	_ =	sdelay $0x7  }
0x82b: {  	s7 =	ssub.s32 $0x0, s7  }
0x82c: {  	p0 =	slt.s32 s7, $0x1  }
0x82d: {  	v27 =	vld @!p0 [tilespmem:s5+$0x10];
	_ =	sdelay $0x4  }
0x82e: {  	s20 =	smov.u32 s6;
	[tilespmem:$0x10260] =	vst @!p0 v27;
	s31 =	spop (v2sf)  }
.LBB2_123:
0x82f: {  	s21 =	sadd.s32 s21, s4  }
0x830: {  	p0 =	slt.s32 s21, $0x10  }
.Ltmp107:
0x831: {  	_ = 	snop;
	(pc) =	sbr.rel @p0 .LBB2_131-.Ltmp107, $1  }
0x832: {  	_ =	sdelay $0x3  }
0x833: {  	s2 =	simm.s32 $0x102C0  }
0x834: {  	v27 =	vld [tilespmem:s2+$0x0];
	_ =	sdelay $0x6  }
0x835: {  	s4 =	sadd.s32 $0xFFFFFFF0, s21  }
0x836: {  	s6 =	sadd.s32 $0x10, s4;
	v30 =	vld.idx.msk [tilespmem:v27+s1+$0x0], $0xffff  }
0x837: {  	p2 =	sgt.u32 s6, $0x1F;
	v31 =	vld.idx.msk [tilespmem:v27+s18+$0x0], $0xffff  }
.Ltmp108:
0x838: {  	_ = 	snop;
	(pc) =	sbr.rel @!p2 .LBB2_125-.Ltmp108, $3  }
0x839: {  	_ =	sdelay $0x1  }
0x83a: {  	s5 =	simm.s32 $0xFFFFFFF0;
	v29 =	vld.idx.msk [tilespmem:v27+s19+$0x0], $0xffff  }
0x83b: {  	p0 =	por $0x0, $0x0;
	p1 =	por $0x0, $0x0;
	s6 =	simm.s32 $0x102D0;
	v28 =	vld.idx.msk [tilespmem:v27+s23+$0x0], $0xffff;
	v30 =	vmul.f32 v30, v10;
	v32 =	vmul.f32 v31, v11  }
0x83c: {  	v31 =	vld [tilespmem:s6+$0x0];
	_ =	sdelay $0x5  }
0x83d: {  	v30 =	vadd.f32 v32, v30;
	v29 =	vmul.f32 v29, v9  }
0x83e: {  	s4 =	sadd.s32 $0xFFFFFFE0, s21  }
0x83f: {  	s2 =	sadd.s32 $0x10, s4;
	v29 =	vadd.f32 v29, v30;
	v30 =	vld.idx.msk [tilespmem:v31+s1+$0x0], $0xffff  }
0x840: {  	p2 =	sgt.u32 s2, $0x1F;
	v63 =	vld.idx.msk [tilespmem:v31+s18+$0x0], $0xffff  }
.Ltmp109:
0x841: {  	v28 =	vadd.f32 v28, v13;
	v29 =	vadd.f32 v29, v29;
	(pc) =	sbr.rel @!p2 .LBB2_127-.Ltmp109, $4  }
0x842: {  	_ = 	snop  }
0x843: {  	v28 =	vsub.f32 v28, v29  }
0x844: {  	v29 =	vld.idx.msk [tilespmem:v31+s19+$0x0], $0xffff  }
0x845: {  	s5 =	simm.s32 $0xFFFFFFE0;
	p0 =	por $0x1, $0x1;
	s2 =	simm.s32 $0x102E0;
	(xrf1) =	vsort.ascd.msk.f32 $0xffff, v28, v27;
	v28 =	vld.idx.msk [tilespmem:v31+s23+$0x0], $0xffff;
	v30 =	vmul.f32 v30, v10;
	v32 =	vmul.f32 v63, v11  }
0x846: {  	_ =	sdelay $0x7  }
0x847: {  	v30 =	vadd.f32 v32, v30;
	v29 =	vmul.f32 v29, v9  }
0x848: {  	v27 =	vld [tilespmem:s2+$0x0]  }
0x849: {  	v29 =	vadd.f32 v29, v30;
	_ =	sdelay $0x1  }
0x84a: {  	v28 =	vadd.f32 v28, v13;
	v29 =	vadd.f32 v29, v29  }
0x84b: {  	v63, v33, _ =	vpop (xrf1)  }
0x84c: {  	v28 =	vsub.f32 v28, v29;
	v32 =	vperm.xlane v63, v2  }
0x84d: {  	v29 =	vperm.xlane v33, v2  }
0x84e: {  	s4 =	sadd.s32 $0xFFFFFFD0, s21;
	(xrf1) =	vsort.ascd.msk.f32 $0xffff, v28, v31;
	vm0 =	vle.f32 v14, v32  }
0x84f: {  	s5 =	sadd.s32 $0x10, s4;
	v30 =	vld.idx.msk [tilespmem:v27+s1+$0x0], $0xffff;
	v28 =	vsel vm0, v14, v32;
	v31 =	vsel vm0, v12, v29  }
0x850: {  	p2 =	sgt.u32 s5, $0x1F;
	v34 =	vld.idx.msk [tilespmem:v27+s18+$0x0], $0xffff;
	(xrf1) =	vsort.ascd.msk.f32 $0xffff, v28, v31  }
.Ltmp110:
0x851: {  	_ = 	snop;
	(pc) =	sbr.rel @!p2 .LBB2_130-.Ltmp110, $2  }
0x852: {  	v29 =	vld.idx.msk [tilespmem:v27+s19+$0x0], $0xffff;
	_ =	sdelay $0x2  }
0x853: {  	s6 =	simm.s32 $0x102F0;
	p1 =	por $0x1, $0x1;
	s5 =	simm.s32 $0xFFFFFFD0;
	v30 =	vmul.f32 v30, v10;
	v32 =	vmul.f32 v34, v11;
	v28 =	vld.idx.msk [tilespmem:v27+s23+$0x0], $0xffff  }
.LBB2_129:
0x854: {  	s2 =	smov.u32 s6  }
0x855: {  	s5 =	sadd.s32 $0xFFFFFFF0, s5;
	v30 =	vadd.f32 v32, v30;
	v29 =	vmul.f32 v29, v9;
	v31 =	vld [tilespmem:s6+$0x0]  }
0x856: {  	s4 =	sadd.s32 s5, s21  }
0x857: {  	s7 =	sadd.s32 $0x10, s4;
	v29 =	vadd.f32 v29, v30  }
0x858: {  	p2 =	sgt.u32 s7, $0x1F  }
0x859: {  	v28 =	vadd.f32 v28, v13;
	v29 =	vadd.f32 v29, v29  }
0x85a: {  	v30, v32, _ =	vpop (xrf1)  }
0x85b: {  	v28 =	vsub.f32 v28, v29;
	v29 =	vperm.xlane v30, v2  }
0x85c: {  	v30 =	vperm.xlane v32, v2;
	v32, v33, _ =	vpop (xrf1)  }
0x85d: {  	v34 =	vld.idx.msk [tilespmem:v31+s1+$0x0], $0xffff;
	(xrf1) =	vsort.ascd.msk.f32 $0xffff, v28, v27;
	vm0 =	vle.f32 v32, v29;
	v27 =	vmov v31  }
0x85e: {  	v35 =	vld.idx.msk [tilespmem:v31+s18+$0x0], $0xffff;
	v28 =	vsel vm0, v32, v29;
	v29 =	vsel vm0, v33, v30  }
0x85f: {  	(xrf1) =	vsort.ascd.msk.f32 $0xffff, v28, v29  }
0x860: {  	v29 =	vld.idx.msk [tilespmem:v31+s19+$0x0], $0xffff  }
.Ltmp111:
0x861: {  	(pc) =	sbr.rel @p2 .LBB2_129-.Ltmp111, $3  }
0x862: {  	_ =	sdelay $0x1  }
0x863: {  	v30 =	vmul.f32 v34, v10;
	v32 =	vmul.f32 v35, v11;
	v28 =	vld.idx.msk [tilespmem:v31+s23+$0x0], $0xffff  }
0x864: {  	s6 =	sadd.s32 $0x10, s6  }
.LBB2_130:
0x865: {  	_ =	sdelay $0x2  }
0x866: {  	v30 =	vadd.f32 v32, v30;
	v29 =	vmul.f32 v29, v9;
	_ =	sdelay $0x1  }
0x867: {  	v29 =	vadd.f32 v29, v30;
	_ =	sdelay $0x1  }
0x868: {  	v28 =	vadd.f32 v28, v13;
	v29 =	vadd.f32 v29, v29;
	v30, v31, _ =	vpop @p0 (xrf1)  }
0x869: {  	v30 =	vperm.xlane @p0 v30, v2;
	v32, v33, _ =	vpop @p1 (xrf1)  }
0x86a: {  	v28 =	vsub.f32 v28, v29;
	v29 =	vperm.xlane @p0 v31, v2;
	v31 =	vpsel p1, v32, v14  }
0x86b: {  	v32 =	vpsel p1, v33, v12;
	vm0 =	vle.f32 @p0 v31, v30  }
0x86c: {  	(xrf1) =	vsort.ascd.msk.f32 $0xffff, v28, v27;
	v27 =	vsel @p0 vm0, v31, v30;
	v28 =	vsel @p0 vm0, v32, v29  }
0x86d: {  	(xrf1) =	vsort.ascd.msk.f32 @p0 $0xffff, v27, v28;
	_ =	sdelay $0xc  }
0x86e: {  	v27, v28, _ =	vpop (xrf1)  }
0x86f: {  	v27 =	vperm.xlane v27, v2;
	v29, v30, _ =	vpop @p0 (xrf1)  }
0x870: {  	v28 =	vperm.xlane v28, v2;
	v14 =	vpsel p0, v29, v14  }
0x871: {  	v12 =	vpsel p0, v30, v12;
	vm15 =	vle.f32 v14, v27  }
0x872: {  	v14 =	vsel vm15, v14, v27;
	v12 =	vsel vm15, v12, v28  }
0x873: {  	(xrf1) =	vsort.ascd.msk.f32 $0xffff, v14, v12;
	_ =	sdelay $0xd  }
0x874: {  	v14, v12, _ =	vpop (xrf1)  }
0x875: {  	v27 =	vsub.f32 v14, v13;
	_ =	sdelay $0x1  }
0x876: {  	v27 =	vadd.f32 $9.999999740e-05, v27;
	_ =	sdelay $0x1  }
0x877: {  	(xrf0) =	vmax.scan.msk.f32 $0xffff, v27;
	_ =	sdelay $0x5  }
0x878: {  	v27, _, _ =	vpop (xrf0)  }
0x879: {  	(v2sf) =	vpush v27, $0xF;
	_ =	sdelay $0x7  }
0x87a: {  	s5 =	ssub.s32 $0x0, s5  }
0x87b: {  	p0 =	slt.s32 s5, $0x1  }
0x87c: {  	v27 =	vld @!p0 [tilespmem:s2+$0x10];
	_ =	sdelay $0x4  }
0x87d: {  	s21 =	smov.u32 s4;
	[tilespmem:$0x102C0] =	vst @!p0 v27;
	s2 =	spop (v2sf)  }
.LBB2_131:
0x87e: {  	s22 =	sadd.s32 s3, s22  }
0x87f: {  	p0 =	slt.s32 s22, $0x10  }
.Ltmp112:
0x880: {  	_ = 	snop;
	(pc) =	sbr.rel @p0 .LBB2_139-.Ltmp112, $1  }
0x881: {  	_ =	sdelay $0x3  }
0x882: {  	s0 =	simm.s32 $0x10320  }
0x883: {  	v27 =	vld [tilespmem:s0+$0x0];
	_ =	sdelay $0x7  }
0x884: {  	s3 =	sadd.s32 $0xFFFFFFF0, s22;
	v30 =	vld.idx.msk [tilespmem:v27+s1+$0x0], $0xffff  }
0x885: {  	s5 =	sadd.s32 $0x10, s3;
	v31 =	vld.idx.msk [tilespmem:v27+s18+$0x0], $0xffff  }
0x886: {  	p2 =	sgt.u32 s5, $0x1F  }
.Ltmp113:
0x887: {  	v29 =	vld.idx.msk [tilespmem:v27+s19+$0x0], $0xffff;
	(pc) =	sbr.rel @!p2 .LBB2_133-.Ltmp113, $3  }
0x888: {  	_ =	sdelay $0x1  }
0x889: {  	s4 =	simm.s32 $0xFFFFFFF0;
	v30 =	vmul.f32 v30, v7;
	v32 =	vmul.f32 v31, v8  }
0x88a: {  	p0 =	por $0x0, $0x0;
	p1 =	por $0x0, $0x0;
	s5 =	simm.s32 $0x10330;
	v28 =	vld.idx.msk [tilespmem:v27+s23+$0x0], $0xffff  }
0x88b: {  	v30 =	vadd.f32 v32, v30;
	v29 =	vmul.f32 v29, v6;
	_ =	sdelay $0x1  }
0x88c: {  	v31 =	vld [tilespmem:s5+$0x0];
	v29 =	vadd.f32 v29, v30;
	_ =	sdelay $0x1  }
0x88d: {  	v28 =	vadd.f32 v28, v3;
	v29 =	vadd.f32 v29, v29;
	_ =	sdelay $0x1  }
0x88e: {  	v28 =	vsub.f32 v28, v29;
	_ =	sdelay $0x1  }
0x88f: {  	(xrf1) =	vsort.ascd.msk.f32 $0xffff, v28, v27;
	_ =	sdelay $0x1  }
0x890: {  	s3 =	sadd.s32 $0xFFFFFFE0, s22;
	v30 =	vld.idx.msk [tilespmem:v31+s1+$0x0], $0xffff  }
0x891: {  	s0 =	sadd.s32 $0x10, s3;
	v63 =	vld.idx.msk [tilespmem:v31+s18+$0x0], $0xffff  }
0x892: {  	p2 =	sgt.u32 s0, $0x1F  }
.Ltmp114:
0x893: {  	v29 =	vld.idx.msk [tilespmem:v31+s19+$0x0], $0xffff;
	(pc) =	sbr.rel @!p2 .LBB2_135-.Ltmp114, $3  }
0x894: {  	_ =	sdelay $0x1  }
0x895: {  	v30 =	vmul.f32 v30, v7;
	v32 =	vmul.f32 v63, v8  }
0x896: {  	s4 =	simm.s32 $0xFFFFFFE0;
	p0 =	por $0x1, $0x1;
	s0 =	simm.s32 $0x10340;
	v28 =	vld.idx.msk [tilespmem:v31+s23+$0x0], $0xffff  }
0x897: {  	v30 =	vadd.f32 v32, v30;
	v29 =	vmul.f32 v29, v6;
	_ =	sdelay $0x1  }
0x898: {  	v27 =	vld [tilespmem:s0+$0x0];
	v29 =	vadd.f32 v29, v30;
	_ =	sdelay $0x1  }
0x899: {  	v28 =	vadd.f32 v28, v3;
	v29 =	vadd.f32 v29, v29;
	v63, v33, _ =	vpop (xrf1)  }
0x89a: {  	v32 =	vperm.xlane v63, v2  }
0x89b: {  	v28 =	vsub.f32 v28, v29;
	v29 =	vperm.xlane v33, v2  }
0x89c: {  	vm0 =	vle.f32 v5, v32  }
0x89d: {  	(xrf1) =	vsort.ascd.msk.f32 $0xffff, v28, v31;
	v28 =	vsel vm0, v5, v32;
	v31 =	vsel vm0, v4, v29  }
0x89e: {  	(xrf1) =	vsort.ascd.msk.f32 $0xffff, v28, v31  }
0x89f: {  	s3 =	sadd.s32 $0xFFFFFFD0, s22;
	v30 =	vld.idx.msk [tilespmem:v27+s1+$0x0], $0xffff  }
0x8a0: {  	s4 =	sadd.s32 $0x10, s3;
	v34 =	vld.idx.msk [tilespmem:v27+s18+$0x0], $0xffff  }
0x8a1: {  	p2 =	sgt.u32 s4, $0x1F  }
.Ltmp115:
0x8a2: {  	v29 =	vld.idx.msk [tilespmem:v27+s19+$0x0], $0xffff;
	(pc) =	sbr.rel @!p2 .LBB2_138-.Ltmp115, $3  }
0x8a3: {  	_ =	sdelay $0x1  }
0x8a4: {  	v30 =	vmul.f32 v30, v7;
	v32 =	vmul.f32 v34, v8  }
0x8a5: {  	s5 =	simm.s32 $0x10350;
	p1 =	por $0x1, $0x1;
	s4 =	simm.s32 $0xFFFFFFD0;
	v28 =	vld.idx.msk [tilespmem:v27+s23+$0x0], $0xffff  }
.LBB2_137:
0x8a6: {  	s0 =	smov.u32 s5  }
0x8a7: {  	s4 =	sadd.s32 $0xFFFFFFF0, s4;
	v30 =	vadd.f32 v32, v30;
	v29 =	vmul.f32 v29, v6;
	v31 =	vld [tilespmem:s5+$0x0]  }
0x8a8: {  	s3 =	sadd.s32 s4, s22  }
0x8a9: {  	s6 =	sadd.s32 $0x10, s3;
	v29 =	vadd.f32 v29, v30  }
0x8aa: {  	p2 =	sgt.u32 s6, $0x1F  }
0x8ab: {  	v28 =	vadd.f32 v28, v3;
	v29 =	vadd.f32 v29, v29  }
0x8ac: {  	v30, v32, _ =	vpop (xrf1)  }
0x8ad: {  	v28 =	vsub.f32 v28, v29;
	v29 =	vperm.xlane v30, v2  }
0x8ae: {  	v30 =	vperm.xlane v32, v2;
	v32, v33, _ =	vpop (xrf1)  }
0x8af: {  	v34 =	vld.idx.msk [tilespmem:v31+s1+$0x0], $0xffff;
	(xrf1) =	vsort.ascd.msk.f32 $0xffff, v28, v27;
	vm0 =	vle.f32 v32, v29;
	v27 =	vmov v31  }
0x8b0: {  	v35 =	vld.idx.msk [tilespmem:v31+s18+$0x0], $0xffff;
	v28 =	vsel vm0, v32, v29;
	v29 =	vsel vm0, v33, v30  }
0x8b1: {  	(xrf1) =	vsort.ascd.msk.f32 $0xffff, v28, v29  }
0x8b2: {  	v29 =	vld.idx.msk [tilespmem:v31+s19+$0x0], $0xffff  }
.Ltmp116:
0x8b3: {  	(pc) =	sbr.rel @p2 .LBB2_137-.Ltmp116, $3  }
0x8b4: {  	_ =	sdelay $0x1  }
0x8b5: {  	v30 =	vmul.f32 v34, v7;
	v32 =	vmul.f32 v35, v8;
	v28 =	vld.idx.msk [tilespmem:v31+s23+$0x0], $0xffff  }
0x8b6: {  	s5 =	sadd.s32 $0x10, s5  }
.Ltmp117:
0x8b7: {  	_ = 	snop;
	(pc) =	sbr.rel .LBB2_138-.Ltmp117, $1  }
0x8b8: {  	_ =	sdelay $0x3  }
.LBB2_109:
.Ltmp118:
0x8b9: {  	(pc) =	sbr.rel .LBB2_114-.Ltmp118, $2  }
0x8ba: {  	_ =	sdelay $0x2  }
0x8bb: {  	_ = 	snop  }
.LBB2_117:
.Ltmp119:
0x8bc: {  	(pc) =	sbr.rel .LBB2_122-.Ltmp119, $2  }
0x8bd: {  	_ =	sdelay $0x2  }
0x8be: {  	_ = 	snop  }
.LBB2_125:
.Ltmp120:
0x8bf: {  	(pc) =	sbr.rel .LBB2_130-.Ltmp120, $2  }
0x8c0: {  	_ =	sdelay $0x2  }
0x8c1: {  	_ = 	snop  }
.LBB2_111:
.Ltmp121:
0x8c2: {  	(pc) =	sbr.rel .LBB2_114-.Ltmp121, $2  }
0x8c3: {  	_ =	sdelay $0x2  }
0x8c4: {  	v27 =	vmov v31  }
.LBB2_119:
.Ltmp122:
0x8c5: {  	(pc) =	sbr.rel .LBB2_122-.Ltmp122, $2  }
0x8c6: {  	_ =	sdelay $0x2  }
0x8c7: {  	s5 =	simm.s32 $0x10270;
	v27 =	vmov v31  }
.LBB2_127:
.Ltmp123:
0x8c8: {  	(pc) =	sbr.rel .LBB2_130-.Ltmp123, $2  }
0x8c9: {  	_ =	sdelay $0x2  }
0x8ca: {  	s2 =	simm.s32 $0x102D0;
	v27 =	vmov v31  }
.LBB2_135:
.Ltmp124:
0x8cb: {  	(pc) =	sbr.rel .LBB2_138-.Ltmp124, $2  }
0x8cc: {  	_ =	sdelay $0x2  }
0x8cd: {  	s0 =	simm.s32 $0x10330;
	v27 =	vmov v31  }
.LBB2_142:
0x8ce: {  	_ =	sfence.sel $0x180000  }
0x8cf: {  	[bflag:$0x0] =	sbarrier.arrive $0xFFFF  }
0x8d0: {  	_ =	strace $0x90000047  }
0x8d1: {  	s0 =	stileid.u32;
	[bflag:$0x2] =	sbarrier.arrive $0xFFFF  }
0x8d2: {  	p0 =	sne.s32 s0, $0x0;
	s0 =	rddreg [dreg:$0x5]  }
0x8d3: {  	s0 =	sadd.s32 @!p0 $0x100000, s0  }
0x8d4: {  	[sflag:s0] =	ssyncadd.tile.s32 @!p0 $0x1;
	_ =	shalt  }
.Lfunc_end2:
_tile_overlayer_lowered:
.L_overlay_start_2:
0x8d5: {  	(tag) =	ssettag $0x2  }
0x8d6: {  	s0 =	rddreg [dreg:$0x0];
	s2 =	stileid.u32  }
0x8d7: {  	s1 =	rddreg [dreg:$0x1];
	p0 =	sne.s32 s2, $0x0  }
0x8d8: {  	s3 =	rddreg [dreg:$0x2];
	[bflag:$0x3] =	sbarrier.arrive $0xFFFF;
	s2 =	simm.s32 @!p0 $0x1C01  }
0x8d9: {  	[timem:s3], [sflag:s2] =	dma.local @!p0 [hbm:s0], s1  }
0x8da: {  	s0 =	simm.s32 @!p0 $0x1  }
0x8db: {  	_ =	swait.ge @!p0 [sflag:s0], s1  }
0x8dc: {  	s1 =	ssub.s32 @!p0 $0x0, s1;
	[sflag:s0] =	ssyncset.done @!p0 $0x0  }
0x8dd: {  	[sflag:s0] =	ssyncadd.s32 @!p0 s1  }
0x8de: {  	[bflag:$0x3] =	sbarrier.arrive $0xFFFF  }
0x8df: {  	_ =	shalt  }

</sc_bundles>
